<compile_context>
chip_gen: v7x
topology: tpu7x:2x2x1
jax: 0.10.2.dev20260603
libtpu: 0.0.44.dev20260713+nightly
codegen_flags: <defaults>
</compile_context>

<pallas_src>
import functools

import jax
import jax.numpy as jnp
from jax import lax
from jax.experimental import pallas as pl
from jax.experimental.pallas import tpu as pltpu
from jax.experimental.pallas import tpu_sc as plsc

F = 64
_EB = 400
_NT = 16
_LANES = 16


def _make_agg(V, E, nseg, R, n_chunks, split_edges, Fw, do_gather, eb=_EB):
    n_scan_tiles = 32 if split_edges else _NT
    epw = E // n_scan_tiles
    assert epw % eb == 0 and eb % 8 == 0
    nvl = (eb + _LANES - 1) // _LANES
    nb = epw // eb
    ACC = R + 128
    ZR = ACC // _NT
    OS = R // _NT
    assert R % 128 == 0 and (split_edges or n_chunks % 2 == 0)
    npc = n_chunks if split_edges else n_chunks // 2
    nseg_pad = R * n_chunks
    out_shape = ((2, nseg_pad, Fw) if split_edges else (nseg_pad, Fw))
    mesh = plsc.VectorSubcoreMesh(core_axis_name="c", subcore_axis_name="s")

    @functools.partial(
        pl.kernel,
        mesh=mesh,
        compiler_params=pltpu.CompilerParams(use_tc_tiling_on_sc=False),
        out_type=jax.ShapeDtypeStruct(out_shape, jnp.float32),
        scratch_types=[
            pltpu.VMEM_SHARED((ACC, Fw), jnp.float32),
            pltpu.VMEM((eb,), jnp.int32),
            pltpu.VMEM((eb,), jnp.int32),
            pltpu.VMEM((eb,), jnp.int32),
            pltpu.VMEM((eb, Fw), jnp.float32),
            pltpu.SemaphoreType.DMA,
        ],
    )
    def k(table, src, dst, zrows, out, acc, src_v, dst_v, sidx_v, rows_v, sem):
        c = lax.axis_index("c")
        s = lax.axis_index("s")
        tbase = (s * 2 + c) * epw if split_edges else s * epw
        if not do_gather:
            pltpu.sync_copy(table, rows_v)
        for kk in range(npc):
            base = kk * R if split_edges else (c + 2 * kk) * R
            pltpu.sync_copy(zrows, acc.at[pl.ds(s * ZR, ZR)])
            plsc.subcore_barrier()

            def batch(b, _):
                eoff = tbase + b * eb
                if do_gather:
                    pltpu.sync_copy(src.at[pl.ds(eoff, eb)], src_v)
                pltpu.sync_copy(dst.at[pl.ds(eoff, eb)], dst_v)
                cp = None
                if do_gather:
                    cp = pltpu.async_copy(table.at[src_v], rows_v, sem)

                def vloop(i, _):
                    o = jnp.minimum(i * _LANES, eb - _LANES)
                    d = dst_v[pl.ds(o, _LANES)]
                    loc = d - base
                    inb = (loc >= 0) & (loc < R)
                    sidx_v[pl.ds(o, _LANES)] = jnp.where(inb, loc, R)
                    return 0

                lax.fori_loop(0, nvl, vloop, 0)
                if cp is not None:
                    cp.wait()
                pltpu.sync_copy(rows_v, acc.at[sidx_v], add=True)
                return 0

            lax.fori_loop(0, nb, batch, 0)
            plsc.subcore_barrier()
            if split_edges:
                pltpu.sync_copy(acc.at[pl.ds(s * OS, OS)],
                                out.at[c, pl.ds(base + s * OS, OS)])
            else:
                pltpu.sync_copy(acc.at[pl.ds(s * OS, OS)],
                                out.at[pl.ds(base + s * OS, OS)])
            plsc.subcore_barrier()

    zrows_const = jnp.zeros((ZR, Fw), jnp.float32)

    def run(table, src, dst):
        return k(table, src, dst, zrows_const)

    return run


def _make_agg_bonds_fs(E, Rh, eb=_EB):
    epw = E // _NT
    nb = epw // eb
    ACC = Rh + 128
    ZR = ACC // _NT
    OS = Rh // _NT
    assert Rh % 128 == 0 and epw % eb == 0 and eb % _LANES == 0
    nseg_pad = 2 * Rh
    mesh = plsc.VectorSubcoreMesh(core_axis_name="c", subcore_axis_name="s")

    @functools.partial(
        pl.kernel,
        mesh=mesh,
        compiler_params=pltpu.CompilerParams(use_tc_tiling_on_sc=False),
        out_type=jax.ShapeDtypeStruct((4, nseg_pad, 16), jnp.float32),
        scratch_types=[
            pltpu.VMEM_SHARED((ACC, 16), jnp.float32),
            pltpu.VMEM((eb,), jnp.int32),
            pltpu.VMEM((eb,), jnp.int32),
            pltpu.VMEM((eb,), jnp.int32),
            pltpu.VMEM((eb, 16), jnp.float32),
            pltpu.SemaphoreType.DMA,
        ],
    )
    def k(t0, t1, t2, t3, src, dst, zrows, out,
          acc, src_v, dst_v, sidx_v, rows_v, sem):
        c = lax.axis_index("c")
        s = lax.axis_index("s")
        tbase = s * epw
        base = c * Rh
        for fc, table in enumerate((t0, t1, t2, t3)):
            pltpu.sync_copy(zrows, acc.at[pl.ds(s * ZR, ZR)])
            plsc.subcore_barrier()

            def batch(b, _):
                eoff = tbase + b * eb
                pltpu.sync_copy(src.at[pl.ds(eoff, eb)], src_v)
                pltpu.sync_copy(dst.at[pl.ds(eoff, eb)], dst_v)
                cp = pltpu.async_copy(table.at[src_v], rows_v, sem)

                def vloop(i, _):
                    d = dst_v[pl.ds(i * _LANES, _LANES)]
                    loc = d - base
                    inb = (loc >= 0) & (loc < Rh)
                    sidx_v[pl.ds(i * _LANES, _LANES)] = jnp.where(inb, loc, Rh)
                    return 0

                lax.fori_loop(0, eb // _LANES, vloop, 0)
                cp.wait()
                pltpu.sync_copy(rows_v, acc.at[sidx_v], add=True)
                return 0

            lax.fori_loop(0, nb, batch, 0)
            plsc.subcore_barrier()
            pltpu.sync_copy(acc.at[pl.ds(s * OS, OS)],
                            out.at[fc, pl.ds(base + s * OS, OS)])
            plsc.subcore_barrier()

    zrows_const = jnp.zeros((ZR, 16), jnp.float32)

    def run(table, src, dst):
        ts = [table[:, 16 * j:16 * (j + 1)] for j in range(4)]
        return k(ts[0], ts[1], ts[2], ts[3], src, dst, zrows_const)

    return run



_BLK = 512


def _row_grid(M):
    return (pl.cdiv(M, _BLK),)


def _mm_bias(x, W, b2):
    M, K = x.shape
    N = W.shape[1]

    def body(x_ref, w_ref, b_ref, o_ref):
        o_ref[...] = (
            jnp.dot(x_ref[...], w_ref[...], preferred_element_type=jnp.float32)
            + b_ref[...]
        )

    return pl.pallas_call(
        body,
        grid=_row_grid(M),
        in_specs=[
            pl.BlockSpec((_BLK, K), lambda i: (i, 0)),
            pl.BlockSpec((K, N), lambda i: (0, 0)),
            pl.BlockSpec((1, N), lambda i: (0, 0)),
        ],
        out_specs=pl.BlockSpec((_BLK, N), lambda i: (i, 0)),
        out_shape=jax.ShapeDtypeStruct((M, N), jnp.float32),
    )(x, W, b2)


def _bond_update(S, cnt, h, Wr, b2):
    M = h.shape[0]

    def body(s_ref, c_ref, h_ref, w_ref, b_ref, o_ref):
        denom = jnp.maximum(c_ref[...][:, 0:1], 1.0)
        S = jnp.concatenate([s_ref[j] for j in range(4)], axis=1)
        o_ref[...] = jnp.maximum(
            S / denom
            + jnp.dot(h_ref[...], w_ref[...], preferred_element_type=jnp.float32)
            + b_ref[...],
            0.0,
        )

    return pl.pallas_call(
        body,
        grid=_row_grid(M),
        in_specs=[
            pl.BlockSpec((4, _BLK, 16), lambda i: (0, i, 0)),
            pl.BlockSpec((_BLK, 16), lambda i: (i, 0)),
            pl.BlockSpec((_BLK, F), lambda i: (i, 0)),
            pl.BlockSpec((F, F), lambda i: (0, 0)),
            pl.BlockSpec((1, F), lambda i: (0, 0)),
        ],
        out_specs=pl.BlockSpec((_BLK, F), lambda i: (i, 0)),
        out_shape=jax.ShapeDtypeStruct((M, F), jnp.float32),
    )(S, cnt, h, Wr, b2)


def _atom_update(S2, cnt2, h, Wn, Wr, b2):
    M = h.shape[0]

    def body(s_ref, c_ref, h_ref, wn_ref, wr_ref, b_ref, o_ref):
        Ssum = s_ref[0] + s_ref[1]
        denom = jnp.maximum(c_ref[0][:, 0:1] + c_ref[1][:, 0:1], 1.0)
        mean = Ssum / denom
        o_ref[...] = jnp.maximum(
            jnp.dot(mean, wn_ref[...], preferred_element_type=jnp.float32)
            + jnp.dot(h_ref[...], wr_ref[...], preferred_element_type=jnp.float32)
            + b_ref[...],
            0.0,
        )

    return pl.pallas_call(
        body,
        grid=_row_grid(M),
        in_specs=[
            pl.BlockSpec((2, _BLK, F), lambda i: (0, i, 0)),
            pl.BlockSpec((2, _BLK, 16), lambda i: (0, i, 0)),
            pl.BlockSpec((_BLK, F), lambda i: (i, 0)),
            pl.BlockSpec((F, F), lambda i: (0, 0)),
            pl.BlockSpec((F, F), lambda i: (0, 0)),
            pl.BlockSpec((1, F), lambda i: (0, 0)),
        ],
        out_specs=pl.BlockSpec((_BLK, F), lambda i: (i, 0)),
        out_shape=jax.ShapeDtypeStruct((M, F), jnp.float32),
    )(S2, cnt2, h, Wn, Wr, b2)


def _mlp_head(h, W1, b1, W2, b2):
    M = h.shape[0]

    def body(h_ref, w1_ref, b1_ref, w2_ref, b2_ref, o_ref):
        t = jnp.maximum(
            jnp.dot(h_ref[...], w1_ref[...], preferred_element_type=jnp.float32)
            + b1_ref[...],
            0.0,
        )
        o_ref[...] = (
            jnp.dot(t, w2_ref[...], preferred_element_type=jnp.float32) + b2_ref[...]
        )

    return pl.pallas_call(
        body,
        grid=_row_grid(M),
        in_specs=[
            pl.BlockSpec((_BLK, F), lambda i: (i, 0)),
            pl.BlockSpec((F, F), lambda i: (0, 0)),
            pl.BlockSpec((1, F), lambda i: (0, 0)),
            pl.BlockSpec((F, 1), lambda i: (0, 0)),
            pl.BlockSpec((1, 1), lambda i: (0, 0)),
        ],
        out_specs=pl.BlockSpec((_BLK, 1), lambda i: (i, 0)),
        out_shape=jax.ShapeDtypeStruct((M, 1), jnp.float32),
    )(h, W1, b1, W2, b2)



_N_ATOMS = 10000
_N_BONDS = 160000
_E = 320000

_aggs = None


def _get_aggs():
    global _aggs
    if _aggs is None:
        _aggs = (
            _make_agg_bonds_fs(_E, 80384, eb=2000),
            _make_agg(_N_BONDS, _E, _N_ATOMS, 10240, 1, True, F, True, eb=1000),
            _make_agg(_N_ATOMS, _E, _N_BONDS, 80384, 2, False, 16, False, eb=2000),
            _make_agg(_N_BONDS, _E, _N_ATOMS, 10240, 1, True, 16, False, eb=2000),
        )
    return _aggs


def kernel(x_atoms, x_bonds, ei_a2b_src, ei_a2b_dst, ei_b2a_src, ei_b2a_dst,
           W_ua, b_ua, W_ub, b_ub,
           Wn_b0, Wr_b0, bb0, Wn_a0, Wr_a0, ba0,
           Wn_b1, Wr_b1, bb1, Wn_a1, Wr_a1, ba1,
           Wn_b2, Wr_b2, bb2, Wn_a2, Wr_a2, ba2,
           Wp1, bp1, Wp2, bp2):
    agg_b, agg_a, cnt_kb, cnt_ka = _get_aggs()
    r2 = lambda v: v.reshape(1, -1)

    ha = _mm_bias(x_atoms, W_ua, r2(b_ua))
    hb = _mm_bias(x_bonds, W_ub, r2(b_ub))

    ones16 = jnp.ones((2000, 16), jnp.float32)
    cnt_b = cnt_kb(ones16, ei_a2b_src, ei_a2b_dst)[:_N_BONDS]
    cnt_a = cnt_ka(ones16, ei_b2a_src, ei_b2a_dst)[:, :_N_ATOMS]

    layers = [(Wn_b0, Wr_b0, bb0, Wn_a0, Wr_a0, ba0),
              (Wn_b1, Wr_b1, bb1, Wn_a1, Wr_a1, ba1),
              (Wn_b2, Wr_b2, bb2, Wn_a2, Wr_a2, ba2)]
    zb = jnp.zeros((1, F), jnp.float32)
    for (Wnb, Wrb, bb, Wna, Wra, ba) in layers:
        pa = _mm_bias(ha, Wnb, zb)
        Sb = agg_b(pa, ei_a2b_src, ei_a2b_dst)[:, :_N_BONDS]
        Sa = agg_a(hb, ei_b2a_src, ei_b2a_dst)[:, :_N_ATOMS]
        hb_new = _bond_update(Sb, cnt_b, hb, Wrb, r2(bb))
        ha_new = _atom_update(Sa, cnt_a, ha, Wna, Wra, r2(ba))
        ha, hb = ha_new, hb_new

    out = _mlp_head(hb, Wp1, r2(bp1), Wp2, r2(bp2))
    return jnp.squeeze(out)

# --- scband reference (transcript-rebuilt; emitter-appended) ---
"""Pipeline reference for scband-pos2-cohp-net-hetero-66374424592809 (READ-ONLY COPY).

The authoritative reference and input builder live on the scoring server;
editing this copy changes nothing except your own understanding.
"""

import jax, jax.numpy as jnp
import numpy as np

N_ATOMS = 10000
N_BONDS = 160000
E = 320000
D_IN = 128
H = 64


def _mean_agg(h_src, src, dst, num_dst):
    msg = jax.ops.segment_sum(h_src[src], dst, num_segments=num_dst)
    cnt = jax.ops.segment_sum(jnp.ones((src.shape[0],), jnp.float32), dst, num_segments=num_dst)
    return msg / jnp.clip(cnt, 1.0)[:, None]


def setup_inputs(seed: int = 0) -> dict:
    key = jax.random.key(seed)
    ks = jax.random.split(key, 40)
    inp = {}
    inp["x_atoms"] = jax.random.normal(ks[0], (N_ATOMS, D_IN), jnp.float32)
    inp["x_bonds"] = jax.random.normal(ks[1], (N_BONDS, D_IN), jnp.float32)
    inp["ei_a2b_src"] = jax.random.randint(ks[2], (E,), 0, N_ATOMS, jnp.int32)
    inp["ei_a2b_dst"] = jax.random.randint(ks[3], (E,), 0, N_BONDS, jnp.int32)
    inp["ei_b2a_src"] = jax.random.randint(ks[4], (E,), 0, N_BONDS, jnp.int32)
    inp["ei_b2a_dst"] = jax.random.randint(ks[5], (E,), 0, N_ATOMS, jnp.int32)
    i = [6]
    def w(shape):
        arr = jax.random.normal(ks[i[0]], shape, jnp.float32) * (1.0 / np.sqrt(shape[0]))
        i[0] += 1
        return arr
    inp["W_ua"] = w((D_IN, H)); inp["b_ua"] = jnp.zeros((H,), jnp.float32)
    inp["W_ub"] = w((D_IN, H)); inp["b_ub"] = jnp.zeros((H,), jnp.float32)
    for l in range(3):
        inp["Wn_b%d" % l] = w((H, H)); inp["Wr_b%d" % l] = w((H, H)); inp["bb%d" % l] = jnp.zeros((H,), jnp.float32)
        inp["Wn_a%d" % l] = w((H, H)); inp["Wr_a%d" % l] = w((H, H)); inp["ba%d" % l] = jnp.zeros((H,), jnp.float32)
    inp["Wp1"] = w((H, H)); inp["bp1"] = jnp.zeros((H,), jnp.float32)
    inp["Wp2"] = w((H, 1)); inp["bp2"] = jnp.zeros((1,), jnp.float32)
    return inp


def reference(x_atoms, x_bonds, ei_a2b_src, ei_a2b_dst, ei_b2a_src, ei_b2a_dst,
              W_ua, b_ua, W_ub, b_ub,
              Wn_b0, Wr_b0, bb0, Wn_a0, Wr_a0, ba0,
              Wn_b1, Wr_b1, bb1, Wn_a1, Wr_a1, ba1,
              Wn_b2, Wr_b2, bb2, Wn_a2, Wr_a2, ba2,
              Wp1, bp1, Wp2, bp2):
    # uni_trans per node type
    ha = x_atoms @ W_ua + b_ua
    hb = x_bonds @ W_ub + b_ub
    layers = [(Wn_b0, Wr_b0, bb0, Wn_a0, Wr_a0, ba0),
              (Wn_b1, Wr_b1, bb1, Wn_a1, Wr_a1, ba1),
              (Wn_b2, Wr_b2, bb2, Wn_a2, Wr_a2, ba2)]
    # Hetero_GCN: per-layer heterogeneous GraphConv with mean aggregation
    for (Wnb, Wrb, bb, Wna, Wra, ba) in layers:
        mb = _mean_agg(ha, ei_a2b_src, ei_a2b_dst, N_BONDS)
        ma = _mean_agg(hb, ei_b2a_src, ei_b2a_dst, N_ATOMS)
        hb_new = jax.nn.relu(mb @ Wnb + hb @ Wrb + bb)
        ha_new = jax.nn.relu(ma @ Wna + ha @ Wra + ba)
        ha, hb = ha_new, hb_new
    # MLPPredictor on 'cohps' (bond) node feats; dropout is identity at inference
    h = jax.nn.relu(hb @ Wp1 + bp1)
    out = h @ Wp2 + bp2
    return jnp.squeeze(out)

if __name__ == "__main__":
    import jax
    _d = setup_inputs()
    print(jax.jit(kernel)(*tuple(_d.values())))

</pallas_src>

<mosaic_0001>
#map = affine_map<(d0, d1) -> (0, 0)>
#map1 = affine_map<(d0, d1) -> (0)>
#map2 = affine_map<(d0, d1) -> (0, 0, 0)>
module attributes {stable_mosaic.version = 14 : i64} {
  func.func @k(%arg0: i32, %arg1: i32, %arg2: memref<2000x16xf32, #tpu.memory_space<hbm>>, %arg3: memref<320000xi32, #tpu.memory_space<hbm>>, %arg4: memref<320000xi32, #tpu.memory_space<hbm>>, %arg5: memref<648x16xf32, #tpu.memory_space<hbm>>, %arg6: memref<2x10240x16xf32, #tpu.memory_space<hbm>>, %arg7: memref<10368x16xf32, #tpu.memory_space<vmem_shared>>, %arg8: memref<2000xi32, #tpu.memory_space<vmem>>, %arg9: memref<2000xi32, #tpu.memory_space<vmem>>, %arg10: memref<2000xi32, #tpu.memory_space<vmem>>, %arg11: memref<2000x16xf32, #tpu.memory_space<vmem>>, %arg12: memref<!tpu.dma_semaphore, #tpu.memory_space<semaphore_mem>>) attributes {dimension_semantics = [#tpu.dimension_semantics<core_parallel>, #tpu.dimension_semantics<subcore_parallel>], iteration_bounds = array<i64: 2, 16>, scalar_prefetch = 0 : i64, scratch_operands = 6 : i64, tpu.core_type = #tpu.core_type<sc_vector_subcore>, window_params = [{transform_indices = #map}, {transform_indices = #map1}, {transform_indices = #map1}, {transform_indices = #map}, {transform_indices = #map2}]} {
    %mul3A = arith.constant 2 : i32
    %mul3A_0 = arith.muli %arg1, %mul3A : i32
    %add3A = arith.addi %mul3A_0, %arg0 : i32
    %mul3A_1 = arith.constant 10000 : i32
    %mul3A_2 = arith.muli %add3A, %mul3A_1 : i32
    "tpu.region"() ({
      %run_scoped3A = tpu.sem_alloc : memref<!tpu.dma_semaphore, #tpu.memory_space<semaphore_mem>>
      tpu.enqueue_dma source(%arg2 : memref<2000x16xf32, #tpu.memory_space<hbm>>) target(%arg11 : memref<2000x16xf32, #tpu.memory_space<vmem>>) target_semaphore(%run_scoped3A : memref<!tpu.dma_semaphore, #tpu.memory_space<semaphore_mem>>)
      tpu.wait_dma2 semaphore(%run_scoped3A : memref<!tpu.dma_semaphore, #tpu.memory_space<semaphore_mem>>) src(%arg2 : memref<2000x16xf32, #tpu.memory_space<hbm>>) dst(%arg11 : memref<2000x16xf32, #tpu.memory_space<vmem>>)
      tpu.yield
    }) : () -> ()
    %mul3A_3 = arith.constant 648 : i32
    %mul3A_4 = arith.muli %arg1, %mul3A_3 : i32
    "tpu.region"() ({
      %run_scoped3A = tpu.sem_alloc : memref<!tpu.dma_semaphore, #tpu.memory_space<semaphore_mem>>
      %dma_start3A = arith.constant 0 : i32
      %dma_start3A_19 = tpu.memref_slice %arg7[%mul3A_4, %dma_start3A] : memref<10368x16xf32, #tpu.memory_space<vmem_shared>> -> memref<648x16xf32, #tpu.memory_space<vmem_shared>>
      tpu.enqueue_dma source(%arg5 : memref<648x16xf32, #tpu.memory_space<hbm>>) target(%dma_start3A_19 : memref<648x16xf32, #tpu.memory_space<vmem_shared>>) target_semaphore(%run_scoped3A : memref<!tpu.dma_semaphore, #tpu.memory_space<semaphore_mem>>)
      %dma_wait3A = arith.constant 0 : i32
      %dma_wait3A_20 = tpu.memref_slice %arg7[%mul3A_4, %dma_wait3A] : memref<10368x16xf32, #tpu.memory_space<vmem_shared>> -> memref<648x16xf32, #tpu.memory_space<vmem_shared>>
      tpu.wait_dma2 semaphore(%run_scoped3A : memref<!tpu.dma_semaphore, #tpu.memory_space<semaphore_mem>>) src(%arg5 : memref<648x16xf32, #tpu.memory_space<hbm>>) dst(%dma_wait3A_20 : memref<648x16xf32, #tpu.memory_space<vmem_shared>>)
      tpu.yield
    }) : () -> ()
    %barrier3A = arith.constant 0 : index
    tpu.barrier barrier_id(%barrier3A)
    %scan3A = arith.constant 0 : i32
    %scan3A_5 = arith.constant 0 : i32
    %scan3A_6 = arith.constant 5 : i32
    %scan3A_7 = arith.addi %scan3A_5, %scan3A_6 : i32
    %scan3A_8 = arith.constant 1 : i32
    %scan3A_9 = scf.for %scan3A_19 = %scan3A_5 to %scan3A_7 step %scan3A_8 iter_args(%scan3A_20 = %scan3A) -> (i32)  : i32 {
      %mul3A_21 = arith.constant 2000 : i32
      %mul3A_22 = arith.muli %scan3A_19, %mul3A_21 : i32
      %add3A_23 = arith.addi %mul3A_2, %mul3A_22 : i32
      "tpu.region"() ({
        %run_scoped3A = tpu.sem_alloc : memref<!tpu.dma_semaphore, #tpu.memory_space<semaphore_mem>>
        %dma_start3A = tpu.memref_slice %arg4[%add3A_23] : memref<320000xi32, #tpu.memory_space<hbm>> -> memref<2000xi32, #tpu.memory_space<hbm>>
        %dma_start3A_32 = tpu.memref_slice %arg4[%add3A_23] : memref<320000xi32, #tpu.memory_space<hbm>> -> memref<2000xi32, #tpu.memory_space<hbm>>
        tpu.enqueue_dma source(%dma_start3A_32 : memref<2000xi32, #tpu.memory_space<hbm>>) target(%arg9 : memref<2000xi32, #tpu.memory_space<vmem>>) target_semaphore(%run_scoped3A : memref<!tpu.dma_semaphore, #tpu.memory_space<semaphore_mem>>)
        %dma_wait3A = tpu.memref_slice %arg4[%add3A_23] : memref<320000xi32, #tpu.memory_space<hbm>> -> memref<2000xi32, #tpu.memory_space<hbm>>
        %dma_wait3A_33 = tpu.memref_slice %arg4[%add3A_23] : memref<320000xi32, #tpu.memory_space<hbm>> -> memref<2000xi32, #tpu.memory_space<hbm>>
        tpu.wait_dma2 semaphore(%run_scoped3A : memref<!tpu.dma_semaphore, #tpu.memory_space<semaphore_mem>>) src(%dma_wait3A_33 : memref<2000xi32, #tpu.memory_space<hbm>>) dst(%arg9 : memref<2000xi32, #tpu.memory_space<vmem>>)
        tpu.yield
      }) : () -> ()
      %scan3A_24 = arith.constant 0 : i32
      %scan3A_25 = arith.constant 0 : i32
      %scan3A_26 = arith.constant 125 : i32
      %scan3A_27 = arith.addi %scan3A_25, %scan3A_26 : i32
      %scan3A_28 = arith.constant 1 : i32
      %scan3A_29 = scf.for %scan3A_32 = %scan3A_25 to %scan3A_27 step %scan3A_28 iter_args(%scan3A_33 = %scan3A_24) -> (i32)  : i32 {
        %mul3A_34 = arith.constant 16 : i32
        %mul3A_35 = arith.muli %scan3A_32, %mul3A_34 : i32
        %min3A = arith.constant 1984 : i32
        %min3A_36 = arith.minsi %mul3A_35, %min3A : i32
        %get3A = arith.index_cast %min3A_36 : i32 to index
        %get3A_37 = tpu.vector_load %arg9[%get3A] {strides = array<i32>} : memref<2000xi32, #tpu.memory_space<vmem>>, vector<16xi32>,
        %get3A_38 = vector.shape_cast %get3A_37 : vector<16xi32> to vector<16xi32>
        %sub3A = arith.constant 0 : i32
        %sub3A_39 = vector.broadcast %sub3A : i32 to vector<16xi32>
        %sub3A_40 = arith.subi %get3A_38, %sub3A_39 : vector<16xi32>
        %ge3A = arith.constant 0 : i32
        %ge3A_41 = vector.broadcast %ge3A : i32 to vector<16xi32>
        %ge3A_42 = arith.cmpi sge, %sub3A_40, %ge3A_41 : vector<16xi32>
        %lt3A = arith.constant 10240 : i32
        %lt3A_43 = vector.broadcast %lt3A : i32 to vector<16xi32>
        %lt3A_44 = arith.cmpi slt, %sub3A_40, %lt3A_43 : vector<16xi32>
        %and3A = arith.andi %ge3A_42, %lt3A_44 : vector<16xi1>
        %jit3A = arith.constant 10240 : i32
        %broadcast_in_dim3A = vector.broadcast %jit3A : i32 to vector<16xi32>
        %select_n3A = arith.select %and3A, %sub3A_40, %broadcast_in_dim3A : vector<16xi1>, vector<16xi32>
        %swap3A = arith.index_cast %min3A_36 : i32 to index
        %swap3A_45 = tpu.vector_load %arg10[%swap3A] {strides = array<i32>} : memref<2000xi32, #tpu.memory_space<vmem>>, vector<16xi32>,
        %swap3A_46 = vector.shape_cast %swap3A_45 : vector<16xi32> to vector<16xi32>
        %swap3A_47 = vector.shape_cast %select_n3A : vector<16xi32> to vector<16xi32>
        tpu.vector_store %arg10[%swap3A], %swap3A_47 {strides = array<i32>} : memref<2000xi32, #tpu.memory_space<vmem>>, vector<16xi32>,
        %scan3A_48 = arith.constant 0 : i32
        scf.yield %scan3A_48 : i32
      }
      %scan3A_30 = arith.constant 125 : i32
      "tpu.region"() ({
        %run_scoped3A = tpu.sem_alloc : memref<!tpu.dma_semaphore, #tpu.memory_space<semaphore_mem>>
        %dma_start3A = arith.constant 0 : i32
        %dma_start3A_32 = arith.constant 0 : i32
        %dma_start3A_33 = tpu.memref_slice %arg7[%dma_start3A, %dma_start3A_32] : memref<10368x16xf32, #tpu.memory_space<vmem_shared>> -> memref<10368x16xf32, #tpu.memory_space<vmem_shared>>
        tpu.enqueue_indirect_dma source(%arg11 : memref<2000x16xf32, #tpu.memory_space<vmem>>) target(%dma_start3A_33 : memref<10368x16xf32, #tpu.memory_space<vmem_shared>>) offsets(%arg10 : memref<2000xi32, #tpu.memory_space<vmem>>) semaphore(%run_scoped3A : memref<!tpu.dma_semaphore, #tpu.memory_space<semaphore_mem>>) {add = true}
        %dma_wait3A = arith.constant 0 : i32
        %dma_wait3A_34 = arith.constant 0 : i32
        %dma_wait3A_35 = tpu.memref_slice %arg7[%dma_wait3A, %dma_wait3A_34] : memref<10368x16xf32, #tpu.memory_space<vmem_shared>> -> memref<10368x16xf32, #tpu.memory_space<vmem_shared>>
        tpu.wait_indirect_dma semaphore(%run_scoped3A : memref<!tpu.dma_semaphore, #tpu.memory_space<semaphore_mem>>) src(%arg11 : memref<2000x16xf32, #tpu.memory_space<vmem>>) dst(%dma_wait3A_35 : memref<10368x16xf32, #tpu.memory_space<vmem_shared>>)
        tpu.yield
      }) : () -> ()
      %scan3A_31 = arith.constant 0 : i32
      scf.yield %scan3A_31 : i32
    }
    %scan3A_10 = arith.constant 5 : i32
    %barrier3A_11 = arith.constant 0 : index
    tpu.barrier barrier_id(%barrier3A_11)
    %mul3A_12 = arith.constant 640 : i32
    %mul3A_13 = arith.muli %arg1, %mul3A_12 : i32
    %mul3A_14 = arith.constant 640 : i32
    %mul3A_15 = arith.muli %arg1, %mul3A_14 : i32
    %add3A_16 = arith.constant 0 : i32
    %add3A_17 = arith.addi %add3A_16, %mul3A_15 : i32
    "tpu.region"() ({
      %run_scoped3A = tpu.sem_alloc : memref<!tpu.dma_semaphore, #tpu.memory_space<semaphore_mem>>
      %dma_start3A = arith.constant 0 : i32
      %dma_start3A_19 = tpu.memref_slice %arg6[%arg0, %add3A_17, %dma_start3A] : memref<2x10240x16xf32, #tpu.memory_space<hbm>> -> memref<1x640x16xf32, #tpu.memory_space<hbm>>
      %dma_start3A_20 = tpu.memref_squeeze %dma_start3A_19 : memref<1x640x16xf32, #tpu.memory_space<hbm>> -> memref<640x16xf32, #tpu.memory_space<hbm>>
      %dma_start3A_21 = arith.constant 0 : i32
      %dma_start3A_22 = tpu.memref_slice %arg7[%mul3A_13, %dma_start3A_21] : memref<10368x16xf32, #tpu.memory_space<vmem_shared>> -> memref<640x16xf32, #tpu.memory_space<vmem_shared>>
      tpu.enqueue_dma source(%dma_start3A_22 : memref<640x16xf32, #tpu.memory_space<vmem_shared>>) target(%dma_start3A_20 : memref<640x16xf32, #tpu.memory_space<hbm>>) target_semaphore(%run_scoped3A : memref<!tpu.dma_semaphore, #tpu.memory_space<semaphore_mem>>)
      %dma_wait3A = arith.constant 0 : i32
      %dma_wait3A_23 = tpu.memref_slice %arg6[%arg0, %add3A_17, %dma_wait3A] : memref<2x10240x16xf32, #tpu.memory_space<hbm>> -> memref<1x640x16xf32, #tpu.memory_space<hbm>>
      %dma_wait3A_24 = tpu.memref_squeeze %dma_wait3A_23 : memref<1x640x16xf32, #tpu.memory_space<hbm>> -> memref<640x16xf32, #tpu.memory_space<hbm>>
      %dma_wait3A_25 = arith.constant 0 : i32
      %dma_wait3A_26 = tpu.memref_slice %arg7[%mul3A_13, %dma_wait3A_25] : memref<10368x16xf32, #tpu.memory_space<vmem_shared>> -> memref<640x16xf32, #tpu.memory_space<vmem_shared>>
      tpu.wait_dma2 semaphore(%run_scoped3A : memref<!tpu.dma_semaphore, #tpu.memory_space<semaphore_mem>>) src(%dma_wait3A_26 : memref<640x16xf32, #tpu.memory_space<vmem_shared>>) dst(%dma_wait3A_24 : memref<640x16xf32, #tpu.memory_space<hbm>>)
      tpu.yield
    }) : () -> ()
    %barrier3A_18 = arith.constant 0 : index
    tpu.barrier barrier_id(%barrier3A_18)
    return
  }
}

#map = affine_map<(d0, d1) -> (0, 0)>
#map1 = affine_map<(d0, d1) -> (0)>
module attributes {stable_mosaic.version = 14 : i64} {
  func.func @k(%arg0: i32, %arg1: i32, %arg2: memref<2000x16xf32, #tpu.memory_space<hbm>>, %arg3: memref<320000xi32, #tpu.memory_space<hbm>>, %arg4: memref<320000xi32, #tpu.memory_space<hbm>>, %arg5: memref<5032x16xf32, #tpu.memory_space<hbm>>, %arg6: memref<160768x16xf32, #tpu.memory_space<hbm>>, %arg7: memref<80512x16xf32, #tpu.memory_space<vmem_shared>>, %arg8: memref<2000xi32, #tpu.memory_space<vmem>>, %arg9: memref<2000xi32, #tpu.memory_space<vmem>>, %arg10: memref<2000xi32, #tpu.memory_space<vmem>>, %arg11: memref<2000x16xf32, #tpu.memory_space<vmem>>, %arg12: memref<!tpu.dma_semaphore, #tpu.memory_space<semaphore_mem>>) attributes {dimension_semantics = [#tpu.dimension_semantics<core_parallel>, #tpu.dimension_semantics<subcore_parallel>], iteration_bounds = array<i64: 2, 16>, scalar_prefetch = 0 : i64, scratch_operands = 6 : i64, tpu.core_type = #tpu.core_type<sc_vector_subcore>, window_params = [{transform_indices = #map}, {transform_indices = #map1}, {transform_indices = #map1}, {transform_indices = #map}, {transform_indices = #map}]} {
    %mul3A = arith.constant 20000 : i32
    %mul3A_0 = arith.muli %arg1, %mul3A : i32
    "tpu.region"() ({
      %run_scoped3A = tpu.sem_alloc : memref<!tpu.dma_semaphore, #tpu.memory_space<semaphore_mem>>
      tpu.enqueue_dma source(%arg2 : memref<2000x16xf32, #tpu.memory_space<hbm>>) target(%arg11 : memref<2000x16xf32, #tpu.memory_space<vmem>>) target_semaphore(%run_scoped3A : memref<!tpu.dma_semaphore, #tpu.memory_space<semaphore_mem>>)
      tpu.wait_dma2 semaphore(%run_scoped3A : memref<!tpu.dma_semaphore, #tpu.memory_space<semaphore_mem>>) src(%arg2 : memref<2000x16xf32, #tpu.memory_space<hbm>>) dst(%arg11 : memref<2000x16xf32, #tpu.memory_space<vmem>>)
      tpu.yield
    }) : () -> ()
    %add3A = arith.constant 0 : i32
    %add3A_1 = arith.addi %arg0, %add3A : i32
    %mul3A_2 = arith.constant 80384 : i32
    %mul3A_3 = arith.muli %add3A_1, %mul3A_2 : i32
    %mul3A_4 = arith.constant 5032 : i32
    %mul3A_5 = arith.muli %arg1, %mul3A_4 : i32
    "tpu.region"() ({
      %run_scoped3A = tpu.sem_alloc : memref<!tpu.dma_semaphore, #tpu.memory_space<semaphore_mem>>
      %dma_start3A = arith.constant 0 : i32
      %dma_start3A_19 = tpu.memref_slice %arg7[%mul3A_5, %dma_start3A] : memref<80512x16xf32, #tpu.memory_space<vmem_shared>> -> memref<5032x16xf32, #tpu.memory_space<vmem_shared>>
      tpu.enqueue_dma source(%arg5 : memref<5032x16xf32, #tpu.memory_space<hbm>>) target(%dma_start3A_19 : memref<5032x16xf32, #tpu.memory_space<vmem_shared>>) target_semaphore(%run_scoped3A : memref<!tpu.dma_semaphore, #tpu.memory_space<semaphore_mem>>)
      %dma_wait3A = arith.constant 0 : i32
      %dma_wait3A_20 = tpu.memref_slice %arg7[%mul3A_5, %dma_wait3A] : memref<80512x16xf32, #tpu.memory_space<vmem_shared>> -> memref<5032x16xf32, #tpu.memory_space<vmem_shared>>
      tpu.wait_dma2 semaphore(%run_scoped3A : memref<!tpu.dma_semaphore, #tpu.memory_space<semaphore_mem>>) src(%arg5 : memref<5032x16xf32, #tpu.memory_space<hbm>>) dst(%dma_wait3A_20 : memref<5032x16xf32, #tpu.memory_space<vmem_shared>>)
      tpu.yield
    }) : () -> ()
    %barrier3A = arith.constant 0 : index
    tpu.barrier barrier_id(%barrier3A)
    %scan3A = arith.constant 0 : i32
    %scan3A_6 = arith.constant 0 : i32
    %scan3A_7 = arith.constant 10 : i32
    %scan3A_8 = arith.addi %scan3A_6, %scan3A_7 : i32
    %scan3A_9 = arith.constant 1 : i32
    %scan3A_10 = scf.for %scan3A_19 = %scan3A_6 to %scan3A_8 step %scan3A_9 iter_args(%scan3A_20 = %scan3A) -> (i32)  : i32 {
      %mul3A_21 = arith.constant 2000 : i32
      %mul3A_22 = arith.muli %scan3A_19, %mul3A_21 : i32
      %add3A_23 = arith.addi %mul3A_0, %mul3A_22 : i32
      "tpu.region"() ({
        %run_scoped3A = tpu.sem_alloc : memref<!tpu.dma_semaphore, #tpu.memory_space<semaphore_mem>>
        %dma_start3A = tpu.memref_slice %arg4[%add3A_23] : memref<320000xi32, #tpu.memory_space<hbm>> -> memref<2000xi32, #tpu.memory_space<hbm>>
        %dma_start3A_32 = tpu.memref_slice %arg4[%add3A_23] : memref<320000xi32, #tpu.memory_space<hbm>> -> memref<2000xi32, #tpu.memory_space<hbm>>
        tpu.enqueue_dma source(%dma_start3A_32 : memref<2000xi32, #tpu.memory_space<hbm>>) target(%arg9 : memref<2000xi32, #tpu.memory_space<vmem>>) target_semaphore(%run_scoped3A : memref<!tpu.dma_semaphore, #tpu.memory_space<semaphore_mem>>)
        %dma_wait3A = tpu.memref_slice %arg4[%add3A_23] : memref<320000xi32, #tpu.memory_space<hbm>> -> memref<2000xi32, #tpu.memory_space<hbm>>
        %dma_wait3A_33 = tpu.memref_slice %arg4[%add3A_23] : memref<320000xi32, #tpu.memory_space<hbm>> -> memref<2000xi32, #tpu.memory_space<hbm>>
        tpu.wait_dma2 semaphore(%run_scoped3A : memref<!tpu.dma_semaphore, #tpu.memory_space<semaphore_mem>>) src(%dma_wait3A_33 : memref<2000xi32, #tpu.memory_space<hbm>>) dst(%arg9 : memref<2000xi32, #tpu.memory_space<vmem>>)
        tpu.yield
      }) : () -> ()
      %scan3A_24 = arith.constant 0 : i32
      %scan3A_25 = arith.constant 0 : i32
      %scan3A_26 = arith.constant 125 : i32
      %scan3A_27 = arith.addi %scan3A_25, %scan3A_26 : i32
      %scan3A_28 = arith.constant 1 : i32
      %scan3A_29 = scf.for %scan3A_32 = %scan3A_25 to %scan3A_27 step %scan3A_28 iter_args(%scan3A_33 = %scan3A_24) -> (i32)  : i32 {
        %mul3A_34 = arith.constant 16 : i32
        %mul3A_35 = arith.muli %scan3A_32, %mul3A_34 : i32
        %min3A = arith.constant 1984 : i32
        %min3A_36 = arith.minsi %mul3A_35, %min3A : i32
        %get3A = arith.index_cast %min3A_36 : i32 to index
        %get3A_37 = tpu.vector_load %arg9[%get3A] {strides = array<i32>} : memref<2000xi32, #tpu.memory_space<vmem>>, vector<16xi32>,
        %get3A_38 = vector.shape_cast %get3A_37 : vector<16xi32> to vector<16xi32>
        %sub3A = vector.broadcast %mul3A_3 : i32 to vector<16xi32>
        %sub3A_39 = arith.subi %get3A_38, %sub3A : vector<16xi32>
        %ge3A = arith.constant 0 : i32
        %ge3A_40 = vector.broadcast %ge3A : i32 to vector<16xi32>
        %ge3A_41 = arith.cmpi sge, %sub3A_39, %ge3A_40 : vector<16xi32>
        %lt3A = arith.constant 80384 : i32
        %lt3A_42 = vector.broadcast %lt3A : i32 to vector<16xi32>
        %lt3A_43 = arith.cmpi slt, %sub3A_39, %lt3A_42 : vector<16xi32>
        %and3A = arith.andi %ge3A_41, %lt3A_43 : vector<16xi1>
        %jit3A = arith.constant 80384 : i32
        %broadcast_in_dim3A = vector.broadcast %jit3A : i32 to vector<16xi32>
        %select_n3A = arith.select %and3A, %sub3A_39, %broadcast_in_dim3A : vector<16xi1>, vector<16xi32>
        %swap3A = arith.index_cast %min3A_36 : i32 to index
        %swap3A_44 = tpu.vector_load %arg10[%swap3A] {strides = array<i32>} : memref<2000xi32, #tpu.memory_space<vmem>>, vector<16xi32>,
        %swap3A_45 = vector.shape_cast %swap3A_44 : vector<16xi32> to vector<16xi32>
        %swap3A_46 = vector.shape_cast %select_n3A : vector<16xi32> to vector<16xi32>
        tpu.vector_store %arg10[%swap3A], %swap3A_46 {strides = array<i32>} : memref<2000xi32, #tpu.memory_space<vmem>>, vector<16xi32>,
        %scan3A_47 = arith.constant 0 : i32
        scf.yield %scan3A_47 : i32
      }
      %scan3A_30 = arith.constant 125 : i32
      "tpu.region"() ({
        %run_scoped3A = tpu.sem_alloc : memref<!tpu.dma_semaphore, #tpu.memory_space<semaphore_mem>>
        %dma_start3A = arith.constant 0 : i32
        %dma_start3A_32 = arith.constant 0 : i32
        %dma_start3A_33 = tpu.memref_slice %arg7[%dma_start3A, %dma_start3A_32] : memref<80512x16xf32, #tpu.memory_space<vmem_shared>> -> memref<80512x16xf32, #tpu.memory_space<vmem_shared>>
        tpu.enqueue_indirect_dma source(%arg11 : memref<2000x16xf32, #tpu.memory_space<vmem>>) target(%dma_start3A_33 : memref<80512x16xf32, #tpu.memory_space<vmem_shared>>) offsets(%arg10 : memref<2000xi32, #tpu.memory_space<vmem>>) semaphore(%run_scoped3A : memref<!tpu.dma_semaphore, #tpu.memory_space<semaphore_mem>>) {add = true}
        %dma_wait3A = arith.constant 0 : i32
        %dma_wait3A_34 = arith.constant 0 : i32
        %dma_wait3A_35 = tpu.memref_slice %arg7[%dma_wait3A, %dma_wait3A_34] : memref<80512x16xf32, #tpu.memory_space<vmem_shared>> -> memref<80512x16xf32, #tpu.memory_space<vmem_shared>>
        tpu.wait_indirect_dma semaphore(%run_scoped3A : memref<!tpu.dma_semaphore, #tpu.memory_space<semaphore_mem>>) src(%arg11 : memref<2000x16xf32, #tpu.memory_space<vmem>>) dst(%dma_wait3A_35 : memref<80512x16xf32, #tpu.memory_space<vmem_shared>>)
        tpu.yield
      }) : () -> ()
      %scan3A_31 = arith.constant 0 : i32
      scf.yield %scan3A_31 : i32
    }
    %scan3A_11 = arith.constant 10 : i32
    %barrier3A_12 = arith.constant 0 : index
    tpu.barrier barrier_id(%barrier3A_12)
    %mul3A_13 = arith.constant 5024 : i32
    %mul3A_14 = arith.muli %arg1, %mul3A_13 : i32
    %mul3A_15 = arith.constant 5024 : i32
    %mul3A_16 = arith.muli %arg1, %mul3A_15 : i32
    %add3A_17 = arith.addi %mul3A_3, %mul3A_16 : i32
    "tpu.region"() ({
      %run_scoped3A = tpu.sem_alloc : memref<!tpu.dma_semaphore, #tpu.memory_space<semaphore_mem>>
      %dma_start3A = arith.constant 0 : i32
      %dma_start3A_19 = tpu.memref_slice %arg6[%add3A_17, %dma_start3A] : memref<160768x16xf32, #tpu.memory_space<hbm>> -> memref<5024x16xf32, #tpu.memory_space<hbm>>
      %dma_start3A_20 = arith.constant 0 : i32
      %dma_start3A_21 = tpu.memref_slice %arg7[%mul3A_14, %dma_start3A_20] : memref<80512x16xf32, #tpu.memory_space<vmem_shared>> -> memref<5024x16xf32, #tpu.memory_space<vmem_shared>>
      tpu.enqueue_dma source(%dma_start3A_21 : memref<5024x16xf32, #tpu.memory_space<vmem_shared>>) target(%dma_start3A_19 : memref<5024x16xf32, #tpu.memory_space<hbm>>) target_semaphore(%run_scoped3A : memref<!tpu.dma_semaphore, #tpu.memory_space<semaphore_mem>>)
      %dma_wait3A = arith.constant 0 : i32
      %dma_wait3A_22 = tpu.memref_slice %arg6[%add3A_17, %dma_wait3A] : memref<160768x16xf32, #tpu.memory_space<hbm>> -> memref<5024x16xf32, #tpu.memory_space<hbm>>
      %dma_wait3A_23 = arith.constant 0 : i32
      %dma_wait3A_24 = tpu.memref_slice %arg7[%mul3A_14, %dma_wait3A_23] : memref<80512x16xf32, #tpu.memory_space<vmem_shared>> -> memref<5024x16xf32, #tpu.memory_space<vmem_shared>>
      tpu.wait_dma2 semaphore(%run_scoped3A : memref<!tpu.dma_semaphore, #tpu.memory_space<semaphore_mem>>) src(%dma_wait3A_24 : memref<5024x16xf32, #tpu.memory_space<vmem_shared>>) dst(%dma_wait3A_22 : memref<5024x16xf32, #tpu.memory_space<hbm>>)
      tpu.yield
    }) : () -> ()
    %barrier3A_18 = arith.constant 0 : index
    tpu.barrier barrier_id(%barrier3A_18)
    return
  }
}

#map = affine_map<(d0, d1) -> (0, 0)>
#map1 = affine_map<(d0, d1) -> (0)>
#map2 = affine_map<(d0, d1) -> (0, 0, 0)>
module attributes {stable_mosaic.version = 14 : i64} {
  func.func @k(%arg0: i32, %arg1: i32, %arg2: memref<160000x64xf32, #tpu.memory_space<hbm>>, %arg3: memref<320000xi32, #tpu.memory_space<hbm>>, %arg4: memref<320000xi32, #tpu.memory_space<hbm>>, %arg5: memref<648x64xf32, #tpu.memory_space<hbm>>, %arg6: memref<2x10240x64xf32, #tpu.memory_space<hbm>>, %arg7: memref<10368x64xf32, #tpu.memory_space<vmem_shared>>, %arg8: memref<1000xi32, #tpu.memory_space<vmem>>, %arg9: memref<1000xi32, #tpu.memory_space<vmem>>, %arg10: memref<1000xi32, #tpu.memory_space<vmem>>, %arg11: memref<1000x64xf32, #tpu.memory_space<vmem>>, %arg12: memref<!tpu.dma_semaphore, #tpu.memory_space<semaphore_mem>>) attributes {dimension_semantics = [#tpu.dimension_semantics<core_parallel>, #tpu.dimension_semantics<subcore_parallel>], iteration_bounds = array<i64: 2, 16>, scalar_prefetch = 0 : i64, scratch_operands = 6 : i64, tpu.core_type = #tpu.core_type<sc_vector_subcore>, window_params = [{transform_indices = #map}, {transform_indices = #map1}, {transform_indices = #map1}, {transform_indices = #map}, {transform_indices = #map2}]} {
    %mul3A = arith.constant 2 : i32
    %mul3A_0 = arith.muli %arg1, %mul3A : i32
    %add3A = arith.addi %mul3A_0, %arg0 : i32
    %mul3A_1 = arith.constant 10000 : i32
    %mul3A_2 = arith.muli %add3A, %mul3A_1 : i32
    %mul3A_3 = arith.constant 648 : i32
    %mul3A_4 = arith.muli %arg1, %mul3A_3 : i32
    "tpu.region"() ({
      %run_scoped3A = tpu.sem_alloc : memref<!tpu.dma_semaphore, #tpu.memory_space<semaphore_mem>>
      %dma_start3A = arith.constant 0 : i32
      %dma_start3A_19 = tpu.memref_slice %arg7[%mul3A_4, %dma_start3A] : memref<10368x64xf32, #tpu.memory_space<vmem_shared>> -> memref<648x64xf32, #tpu.memory_space<vmem_shared>>
      tpu.enqueue_dma source(%arg5 : memref<648x64xf32, #tpu.memory_space<hbm>>) target(%dma_start3A_19 : memref<648x64xf32, #tpu.memory_space<vmem_shared>>) target_semaphore(%run_scoped3A : memref<!tpu.dma_semaphore, #tpu.memory_space<semaphore_mem>>)
      %dma_wait3A = arith.constant 0 : i32
      %dma_wait3A_20 = tpu.memref_slice %arg7[%mul3A_4, %dma_wait3A] : memref<10368x64xf32, #tpu.memory_space<vmem_shared>> -> memref<648x64xf32, #tpu.memory_space<vmem_shared>>
      tpu.wait_dma2 semaphore(%run_scoped3A : memref<!tpu.dma_semaphore, #tpu.memory_space<semaphore_mem>>) src(%arg5 : memref<648x64xf32, #tpu.memory_space<hbm>>) dst(%dma_wait3A_20 : memref<648x64xf32, #tpu.memory_space<vmem_shared>>)
      tpu.yield
    }) : () -> ()
    %barrier3A = arith.constant 0 : index
    tpu.barrier barrier_id(%barrier3A)
    %scan3A = arith.constant 0 : i32
    %scan3A_5 = arith.constant 0 : i32
    %scan3A_6 = arith.constant 10 : i32
    %scan3A_7 = arith.addi %scan3A_5, %scan3A_6 : i32
    %scan3A_8 = arith.constant 1 : i32
    %scan3A_9 = scf.for %scan3A_19 = %scan3A_5 to %scan3A_7 step %scan3A_8 iter_args(%scan3A_20 = %scan3A) -> (i32)  : i32 {
      %mul3A_21 = arith.constant 1000 : i32
      %mul3A_22 = arith.muli %scan3A_19, %mul3A_21 : i32
      %add3A_23 = arith.addi %mul3A_2, %mul3A_22 : i32
      "tpu.region"() ({
        %run_scoped3A = tpu.sem_alloc : memref<!tpu.dma_semaphore, #tpu.memory_space<semaphore_mem>>
        %dma_start3A_36 = tpu.memref_slice %arg3[%add3A_23] : memref<320000xi32, #tpu.memory_space<hbm>> -> memref<1000xi32, #tpu.memory_space<hbm>>
        %dma_start3A_37 = tpu.memref_slice %arg3[%add3A_23] : memref<320000xi32, #tpu.memory_space<hbm>> -> memref<1000xi32, #tpu.memory_space<hbm>>
        tpu.enqueue_dma source(%dma_start3A_37 : memref<1000xi32, #tpu.memory_space<hbm>>) target(%arg8 : memref<1000xi32, #tpu.memory_space<vmem>>) target_semaphore(%run_scoped3A : memref<!tpu.dma_semaphore, #tpu.memory_space<semaphore_mem>>)
        %dma_wait3A_38 = tpu.memref_slice %arg3[%add3A_23] : memref<320000xi32, #tpu.memory_space<hbm>> -> memref<1000xi32, #tpu.memory_space<hbm>>
        %dma_wait3A_39 = tpu.memref_slice %arg3[%add3A_23] : memref<320000xi32, #tpu.memory_space<hbm>> -> memref<1000xi32, #tpu.memory_space<hbm>>
        tpu.wait_dma2 semaphore(%run_scoped3A : memref<!tpu.dma_semaphore, #tpu.memory_space<semaphore_mem>>) src(%dma_wait3A_39 : memref<1000xi32, #tpu.memory_space<hbm>>) dst(%arg8 : memref<1000xi32, #tpu.memory_space<vmem>>)
        tpu.yield
      }) : () -> ()
      "tpu.region"() ({
        %run_scoped3A = tpu.sem_alloc : memref<!tpu.dma_semaphore, #tpu.memory_space<semaphore_mem>>
        %dma_start3A_36 = tpu.memref_slice %arg4[%add3A_23] : memref<320000xi32, #tpu.memory_space<hbm>> -> memref<1000xi32, #tpu.memory_space<hbm>>
        %dma_start3A_37 = tpu.memref_slice %arg4[%add3A_23] : memref<320000xi32, #tpu.memory_space<hbm>> -> memref<1000xi32, #tpu.memory_space<hbm>>
        tpu.enqueue_dma source(%dma_start3A_37 : memref<1000xi32, #tpu.memory_space<hbm>>) target(%arg9 : memref<1000xi32, #tpu.memory_space<vmem>>) target_semaphore(%run_scoped3A : memref<!tpu.dma_semaphore, #tpu.memory_space<semaphore_mem>>)
        %dma_wait3A_38 = tpu.memref_slice %arg4[%add3A_23] : memref<320000xi32, #tpu.memory_space<hbm>> -> memref<1000xi32, #tpu.memory_space<hbm>>
        %dma_wait3A_39 = tpu.memref_slice %arg4[%add3A_23] : memref<320000xi32, #tpu.memory_space<hbm>> -> memref<1000xi32, #tpu.memory_space<hbm>>
        tpu.wait_dma2 semaphore(%run_scoped3A : memref<!tpu.dma_semaphore, #tpu.memory_space<semaphore_mem>>) src(%dma_wait3A_39 : memref<1000xi32, #tpu.memory_space<hbm>>) dst(%arg9 : memref<1000xi32, #tpu.memory_space<vmem>>)
        tpu.yield
      }) : () -> ()
      %dma_start3A = arith.constant 0 : i32
      %dma_start3A_24 = arith.constant 0 : i32
      %dma_start3A_25 = tpu.memref_slice %arg2[%dma_start3A, %dma_start3A_24] : memref<160000x64xf32, #tpu.memory_space<hbm>> -> memref<160000x64xf32, #tpu.memory_space<hbm>>
      tpu.enqueue_indirect_dma source(%dma_start3A_25 : memref<160000x64xf32, #tpu.memory_space<hbm>>) target(%arg11 : memref<1000x64xf32, #tpu.memory_space<vmem>>) offsets(%arg8 : memref<1000xi32, #tpu.memory_space<vmem>>) semaphore(%arg12 : memref<!tpu.dma_semaphore, #tpu.memory_space<semaphore_mem>>)
      %scan3A_26 = arith.constant 0 : i32
      %scan3A_27 = arith.constant 0 : i32
      %scan3A_28 = arith.constant 63 : i32
      %scan3A_29 = arith.addi %scan3A_27, %scan3A_28 : i32
      %scan3A_30 = arith.constant 1 : i32
      %scan3A_31 = scf.for %scan3A_36 = %scan3A_27 to %scan3A_29 step %scan3A_30 iter_args(%scan3A_37 = %scan3A_26) -> (i32)  : i32 {
        %mul3A_38 = arith.constant 16 : i32
        %mul3A_39 = arith.muli %scan3A_36, %mul3A_38 : i32
        %min3A = arith.constant 984 : i32
        %min3A_40 = arith.minsi %mul3A_39, %min3A : i32
        %get3A = arith.index_cast %min3A_40 : i32 to index
        %get3A_41 = tpu.vector_load %arg9[%get3A] {strides = array<i32>} : memref<1000xi32, #tpu.memory_space<vmem>>, vector<16xi32>,
        %get3A_42 = vector.shape_cast %get3A_41 : vector<16xi32> to vector<16xi32>
        %sub3A = arith.constant 0 : i32
        %sub3A_43 = vector.broadcast %sub3A : i32 to vector<16xi32>
        %sub3A_44 = arith.subi %get3A_42, %sub3A_43 : vector<16xi32>
        %ge3A = arith.constant 0 : i32
        %ge3A_45 = vector.broadcast %ge3A : i32 to vector<16xi32>
        %ge3A_46 = arith.cmpi sge, %sub3A_44, %ge3A_45 : vector<16xi32>
        %lt3A = arith.constant 10240 : i32
        %lt3A_47 = vector.broadcast %lt3A : i32 to vector<16xi32>
        %lt3A_48 = arith.cmpi slt, %sub3A_44, %lt3A_47 : vector<16xi32>
        %and3A = arith.andi %ge3A_46, %lt3A_48 : vector<16xi1>
        %jit3A = arith.constant 10240 : i32
        %broadcast_in_dim3A = vector.broadcast %jit3A : i32 to vector<16xi32>
        %select_n3A = arith.select %and3A, %sub3A_44, %broadcast_in_dim3A : vector<16xi1>, vector<16xi32>
        %swap3A = arith.index_cast %min3A_40 : i32 to index
        %swap3A_49 = tpu.vector_load %arg10[%swap3A] {strides = array<i32>} : memref<1000xi32, #tpu.memory_space<vmem>>, vector<16xi32>,
        %swap3A_50 = vector.shape_cast %swap3A_49 : vector<16xi32> to vector<16xi32>
        %swap3A_51 = vector.shape_cast %select_n3A : vector<16xi32> to vector<16xi32>
        tpu.vector_store %arg10[%swap3A], %swap3A_51 {strides = array<i32>} : memref<1000xi32, #tpu.memory_space<vmem>>, vector<16xi32>,
        %scan3A_52 = arith.constant 0 : i32
        scf.yield %scan3A_52 : i32
      }
      %scan3A_32 = arith.constant 63 : i32
      %dma_wait3A = arith.constant 0 : i32
      %dma_wait3A_33 = arith.constant 0 : i32
      %dma_wait3A_34 = tpu.memref_slice %arg2[%dma_wait3A, %dma_wait3A_33] : memref<160000x64xf32, #tpu.memory_space<hbm>> -> memref<160000x64xf32, #tpu.memory_space<hbm>>
      tpu.wait_indirect_dma semaphore(%arg12 : memref<!tpu.dma_semaphore, #tpu.memory_space<semaphore_mem>>) src(%dma_wait3A_34 : memref<160000x64xf32, #tpu.memory_space<hbm>>) dst(%arg11 : memref<1000x64xf32, #tpu.memory_space<vmem>>)
      "tpu.region"() ({
        %run_scoped3A = tpu.sem_alloc : memref<!tpu.dma_semaphore, #tpu.memory_space<semaphore_mem>>
        %dma_start3A_36 = arith.constant 0 : i32
        %dma_start3A_37 = arith.constant 0 : i32
        %dma_start3A_38 = tpu.memref_slice %arg7[%dma_start3A_36, %dma_start3A_37] : memref<10368x64xf32, #tpu.memory_space<vmem_shared>> -> memref<10368x64xf32, #tpu.memory_space<vmem_shared>>
        tpu.enqueue_indirect_dma source(%arg11 : memref<1000x64xf32, #tpu.memory_space<vmem>>) target(%dma_start3A_38 : memref<10368x64xf32, #tpu.memory_space<vmem_shared>>) offsets(%arg10 : memref<1000xi32, #tpu.memory_space<vmem>>) semaphore(%run_scoped3A : memref<!tpu.dma_semaphore, #tpu.memory_space<semaphore_mem>>) {add = true}
        %dma_wait3A_39 = arith.constant 0 : i32
        %dma_wait3A_40 = arith.constant 0 : i32
        %dma_wait3A_41 = tpu.memref_slice %arg7[%dma_wait3A_39, %dma_wait3A_40] : memref<10368x64xf32, #tpu.memory_space<vmem_shared>> -> memref<10368x64xf32, #tpu.memory_space<vmem_shared>>
        tpu.wait_indirect_dma semaphore(%run_scoped3A : memref<!tpu.dma_semaphore, #tpu.memory_space<semaphore_mem>>) src(%arg11 : memref<1000x64xf32, #tpu.memory_space<vmem>>) dst(%dma_wait3A_41 : memref<10368x64xf32, #tpu.memory_space<vmem_shared>>)
        tpu.yield
      }) : () -> ()
      %scan3A_35 = arith.constant 0 : i32
      scf.yield %scan3A_35 : i32
    }
    %scan3A_10 = arith.constant 10 : i32
    %barrier3A_11 = arith.constant 0 : index
    tpu.barrier barrier_id(%barrier3A_11)
    %mul3A_12 = arith.constant 640 : i32
    %mul3A_13 = arith.muli %arg1, %mul3A_12 : i32
    %mul3A_14 = arith.constant 640 : i32
    %mul3A_15 = arith.muli %arg1, %mul3A_14 : i32
    %add3A_16 = arith.constant 0 : i32
    %add3A_17 = arith.addi %add3A_16, %mul3A_15 : i32
    "tpu.region"() ({
      %run_scoped3A = tpu.sem_alloc : memref<!tpu.dma_semaphore, #tpu.memory_space<semaphore_mem>>
      %dma_start3A = arith.constant 0 : i32
      %dma_start3A_19 = tpu.memref_slice %arg6[%arg0, %add3A_17, %dma_start3A] : memref<2x10240x64xf32, #tpu.memory_space<hbm>> -> memref<1x640x64xf32, #tpu.memory_space<hbm>>
      %dma_start3A_20 = tpu.memref_squeeze %dma_start3A_19 : memref<1x640x64xf32, #tpu.memory_space<hbm>> -> memref<640x64xf32, #tpu.memory_space<hbm>>
      %dma_start3A_21 = arith.constant 0 : i32
      %dma_start3A_22 = tpu.memref_slice %arg7[%mul3A_13, %dma_start3A_21] : memref<10368x64xf32, #tpu.memory_space<vmem_shared>> -> memref<640x64xf32, #tpu.memory_space<vmem_shared>>
      tpu.enqueue_dma source(%dma_start3A_22 : memref<640x64xf32, #tpu.memory_space<vmem_shared>>) target(%dma_start3A_20 : memref<640x64xf32, #tpu.memory_space<hbm>>) target_semaphore(%run_scoped3A : memref<!tpu.dma_semaphore, #tpu.memory_space<semaphore_mem>>)
      %dma_wait3A = arith.constant 0 : i32
      %dma_wait3A_23 = tpu.memref_slice %arg6[%arg0, %add3A_17, %dma_wait3A] : memref<2x10240x64xf32, #tpu.memory_space<hbm>> -> memref<1x640x64xf32, #tpu.memory_space<hbm>>
      %dma_wait3A_24 = tpu.memref_squeeze %dma_wait3A_23 : memref<1x640x64xf32, #tpu.memory_space<hbm>> -> memref<640x64xf32, #tpu.memory_space<hbm>>
      %dma_wait3A_25 = arith.constant 0 : i32
      %dma_wait3A_26 = tpu.memref_slice %arg7[%mul3A_13, %dma_wait3A_25] : memref<10368x64xf32, #tpu.memory_space<vmem_shared>> -> memref<640x64xf32, #tpu.memory_space<vmem_shared>>
      tpu.wait_dma2 semaphore(%run_scoped3A : memref<!tpu.dma_semaphore, #tpu.memory_space<semaphore_mem>>) src(%dma_wait3A_26 : memref<640x64xf32, #tpu.memory_space<vmem_shared>>) dst(%dma_wait3A_24 : memref<640x64xf32, #tpu.memory_space<hbm>>)
      tpu.yield
    }) : () -> ()
    %barrier3A_18 = arith.constant 0 : index
    tpu.barrier barrier_id(%barrier3A_18)
    return
  }
}

#map = affine_map<(d0, d1) -> (0, 0)>
#map1 = affine_map<(d0, d1) -> (0)>
#map2 = affine_map<(d0, d1) -> (0, 0, 0)>
module attributes {stable_mosaic.version = 14 : i64} {
  func.func @k(%arg0: i32, %arg1: i32, %arg2: memref<10000x16xf32, #tpu.memory_space<hbm>>, %arg3: memref<10000x16xf32, #tpu.memory_space<hbm>>, %arg4: memref<10000x16xf32, #tpu.memory_space<hbm>>, %arg5: memref<10000x16xf32, #tpu.memory_space<hbm>>, %arg6: memref<320000xi32, #tpu.memory_space<hbm>>, %arg7: memref<320000xi32, #tpu.memory_space<hbm>>, %arg8: memref<5032x16xf32, #tpu.memory_space<hbm>>, %arg9: memref<4x160768x16xf32, #tpu.memory_space<hbm>>, %arg10: memref<80512x16xf32, #tpu.memory_space<vmem_shared>>, %arg11: memref<2000xi32, #tpu.memory_space<vmem>>, %arg12: memref<2000xi32, #tpu.memory_space<vmem>>, %arg13: memref<2000xi32, #tpu.memory_space<vmem>>, %arg14: memref<2000x16xf32, #tpu.memory_space<vmem>>, %arg15: memref<!tpu.dma_semaphore, #tpu.memory_space<semaphore_mem>>) attributes {dimension_semantics = [#tpu.dimension_semantics<core_parallel>, #tpu.dimension_semantics<subcore_parallel>], iteration_bounds = array<i64: 2, 16>, scalar_prefetch = 0 : i64, scratch_operands = 6 : i64, tpu.core_type = #tpu.core_type<sc_vector_subcore>, window_params = [{transform_indices = #map}, {transform_indices = #map}, {transform_indices = #map}, {transform_indices = #map}, {transform_indices = #map1}, {transform_indices = #map1}, {transform_indices = #map}, {transform_indices = #map2}]} {
    %mul3A = arith.constant 20000 : i32
    %mul3A_0 = arith.muli %arg1, %mul3A : i32
    %mul3A_1 = arith.constant 80384 : i32
    %mul3A_2 = arith.muli %arg0, %mul3A_1 : i32
    %mul3A_3 = arith.constant 5032 : i32
    %mul3A_4 = arith.muli %arg1, %mul3A_3 : i32
    "tpu.region"() ({
      %run_scoped3A_71 = tpu.sem_alloc : memref<!tpu.dma_semaphore, #tpu.memory_space<semaphore_mem>>
      %dma_start3A = arith.constant 0 : i32
      %dma_start3A_72 = tpu.memref_slice %arg10[%mul3A_4, %dma_start3A] : memref<80512x16xf32, #tpu.memory_space<vmem_shared>> -> memref<5032x16xf32, #tpu.memory_space<vmem_shared>>
      tpu.enqueue_dma source(%arg8 : memref<5032x16xf32, #tpu.memory_space<hbm>>) target(%dma_start3A_72 : memref<5032x16xf32, #tpu.memory_space<vmem_shared>>) target_semaphore(%run_scoped3A_71 : memref<!tpu.dma_semaphore, #tpu.memory_space<semaphore_mem>>)
      %dma_wait3A = arith.constant 0 : i32
      %dma_wait3A_73 = tpu.memref_slice %arg10[%mul3A_4, %dma_wait3A] : memref<80512x16xf32, #tpu.memory_space<vmem_shared>> -> memref<5032x16xf32, #tpu.memory_space<vmem_shared>>
      tpu.wait_dma2 semaphore(%run_scoped3A_71 : memref<!tpu.dma_semaphore, #tpu.memory_space<semaphore_mem>>) src(%arg8 : memref<5032x16xf32, #tpu.memory_space<hbm>>) dst(%dma_wait3A_73 : memref<5032x16xf32, #tpu.memory_space<vmem_shared>>)
      tpu.yield
    }) : () -> ()
    %barrier3A = arith.constant 0 : index
    tpu.barrier barrier_id(%barrier3A)
    %scan3A = arith.constant 0 : i32
    %scan3A_5 = arith.constant 0 : i32
    %scan3A_6 = arith.constant 10 : i32
    %scan3A_7 = arith.addi %scan3A_5, %scan3A_6 : i32
    %scan3A_8 = arith.constant 1 : i32
    %scan3A_9 = scf.for %scan3A_71 = %scan3A_5 to %scan3A_7 step %scan3A_8 iter_args(%scan3A_72 = %scan3A) -> (i32)  : i32 {
      %mul3A_73 = arith.constant 2000 : i32
      %mul3A_74 = arith.muli %scan3A_71, %mul3A_73 : i32
      %add3A_75 = arith.addi %mul3A_0, %mul3A_74 : i32
      "tpu.region"() ({
        %run_scoped3A_88 = tpu.sem_alloc : memref<!tpu.dma_semaphore, #tpu.memory_space<semaphore_mem>>
        %dma_start3A_89 = tpu.memref_slice %arg6[%add3A_75] : memref<320000xi32, #tpu.memory_space<hbm>> -> memref<2000xi32, #tpu.memory_space<hbm>>
        %dma_start3A_90 = tpu.memref_slice %arg6[%add3A_75] : memref<320000xi32, #tpu.memory_space<hbm>> -> memref<2000xi32, #tpu.memory_space<hbm>>
        tpu.enqueue_dma source(%dma_start3A_90 : memref<2000xi32, #tpu.memory_space<hbm>>) target(%arg11 : memref<2000xi32, #tpu.memory_space<vmem>>) target_semaphore(%run_scoped3A_88 : memref<!tpu.dma_semaphore, #tpu.memory_space<semaphore_mem>>)
        %dma_wait3A_91 = tpu.memref_slice %arg6[%add3A_75] : memref<320000xi32, #tpu.memory_space<hbm>> -> memref<2000xi32, #tpu.memory_space<hbm>>
        %dma_wait3A_92 = tpu.memref_slice %arg6[%add3A_75] : memref<320000xi32, #tpu.memory_space<hbm>> -> memref<2000xi32, #tpu.memory_space<hbm>>
        tpu.wait_dma2 semaphore(%run_scoped3A_88 : memref<!tpu.dma_semaphore, #tpu.memory_space<semaphore_mem>>) src(%dma_wait3A_92 : memref<2000xi32, #tpu.memory_space<hbm>>) dst(%arg11 : memref<2000xi32, #tpu.memory_space<vmem>>)
        tpu.yield
      }) : () -> ()
      "tpu.region"() ({
        %run_scoped3A_88 = tpu.sem_alloc : memref<!tpu.dma_semaphore, #tpu.memory_space<semaphore_mem>>
        %dma_start3A_89 = tpu.memref_slice %arg7[%add3A_75] : memref<320000xi32, #tpu.memory_space<hbm>> -> memref<2000xi32, #tpu.memory_space<hbm>>
        %dma_start3A_90 = tpu.memref_slice %arg7[%add3A_75] : memref<320000xi32, #tpu.memory_space<hbm>> -> memref<2000xi32, #tpu.memory_space<hbm>>
        tpu.enqueue_dma source(%dma_start3A_90 : memref<2000xi32, #tpu.memory_space<hbm>>) target(%arg12 : memref<2000xi32, #tpu.memory_space<vmem>>) target_semaphore(%run_scoped3A_88 : memref<!tpu.dma_semaphore, #tpu.memory_space<semaphore_mem>>)
        %dma_wait3A_91 = tpu.memref_slice %arg7[%add3A_75] : memref<320000xi32, #tpu.memory_space<hbm>> -> memref<2000xi32, #tpu.memory_space<hbm>>
        %dma_wait3A_92 = tpu.memref_slice %arg7[%add3A_75] : memref<320000xi32, #tpu.memory_space<hbm>> -> memref<2000xi32, #tpu.memory_space<hbm>>
        tpu.wait_dma2 semaphore(%run_scoped3A_88 : memref<!tpu.dma_semaphore, #tpu.memory_space<semaphore_mem>>) src(%dma_wait3A_92 : memref<2000xi32, #tpu.memory_space<hbm>>) dst(%arg12 : memref<2000xi32, #tpu.memory_space<vmem>>)
        tpu.yield
      }) : () -> ()
      %dma_start3A = arith.constant 0 : i32
      %dma_start3A_76 = arith.constant 0 : i32
      %dma_start3A_77 = tpu.memref_slice %arg2[%dma_start3A, %dma_start3A_76] : memref<10000x16xf32, #tpu.memory_space<hbm>> -> memref<10000x16xf32, #tpu.memory_space<hbm>>
      tpu.enqueue_indirect_dma source(%dma_start3A_77 : memref<10000x16xf32, #tpu.memory_space<hbm>>) target(%arg14 : memref<2000x16xf32, #tpu.memory_space<vmem>>) offsets(%arg11 : memref<2000xi32, #tpu.memory_space<vmem>>) semaphore(%arg15 : memref<!tpu.dma_semaphore, #tpu.memory_space<semaphore_mem>>)
      %scan3A_78 = arith.constant 0 : i32
      %scan3A_79 = arith.constant 0 : i32
      %scan3A_80 = arith.constant 125 : i32
      %scan3A_81 = arith.addi %scan3A_79, %scan3A_80 : i32
      %scan3A_82 = arith.constant 1 : i32
      %scan3A_83 = scf.for %scan3A_88 = %scan3A_79 to %scan3A_81 step %scan3A_82 iter_args(%scan3A_89 = %scan3A_78) -> (i32)  : i32 {
        %mul3A_90 = arith.constant 16 : i32
        %mul3A_91 = arith.muli %scan3A_88, %mul3A_90 : i32
        %get3A = arith.index_cast %mul3A_91 : i32 to index
        %get3A_92 = tpu.vector_load %arg12[%get3A] {strides = array<i32>} : memref<2000xi32, #tpu.memory_space<vmem>>, vector<16xi32>,
        %get3A_93 = vector.shape_cast %get3A_92 : vector<16xi32> to vector<16xi32>
        %sub3A = vector.broadcast %mul3A_2 : i32 to vector<16xi32>
        %sub3A_94 = arith.subi %get3A_93, %sub3A : vector<16xi32>
        %ge3A = arith.constant 0 : i32
        %ge3A_95 = vector.broadcast %ge3A : i32 to vector<16xi32>
        %ge3A_96 = arith.cmpi sge, %sub3A_94, %ge3A_95 : vector<16xi32>
        %lt3A = arith.constant 80384 : i32
        %lt3A_97 = vector.broadcast %lt3A : i32 to vector<16xi32>
        %lt3A_98 = arith.cmpi slt, %sub3A_94, %lt3A_97 : vector<16xi32>
        %and3A = arith.andi %ge3A_96, %lt3A_98 : vector<16xi1>
        %jit3A = arith.constant 80384 : i32
        %broadcast_in_dim3A = vector.broadcast %jit3A : i32 to vector<16xi32>
        %select_n3A = arith.select %and3A, %sub3A_94, %broadcast_in_dim3A : vector<16xi1>, vector<16xi32>
        %mul3A_99 = arith.constant 16 : i32
        %mul3A_100 = arith.muli %scan3A_88, %mul3A_99 : i32
        %swap3A = arith.index_cast %mul3A_100 : i32 to index
        %swap3A_101 = tpu.vector_load %arg13[%swap3A] {strides = array<i32>} : memref<2000xi32, #tpu.memory_space<vmem>>, vector<16xi32>,
        %swap3A_102 = vector.shape_cast %swap3A_101 : vector<16xi32> to vector<16xi32>
        %swap3A_103 = vector.shape_cast %select_n3A : vector<16xi32> to vector<16xi32>
        tpu.vector_store %arg13[%swap3A], %swap3A_103 {strides = array<i32>} : memref<2000xi32, #tpu.memory_space<vmem>>, vector<16xi32>,
        %scan3A_104 = arith.constant 0 : i32
        scf.yield %scan3A_104 : i32
      }
      %scan3A_84 = arith.constant 125 : i32
      %dma_wait3A = arith.constant 0 : i32
      %dma_wait3A_85 = arith.constant 0 : i32
      %dma_wait3A_86 = tpu.memref_slice %arg2[%dma_wait3A, %dma_wait3A_85] : memref<10000x16xf32, #tpu.memory_space<hbm>> -> memref<10000x16xf32, #tpu.memory_space<hbm>>
      tpu.wait_indirect_dma semaphore(%arg15 : memref<!tpu.dma_semaphore, #tpu.memory_space<semaphore_mem>>) src(%dma_wait3A_86 : memref<10000x16xf32, #tpu.memory_space<hbm>>) dst(%arg14 : memref<2000x16xf32, #tpu.memory_space<vmem>>)
      "tpu.region"() ({
        %run_scoped3A_88 = tpu.sem_alloc : memref<!tpu.dma_semaphore, #tpu.memory_space<semaphore_mem>>
        %dma_start3A_89 = arith.constant 0 : i32
        %dma_start3A_90 = arith.constant 0 : i32
        %dma_start3A_91 = tpu.memref_slice %arg10[%dma_start3A_89, %dma_start3A_90] : memref<80512x16xf32, #tpu.memory_space<vmem_shared>> -> memref<80512x16xf32, #tpu.memory_space<vmem_shared>>
        tpu.enqueue_indirect_dma source(%arg14 : memref<2000x16xf32, #tpu.memory_space<vmem>>) target(%dma_start3A_91 : memref<80512x16xf32, #tpu.memory_space<vmem_shared>>) offsets(%arg13 : memref<2000xi32, #tpu.memory_space<vmem>>) semaphore(%run_scoped3A_88 : memref<!tpu.dma_semaphore, #tpu.memory_space<semaphore_mem>>) {add = true}
        %dma_wait3A_92 = arith.constant 0 : i32
        %dma_wait3A_93 = arith.constant 0 : i32
        %dma_wait3A_94 = tpu.memref_slice %arg10[%dma_wait3A_92, %dma_wait3A_93] : memref<80512x16xf32, #tpu.memory_space<vmem_shared>> -> memref<80512x16xf32, #tpu.memory_space<vmem_shared>>
        tpu.wait_indirect_dma semaphore(%run_scoped3A_88 : memref<!tpu.dma_semaphore, #tpu.memory_space<semaphore_mem>>) src(%arg14 : memref<2000x16xf32, #tpu.memory_space<vmem>>) dst(%dma_wait3A_94 : memref<80512x16xf32, #tpu.memory_space<vmem_shared>>)
        tpu.yield
      }) : () -> ()
      %scan3A_87 = arith.constant 0 : i32
      scf.yield %scan3A_87 : i32
    }
    %scan3A_10 = arith.constant 10 : i32
    %barrier3A_11 = arith.constant 0 : index
    tpu.barrier barrier_id(%barrier3A_11)
    %mul3A_12 = arith.constant 5024 : i32
    %mul3A_13 = arith.muli %arg1, %mul3A_12 : i32
    %mul3A_14 = arith.constant 5024 : i32
    %mul3A_15 = arith.muli %arg1, %mul3A_14 : i32
    %add3A = arith.addi %mul3A_2, %mul3A_15 : i32
    %run_scoped3A = arith.constant 0 : i32
    "tpu.region"() ({
      %run_scoped3A_71 = tpu.sem_alloc : memref<!tpu.dma_semaphore, #tpu.memory_space<semaphore_mem>>
      %dma_start3A = arith.constant 0 : i32
      %dma_start3A_72 = tpu.memref_slice %arg9[%run_scoped3A, %add3A, %dma_start3A] : memref<4x160768x16xf32, #tpu.memory_space<hbm>> -> memref<1x5024x16xf32, #tpu.memory_space<hbm>>
      %dma_start3A_73 = tpu.memref_squeeze %dma_start3A_72 : memref<1x5024x16xf32, #tpu.memory_space<hbm>> -> memref<5024x16xf32, #tpu.memory_space<hbm>>
      %dma_start3A_74 = arith.constant 0 : i32
      %dma_start3A_75 = tpu.memref_slice %arg10[%mul3A_13, %dma_start3A_74] : memref<80512x16xf32, #tpu.memory_space<vmem_shared>> -> memref<5024x16xf32, #tpu.memory_space<vmem_shared>>
      tpu.enqueue_dma source(%dma_start3A_75 : memref<5024x16xf32, #tpu.memory_space<vmem_shared>>) target(%dma_start3A_73 : memref<5024x16xf32, #tpu.memory_space<hbm>>) target_semaphore(%run_scoped3A_71 : memref<!tpu.dma_semaphore, #tpu.memory_space<semaphore_mem>>)
      %dma_wait3A = arith.constant 0 : i32
      %dma_wait3A_76 = tpu.memref_slice %arg9[%run_scoped3A, %add3A, %dma_wait3A] : memref<4x160768x16xf32, #tpu.memory_space<hbm>> -> memref<1x5024x16xf32, #tpu.memory_space<hbm>>
      %dma_wait3A_77 = tpu.memref_squeeze %dma_wait3A_76 : memref<1x5024x16xf32, #tpu.memory_space<hbm>> -> memref<5024x16xf32, #tpu.memory_space<hbm>>
      %dma_wait3A_78 = arith.constant 0 : i32
      %dma_wait3A_79 = tpu.memref_slice %arg10[%mul3A_13, %dma_wait3A_78] : memref<80512x16xf32, #tpu.memory_space<vmem_shared>> -> memref<5024x16xf32, #tpu.memory_space<vmem_shared>>
      tpu.wait_dma2 semaphore(%run_scoped3A_71 : memref<!tpu.dma_semaphore, #tpu.memory_space<semaphore_mem>>) src(%dma_wait3A_79 : memref<5024x16xf32, #tpu.memory_space<vmem_shared>>) dst(%dma_wait3A_77 : memref<5024x16xf32, #tpu.memory_space<hbm>>)
      tpu.yield
    }) : () -> ()
    %barrier3A_16 = arith.constant 0 : index
    tpu.barrier barrier_id(%barrier3A_16)
    %mul3A_17 = arith.constant 5032 : i32
    %mul3A_18 = arith.muli %arg1, %mul3A_17 : i32
    "tpu.region"() ({
      %run_scoped3A_71 = tpu.sem_alloc : memref<!tpu.dma_semaphore, #tpu.memory_space<semaphore_mem>>
      %dma_start3A = arith.constant 0 : i32
      %dma_start3A_72 = tpu.memref_slice %arg10[%mul3A_18, %dma_start3A] : memref<80512x16xf32, #tpu.memory_space<vmem_shared>> -> memref<5032x16xf32, #tpu.memory_space<vmem_shared>>
      tpu.enqueue_dma source(%arg8 : memref<5032x16xf32, #tpu.memory_space<hbm>>) target(%dma_start3A_72 : memref<5032x16xf32, #tpu.memory_space<vmem_shared>>) target_semaphore(%run_scoped3A_71 : memref<!tpu.dma_semaphore, #tpu.memory_space<semaphore_mem>>)
      %dma_wait3A = arith.constant 0 : i32
      %dma_wait3A_73 = tpu.memref_slice %arg10[%mul3A_18, %dma_wait3A] : memref<80512x16xf32, #tpu.memory_space<vmem_shared>> -> memref<5032x16xf32, #tpu.memory_space<vmem_shared>>
      tpu.wait_dma2 semaphore(%run_scoped3A_71 : memref<!tpu.dma_semaphore, #tpu.memory_space<semaphore_mem>>) src(%arg8 : memref<5032x16xf32, #tpu.memory_space<hbm>>) dst(%dma_wait3A_73 : memref<5032x16xf32, #tpu.memory_space<vmem_shared>>)
      tpu.yield
    }) : () -> ()
    %barrier3A_19 = arith.constant 0 : index
    tpu.barrier barrier_id(%barrier3A_19)
    %scan3A_20 = arith.constant 0 : i32
    %scan3A_21 = arith.constant 0 : i32
    %scan3A_22 = arith.constant 10 : i32
    %scan3A_23 = arith.addi %scan3A_21, %scan3A_22 : i32
    %scan3A_24 = arith.constant 1 : i32
    %scan3A_25 = scf.for %scan3A_71 = %scan3A_21 to %scan3A_23 step %scan3A_24 iter_args(%scan3A_72 = %scan3A_20) -> (i32)  : i32 {
      %mul3A_73 = arith.constant 2000 : i32
      %mul3A_74 = arith.muli %scan3A_71, %mul3A_73 : i32
      %add3A_75 = arith.addi %mul3A_0, %mul3A_74 : i32
      "tpu.region"() ({
        %run_scoped3A_88 = tpu.sem_alloc : memref<!tpu.dma_semaphore, #tpu.memory_space<semaphore_mem>>
        %dma_start3A_89 = tpu.memref_slice %arg6[%add3A_75] : memref<320000xi32, #tpu.memory_space<hbm>> -> memref<2000xi32, #tpu.memory_space<hbm>>
        %dma_start3A_90 = tpu.memref_slice %arg6[%add3A_75] : memref<320000xi32, #tpu.memory_space<hbm>> -> memref<2000xi32, #tpu.memory_space<hbm>>
        tpu.enqueue_dma source(%dma_start3A_90 : memref<2000xi32, #tpu.memory_space<hbm>>) target(%arg11 : memref<2000xi32, #tpu.memory_space<vmem>>) target_semaphore(%run_scoped3A_88 : memref<!tpu.dma_semaphore, #tpu.memory_space<semaphore_mem>>)
        %dma_wait3A_91 = tpu.memref_slice %arg6[%add3A_75] : memref<320000xi32, #tpu.memory_space<hbm>> -> memref<2000xi32, #tpu.memory_space<hbm>>
        %dma_wait3A_92 = tpu.memref_slice %arg6[%add3A_75] : memref<320000xi32, #tpu.memory_space<hbm>> -> memref<2000xi32, #tpu.memory_space<hbm>>
        tpu.wait_dma2 semaphore(%run_scoped3A_88 : memref<!tpu.dma_semaphore, #tpu.memory_space<semaphore_mem>>) src(%dma_wait3A_92 : memref<2000xi32, #tpu.memory_space<hbm>>) dst(%arg11 : memref<2000xi32, #tpu.memory_space<vmem>>)
        tpu.yield
      }) : () -> ()
      "tpu.region"() ({
        %run_scoped3A_88 = tpu.sem_alloc : memref<!tpu.dma_semaphore, #tpu.memory_space<semaphore_mem>>
        %dma_start3A_89 = tpu.memref_slice %arg7[%add3A_75] : memref<320000xi32, #tpu.memory_space<hbm>> -> memref<2000xi32, #tpu.memory_space<hbm>>
        %dma_start3A_90 = tpu.memref_slice %arg7[%add3A_75] : memref<320000xi32, #tpu.memory_space<hbm>> -> memref<2000xi32, #tpu.memory_space<hbm>>
        tpu.enqueue_dma source(%dma_start3A_90 : memref<2000xi32, #tpu.memory_space<hbm>>) target(%arg12 : memref<2000xi32, #tpu.memory_space<vmem>>) target_semaphore(%run_scoped3A_88 : memref<!tpu.dma_semaphore, #tpu.memory_space<semaphore_mem>>)
        %dma_wait3A_91 = tpu.memref_slice %arg7[%add3A_75] : memref<320000xi32, #tpu.memory_space<hbm>> -> memref<2000xi32, #tpu.memory_space<hbm>>
        %dma_wait3A_92 = tpu.memref_slice %arg7[%add3A_75] : memref<320000xi32, #tpu.memory_space<hbm>> -> memref<2000xi32, #tpu.memory_space<hbm>>
        tpu.wait_dma2 semaphore(%run_scoped3A_88 : memref<!tpu.dma_semaphore, #tpu.memory_space<semaphore_mem>>) src(%dma_wait3A_92 : memref<2000xi32, #tpu.memory_space<hbm>>) dst(%arg12 : memref<2000xi32, #tpu.memory_space<vmem>>)
        tpu.yield
      }) : () -> ()
      %dma_start3A = arith.constant 0 : i32
      %dma_start3A_76 = arith.constant 0 : i32
      %dma_start3A_77 = tpu.memref_slice %arg3[%dma_start3A, %dma_start3A_76] : memref<10000x16xf32, #tpu.memory_space<hbm>> -> memref<10000x16xf32, #tpu.memory_space<hbm>>
      tpu.enqueue_indirect_dma source(%dma_start3A_77 : memref<10000x16xf32, #tpu.memory_space<hbm>>) target(%arg14 : memref<2000x16xf32, #tpu.memory_space<vmem>>) offsets(%arg11 : memref<2000xi32, #tpu.memory_space<vmem>>) semaphore(%arg15 : memref<!tpu.dma_semaphore, #tpu.memory_space<semaphore_mem>>)
      %scan3A_78 = arith.constant 0 : i32
      %scan3A_79 = arith.constant 0 : i32
      %scan3A_80 = arith.constant 125 : i32
      %scan3A_81 = arith.addi %scan3A_79, %scan3A_80 : i32
      %scan3A_82 = arith.constant 1 : i32
      %scan3A_83 = scf.for %scan3A_88 = %scan3A_79 to %scan3A_81 step %scan3A_82 iter_args(%scan3A_89 = %scan3A_78) -> (i32)  : i32 {
        %mul3A_90 = arith.constant 16 : i32
        %mul3A_91 = arith.muli %scan3A_88, %mul3A_90 : i32
        %get3A = arith.index_cast %mul3A_91 : i32 to index
        %get3A_92 = tpu.vector_load %arg12[%get3A] {strides = array<i32>} : memref<2000xi32, #tpu.memory_space<vmem>>, vector<16xi32>,
        %get3A_93 = vector.shape_cast %get3A_92 : vector<16xi32> to vector<16xi32>
        %sub3A = vector.broadcast %mul3A_2 : i32 to vector<16xi32>
        %sub3A_94 = arith.subi %get3A_93, %sub3A : vector<16xi32>
        %ge3A = arith.constant 0 : i32
        %ge3A_95 = vector.broadcast %ge3A : i32 to vector<16xi32>
        %ge3A_96 = arith.cmpi sge, %sub3A_94, %ge3A_95 : vector<16xi32>
        %lt3A = arith.constant 80384 : i32
        %lt3A_97 = vector.broadcast %lt3A : i32 to vector<16xi32>
        %lt3A_98 = arith.cmpi slt, %sub3A_94, %lt3A_97 : vector<16xi32>
        %and3A = arith.andi %ge3A_96, %lt3A_98 : vector<16xi1>
        %jit3A = arith.constant 80384 : i32
        %broadcast_in_dim3A = vector.broadcast %jit3A : i32 to vector<16xi32>
        %select_n3A = arith.select %and3A, %sub3A_94, %broadcast_in_dim3A : vector<16xi1>, vector<16xi32>
        %mul3A_99 = arith.constant 16 : i32
        %mul3A_100 = arith.muli %scan3A_88, %mul3A_99 : i32
        %swap3A = arith.index_cast %mul3A_100 : i32 to index
        %swap3A_101 = tpu.vector_load %arg13[%swap3A] {strides = array<i32>} : memref<2000xi32, #tpu.memory_space<vmem>>, vector<16xi32>,
        %swap3A_102 = vector.shape_cast %swap3A_101 : vector<16xi32> to vector<16xi32>
        %swap3A_103 = vector.shape_cast %select_n3A : vector<16xi32> to vector<16xi32>
        tpu.vector_store %arg13[%swap3A], %swap3A_103 {strides = array<i32>} : memref<2000xi32, #tpu.memory_space<vmem>>, vector<16xi32>,
        %scan3A_104 = arith.constant 0 : i32
        scf.yield %scan3A_104 : i32
      }
      %scan3A_84 = arith.constant 125 : i32
      %dma_wait3A = arith.constant 0 : i32
      %dma_wait3A_85 = arith.constant 0 : i32
      %dma_wait3A_86 = tpu.memref_slice %arg3[%dma_wait3A, %dma_wait3A_85] : memref<10000x16xf32, #tpu.memory_space<hbm>> -> memref<10000x16xf32, #tpu.memory_space<hbm>>
      tpu.wait_indirect_dma semaphore(%arg15 : memref<!tpu.dma_semaphore, #tpu.memory_space<semaphore_mem>>) src(%dma_wait3A_86 : memref<10000x16xf32, #tpu.memory_space<hbm>>) dst(%arg14 : memref<2000x16xf32, #tpu.memory_space<vmem>>)
      "tpu.region"() ({
        %run_scoped3A_88 = tpu.sem_alloc : memref<!tpu.dma_semaphore, #tpu.memory_space<semaphore_mem>>
        %dma_start3A_89 = arith.constant 0 : i32
        %dma_start3A_90 = arith.constant 0 : i32
        %dma_start3A_91 = tpu.memref_slice %arg10[%dma_start3A_89, %dma_start3A_90] : memref<80512x16xf32, #tpu.memory_space<vmem_shared>> -> memref<80512x16xf32, #tpu.memory_space<vmem_shared>>
        tpu.enqueue_indirect_dma source(%arg14 : memref<2000x16xf32, #tpu.memory_space<vmem>>) target(%dma_start3A_91 : memref<80512x16xf32, #tpu.memory_space<vmem_shared>>) offsets(%arg13 : memref<2000xi32, #tpu.memory_space<vmem>>) semaphore(%run_scoped3A_88 : memref<!tpu.dma_semaphore, #tpu.memory_space<semaphore_mem>>) {add = true}
        %dma_wait3A_92 = arith.constant 0 : i32
        %dma_wait3A_93 = arith.constant 0 : i32
        %dma_wait3A_94 = tpu.memref_slice %arg10[%dma_wait3A_92, %dma_wait3A_93] : memref<80512x16xf32, #tpu.memory_space<vmem_shared>> -> memref<80512x16xf32, #tpu.memory_space<vmem_shared>>
        tpu.wait_indirect_dma semaphore(%run_scoped3A_88 : memref<!tpu.dma_semaphore, #tpu.memory_space<semaphore_mem>>) src(%arg14 : memref<2000x16xf32, #tpu.memory_space<vmem>>) dst(%dma_wait3A_94 : memref<80512x16xf32, #tpu.memory_space<vmem_shared>>)
        tpu.yield
      }) : () -> ()
      %scan3A_87 = arith.constant 0 : i32
      scf.yield %scan3A_87 : i32
    }
    %scan3A_26 = arith.constant 10 : i32
    %barrier3A_27 = arith.constant 0 : index
    tpu.barrier barrier_id(%barrier3A_27)
    %mul3A_28 = arith.constant 5024 : i32
    %mul3A_29 = arith.muli %arg1, %mul3A_28 : i32
    %mul3A_30 = arith.constant 5024 : i32
    %mul3A_31 = arith.muli %arg1, %mul3A_30 : i32
    %add3A_32 = arith.addi %mul3A_2, %mul3A_31 : i32
    %run_scoped3A_33 = arith.constant 1 : i32
    "tpu.region"() ({
      %run_scoped3A_71 = tpu.sem_alloc : memref<!tpu.dma_semaphore, #tpu.memory_space<semaphore_mem>>
      %dma_start3A = arith.constant 0 : i32
      %dma_start3A_72 = tpu.memref_slice %arg9[%run_scoped3A_33, %add3A_32, %dma_start3A] : memref<4x160768x16xf32, #tpu.memory_space<hbm>> -> memref<1x5024x16xf32, #tpu.memory_space<hbm>>
      %dma_start3A_73 = tpu.memref_squeeze %dma_start3A_72 : memref<1x5024x16xf32, #tpu.memory_space<hbm>> -> memref<5024x16xf32, #tpu.memory_space<hbm>>
      %dma_start3A_74 = arith.constant 0 : i32
      %dma_start3A_75 = tpu.memref_slice %arg10[%mul3A_29, %dma_start3A_74] : memref<80512x16xf32, #tpu.memory_space<vmem_shared>> -> memref<5024x16xf32, #tpu.memory_space<vmem_shared>>
      tpu.enqueue_dma source(%dma_start3A_75 : memref<5024x16xf32, #tpu.memory_space<vmem_shared>>) target(%dma_start3A_73 : memref<5024x16xf32, #tpu.memory_space<hbm>>) target_semaphore(%run_scoped3A_71 : memref<!tpu.dma_semaphore, #tpu.memory_space<semaphore_mem>>)
      %dma_wait3A = arith.constant 0 : i32
      %dma_wait3A_76 = tpu.memref_slice %arg9[%run_scoped3A_33, %add3A_32, %dma_wait3A] : memref<4x160768x16xf32, #tpu.memory_space<hbm>> -> memref<1x5024x16xf32, #tpu.memory_space<hbm>>
      %dma_wait3A_77 = tpu.memref_squeeze %dma_wait3A_76 : memref<1x5024x16xf32, #tpu.memory_space<hbm>> -> memref<5024x16xf32, #tpu.memory_space<hbm>>
      %dma_wait3A_78 = arith.constant 0 : i32
      %dma_wait3A_79 = tpu.memref_slice %arg10[%mul3A_29, %dma_wait3A_78] : memref<80512x16xf32, #tpu.memory_space<vmem_shared>> -> memref<5024x16xf32, #tpu.memory_space<vmem_shared>>
      tpu.wait_dma2 semaphore(%run_scoped3A_71 : memref<!tpu.dma_semaphore, #tpu.memory_space<semaphore_mem>>) src(%dma_wait3A_79 : memref<5024x16xf32, #tpu.memory_space<vmem_shared>>) dst(%dma_wait3A_77 : memref<5024x16xf32, #tpu.memory_space<hbm>>)
      tpu.yield
    }) : () -> ()
    %barrier3A_34 = arith.constant 0 : index
    tpu.barrier barrier_id(%barrier3A_34)
    %mul3A_35 = arith.constant 5032 : i32
    %mul3A_36 = arith.muli %arg1, %mul3A_35 : i32
    "tpu.region"() ({
      %run_scoped3A_71 = tpu.sem_alloc : memref<!tpu.dma_semaphore, #tpu.memory_space<semaphore_mem>>
      %dma_start3A = arith.constant 0 : i32
      %dma_start3A_72 = tpu.memref_slice %arg10[%mul3A_36, %dma_start3A] : memref<80512x16xf32, #tpu.memory_space<vmem_shared>> -> memref<5032x16xf32, #tpu.memory_space<vmem_shared>>
      tpu.enqueue_dma source(%arg8 : memref<5032x16xf32, #tpu.memory_space<hbm>>) target(%dma_start3A_72 : memref<5032x16xf32, #tpu.memory_space<vmem_shared>>) target_semaphore(%run_scoped3A_71 : memref<!tpu.dma_semaphore, #tpu.memory_space<semaphore_mem>>)
      %dma_wait3A = arith.constant 0 : i32
      %dma_wait3A_73 = tpu.memref_slice %arg10[%mul3A_36, %dma_wait3A] : memref<80512x16xf32, #tpu.memory_space<vmem_shared>> -> memref<5032x16xf32, #tpu.memory_space<vmem_shared>>
      tpu.wait_dma2 semaphore(%run_scoped3A_71 : memref<!tpu.dma_semaphore, #tpu.memory_space<semaphore_mem>>) src(%arg8 : memref<5032x16xf32, #tpu.memory_space<hbm>>) dst(%dma_wait3A_73 : memref<5032x16xf32, #tpu.memory_space<vmem_shared>>)
      tpu.yield
    }) : () -> ()
    %barrier3A_37 = arith.constant 0 : index
    tpu.barrier barrier_id(%barrier3A_37)
    %scan3A_38 = arith.constant 0 : i32
    %scan3A_39 = arith.constant 0 : i32
    %scan3A_40 = arith.constant 10 : i32
    %scan3A_41 = arith.addi %scan3A_39, %scan3A_40 : i32
    %scan3A_42 = arith.constant 1 : i32
    %scan3A_43 = scf.for %scan3A_71 = %scan3A_39 to %scan3A_41 step %scan3A_42 iter_args(%scan3A_72 = %scan3A_38) -> (i32)  : i32 {
      %mul3A_73 = arith.constant 2000 : i32
      %mul3A_74 = arith.muli %scan3A_71, %mul3A_73 : i32
      %add3A_75 = arith.addi %mul3A_0, %mul3A_74 : i32
      "tpu.region"() ({
        %run_scoped3A_88 = tpu.sem_alloc : memref<!tpu.dma_semaphore, #tpu.memory_space<semaphore_mem>>
        %dma_start3A_89 = tpu.memref_slice %arg6[%add3A_75] : memref<320000xi32, #tpu.memory_space<hbm>> -> memref<2000xi32, #tpu.memory_space<hbm>>
        %dma_start3A_90 = tpu.memref_slice %arg6[%add3A_75] : memref<320000xi32, #tpu.memory_space<hbm>> -> memref<2000xi32, #tpu.memory_space<hbm>>
        tpu.enqueue_dma source(%dma_start3A_90 : memref<2000xi32, #tpu.memory_space<hbm>>) target(%arg11 : memref<2000xi32, #tpu.memory_space<vmem>>) target_semaphore(%run_scoped3A_88 : memref<!tpu.dma_semaphore, #tpu.memory_space<semaphore_mem>>)
        %dma_wait3A_91 = tpu.memref_slice %arg6[%add3A_75] : memref<320000xi32, #tpu.memory_space<hbm>> -> memref<2000xi32, #tpu.memory_space<hbm>>
        %dma_wait3A_92 = tpu.memref_slice %arg6[%add3A_75] : memref<320000xi32, #tpu.memory_space<hbm>> -> memref<2000xi32, #tpu.memory_space<hbm>>
        tpu.wait_dma2 semaphore(%run_scoped3A_88 : memref<!tpu.dma_semaphore, #tpu.memory_space<semaphore_mem>>) src(%dma_wait3A_92 : memref<2000xi32, #tpu.memory_space<hbm>>) dst(%arg11 : memref<2000xi32, #tpu.memory_space<vmem>>)
        tpu.yield
      }) : () -> ()
      "tpu.region"() ({
        %run_scoped3A_88 = tpu.sem_alloc : memref<!tpu.dma_semaphore, #tpu.memory_space<semaphore_mem>>
        %dma_start3A_89 = tpu.memref_slice %arg7[%add3A_75] : memref<320000xi32, #tpu.memory_space<hbm>> -> memref<2000xi32, #tpu.memory_space<hbm>>
        %dma_start3A_90 = tpu.memref_slice %arg7[%add3A_75] : memref<320000xi32, #tpu.memory_space<hbm>> -> memref<2000xi32, #tpu.memory_space<hbm>>
        tpu.enqueue_dma source(%dma_start3A_90 : memref<2000xi32, #tpu.memory_space<hbm>>) target(%arg12 : memref<2000xi32, #tpu.memory_space<vmem>>) target_semaphore(%run_scoped3A_88 : memref<!tpu.dma_semaphore, #tpu.memory_space<semaphore_mem>>)
        %dma_wait3A_91 = tpu.memref_slice %arg7[%add3A_75] : memref<320000xi32, #tpu.memory_space<hbm>> -> memref<2000xi32, #tpu.memory_space<hbm>>
        %dma_wait3A_92 = tpu.memref_slice %arg7[%add3A_75] : memref<320000xi32, #tpu.memory_space<hbm>> -> memref<2000xi32, #tpu.memory_space<hbm>>
        tpu.wait_dma2 semaphore(%run_scoped3A_88 : memref<!tpu.dma_semaphore, #tpu.memory_space<semaphore_mem>>) src(%dma_wait3A_92 : memref<2000xi32, #tpu.memory_space<hbm>>) dst(%arg12 : memref<2000xi32, #tpu.memory_space<vmem>>)
        tpu.yield
      }) : () -> ()
      %dma_start3A = arith.constant 0 : i32
      %dma_start3A_76 = arith.constant 0 : i32
      %dma_start3A_77 = tpu.memref_slice %arg4[%dma_start3A, %dma_start3A_76] : memref<10000x16xf32, #tpu.memory_space<hbm>> -> memref<10000x16xf32, #tpu.memory_space<hbm>>
      tpu.enqueue_indirect_dma source(%dma_start3A_77 : memref<10000x16xf32, #tpu.memory_space<hbm>>) target(%arg14 : memref<2000x16xf32, #tpu.memory_space<vmem>>) offsets(%arg11 : memref<2000xi32, #tpu.memory_space<vmem>>) semaphore(%arg15 : memref<!tpu.dma_semaphore, #tpu.memory_space<semaphore_mem>>)
      %scan3A_78 = arith.constant 0 : i32
      %scan3A_79 = arith.constant 0 : i32
      %scan3A_80 = arith.constant 125 : i32
      %scan3A_81 = arith.addi %scan3A_79, %scan3A_80 : i32
      %scan3A_82 = arith.constant 1 : i32
      %scan3A_83 = scf.for %scan3A_88 = %scan3A_79 to %scan3A_81 step %scan3A_82 iter_args(%scan3A_89 = %scan3A_78) -> (i32)  : i32 {
        %mul3A_90 = arith.constant 16 : i32
        %mul3A_91 = arith.muli %scan3A_88, %mul3A_90 : i32
        %get3A = arith.index_cast %mul3A_91 : i32 to index
        %get3A_92 = tpu.vector_load %arg12[%get3A] {strides = array<i32>} : memref<2000xi32, #tpu.memory_space<vmem>>, vector<16xi32>,
        %get3A_93 = vector.shape_cast %get3A_92 : vector<16xi32> to vector<16xi32>
        %sub3A = vector.broadcast %mul3A_2 : i32 to vector<16xi32>
        %sub3A_94 = arith.subi %get3A_93, %sub3A : vector<16xi32>
        %ge3A = arith.constant 0 : i32
        %ge3A_95 = vector.broadcast %ge3A : i32 to vector<16xi32>
        %ge3A_96 = arith.cmpi sge, %sub3A_94, %ge3A_95 : vector<16xi32>
        %lt3A = arith.constant 80384 : i32
        %lt3A_97 = vector.broadcast %lt3A : i32 to vector<16xi32>
        %lt3A_98 = arith.cmpi slt, %sub3A_94, %lt3A_97 : vector<16xi32>
        %and3A = arith.andi %ge3A_96, %lt3A_98 : vector<16xi1>
        %jit3A = arith.constant 80384 : i32
        %broadcast_in_dim3A = vector.broadcast %jit3A : i32 to vector<16xi32>
        %select_n3A = arith.select %and3A, %sub3A_94, %broadcast_in_dim3A : vector<16xi1>, vector<16xi32>
        %mul3A_99 = arith.constant 16 : i32
        %mul3A_100 = arith.muli %scan3A_88, %mul3A_99 : i32
        %swap3A = arith.index_cast %mul3A_100 : i32 to index
        %swap3A_101 = tpu.vector_load %arg13[%swap3A] {strides = array<i32>} : memref<2000xi32, #tpu.memory_space<vmem>>, vector<16xi32>,
        %swap3A_102 = vector.shape_cast %swap3A_101 : vector<16xi32> to vector<16xi32>
        %swap3A_103 = vector.shape_cast %select_n3A : vector<16xi32> to vector<16xi32>
        tpu.vector_store %arg13[%swap3A], %swap3A_103 {strides = array<i32>} : memref<2000xi32, #tpu.memory_space<vmem>>, vector<16xi32>,
        %scan3A_104 = arith.constant 0 : i32
        scf.yield %scan3A_104 : i32
      }
      %scan3A_84 = arith.constant 125 : i32
      %dma_wait3A = arith.constant 0 : i32
      %dma_wait3A_85 = arith.constant 0 : i32
      %dma_wait3A_86 = tpu.memref_slice %arg4[%dma_wait3A, %dma_wait3A_85] : memref<10000x16xf32, #tpu.memory_space<hbm>> -> memref<10000x16xf32, #tpu.memory_space<hbm>>
      tpu.wait_indirect_dma semaphore(%arg15 : memref<!tpu.dma_semaphore, #tpu.memory_space<semaphore_mem>>) src(%dma_wait3A_86 : memref<10000x16xf32, #tpu.memory_space<hbm>>) dst(%arg14 : memref<2000x16xf32, #tpu.memory_space<vmem>>)
      "tpu.region"() ({
        %run_scoped3A_88 = tpu.sem_alloc : memref<!tpu.dma_semaphore, #tpu.memory_space<semaphore_mem>>
        %dma_start3A_89 = arith.constant 0 : i32
        %dma_start3A_90 = arith.constant 0 : i32
        %dma_start3A_91 = tpu.memref_slice %arg10[%dma_start3A_89, %dma_start3A_90] : memref<80512x16xf32, #tpu.memory_space<vmem_shared>> -> memref<80512x16xf32, #tpu.memory_space<vmem_shared>>
        tpu.enqueue_indirect_dma source(%arg14 : memref<2000x16xf32, #tpu.memory_space<vmem>>) target(%dma_start3A_91 : memref<80512x16xf32, #tpu.memory_space<vmem_shared>>) offsets(%arg13 : memref<2000xi32, #tpu.memory_space<vmem>>) semaphore(%run_scoped3A_88 : memref<!tpu.dma_semaphore, #tpu.memory_space<semaphore_mem>>) {add = true}
        %dma_wait3A_92 = arith.constant 0 : i32
        %dma_wait3A_93 = arith.constant 0 : i32
        %dma_wait3A_94 = tpu.memref_slice %arg10[%dma_wait3A_92, %dma_wait3A_93] : memref<80512x16xf32, #tpu.memory_space<vmem_shared>> -> memref<80512x16xf32, #tpu.memory_space<vmem_shared>>
        tpu.wait_indirect_dma semaphore(%run_scoped3A_88 : memref<!tpu.dma_semaphore, #tpu.memory_space<semaphore_mem>>) src(%arg14 : memref<2000x16xf32, #tpu.memory_space<vmem>>) dst(%dma_wait3A_94 : memref<80512x16xf32, #tpu.memory_space<vmem_shared>>)
        tpu.yield
      }) : () -> ()
      %scan3A_87 = arith.constant 0 : i32
      scf.yield %scan3A_87 : i32
    }
    %scan3A_44 = arith.constant 10 : i32
    %barrier3A_45 = arith.constant 0 : index
    tpu.barrier barrier_id(%barrier3A_45)
    %mul3A_46 = arith.constant 5024 : i32
    %mul3A_47 = arith.muli %arg1, %mul3A_46 : i32
    %mul3A_48 = arith.constant 5024 : i32
    %mul3A_49 = arith.muli %arg1, %mul3A_48 : i32
    %add3A_50 = arith.addi %mul3A_2, %mul3A_49 : i32
    %run_scoped3A_51 = arith.constant 2 : i32
    "tpu.region"() ({
      %run_scoped3A_71 = tpu.sem_alloc : memref<!tpu.dma_semaphore, #tpu.memory_space<semaphore_mem>>
      %dma_start3A = arith.constant 0 : i32
      %dma_start3A_72 = tpu.memref_slice %arg9[%run_scoped3A_51, %add3A_50, %dma_start3A] : memref<4x160768x16xf32, #tpu.memory_space<hbm>> -> memref<1x5024x16xf32, #tpu.memory_space<hbm>>
      %dma_start3A_73 = tpu.memref_squeeze %dma_start3A_72 : memref<1x5024x16xf32, #tpu.memory_space<hbm>> -> memref<5024x16xf32, #tpu.memory_space<hbm>>
      %dma_start3A_74 = arith.constant 0 : i32
      %dma_start3A_75 = tpu.memref_slice %arg10[%mul3A_47, %dma_start3A_74] : memref<80512x16xf32, #tpu.memory_space<vmem_shared>> -> memref<5024x16xf32, #tpu.memory_space<vmem_shared>>
      tpu.enqueue_dma source(%dma_start3A_75 : memref<5024x16xf32, #tpu.memory_space<vmem_shared>>) target(%dma_start3A_73 : memref<5024x16xf32, #tpu.memory_space<hbm>>) target_semaphore(%run_scoped3A_71 : memref<!tpu.dma_semaphore, #tpu.memory_space<semaphore_mem>>)
      %dma_wait3A = arith.constant 0 : i32
      %dma_wait3A_76 = tpu.memref_slice %arg9[%run_scoped3A_51, %add3A_50, %dma_wait3A] : memref<4x160768x16xf32, #tpu.memory_space<hbm>> -> memref<1x5024x16xf32, #tpu.memory_space<hbm>>
      %dma_wait3A_77 = tpu.memref_squeeze %dma_wait3A_76 : memref<1x5024x16xf32, #tpu.memory_space<hbm>> -> memref<5024x16xf32, #tpu.memory_space<hbm>>
      %dma_wait3A_78 = arith.constant 0 : i32
      %dma_wait3A_79 = tpu.memref_slice %arg10[%mul3A_47, %dma_wait3A_78] : memref<80512x16xf32, #tpu.memory_space<vmem_shared>> -> memref<5024x16xf32, #tpu.memory_space<vmem_shared>>
      tpu.wait_dma2 semaphore(%run_scoped3A_71 : memref<!tpu.dma_semaphore, #tpu.memory_space<semaphore_mem>>) src(%dma_wait3A_79 : memref<5024x16xf32, #tpu.memory_space<vmem_shared>>) dst(%dma_wait3A_77 : memref<5024x16xf32, #tpu.memory_space<hbm>>)
      tpu.yield
    }) : () -> ()
    %barrier3A_52 = arith.constant 0 : index
    tpu.barrier barrier_id(%barrier3A_52)
    %mul3A_53 = arith.constant 5032 : i32
    %mul3A_54 = arith.muli %arg1, %mul3A_53 : i32
    "tpu.region"() ({
      %run_scoped3A_71 = tpu.sem_alloc : memref<!tpu.dma_semaphore, #tpu.memory_space<semaphore_mem>>
      %dma_start3A = arith.constant 0 : i32
      %dma_start3A_72 = tpu.memref_slice %arg10[%mul3A_54, %dma_start3A] : memref<80512x16xf32, #tpu.memory_space<vmem_shared>> -> memref<5032x16xf32, #tpu.memory_space<vmem_shared>>
      tpu.enqueue_dma source(%arg8 : memref<5032x16xf32, #tpu.memory_space<hbm>>) target(%dma_start3A_72 : memref<5032x16xf32, #tpu.memory_space<vmem_shared>>) target_semaphore(%run_scoped3A_71 : memref<!tpu.dma_semaphore, #tpu.memory_space<semaphore_mem>>)
      %dma_wait3A = arith.constant 0 : i32
      %dma_wait3A_73 = tpu.memref_slice %arg10[%mul3A_54, %dma_wait3A] : memref<80512x16xf32, #tpu.memory_space<vmem_shared>> -> memref<5032x16xf32, #tpu.memory_space<vmem_shared>>
      tpu.wait_dma2 semaphore(%run_scoped3A_71 : memref<!tpu.dma_semaphore, #tpu.memory_space<semaphore_mem>>) src(%arg8 : memref<5032x16xf32, #tpu.memory_space<hbm>>) dst(%dma_wait3A_73 : memref<5032x16xf32, #tpu.memory_space<vmem_shared>>)
      tpu.yield
    }) : () -> ()
    %barrier3A_55 = arith.constant 0 : index
    tpu.barrier barrier_id(%barrier3A_55)
    %scan3A_56 = arith.constant 0 : i32
    %scan3A_57 = arith.constant 0 : i32
    %scan3A_58 = arith.constant 10 : i32
    %scan3A_59 = arith.addi %scan3A_57, %scan3A_58 : i32
    %scan3A_60 = arith.constant 1 : i32
    %scan3A_61 = scf.for %scan3A_71 = %scan3A_57 to %scan3A_59 step %scan3A_60 iter_args(%scan3A_72 = %scan3A_56) -> (i32)  : i32 {
      %mul3A_73 = arith.constant 2000 : i32
      %mul3A_74 = arith.muli %scan3A_71, %mul3A_73 : i32
      %add3A_75 = arith.addi %mul3A_0, %mul3A_74 : i32
      "tpu.region"() ({
        %run_scoped3A_88 = tpu.sem_alloc : memref<!tpu.dma_semaphore, #tpu.memory_space<semaphore_mem>>
        %dma_start3A_89 = tpu.memref_slice %arg6[%add3A_75] : memref<320000xi32, #tpu.memory_space<hbm>> -> memref<2000xi32, #tpu.memory_space<hbm>>
        %dma_start3A_90 = tpu.memref_slice %arg6[%add3A_75] : memref<320000xi32, #tpu.memory_space<hbm>> -> memref<2000xi32, #tpu.memory_space<hbm>>
        tpu.enqueue_dma source(%dma_start3A_90 : memref<2000xi32, #tpu.memory_space<hbm>>) target(%arg11 : memref<2000xi32, #tpu.memory_space<vmem>>) target_semaphore(%run_scoped3A_88 : memref<!tpu.dma_semaphore, #tpu.memory_space<semaphore_mem>>)
        %dma_wait3A_91 = tpu.memref_slice %arg6[%add3A_75] : memref<320000xi32, #tpu.memory_space<hbm>> -> memref<2000xi32, #tpu.memory_space<hbm>>
        %dma_wait3A_92 = tpu.memref_slice %arg6[%add3A_75] : memref<320000xi32, #tpu.memory_space<hbm>> -> memref<2000xi32, #tpu.memory_space<hbm>>
        tpu.wait_dma2 semaphore(%run_scoped3A_88 : memref<!tpu.dma_semaphore, #tpu.memory_space<semaphore_mem>>) src(%dma_wait3A_92 : memref<2000xi32, #tpu.memory_space<hbm>>) dst(%arg11 : memref<2000xi32, #tpu.memory_space<vmem>>)
        tpu.yield
      }) : () -> ()
      "tpu.region"() ({
        %run_scoped3A_88 = tpu.sem_alloc : memref<!tpu.dma_semaphore, #tpu.memory_space<semaphore_mem>>
        %dma_start3A_89 = tpu.memref_slice %arg7[%add3A_75] : memref<320000xi32, #tpu.memory_space<hbm>> -> memref<2000xi32, #tpu.memory_space<hbm>>
        %dma_start3A_90 = tpu.memref_slice %arg7[%add3A_75] : memref<320000xi32, #tpu.memory_space<hbm>> -> memref<2000xi32, #tpu.memory_space<hbm>>
        tpu.enqueue_dma source(%dma_start3A_90 : memref<2000xi32, #tpu.memory_space<hbm>>) target(%arg12 : memref<2000xi32, #tpu.memory_space<vmem>>) target_semaphore(%run_scoped3A_88 : memref<!tpu.dma_semaphore, #tpu.memory_space<semaphore_mem>>)
        %dma_wait3A_91 = tpu.memref_slice %arg7[%add3A_75] : memref<320000xi32, #tpu.memory_space<hbm>> -> memref<2000xi32, #tpu.memory_space<hbm>>
        %dma_wait3A_92 = tpu.memref_slice %arg7[%add3A_75] : memref<320000xi32, #tpu.memory_space<hbm>> -> memref<2000xi32, #tpu.memory_space<hbm>>
        tpu.wait_dma2 semaphore(%run_scoped3A_88 : memref<!tpu.dma_semaphore, #tpu.memory_space<semaphore_mem>>) src(%dma_wait3A_92 : memref<2000xi32, #tpu.memory_space<hbm>>) dst(%arg12 : memref<2000xi32, #tpu.memory_space<vmem>>)
        tpu.yield
      }) : () -> ()
      %dma_start3A = arith.constant 0 : i32
      %dma_start3A_76 = arith.constant 0 : i32
      %dma_start3A_77 = tpu.memref_slice %arg5[%dma_start3A, %dma_start3A_76] : memref<10000x16xf32, #tpu.memory_space<hbm>> -> memref<10000x16xf32, #tpu.memory_space<hbm>>
      tpu.enqueue_indirect_dma source(%dma_start3A_77 : memref<10000x16xf32, #tpu.memory_space<hbm>>) target(%arg14 : memref<2000x16xf32, #tpu.memory_space<vmem>>) offsets(%arg11 : memref<2000xi32, #tpu.memory_space<vmem>>) semaphore(%arg15 : memref<!tpu.dma_semaphore, #tpu.memory_space<semaphore_mem>>)
      %scan3A_78 = arith.constant 0 : i32
      %scan3A_79 = arith.constant 0 : i32
      %scan3A_80 = arith.constant 125 : i32
      %scan3A_81 = arith.addi %scan3A_79, %scan3A_80 : i32
      %scan3A_82 = arith.constant 1 : i32
      %scan3A_83 = scf.for %scan3A_88 = %scan3A_79 to %scan3A_81 step %scan3A_82 iter_args(%scan3A_89 = %scan3A_78) -> (i32)  : i32 {
        %mul3A_90 = arith.constant 16 : i32
        %mul3A_91 = arith.muli %scan3A_88, %mul3A_90 : i32
        %get3A = arith.index_cast %mul3A_91 : i32 to index
        %get3A_92 = tpu.vector_load %arg12[%get3A] {strides = array<i32>} : memref<2000xi32, #tpu.memory_space<vmem>>, vector<16xi32>,
        %get3A_93 = vector.shape_cast %get3A_92 : vector<16xi32> to vector<16xi32>
        %sub3A = vector.broadcast %mul3A_2 : i32 to vector<16xi32>
        %sub3A_94 = arith.subi %get3A_93, %sub3A : vector<16xi32>
        %ge3A = arith.constant 0 : i32
        %ge3A_95 = vector.broadcast %ge3A : i32 to vector<16xi32>
        %ge3A_96 = arith.cmpi sge, %sub3A_94, %ge3A_95 : vector<16xi32>
        %lt3A = arith.constant 80384 : i32
        %lt3A_97 = vector.broadcast %lt3A : i32 to vector<16xi32>
        %lt3A_98 = arith.cmpi slt, %sub3A_94, %lt3A_97 : vector<16xi32>
        %and3A = arith.andi %ge3A_96, %lt3A_98 : vector<16xi1>
        %jit3A = arith.constant 80384 : i32
        %broadcast_in_dim3A = vector.broadcast %jit3A : i32 to vector<16xi32>
        %select_n3A = arith.select %and3A, %sub3A_94, %broadcast_in_dim3A : vector<16xi1>, vector<16xi32>
        %mul3A_99 = arith.constant 16 : i32
        %mul3A_100 = arith.muli %scan3A_88, %mul3A_99 : i32
        %swap3A = arith.index_cast %mul3A_100 : i32 to index
        %swap3A_101 = tpu.vector_load %arg13[%swap3A] {strides = array<i32>} : memref<2000xi32, #tpu.memory_space<vmem>>, vector<16xi32>,
        %swap3A_102 = vector.shape_cast %swap3A_101 : vector<16xi32> to vector<16xi32>
        %swap3A_103 = vector.shape_cast %select_n3A : vector<16xi32> to vector<16xi32>
        tpu.vector_store %arg13[%swap3A], %swap3A_103 {strides = array<i32>} : memref<2000xi32, #tpu.memory_space<vmem>>, vector<16xi32>,
        %scan3A_104 = arith.constant 0 : i32
        scf.yield %scan3A_104 : i32
      }
      %scan3A_84 = arith.constant 125 : i32
      %dma_wait3A = arith.constant 0 : i32
      %dma_wait3A_85 = arith.constant 0 : i32
      %dma_wait3A_86 = tpu.memref_slice %arg5[%dma_wait3A, %dma_wait3A_85] : memref<10000x16xf32, #tpu.memory_space<hbm>> -> memref<10000x16xf32, #tpu.memory_space<hbm>>
      tpu.wait_indirect_dma semaphore(%arg15 : memref<!tpu.dma_semaphore, #tpu.memory_space<semaphore_mem>>) src(%dma_wait3A_86 : memref<10000x16xf32, #tpu.memory_space<hbm>>) dst(%arg14 : memref<2000x16xf32, #tpu.memory_space<vmem>>)
      "tpu.region"() ({
        %run_scoped3A_88 = tpu.sem_alloc : memref<!tpu.dma_semaphore, #tpu.memory_space<semaphore_mem>>
        %dma_start3A_89 = arith.constant 0 : i32
        %dma_start3A_90 = arith.constant 0 : i32
        %dma_start3A_91 = tpu.memref_slice %arg10[%dma_start3A_89, %dma_start3A_90] : memref<80512x16xf32, #tpu.memory_space<vmem_shared>> -> memref<80512x16xf32, #tpu.memory_space<vmem_shared>>
        tpu.enqueue_indirect_dma source(%arg14 : memref<2000x16xf32, #tpu.memory_space<vmem>>) target(%dma_start3A_91 : memref<80512x16xf32, #tpu.memory_space<vmem_shared>>) offsets(%arg13 : memref<2000xi32, #tpu.memory_space<vmem>>) semaphore(%run_scoped3A_88 : memref<!tpu.dma_semaphore, #tpu.memory_space<semaphore_mem>>) {add = true}
        %dma_wait3A_92 = arith.constant 0 : i32
        %dma_wait3A_93 = arith.constant 0 : i32
        %dma_wait3A_94 = tpu.memref_slice %arg10[%dma_wait3A_92, %dma_wait3A_93] : memref<80512x16xf32, #tpu.memory_space<vmem_shared>> -> memref<80512x16xf32, #tpu.memory_space<vmem_shared>>
        tpu.wait_indirect_dma semaphore(%run_scoped3A_88 : memref<!tpu.dma_semaphore, #tpu.memory_space<semaphore_mem>>) src(%arg14 : memref<2000x16xf32, #tpu.memory_space<vmem>>) dst(%dma_wait3A_94 : memref<80512x16xf32, #tpu.memory_space<vmem_shared>>)
        tpu.yield
      }) : () -> ()
      %scan3A_87 = arith.constant 0 : i32
      scf.yield %scan3A_87 : i32
    }
    %scan3A_62 = arith.constant 10 : i32
    %barrier3A_63 = arith.constant 0 : index
    tpu.barrier barrier_id(%barrier3A_63)
    %mul3A_64 = arith.constant 5024 : i32
    %mul3A_65 = arith.muli %arg1, %mul3A_64 : i32
    %mul3A_66 = arith.constant 5024 : i32
    %mul3A_67 = arith.muli %arg1, %mul3A_66 : i32
    %add3A_68 = arith.addi %mul3A_2, %mul3A_67 : i32
    %run_scoped3A_69 = arith.constant 3 : i32
    "tpu.region"() ({
      %run_scoped3A_71 = tpu.sem_alloc : memref<!tpu.dma_semaphore, #tpu.memory_space<semaphore_mem>>
      %dma_start3A = arith.constant 0 : i32
      %dma_start3A_72 = tpu.memref_slice %arg9[%run_scoped3A_69, %add3A_68, %dma_start3A] : memref<4x160768x16xf32, #tpu.memory_space<hbm>> -> memref<1x5024x16xf32, #tpu.memory_space<hbm>>
      %dma_start3A_73 = tpu.memref_squeeze %dma_start3A_72 : memref<1x5024x16xf32, #tpu.memory_space<hbm>> -> memref<5024x16xf32, #tpu.memory_space<hbm>>
      %dma_start3A_74 = arith.constant 0 : i32
      %dma_start3A_75 = tpu.memref_slice %arg10[%mul3A_65, %dma_start3A_74] : memref<80512x16xf32, #tpu.memory_space<vmem_shared>> -> memref<5024x16xf32, #tpu.memory_space<vmem_shared>>
      tpu.enqueue_dma source(%dma_start3A_75 : memref<5024x16xf32, #tpu.memory_space<vmem_shared>>) target(%dma_start3A_73 : memref<5024x16xf32, #tpu.memory_space<hbm>>) target_semaphore(%run_scoped3A_71 : memref<!tpu.dma_semaphore, #tpu.memory_space<semaphore_mem>>)
      %dma_wait3A = arith.constant 0 : i32
      %dma_wait3A_76 = tpu.memref_slice %arg9[%run_scoped3A_69, %add3A_68, %dma_wait3A] : memref<4x160768x16xf32, #tpu.memory_space<hbm>> -> memref<1x5024x16xf32, #tpu.memory_space<hbm>>
      %dma_wait3A_77 = tpu.memref_squeeze %dma_wait3A_76 : memref<1x5024x16xf32, #tpu.memory_space<hbm>> -> memref<5024x16xf32, #tpu.memory_space<hbm>>
      %dma_wait3A_78 = arith.constant 0 : i32
      %dma_wait3A_79 = tpu.memref_slice %arg10[%mul3A_65, %dma_wait3A_78] : memref<80512x16xf32, #tpu.memory_space<vmem_shared>> -> memref<5024x16xf32, #tpu.memory_space<vmem_shared>>
      tpu.wait_dma2 semaphore(%run_scoped3A_71 : memref<!tpu.dma_semaphore, #tpu.memory_space<semaphore_mem>>) src(%dma_wait3A_79 : memref<5024x16xf32, #tpu.memory_space<vmem_shared>>) dst(%dma_wait3A_77 : memref<5024x16xf32, #tpu.memory_space<hbm>>)
      tpu.yield
    }) : () -> ()
    %barrier3A_70 = arith.constant 0 : index
    tpu.barrier barrier_id(%barrier3A_70)
    return
  }
}

#map = affine_map<(d0, d1) -> (0, 0)>
#map1 = affine_map<(d0, d1) -> (0)>
#map2 = affine_map<(d0, d1) -> (0, 0, 0)>
module attributes {stable_mosaic.version = 14 : i64} {
  func.func @k(%arg0: i32, %arg1: i32, %arg2: memref<160000x64xf32, #tpu.memory_space<hbm>>, %arg3: memref<320000xi32, #tpu.memory_space<hbm>>, %arg4: memref<320000xi32, #tpu.memory_space<hbm>>, %arg5: memref<648x64xf32, #tpu.memory_space<hbm>>, %arg6: memref<2x10240x64xf32, #tpu.memory_space<hbm>>, %arg7: memref<10368x64xf32, #tpu.memory_space<vmem_shared>>, %arg8: memref<1000xi32, #tpu.memory_space<vmem>>, %arg9: memref<1000xi32, #tpu.memory_space<vmem>>, %arg10: memref<1000xi32, #tpu.memory_space<vmem>>, %arg11: memref<1000x64xf32, #tpu.memory_space<vmem>>, %arg12: memref<!tpu.dma_semaphore, #tpu.memory_space<semaphore_mem>>) attributes {dimension_semantics = [#tpu.dimension_semantics<core_parallel>, #tpu.dimension_semantics<subcore_parallel>], iteration_bounds = array<i64: 2, 16>, scalar_prefetch = 0 : i64, scratch_operands = 6 : i64, tpu.core_type = #tpu.core_type<sc_vector_subcore>, window_params = [{transform_indices = #map}, {transform_indices = #map1}, {transform_indices = #map1}, {transform_indices = #map}, {transform_indices = #map2}]} {
    %mul3A = arith.constant 2 : i32
    %mul3A_0 = arith.muli %arg1, %mul3A : i32
    %add3A = arith.addi %mul3A_0, %arg0 : i32
    %mul3A_1 = arith.constant 10000 : i32
    %mul3A_2 = arith.muli %add3A, %mul3A_1 : i32
    %mul3A_3 = arith.constant 648 : i32
    %mul3A_4 = arith.muli %arg1, %mul3A_3 : i32
    "tpu.region"() ({
      %run_scoped3A = tpu.sem_alloc : memref<!tpu.dma_semaphore, #tpu.memory_space<semaphore_mem>>
      %dma_start3A = arith.constant 0 : i32
      %dma_start3A_19 = tpu.memref_slice %arg7[%mul3A_4, %dma_start3A] : memref<10368x64xf32, #tpu.memory_space<vmem_shared>> -> memref<648x64xf32, #tpu.memory_space<vmem_shared>>
      tpu.enqueue_dma source(%arg5 : memref<648x64xf32, #tpu.memory_space<hbm>>) target(%dma_start3A_19 : memref<648x64xf32, #tpu.memory_space<vmem_shared>>) target_semaphore(%run_scoped3A : memref<!tpu.dma_semaphore, #tpu.memory_space<semaphore_mem>>)
      %dma_wait3A = arith.constant 0 : i32
      %dma_wait3A_20 = tpu.memref_slice %arg7[%mul3A_4, %dma_wait3A] : memref<10368x64xf32, #tpu.memory_space<vmem_shared>> -> memref<648x64xf32, #tpu.memory_space<vmem_shared>>
      tpu.wait_dma2 semaphore(%run_scoped3A : memref<!tpu.dma_semaphore, #tpu.memory_space<semaphore_mem>>) src(%arg5 : memref<648x64xf32, #tpu.memory_space<hbm>>) dst(%dma_wait3A_20 : memref<648x64xf32, #tpu.memory_space<vmem_shared>>)
      tpu.yield
    }) : () -> ()
    %barrier3A = arith.constant 0 : index
    tpu.barrier barrier_id(%barrier3A)
    %scan3A = arith.constant 0 : i32
    %scan3A_5 = arith.constant 0 : i32
    %scan3A_6 = arith.constant 10 : i32
    %scan3A_7 = arith.addi %scan3A_5, %scan3A_6 : i32
    %scan3A_8 = arith.constant 1 : i32
    %scan3A_9 = scf.for %scan3A_19 = %scan3A_5 to %scan3A_7 step %scan3A_8 iter_args(%scan3A_20 = %scan3A) -> (i32)  : i32 {
      %mul3A_21 = arith.constant 1000 : i32
      %mul3A_22 = arith.muli %scan3A_19, %mul3A_21 : i32
      %add3A_23 = arith.addi %mul3A_2, %mul3A_22 : i32
      "tpu.region"() ({
        %run_scoped3A = tpu.sem_alloc : memref<!tpu.dma_semaphore, #tpu.memory_space<semaphore_mem>>
        %dma_start3A_36 = tpu.memref_slice %arg3[%add3A_23] : memref<320000xi32, #tpu.memory_space<hbm>> -> memref<1000xi32, #tpu.memory_space<hbm>>
        %dma_start3A_37 = tpu.memref_slice %arg3[%add3A_23] : memref<320000xi32, #tpu.memory_space<hbm>> -> memref<1000xi32, #tpu.memory_space<hbm>>
        tpu.enqueue_dma source(%dma_start3A_37 : memref<1000xi32, #tpu.memory_space<hbm>>) target(%arg8 : memref<1000xi32, #tpu.memory_space<vmem>>) target_semaphore(%run_scoped3A : memref<!tpu.dma_semaphore, #tpu.memory_space<semaphore_mem>>)
        %dma_wait3A_38 = tpu.memref_slice %arg3[%add3A_23] : memref<320000xi32, #tpu.memory_space<hbm>> -> memref<1000xi32, #tpu.memory_space<hbm>>
        %dma_wait3A_39 = tpu.memref_slice %arg3[%add3A_23] : memref<320000xi32, #tpu.memory_space<hbm>> -> memref<1000xi32, #tpu.memory_space<hbm>>
        tpu.wait_dma2 semaphore(%run_scoped3A : memref<!tpu.dma_semaphore, #tpu.memory_space<semaphore_mem>>) src(%dma_wait3A_39 : memref<1000xi32, #tpu.memory_space<hbm>>) dst(%arg8 : memref<1000xi32, #tpu.memory_space<vmem>>)
        tpu.yield
      }) : () -> ()
      "tpu.region"() ({
        %run_scoped3A = tpu.sem_alloc : memref<!tpu.dma_semaphore, #tpu.memory_space<semaphore_mem>>
        %dma_start3A_36 = tpu.memref_slice %arg4[%add3A_23] : memref<320000xi32, #tpu.memory_space<hbm>> -> memref<1000xi32, #tpu.memory_space<hbm>>
        %dma_start3A_37 = tpu.memref_slice %arg4[%add3A_23] : memref<320000xi32, #tpu.memory_space<hbm>> -> memref<1000xi32, #tpu.memory_space<hbm>>
        tpu.enqueue_dma source(%dma_start3A_37 : memref<1000xi32, #tpu.memory_space<hbm>>) target(%arg9 : memref<1000xi32, #tpu.memory_space<vmem>>) target_semaphore(%run_scoped3A : memref<!tpu.dma_semaphore, #tpu.memory_space<semaphore_mem>>)
        %dma_wait3A_38 = tpu.memref_slice %arg4[%add3A_23] : memref<320000xi32, #tpu.memory_space<hbm>> -> memref<1000xi32, #tpu.memory_space<hbm>>
        %dma_wait3A_39 = tpu.memref_slice %arg4[%add3A_23] : memref<320000xi32, #tpu.memory_space<hbm>> -> memref<1000xi32, #tpu.memory_space<hbm>>
        tpu.wait_dma2 semaphore(%run_scoped3A : memref<!tpu.dma_semaphore, #tpu.memory_space<semaphore_mem>>) src(%dma_wait3A_39 : memref<1000xi32, #tpu.memory_space<hbm>>) dst(%arg9 : memref<1000xi32, #tpu.memory_space<vmem>>)
        tpu.yield
      }) : () -> ()
      %dma_start3A = arith.constant 0 : i32
      %dma_start3A_24 = arith.constant 0 : i32
      %dma_start3A_25 = tpu.memref_slice %arg2[%dma_start3A, %dma_start3A_24] : memref<160000x64xf32, #tpu.memory_space<hbm>> -> memref<160000x64xf32, #tpu.memory_space<hbm>>
      tpu.enqueue_indirect_dma source(%dma_start3A_25 : memref<160000x64xf32, #tpu.memory_space<hbm>>) target(%arg11 : memref<1000x64xf32, #tpu.memory_space<vmem>>) offsets(%arg8 : memref<1000xi32, #tpu.memory_space<vmem>>) semaphore(%arg12 : memref<!tpu.dma_semaphore, #tpu.memory_space<semaphore_mem>>)
      %scan3A_26 = arith.constant 0 : i32
      %scan3A_27 = arith.constant 0 : i32
      %scan3A_28 = arith.constant 63 : i32
      %scan3A_29 = arith.addi %scan3A_27, %scan3A_28 : i32
      %scan3A_30 = arith.constant 1 : i32
      %scan3A_31 = scf.for %scan3A_36 = %scan3A_27 to %scan3A_29 step %scan3A_30 iter_args(%scan3A_37 = %scan3A_26) -> (i32)  : i32 {
        %mul3A_38 = arith.constant 16 : i32
        %mul3A_39 = arith.muli %scan3A_36, %mul3A_38 : i32
        %min3A = arith.constant 984 : i32
        %min3A_40 = arith.minsi %mul3A_39, %min3A : i32
        %get3A = arith.index_cast %min3A_40 : i32 to index
        %get3A_41 = tpu.vector_load %arg9[%get3A] {strides = array<i32>} : memref<1000xi32, #tpu.memory_space<vmem>>, vector<16xi32>,
        %get3A_42 = vector.shape_cast %get3A_41 : vector<16xi32> to vector<16xi32>
        %sub3A = arith.constant 0 : i32
        %sub3A_43 = vector.broadcast %sub3A : i32 to vector<16xi32>
        %sub3A_44 = arith.subi %get3A_42, %sub3A_43 : vector<16xi32>
        %ge3A = arith.constant 0 : i32
        %ge3A_45 = vector.broadcast %ge3A : i32 to vector<16xi32>
        %ge3A_46 = arith.cmpi sge, %sub3A_44, %ge3A_45 : vector<16xi32>
        %lt3A = arith.constant 10240 : i32
        %lt3A_47 = vector.broadcast %lt3A : i32 to vector<16xi32>
        %lt3A_48 = arith.cmpi slt, %sub3A_44, %lt3A_47 : vector<16xi32>
        %and3A = arith.andi %ge3A_46, %lt3A_48 : vector<16xi1>
        %jit3A = arith.constant 10240 : i32
        %broadcast_in_dim3A = vector.broadcast %jit3A : i32 to vector<16xi32>
        %select_n3A = arith.select %and3A, %sub3A_44, %broadcast_in_dim3A : vector<16xi1>, vector<16xi32>
        %swap3A = arith.index_cast %min3A_40 : i32 to index
        %swap3A_49 = tpu.vector_load %arg10[%swap3A] {strides = array<i32>} : memref<1000xi32, #tpu.memory_space<vmem>>, vector<16xi32>,
        %swap3A_50 = vector.shape_cast %swap3A_49 : vector<16xi32> to vector<16xi32>
        %swap3A_51 = vector.shape_cast %select_n3A : vector<16xi32> to vector<16xi32>
        tpu.vector_store %arg10[%swap3A], %swap3A_51 {strides = array<i32>} : memref<1000xi32, #tpu.memory_space<vmem>>, vector<16xi32>,
        %scan3A_52 = arith.constant 0 : i32
        scf.yield %scan3A_52 : i32
      }
      %scan3A_32 = arith.constant 63 : i32
      %dma_wait3A = arith.constant 0 : i32
      %dma_wait3A_33 = arith.constant 0 : i32
      %dma_wait3A_34 = tpu.memref_slice %arg2[%dma_wait3A, %dma_wait3A_33] : memref<160000x64xf32, #tpu.memory_space<hbm>> -> memref<160000x64xf32, #tpu.memory_space<hbm>>
      tpu.wait_indirect_dma semaphore(%arg12 : memref<!tpu.dma_semaphore, #tpu.memory_space<semaphore_mem>>) src(%dma_wait3A_34 : memref<160000x64xf32, #tpu.memory_space<hbm>>) dst(%arg11 : memref<1000x64xf32, #tpu.memory_space<vmem>>)
      "tpu.region"() ({
        %run_scoped3A = tpu.sem_alloc : memref<!tpu.dma_semaphore, #tpu.memory_space<semaphore_mem>>
        %dma_start3A_36 = arith.constant 0 : i32
        %dma_start3A_37 = arith.constant 0 : i32
        %dma_start3A_38 = tpu.memref_slice %arg7[%dma_start3A_36, %dma_start3A_37] : memref<10368x64xf32, #tpu.memory_space<vmem_shared>> -> memref<10368x64xf32, #tpu.memory_space<vmem_shared>>
        tpu.enqueue_indirect_dma source(%arg11 : memref<1000x64xf32, #tpu.memory_space<vmem>>) target(%dma_start3A_38 : memref<10368x64xf32, #tpu.memory_space<vmem_shared>>) offsets(%arg10 : memref<1000xi32, #tpu.memory_space<vmem>>) semaphore(%run_scoped3A : memref<!tpu.dma_semaphore, #tpu.memory_space<semaphore_mem>>) {add = true}
        %dma_wait3A_39 = arith.constant 0 : i32
        %dma_wait3A_40 = arith.constant 0 : i32
        %dma_wait3A_41 = tpu.memref_slice %arg7[%dma_wait3A_39, %dma_wait3A_40] : memref<10368x64xf32, #tpu.memory_space<vmem_shared>> -> memref<10368x64xf32, #tpu.memory_space<vmem_shared>>
        tpu.wait_indirect_dma semaphore(%run_scoped3A : memref<!tpu.dma_semaphore, #tpu.memory_space<semaphore_mem>>) src(%arg11 : memref<1000x64xf32, #tpu.memory_space<vmem>>) dst(%dma_wait3A_41 : memref<10368x64xf32, #tpu.memory_space<vmem_shared>>)
        tpu.yield
      }) : () -> ()
      %scan3A_35 = arith.constant 0 : i32
      scf.yield %scan3A_35 : i32
    }
    %scan3A_10 = arith.constant 10 : i32
    %barrier3A_11 = arith.constant 0 : index
    tpu.barrier barrier_id(%barrier3A_11)
    %mul3A_12 = arith.constant 640 : i32
    %mul3A_13 = arith.muli %arg1, %mul3A_12 : i32
    %mul3A_14 = arith.constant 640 : i32
    %mul3A_15 = arith.muli %arg1, %mul3A_14 : i32
    %add3A_16 = arith.constant 0 : i32
    %add3A_17 = arith.addi %add3A_16, %mul3A_15 : i32
    "tpu.region"() ({
      %run_scoped3A = tpu.sem_alloc : memref<!tpu.dma_semaphore, #tpu.memory_space<semaphore_mem>>
      %dma_start3A = arith.constant 0 : i32
      %dma_start3A_19 = tpu.memref_slice %arg6[%arg0, %add3A_17, %dma_start3A] : memref<2x10240x64xf32, #tpu.memory_space<hbm>> -> memref<1x640x64xf32, #tpu.memory_space<hbm>>
      %dma_start3A_20 = tpu.memref_squeeze %dma_start3A_19 : memref<1x640x64xf32, #tpu.memory_space<hbm>> -> memref<640x64xf32, #tpu.memory_space<hbm>>
      %dma_start3A_21 = arith.constant 0 : i32
      %dma_start3A_22 = tpu.memref_slice %arg7[%mul3A_13, %dma_start3A_21] : memref<10368x64xf32, #tpu.memory_space<vmem_shared>> -> memref<640x64xf32, #tpu.memory_space<vmem_shared>>
      tpu.enqueue_dma source(%dma_start3A_22 : memref<640x64xf32, #tpu.memory_space<vmem_shared>>) target(%dma_start3A_20 : memref<640x64xf32, #tpu.memory_space<hbm>>) target_semaphore(%run_scoped3A : memref<!tpu.dma_semaphore, #tpu.memory_space<semaphore_mem>>)
      %dma_wait3A = arith.constant 0 : i32
      %dma_wait3A_23 = tpu.memref_slice %arg6[%arg0, %add3A_17, %dma_wait3A] : memref<2x10240x64xf32, #tpu.memory_space<hbm>> -> memref<1x640x64xf32, #tpu.memory_space<hbm>>
      %dma_wait3A_24 = tpu.memref_squeeze %dma_wait3A_23 : memref<1x640x64xf32, #tpu.memory_space<hbm>> -> memref<640x64xf32, #tpu.memory_space<hbm>>
      %dma_wait3A_25 = arith.constant 0 : i32
      %dma_wait3A_26 = tpu.memref_slice %arg7[%mul3A_13, %dma_wait3A_25] : memref<10368x64xf32, #tpu.memory_space<vmem_shared>> -> memref<640x64xf32, #tpu.memory_space<vmem_shared>>
      tpu.wait_dma2 semaphore(%run_scoped3A : memref<!tpu.dma_semaphore, #tpu.memory_space<semaphore_mem>>) src(%dma_wait3A_26 : memref<640x64xf32, #tpu.memory_space<vmem_shared>>) dst(%dma_wait3A_24 : memref<640x64xf32, #tpu.memory_space<hbm>>)
      tpu.yield
    }) : () -> ()
    %barrier3A_18 = arith.constant 0 : index
    tpu.barrier barrier_id(%barrier3A_18)
    return
  }
}

#map = affine_map<(d0, d1) -> (0, 0)>
#map1 = affine_map<(d0, d1) -> (0)>
#map2 = affine_map<(d0, d1) -> (0, 0, 0)>
module attributes {stable_mosaic.version = 14 : i64} {
  func.func @k(%arg0: i32, %arg1: i32, %arg2: memref<10000x16xf32, #tpu.memory_space<hbm>>, %arg3: memref<10000x16xf32, #tpu.memory_space<hbm>>, %arg4: memref<10000x16xf32, #tpu.memory_space<hbm>>, %arg5: memref<10000x16xf32, #tpu.memory_space<hbm>>, %arg6: memref<320000xi32, #tpu.memory_space<hbm>>, %arg7: memref<320000xi32, #tpu.memory_space<hbm>>, %arg8: memref<5032x16xf32, #tpu.memory_space<hbm>>, %arg9: memref<4x160768x16xf32, #tpu.memory_space<hbm>>, %arg10: memref<80512x16xf32, #tpu.memory_space<vmem_shared>>, %arg11: memref<2000xi32, #tpu.memory_space<vmem>>, %arg12: memref<2000xi32, #tpu.memory_space<vmem>>, %arg13: memref<2000xi32, #tpu.memory_space<vmem>>, %arg14: memref<2000x16xf32, #tpu.memory_space<vmem>>, %arg15: memref<!tpu.dma_semaphore, #tpu.memory_space<semaphore_mem>>) attributes {dimension_semantics = [#tpu.dimension_semantics<core_parallel>, #tpu.dimension_semantics<subcore_parallel>], iteration_bounds = array<i64: 2, 16>, scalar_prefetch = 0 : i64, scratch_operands = 6 : i64, tpu.core_type = #tpu.core_type<sc_vector_subcore>, window_params = [{transform_indices = #map}, {transform_indices = #map}, {transform_indices = #map}, {transform_indices = #map}, {transform_indices = #map1}, {transform_indices = #map1}, {transform_indices = #map}, {transform_indices = #map2}]} {
    %mul3A = arith.constant 20000 : i32
    %mul3A_0 = arith.muli %arg1, %mul3A : i32
    %mul3A_1 = arith.constant 80384 : i32
    %mul3A_2 = arith.muli %arg0, %mul3A_1 : i32
    %mul3A_3 = arith.constant 5032 : i32
    %mul3A_4 = arith.muli %arg1, %mul3A_3 : i32
    "tpu.region"() ({
      %run_scoped3A_71 = tpu.sem_alloc : memref<!tpu.dma_semaphore, #tpu.memory_space<semaphore_mem>>
      %dma_start3A = arith.constant 0 : i32
      %dma_start3A_72 = tpu.memref_slice %arg10[%mul3A_4, %dma_start3A] : memref<80512x16xf32, #tpu.memory_space<vmem_shared>> -> memref<5032x16xf32, #tpu.memory_space<vmem_shared>>
      tpu.enqueue_dma source(%arg8 : memref<5032x16xf32, #tpu.memory_space<hbm>>) target(%dma_start3A_72 : memref<5032x16xf32, #tpu.memory_space<vmem_shared>>) target_semaphore(%run_scoped3A_71 : memref<!tpu.dma_semaphore, #tpu.memory_space<semaphore_mem>>)
      %dma_wait3A = arith.constant 0 : i32
      %dma_wait3A_73 = tpu.memref_slice %arg10[%mul3A_4, %dma_wait3A] : memref<80512x16xf32, #tpu.memory_space<vmem_shared>> -> memref<5032x16xf32, #tpu.memory_space<vmem_shared>>
      tpu.wait_dma2 semaphore(%run_scoped3A_71 : memref<!tpu.dma_semaphore, #tpu.memory_space<semaphore_mem>>) src(%arg8 : memref<5032x16xf32, #tpu.memory_space<hbm>>) dst(%dma_wait3A_73 : memref<5032x16xf32, #tpu.memory_space<vmem_shared>>)
      tpu.yield
    }) : () -> ()
    %barrier3A = arith.constant 0 : index
    tpu.barrier barrier_id(%barrier3A)
    %scan3A = arith.constant 0 : i32
    %scan3A_5 = arith.constant 0 : i32
    %scan3A_6 = arith.constant 10 : i32
    %scan3A_7 = arith.addi %scan3A_5, %scan3A_6 : i32
    %scan3A_8 = arith.constant 1 : i32
    %scan3A_9 = scf.for %scan3A_71 = %scan3A_5 to %scan3A_7 step %scan3A_8 iter_args(%scan3A_72 = %scan3A) -> (i32)  : i32 {
      %mul3A_73 = arith.constant 2000 : i32
      %mul3A_74 = arith.muli %scan3A_71, %mul3A_73 : i32
      %add3A_75 = arith.addi %mul3A_0, %mul3A_74 : i32
      "tpu.region"() ({
        %run_scoped3A_88 = tpu.sem_alloc : memref<!tpu.dma_semaphore, #tpu.memory_space<semaphore_mem>>
        %dma_start3A_89 = tpu.memref_slice %arg6[%add3A_75] : memref<320000xi32, #tpu.memory_space<hbm>> -> memref<2000xi32, #tpu.memory_space<hbm>>
        %dma_start3A_90 = tpu.memref_slice %arg6[%add3A_75] : memref<320000xi32, #tpu.memory_space<hbm>> -> memref<2000xi32, #tpu.memory_space<hbm>>
        tpu.enqueue_dma source(%dma_start3A_90 : memref<2000xi32, #tpu.memory_space<hbm>>) target(%arg11 : memref<2000xi32, #tpu.memory_space<vmem>>) target_semaphore(%run_scoped3A_88 : memref<!tpu.dma_semaphore, #tpu.memory_space<semaphore_mem>>)
        %dma_wait3A_91 = tpu.memref_slice %arg6[%add3A_75] : memref<320000xi32, #tpu.memory_space<hbm>> -> memref<2000xi32, #tpu.memory_space<hbm>>
        %dma_wait3A_92 = tpu.memref_slice %arg6[%add3A_75] : memref<320000xi32, #tpu.memory_space<hbm>> -> memref<2000xi32, #tpu.memory_space<hbm>>
        tpu.wait_dma2 semaphore(%run_scoped3A_88 : memref<!tpu.dma_semaphore, #tpu.memory_space<semaphore_mem>>) src(%dma_wait3A_92 : memref<2000xi32, #tpu.memory_space<hbm>>) dst(%arg11 : memref<2000xi32, #tpu.memory_space<vmem>>)
        tpu.yield
      }) : () -> ()
      "tpu.region"() ({
        %run_scoped3A_88 = tpu.sem_alloc : memref<!tpu.dma_semaphore, #tpu.memory_space<semaphore_mem>>
        %dma_start3A_89 = tpu.memref_slice %arg7[%add3A_75] : memref<320000xi32, #tpu.memory_space<hbm>> -> memref<2000xi32, #tpu.memory_space<hbm>>
        %dma_start3A_90 = tpu.memref_slice %arg7[%add3A_75] : memref<320000xi32, #tpu.memory_space<hbm>> -> memref<2000xi32, #tpu.memory_space<hbm>>
        tpu.enqueue_dma source(%dma_start3A_90 : memref<2000xi32, #tpu.memory_space<hbm>>) target(%arg12 : memref<2000xi32, #tpu.memory_space<vmem>>) target_semaphore(%run_scoped3A_88 : memref<!tpu.dma_semaphore, #tpu.memory_space<semaphore_mem>>)
        %dma_wait3A_91 = tpu.memref_slice %arg7[%add3A_75] : memref<320000xi32, #tpu.memory_space<hbm>> -> memref<2000xi32, #tpu.memory_space<hbm>>
        %dma_wait3A_92 = tpu.memref_slice %arg7[%add3A_75] : memref<320000xi32, #tpu.memory_space<hbm>> -> memref<2000xi32, #tpu.memory_space<hbm>>
        tpu.wait_dma2 semaphore(%run_scoped3A_88 : memref<!tpu.dma_semaphore, #tpu.memory_space<semaphore_mem>>) src(%dma_wait3A_92 : memref<2000xi32, #tpu.memory_space<hbm>>) dst(%arg12 : memref<2000xi32, #tpu.memory_space<vmem>>)
        tpu.yield
      }) : () -> ()
      %dma_start3A = arith.constant 0 : i32
      %dma_start3A_76 = arith.constant 0 : i32
      %dma_start3A_77 = tpu.memref_slice %arg2[%dma_start3A, %dma_start3A_76] : memref<10000x16xf32, #tpu.memory_space<hbm>> -> memref<10000x16xf32, #tpu.memory_space<hbm>>
      tpu.enqueue_indirect_dma source(%dma_start3A_77 : memref<10000x16xf32, #tpu.memory_space<hbm>>) target(%arg14 : memref<2000x16xf32, #tpu.memory_space<vmem>>) offsets(%arg11 : memref<2000xi32, #tpu.memory_space<vmem>>) semaphore(%arg15 : memref<!tpu.dma_semaphore, #tpu.memory_space<semaphore_mem>>)
      %scan3A_78 = arith.constant 0 : i32
      %scan3A_79 = arith.constant 0 : i32
      %scan3A_80 = arith.constant 125 : i32
      %scan3A_81 = arith.addi %scan3A_79, %scan3A_80 : i32
      %scan3A_82 = arith.constant 1 : i32
      %scan3A_83 = scf.for %scan3A_88 = %scan3A_79 to %scan3A_81 step %scan3A_82 iter_args(%scan3A_89 = %scan3A_78) -> (i32)  : i32 {
        %mul3A_90 = arith.constant 16 : i32
        %mul3A_91 = arith.muli %scan3A_88, %mul3A_90 : i32
        %get3A = arith.index_cast %mul3A_91 : i32 to index
        %get3A_92 = tpu.vector_load %arg12[%get3A] {strides = array<i32>} : memref<2000xi32, #tpu.memory_space<vmem>>, vector<16xi32>,
        %get3A_93 = vector.shape_cast %get3A_92 : vector<16xi32> to vector<16xi32>
        %sub3A = vector.broadcast %mul3A_2 : i32 to vector<16xi32>
        %sub3A_94 = arith.subi %get3A_93, %sub3A : vector<16xi32>
        %ge3A = arith.constant 0 : i32
        %ge3A_95 = vector.broadcast %ge3A : i32 to vector<16xi32>
        %ge3A_96 = arith.cmpi sge, %sub3A_94, %ge3A_95 : vector<16xi32>
        %lt3A = arith.constant 80384 : i32
        %lt3A_97 = vector.broadcast %lt3A : i32 to vector<16xi32>
        %lt3A_98 = arith.cmpi slt, %sub3A_94, %lt3A_97 : vector<16xi32>
        %and3A = arith.andi %ge3A_96, %lt3A_98 : vector<16xi1>
        %jit3A = arith.constant 80384 : i32
        %broadcast_in_dim3A = vector.broadcast %jit3A : i32 to vector<16xi32>
        %select_n3A = arith.select %and3A, %sub3A_94, %broadcast_in_dim3A : vector<16xi1>, vector<16xi32>
        %mul3A_99 = arith.constant 16 : i32
        %mul3A_100 = arith.muli %scan3A_88, %mul3A_99 : i32
        %swap3A = arith.index_cast %mul3A_100 : i32 to index
        %swap3A_101 = tpu.vector_load %arg13[%swap3A] {strides = array<i32>} : memref<2000xi32, #tpu.memory_space<vmem>>, vector<16xi32>,
        %swap3A_102 = vector.shape_cast %swap3A_101 : vector<16xi32> to vector<16xi32>
        %swap3A_103 = vector.shape_cast %select_n3A : vector<16xi32> to vector<16xi32>
        tpu.vector_store %arg13[%swap3A], %swap3A_103 {strides = array<i32>} : memref<2000xi32, #tpu.memory_space<vmem>>, vector<16xi32>,
        %scan3A_104 = arith.constant 0 : i32
        scf.yield %scan3A_104 : i32
      }
      %scan3A_84 = arith.constant 125 : i32
      %dma_wait3A = arith.constant 0 : i32
      %dma_wait3A_85 = arith.constant 0 : i32
      %dma_wait3A_86 = tpu.memref_slice %arg2[%dma_wait3A, %dma_wait3A_85] : memref<10000x16xf32, #tpu.memory_space<hbm>> -> memref<10000x16xf32, #tpu.memory_space<hbm>>
      tpu.wait_indirect_dma semaphore(%arg15 : memref<!tpu.dma_semaphore, #tpu.memory_space<semaphore_mem>>) src(%dma_wait3A_86 : memref<10000x16xf32, #tpu.memory_space<hbm>>) dst(%arg14 : memref<2000x16xf32, #tpu.memory_space<vmem>>)
      "tpu.region"() ({
        %run_scoped3A_88 = tpu.sem_alloc : memref<!tpu.dma_semaphore, #tpu.memory_space<semaphore_mem>>
        %dma_start3A_89 = arith.constant 0 : i32
        %dma_start3A_90 = arith.constant 0 : i32
        %dma_start3A_91 = tpu.memref_slice %arg10[%dma_start3A_89, %dma_start3A_90] : memref<80512x16xf32, #tpu.memory_space<vmem_shared>> -> memref<80512x16xf32, #tpu.memory_space<vmem_shared>>
        tpu.enqueue_indirect_dma source(%arg14 : memref<2000x16xf32, #tpu.memory_space<vmem>>) target(%dma_start3A_91 : memref<80512x16xf32, #tpu.memory_space<vmem_shared>>) offsets(%arg13 : memref<2000xi32, #tpu.memory_space<vmem>>) semaphore(%run_scoped3A_88 : memref<!tpu.dma_semaphore, #tpu.memory_space<semaphore_mem>>) {add = true}
        %dma_wait3A_92 = arith.constant 0 : i32
        %dma_wait3A_93 = arith.constant 0 : i32
        %dma_wait3A_94 = tpu.memref_slice %arg10[%dma_wait3A_92, %dma_wait3A_93] : memref<80512x16xf32, #tpu.memory_space<vmem_shared>> -> memref<80512x16xf32, #tpu.memory_space<vmem_shared>>
        tpu.wait_indirect_dma semaphore(%run_scoped3A_88 : memref<!tpu.dma_semaphore, #tpu.memory_space<semaphore_mem>>) src(%arg14 : memref<2000x16xf32, #tpu.memory_space<vmem>>) dst(%dma_wait3A_94 : memref<80512x16xf32, #tpu.memory_space<vmem_shared>>)
        tpu.yield
      }) : () -> ()
      %scan3A_87 = arith.constant 0 : i32
      scf.yield %scan3A_87 : i32
    }
    %scan3A_10 = arith.constant 10 : i32
    %barrier3A_11 = arith.constant 0 : index
    tpu.barrier barrier_id(%barrier3A_11)
    %mul3A_12 = arith.constant 5024 : i32
    %mul3A_13 = arith.muli %arg1, %mul3A_12 : i32
    %mul3A_14 = arith.constant 5024 : i32
    %mul3A_15 = arith.muli %arg1, %mul3A_14 : i32
    %add3A = arith.addi %mul3A_2, %mul3A_15 : i32
    %run_scoped3A = arith.constant 0 : i32
    "tpu.region"() ({
      %run_scoped3A_71 = tpu.sem_alloc : memref<!tpu.dma_semaphore, #tpu.memory_space<semaphore_mem>>
      %dma_start3A = arith.constant 0 : i32
      %dma_start3A_72 = tpu.memref_slice %arg9[%run_scoped3A, %add3A, %dma_start3A] : memref<4x160768x16xf32, #tpu.memory_space<hbm>> -> memref<1x5024x16xf32, #tpu.memory_space<hbm>>
      %dma_start3A_73 = tpu.memref_squeeze %dma_start3A_72 : memref<1x5024x16xf32, #tpu.memory_space<hbm>> -> memref<5024x16xf32, #tpu.memory_space<hbm>>
      %dma_start3A_74 = arith.constant 0 : i32
      %dma_start3A_75 = tpu.memref_slice %arg10[%mul3A_13, %dma_start3A_74] : memref<80512x16xf32, #tpu.memory_space<vmem_shared>> -> memref<5024x16xf32, #tpu.memory_space<vmem_shared>>
      tpu.enqueue_dma source(%dma_start3A_75 : memref<5024x16xf32, #tpu.memory_space<vmem_shared>>) target(%dma_start3A_73 : memref<5024x16xf32, #tpu.memory_space<hbm>>) target_semaphore(%run_scoped3A_71 : memref<!tpu.dma_semaphore, #tpu.memory_space<semaphore_mem>>)
      %dma_wait3A = arith.constant 0 : i32
      %dma_wait3A_76 = tpu.memref_slice %arg9[%run_scoped3A, %add3A, %dma_wait3A] : memref<4x160768x16xf32, #tpu.memory_space<hbm>> -> memref<1x5024x16xf32, #tpu.memory_space<hbm>>
      %dma_wait3A_77 = tpu.memref_squeeze %dma_wait3A_76 : memref<1x5024x16xf32, #tpu.memory_space<hbm>> -> memref<5024x16xf32, #tpu.memory_space<hbm>>
      %dma_wait3A_78 = arith.constant 0 : i32
      %dma_wait3A_79 = tpu.memref_slice %arg10[%mul3A_13, %dma_wait3A_78] : memref<80512x16xf32, #tpu.memory_space<vmem_shared>> -> memref<5024x16xf32, #tpu.memory_space<vmem_shared>>
      tpu.wait_dma2 semaphore(%run_scoped3A_71 : memref<!tpu.dma_semaphore, #tpu.memory_space<semaphore_mem>>) src(%dma_wait3A_79 : memref<5024x16xf32, #tpu.memory_space<vmem_shared>>) dst(%dma_wait3A_77 : memref<5024x16xf32, #tpu.memory_space<hbm>>)
      tpu.yield
    }) : () -> ()
    %barrier3A_16 = arith.constant 0 : index
    tpu.barrier barrier_id(%barrier3A_16)
    %mul3A_17 = arith.constant 5032 : i32
    %mul3A_18 = arith.muli %arg1, %mul3A_17 : i32
    "tpu.region"() ({
      %run_scoped3A_71 = tpu.sem_alloc : memref<!tpu.dma_semaphore, #tpu.memory_space<semaphore_mem>>
      %dma_start3A = arith.constant 0 : i32
      %dma_start3A_72 = tpu.memref_slice %arg10[%mul3A_18, %dma_start3A] : memref<80512x16xf32, #tpu.memory_space<vmem_shared>> -> memref<5032x16xf32, #tpu.memory_space<vmem_shared>>
      tpu.enqueue_dma source(%arg8 : memref<5032x16xf32, #tpu.memory_space<hbm>>) target(%dma_start3A_72 : memref<5032x16xf32, #tpu.memory_space<vmem_shared>>) target_semaphore(%run_scoped3A_71 : memref<!tpu.dma_semaphore, #tpu.memory_space<semaphore_mem>>)
      %dma_wait3A = arith.constant 0 : i32
      %dma_wait3A_73 = tpu.memref_slice %arg10[%mul3A_18, %dma_wait3A] : memref<80512x16xf32, #tpu.memory_space<vmem_shared>> -> memref<5032x16xf32, #tpu.memory_space<vmem_shared>>
      tpu.wait_dma2 semaphore(%run_scoped3A_71 : memref<!tpu.dma_semaphore, #tpu.memory_space<semaphore_mem>>) src(%arg8 : memref<5032x16xf32, #tpu.memory_space<hbm>>) dst(%dma_wait3A_73 : memref<5032x16xf32, #tpu.memory_space<vmem_shared>>)
      tpu.yield
    }) : () -> ()
    %barrier3A_19 = arith.constant 0 : index
    tpu.barrier barrier_id(%barrier3A_19)
    %scan3A_20 = arith.constant 0 : i32
    %scan3A_21 = arith.constant 0 : i32
    %scan3A_22 = arith.constant 10 : i32
    %scan3A_23 = arith.addi %scan3A_21, %scan3A_22 : i32
    %scan3A_24 = arith.constant 1 : i32
    %scan3A_25 = scf.for %scan3A_71 = %scan3A_21 to %scan3A_23 step %scan3A_24 iter_args(%scan3A_72 = %scan3A_20) -> (i32)  : i32 {
      %mul3A_73 = arith.constant 2000 : i32
      %mul3A_74 = arith.muli %scan3A_71, %mul3A_73 : i32
      %add3A_75 = arith.addi %mul3A_0, %mul3A_74 : i32
      "tpu.region"() ({
        %run_scoped3A_88 = tpu.sem_alloc : memref<!tpu.dma_semaphore, #tpu.memory_space<semaphore_mem>>
        %dma_start3A_89 = tpu.memref_slice %arg6[%add3A_75] : memref<320000xi32, #tpu.memory_space<hbm>> -> memref<2000xi32, #tpu.memory_space<hbm>>
        %dma_start3A_90 = tpu.memref_slice %arg6[%add3A_75] : memref<320000xi32, #tpu.memory_space<hbm>> -> memref<2000xi32, #tpu.memory_space<hbm>>
        tpu.enqueue_dma source(%dma_start3A_90 : memref<2000xi32, #tpu.memory_space<hbm>>) target(%arg11 : memref<2000xi32, #tpu.memory_space<vmem>>) target_semaphore(%run_scoped3A_88 : memref<!tpu.dma_semaphore, #tpu.memory_space<semaphore_mem>>)
        %dma_wait3A_91 = tpu.memref_slice %arg6[%add3A_75] : memref<320000xi32, #tpu.memory_space<hbm>> -> memref<2000xi32, #tpu.memory_space<hbm>>
        %dma_wait3A_92 = tpu.memref_slice %arg6[%add3A_75] : memref<320000xi32, #tpu.memory_space<hbm>> -> memref<2000xi32, #tpu.memory_space<hbm>>
        tpu.wait_dma2 semaphore(%run_scoped3A_88 : memref<!tpu.dma_semaphore, #tpu.memory_space<semaphore_mem>>) src(%dma_wait3A_92 : memref<2000xi32, #tpu.memory_space<hbm>>) dst(%arg11 : memref<2000xi32, #tpu.memory_space<vmem>>)
        tpu.yield
      }) : () -> ()
      "tpu.region"() ({
        %run_scoped3A_88 = tpu.sem_alloc : memref<!tpu.dma_semaphore, #tpu.memory_space<semaphore_mem>>
        %dma_start3A_89 = tpu.memref_slice %arg7[%add3A_75] : memref<320000xi32, #tpu.memory_space<hbm>> -> memref<2000xi32, #tpu.memory_space<hbm>>
        %dma_start3A_90 = tpu.memref_slice %arg7[%add3A_75] : memref<320000xi32, #tpu.memory_space<hbm>> -> memref<2000xi32, #tpu.memory_space<hbm>>
        tpu.enqueue_dma source(%dma_start3A_90 : memref<2000xi32, #tpu.memory_space<hbm>>) target(%arg12 : memref<2000xi32, #tpu.memory_space<vmem>>) target_semaphore(%run_scoped3A_88 : memref<!tpu.dma_semaphore, #tpu.memory_space<semaphore_mem>>)
        %dma_wait3A_91 = tpu.memref_slice %arg7[%add3A_75] : memref<320000xi32, #tpu.memory_space<hbm>> -> memref<2000xi32, #tpu.memory_space<hbm>>
        %dma_wait3A_92 = tpu.memref_slice %arg7[%add3A_75] : memref<320000xi32, #tpu.memory_space<hbm>> -> memref<2000xi32, #tpu.memory_space<hbm>>
        tpu.wait_dma2 semaphore(%run_scoped3A_88 : memref<!tpu.dma_semaphore, #tpu.memory_space<semaphore_mem>>) src(%dma_wait3A_92 : memref<2000xi32, #tpu.memory_space<hbm>>) dst(%arg12 : memref<2000xi32, #tpu.memory_space<vmem>>)
        tpu.yield
      }) : () -> ()
      %dma_start3A = arith.constant 0 : i32
      %dma_start3A_76 = arith.constant 0 : i32
      %dma_start3A_77 = tpu.memref_slice %arg3[%dma_start3A, %dma_start3A_76] : memref<10000x16xf32, #tpu.memory_space<hbm>> -> memref<10000x16xf32, #tpu.memory_space<hbm>>
      tpu.enqueue_indirect_dma source(%dma_start3A_77 : memref<10000x16xf32, #tpu.memory_space<hbm>>) target(%arg14 : memref<2000x16xf32, #tpu.memory_space<vmem>>) offsets(%arg11 : memref<2000xi32, #tpu.memory_space<vmem>>) semaphore(%arg15 : memref<!tpu.dma_semaphore, #tpu.memory_space<semaphore_mem>>)
      %scan3A_78 = arith.constant 0 : i32
      %scan3A_79 = arith.constant 0 : i32
      %scan3A_80 = arith.constant 125 : i32
      %scan3A_81 = arith.addi %scan3A_79, %scan3A_80 : i32
      %scan3A_82 = arith.constant 1 : i32
      %scan3A_83 = scf.for %scan3A_88 = %scan3A_79 to %scan3A_81 step %scan3A_82 iter_args(%scan3A_89 = %scan3A_78) -> (i32)  : i32 {
        %mul3A_90 = arith.constant 16 : i32
        %mul3A_91 = arith.muli %scan3A_88, %mul3A_90 : i32
        %get3A = arith.index_cast %mul3A_91 : i32 to index
        %get3A_92 = tpu.vector_load %arg12[%get3A] {strides = array<i32>} : memref<2000xi32, #tpu.memory_space<vmem>>, vector<16xi32>,
        %get3A_93 = vector.shape_cast %get3A_92 : vector<16xi32> to vector<16xi32>
        %sub3A = vector.broadcast %mul3A_2 : i32 to vector<16xi32>
        %sub3A_94 = arith.subi %get3A_93, %sub3A : vector<16xi32>
        %ge3A = arith.constant 0 : i32
        %ge3A_95 = vector.broadcast %ge3A : i32 to vector<16xi32>
        %ge3A_96 = arith.cmpi sge, %sub3A_94, %ge3A_95 : vector<16xi32>
        %lt3A = arith.constant 80384 : i32
        %lt3A_97 = vector.broadcast %lt3A : i32 to vector<16xi32>
        %lt3A_98 = arith.cmpi slt, %sub3A_94, %lt3A_97 : vector<16xi32>
        %and3A = arith.andi %ge3A_96, %lt3A_98 : vector<16xi1>
        %jit3A = arith.constant 80384 : i32
        %broadcast_in_dim3A = vector.broadcast %jit3A : i32 to vector<16xi32>
        %select_n3A = arith.select %and3A, %sub3A_94, %broadcast_in_dim3A : vector<16xi1>, vector<16xi32>
        %mul3A_99 = arith.constant 16 : i32
        %mul3A_100 = arith.muli %scan3A_88, %mul3A_99 : i32
        %swap3A = arith.index_cast %mul3A_100 : i32 to index
        %swap3A_101 = tpu.vector_load %arg13[%swap3A] {strides = array<i32>} : memref<2000xi32, #tpu.memory_space<vmem>>, vector<16xi32>,
        %swap3A_102 = vector.shape_cast %swap3A_101 : vector<16xi32> to vector<16xi32>
        %swap3A_103 = vector.shape_cast %select_n3A : vector<16xi32> to vector<16xi32>
        tpu.vector_store %arg13[%swap3A], %swap3A_103 {strides = array<i32>} : memref<2000xi32, #tpu.memory_space<vmem>>, vector<16xi32>,
        %scan3A_104 = arith.constant 0 : i32
        scf.yield %scan3A_104 : i32
      }
      %scan3A_84 = arith.constant 125 : i32
      %dma_wait3A = arith.constant 0 : i32
      %dma_wait3A_85 = arith.constant 0 : i32
      %dma_wait3A_86 = tpu.memref_slice %arg3[%dma_wait3A, %dma_wait3A_85] : memref<10000x16xf32, #tpu.memory_space<hbm>> -> memref<10000x16xf32, #tpu.memory_space<hbm>>
      tpu.wait_indirect_dma semaphore(%arg15 : memref<!tpu.dma_semaphore, #tpu.memory_space<semaphore_mem>>) src(%dma_wait3A_86 : memref<10000x16xf32, #tpu.memory_space<hbm>>) dst(%arg14 : memref<2000x16xf32, #tpu.memory_space<vmem>>)
      "tpu.region"() ({
        %run_scoped3A_88 = tpu.sem_alloc : memref<!tpu.dma_semaphore, #tpu.memory_space<semaphore_mem>>
        %dma_start3A_89 = arith.constant 0 : i32
        %dma_start3A_90 = arith.constant 0 : i32
        %dma_start3A_91 = tpu.memref_slice %arg10[%dma_start3A_89, %dma_start3A_90] : memref<80512x16xf32, #tpu.memory_space<vmem_shared>> -> memref<80512x16xf32, #tpu.memory_space<vmem_shared>>
        tpu.enqueue_indirect_dma source(%arg14 : memref<2000x16xf32, #tpu.memory_space<vmem>>) target(%dma_start3A_91 : memref<80512x16xf32, #tpu.memory_space<vmem_shared>>) offsets(%arg13 : memref<2000xi32, #tpu.memory_space<vmem>>) semaphore(%run_scoped3A_88 : memref<!tpu.dma_semaphore, #tpu.memory_space<semaphore_mem>>) {add = true}
        %dma_wait3A_92 = arith.constant 0 : i32
        %dma_wait3A_93 = arith.constant 0 : i32
        %dma_wait3A_94 = tpu.memref_slice %arg10[%dma_wait3A_92, %dma_wait3A_93] : memref<80512x16xf32, #tpu.memory_space<vmem_shared>> -> memref<80512x16xf32, #tpu.memory_space<vmem_shared>>
        tpu.wait_indirect_dma semaphore(%run_scoped3A_88 : memref<!tpu.dma_semaphore, #tpu.memory_space<semaphore_mem>>) src(%arg14 : memref<2000x16xf32, #tpu.memory_space<vmem>>) dst(%dma_wait3A_94 : memref<80512x16xf32, #tpu.memory_space<vmem_shared>>)
        tpu.yield
      }) : () -> ()
      %scan3A_87 = arith.constant 0 : i32
      scf.yield %scan3A_87 : i32
    }
    %scan3A_26 = arith.constant 10 : i32
    %barrier3A_27 = arith.constant 0 : index
    tpu.barrier barrier_id(%barrier3A_27)
    %mul3A_28 = arith.constant 5024 : i32
    %mul3A_29 = arith.muli %arg1, %mul3A_28 : i32
    %mul3A_30 = arith.constant 5024 : i32
    %mul3A_31 = arith.muli %arg1, %mul3A_30 : i32
    %add3A_32 = arith.addi %mul3A_2, %mul3A_31 : i32
    %run_scoped3A_33 = arith.constant 1 : i32
    "tpu.region"() ({
      %run_scoped3A_71 = tpu.sem_alloc : memref<!tpu.dma_semaphore, #tpu.memory_space<semaphore_mem>>
      %dma_start3A = arith.constant 0 : i32
      %dma_start3A_72 = tpu.memref_slice %arg9[%run_scoped3A_33, %add3A_32, %dma_start3A] : memref<4x160768x16xf32, #tpu.memory_space<hbm>> -> memref<1x5024x16xf32, #tpu.memory_space<hbm>>
      %dma_start3A_73 = tpu.memref_squeeze %dma_start3A_72 : memref<1x5024x16xf32, #tpu.memory_space<hbm>> -> memref<5024x16xf32, #tpu.memory_space<hbm>>
      %dma_start3A_74 = arith.constant 0 : i32
      %dma_start3A_75 = tpu.memref_slice %arg10[%mul3A_29, %dma_start3A_74] : memref<80512x16xf32, #tpu.memory_space<vmem_shared>> -> memref<5024x16xf32, #tpu.memory_space<vmem_shared>>
      tpu.enqueue_dma source(%dma_start3A_75 : memref<5024x16xf32, #tpu.memory_space<vmem_shared>>) target(%dma_start3A_73 : memref<5024x16xf32, #tpu.memory_space<hbm>>) target_semaphore(%run_scoped3A_71 : memref<!tpu.dma_semaphore, #tpu.memory_space<semaphore_mem>>)
      %dma_wait3A = arith.constant 0 : i32
      %dma_wait3A_76 = tpu.memref_slice %arg9[%run_scoped3A_33, %add3A_32, %dma_wait3A] : memref<4x160768x16xf32, #tpu.memory_space<hbm>> -> memref<1x5024x16xf32, #tpu.memory_space<hbm>>
      %dma_wait3A_77 = tpu.memref_squeeze %dma_wait3A_76 : memref<1x5024x16xf32, #tpu.memory_space<hbm>> -> memref<5024x16xf32, #tpu.memory_space<hbm>>
      %dma_wait3A_78 = arith.constant 0 : i32
      %dma_wait3A_79 = tpu.memref_slice %arg10[%mul3A_29, %dma_wait3A_78] : memref<80512x16xf32, #tpu.memory_space<vmem_shared>> -> memref<5024x16xf32, #tpu.memory_space<vmem_shared>>
      tpu.wait_dma2 semaphore(%run_scoped3A_71 : memref<!tpu.dma_semaphore, #tpu.memory_space<semaphore_mem>>) src(%dma_wait3A_79 : memref<5024x16xf32, #tpu.memory_space<vmem_shared>>) dst(%dma_wait3A_77 : memref<5024x16xf32, #tpu.memory_space<hbm>>)
      tpu.yield
    }) : () -> ()
    %barrier3A_34 = arith.constant 0 : index
    tpu.barrier barrier_id(%barrier3A_34)
    %mul3A_35 = arith.constant 5032 : i32
    %mul3A_36 = arith.muli %arg1, %mul3A_35 : i32
    "tpu.region"() ({
      %run_scoped3A_71 = tpu.sem_alloc : memref<!tpu.dma_semaphore, #tpu.memory_space<semaphore_mem>>
      %dma_start3A = arith.constant 0 : i32
      %dma_start3A_72 = tpu.memref_slice %arg10[%mul3A_36, %dma_start3A] : memref<80512x16xf32, #tpu.memory_space<vmem_shared>> -> memref<5032x16xf32, #tpu.memory_space<vmem_shared>>
      tpu.enqueue_dma source(%arg8 : memref<5032x16xf32, #tpu.memory_space<hbm>>) target(%dma_start3A_72 : memref<5032x16xf32, #tpu.memory_space<vmem_shared>>) target_semaphore(%run_scoped3A_71 : memref<!tpu.dma_semaphore, #tpu.memory_space<semaphore_mem>>)
      %dma_wait3A = arith.constant 0 : i32
      %dma_wait3A_73 = tpu.memref_slice %arg10[%mul3A_36, %dma_wait3A] : memref<80512x16xf32, #tpu.memory_space<vmem_shared>> -> memref<5032x16xf32, #tpu.memory_space<vmem_shared>>
      tpu.wait_dma2 semaphore(%run_scoped3A_71 : memref<!tpu.dma_semaphore, #tpu.memory_space<semaphore_mem>>) src(%arg8 : memref<5032x16xf32, #tpu.memory_space<hbm>>) dst(%dma_wait3A_73 : memref<5032x16xf32, #tpu.memory_space<vmem_shared>>)
      tpu.yield
    }) : () -> ()
    %barrier3A_37 = arith.constant 0 : index
    tpu.barrier barrier_id(%barrier3A_37)
    %scan3A_38 = arith.constant 0 : i32
    %scan3A_39 = arith.constant 0 : i32
    %scan3A_40 = arith.constant 10 : i32
    %scan3A_41 = arith.addi %scan3A_39, %scan3A_40 : i32
    %scan3A_42 = arith.constant 1 : i32
    %scan3A_43 = scf.for %scan3A_71 = %scan3A_39 to %scan3A_41 step %scan3A_42 iter_args(%scan3A_72 = %scan3A_38) -> (i32)  : i32 {
      %mul3A_73 = arith.constant 2000 : i32
      %mul3A_74 = arith.muli %scan3A_71, %mul3A_73 : i32
      %add3A_75 = arith.addi %mul3A_0, %mul3A_74 : i32
      "tpu.region"() ({
        %run_scoped3A_88 = tpu.sem_alloc : memref<!tpu.dma_semaphore, #tpu.memory_space<semaphore_mem>>
        %dma_start3A_89 = tpu.memref_slice %arg6[%add3A_75] : memref<320000xi32, #tpu.memory_space<hbm>> -> memref<2000xi32, #tpu.memory_space<hbm>>
        %dma_start3A_90 = tpu.memref_slice %arg6[%add3A_75] : memref<320000xi32, #tpu.memory_space<hbm>> -> memref<2000xi32, #tpu.memory_space<hbm>>
        tpu.enqueue_dma source(%dma_start3A_90 : memref<2000xi32, #tpu.memory_space<hbm>>) target(%arg11 : memref<2000xi32, #tpu.memory_space<vmem>>) target_semaphore(%run_scoped3A_88 : memref<!tpu.dma_semaphore, #tpu.memory_space<semaphore_mem>>)
        %dma_wait3A_91 = tpu.memref_slice %arg6[%add3A_75] : memref<320000xi32, #tpu.memory_space<hbm>> -> memref<2000xi32, #tpu.memory_space<hbm>>
        %dma_wait3A_92 = tpu.memref_slice %arg6[%add3A_75] : memref<320000xi32, #tpu.memory_space<hbm>> -> memref<2000xi32, #tpu.memory_space<hbm>>
        tpu.wait_dma2 semaphore(%run_scoped3A_88 : memref<!tpu.dma_semaphore, #tpu.memory_space<semaphore_mem>>) src(%dma_wait3A_92 : memref<2000xi32, #tpu.memory_space<hbm>>) dst(%arg11 : memref<2000xi32, #tpu.memory_space<vmem>>)
        tpu.yield
      }) : () -> ()
      "tpu.region"() ({
        %run_scoped3A_88 = tpu.sem_alloc : memref<!tpu.dma_semaphore, #tpu.memory_space<semaphore_mem>>
        %dma_start3A_89 = tpu.memref_slice %arg7[%add3A_75] : memref<320000xi32, #tpu.memory_space<hbm>> -> memref<2000xi32, #tpu.memory_space<hbm>>
        %dma_start3A_90 = tpu.memref_slice %arg7[%add3A_75] : memref<320000xi32, #tpu.memory_space<hbm>> -> memref<2000xi32, #tpu.memory_space<hbm>>
        tpu.enqueue_dma source(%dma_start3A_90 : memref<2000xi32, #tpu.memory_space<hbm>>) target(%arg12 : memref<2000xi32, #tpu.memory_space<vmem>>) target_semaphore(%run_scoped3A_88 : memref<!tpu.dma_semaphore, #tpu.memory_space<semaphore_mem>>)
        %dma_wait3A_91 = tpu.memref_slice %arg7[%add3A_75] : memref<320000xi32, #tpu.memory_space<hbm>> -> memref<2000xi32, #tpu.memory_space<hbm>>
        %dma_wait3A_92 = tpu.memref_slice %arg7[%add3A_75] : memref<320000xi32, #tpu.memory_space<hbm>> -> memref<2000xi32, #tpu.memory_space<hbm>>
        tpu.wait_dma2 semaphore(%run_scoped3A_88 : memref<!tpu.dma_semaphore, #tpu.memory_space<semaphore_mem>>) src(%dma_wait3A_92 : memref<2000xi32, #tpu.memory_space<hbm>>) dst(%arg12 : memref<2000xi32, #tpu.memory_space<vmem>>)
        tpu.yield
      }) : () -> ()
      %dma_start3A = arith.constant 0 : i32
      %dma_start3A_76 = arith.constant 0 : i32
      %dma_start3A_77 = tpu.memref_slice %arg4[%dma_start3A, %dma_start3A_76] : memref<10000x16xf32, #tpu.memory_space<hbm>> -> memref<10000x16xf32, #tpu.memory_space<hbm>>
      tpu.enqueue_indirect_dma source(%dma_start3A_77 : memref<10000x16xf32, #tpu.memory_space<hbm>>) target(%arg14 : memref<2000x16xf32, #tpu.memory_space<vmem>>) offsets(%arg11 : memref<2000xi32, #tpu.memory_space<vmem>>) semaphore(%arg15 : memref<!tpu.dma_semaphore, #tpu.memory_space<semaphore_mem>>)
      %scan3A_78 = arith.constant 0 : i32
      %scan3A_79 = arith.constant 0 : i32
      %scan3A_80 = arith.constant 125 : i32
      %scan3A_81 = arith.addi %scan3A_79, %scan3A_80 : i32
      %scan3A_82 = arith.constant 1 : i32
      %scan3A_83 = scf.for %scan3A_88 = %scan3A_79 to %scan3A_81 step %scan3A_82 iter_args(%scan3A_89 = %scan3A_78) -> (i32)  : i32 {
        %mul3A_90 = arith.constant 16 : i32
        %mul3A_91 = arith.muli %scan3A_88, %mul3A_90 : i32
        %get3A = arith.index_cast %mul3A_91 : i32 to index
        %get3A_92 = tpu.vector_load %arg12[%get3A] {strides = array<i32>} : memref<2000xi32, #tpu.memory_space<vmem>>, vector<16xi32>,
        %get3A_93 = vector.shape_cast %get3A_92 : vector<16xi32> to vector<16xi32>
        %sub3A = vector.broadcast %mul3A_2 : i32 to vector<16xi32>
        %sub3A_94 = arith.subi %get3A_93, %sub3A : vector<16xi32>
        %ge3A = arith.constant 0 : i32
        %ge3A_95 = vector.broadcast %ge3A : i32 to vector<16xi32>
        %ge3A_96 = arith.cmpi sge, %sub3A_94, %ge3A_95 : vector<16xi32>
        %lt3A = arith.constant 80384 : i32
        %lt3A_97 = vector.broadcast %lt3A : i32 to vector<16xi32>
        %lt3A_98 = arith.cmpi slt, %sub3A_94, %lt3A_97 : vector<16xi32>
        %and3A = arith.andi %ge3A_96, %lt3A_98 : vector<16xi1>
        %jit3A = arith.constant 80384 : i32
        %broadcast_in_dim3A = vector.broadcast %jit3A : i32 to vector<16xi32>
        %select_n3A = arith.select %and3A, %sub3A_94, %broadcast_in_dim3A : vector<16xi1>, vector<16xi32>
        %mul3A_99 = arith.constant 16 : i32
        %mul3A_100 = arith.muli %scan3A_88, %mul3A_99 : i32
        %swap3A = arith.index_cast %mul3A_100 : i32 to index
        %swap3A_101 = tpu.vector_load %arg13[%swap3A] {strides = array<i32>} : memref<2000xi32, #tpu.memory_space<vmem>>, vector<16xi32>,
        %swap3A_102 = vector.shape_cast %swap3A_101 : vector<16xi32> to vector<16xi32>
        %swap3A_103 = vector.shape_cast %select_n3A : vector<16xi32> to vector<16xi32>
        tpu.vector_store %arg13[%swap3A], %swap3A_103 {strides = array<i32>} : memref<2000xi32, #tpu.memory_space<vmem>>, vector<16xi32>,
        %scan3A_104 = arith.constant 0 : i32
        scf.yield %scan3A_104 : i32
      }
      %scan3A_84 = arith.constant 125 : i32
      %dma_wait3A = arith.constant 0 : i32
      %dma_wait3A_85 = arith.constant 0 : i32
      %dma_wait3A_86 = tpu.memref_slice %arg4[%dma_wait3A, %dma_wait3A_85] : memref<10000x16xf32, #tpu.memory_space<hbm>> -> memref<10000x16xf32, #tpu.memory_space<hbm>>
      tpu.wait_indirect_dma semaphore(%arg15 : memref<!tpu.dma_semaphore, #tpu.memory_space<semaphore_mem>>) src(%dma_wait3A_86 : memref<10000x16xf32, #tpu.memory_space<hbm>>) dst(%arg14 : memref<2000x16xf32, #tpu.memory_space<vmem>>)
      "tpu.region"() ({
        %run_scoped3A_88 = tpu.sem_alloc : memref<!tpu.dma_semaphore, #tpu.memory_space<semaphore_mem>>
        %dma_start3A_89 = arith.constant 0 : i32
        %dma_start3A_90 = arith.constant 0 : i32
        %dma_start3A_91 = tpu.memref_slice %arg10[%dma_start3A_89, %dma_start3A_90] : memref<80512x16xf32, #tpu.memory_space<vmem_shared>> -> memref<80512x16xf32, #tpu.memory_space<vmem_shared>>
        tpu.enqueue_indirect_dma source(%arg14 : memref<2000x16xf32, #tpu.memory_space<vmem>>) target(%dma_start3A_91 : memref<80512x16xf32, #tpu.memory_space<vmem_shared>>) offsets(%arg13 : memref<2000xi32, #tpu.memory_space<vmem>>) semaphore(%run_scoped3A_88 : memref<!tpu.dma_semaphore, #tpu.memory_space<semaphore_mem>>) {add = true}
        %dma_wait3A_92 = arith.constant 0 : i32
        %dma_wait3A_93 = arith.constant 0 : i32
        %dma_wait3A_94 = tpu.memref_slice %arg10[%dma_wait3A_92, %dma_wait3A_93] : memref<80512x16xf32, #tpu.memory_space<vmem_shared>> -> memref<80512x16xf32, #tpu.memory_space<vmem_shared>>
        tpu.wait_indirect_dma semaphore(%run_scoped3A_88 : memref<!tpu.dma_semaphore, #tpu.memory_space<semaphore_mem>>) src(%arg14 : memref<2000x16xf32, #tpu.memory_space<vmem>>) dst(%dma_wait3A_94 : memref<80512x16xf32, #tpu.memory_space<vmem_shared>>)
        tpu.yield
      }) : () -> ()
      %scan3A_87 = arith.constant 0 : i32
      scf.yield %scan3A_87 : i32
    }
    %scan3A_44 = arith.constant 10 : i32
    %barrier3A_45 = arith.constant 0 : index
    tpu.barrier barrier_id(%barrier3A_45)
    %mul3A_46 = arith.constant 5024 : i32
    %mul3A_47 = arith.muli %arg1, %mul3A_46 : i32
    %mul3A_48 = arith.constant 5024 : i32
    %mul3A_49 = arith.muli %arg1, %mul3A_48 : i32
    %add3A_50 = arith.addi %mul3A_2, %mul3A_49 : i32
    %run_scoped3A_51 = arith.constant 2 : i32
    "tpu.region"() ({
      %run_scoped3A_71 = tpu.sem_alloc : memref<!tpu.dma_semaphore, #tpu.memory_space<semaphore_mem>>
      %dma_start3A = arith.constant 0 : i32
      %dma_start3A_72 = tpu.memref_slice %arg9[%run_scoped3A_51, %add3A_50, %dma_start3A] : memref<4x160768x16xf32, #tpu.memory_space<hbm>> -> memref<1x5024x16xf32, #tpu.memory_space<hbm>>
      %dma_start3A_73 = tpu.memref_squeeze %dma_start3A_72 : memref<1x5024x16xf32, #tpu.memory_space<hbm>> -> memref<5024x16xf32, #tpu.memory_space<hbm>>
      %dma_start3A_74 = arith.constant 0 : i32
      %dma_start3A_75 = tpu.memref_slice %arg10[%mul3A_47, %dma_start3A_74] : memref<80512x16xf32, #tpu.memory_space<vmem_shared>> -> memref<5024x16xf32, #tpu.memory_space<vmem_shared>>
      tpu.enqueue_dma source(%dma_start3A_75 : memref<5024x16xf32, #tpu.memory_space<vmem_shared>>) target(%dma_start3A_73 : memref<5024x16xf32, #tpu.memory_space<hbm>>) target_semaphore(%run_scoped3A_71 : memref<!tpu.dma_semaphore, #tpu.memory_space<semaphore_mem>>)
      %dma_wait3A = arith.constant 0 : i32
      %dma_wait3A_76 = tpu.memref_slice %arg9[%run_scoped3A_51, %add3A_50, %dma_wait3A] : memref<4x160768x16xf32, #tpu.memory_space<hbm>> -> memref<1x5024x16xf32, #tpu.memory_space<hbm>>
      %dma_wait3A_77 = tpu.memref_squeeze %dma_wait3A_76 : memref<1x5024x16xf32, #tpu.memory_space<hbm>> -> memref<5024x16xf32, #tpu.memory_space<hbm>>
      %dma_wait3A_78 = arith.constant 0 : i32
      %dma_wait3A_79 = tpu.memref_slice %arg10[%mul3A_47, %dma_wait3A_78] : memref<80512x16xf32, #tpu.memory_space<vmem_shared>> -> memref<5024x16xf32, #tpu.memory_space<vmem_shared>>
      tpu.wait_dma2 semaphore(%run_scoped3A_71 : memref<!tpu.dma_semaphore, #tpu.memory_space<semaphore_mem>>) src(%dma_wait3A_79 : memref<5024x16xf32, #tpu.memory_space<vmem_shared>>) dst(%dma_wait3A_77 : memref<5024x16xf32, #tpu.memory_space<hbm>>)
      tpu.yield
    }) : () -> ()
    %barrier3A_52 = arith.constant 0 : index
    tpu.barrier barrier_id(%barrier3A_52)
    %mul3A_53 = arith.constant 5032 : i32
    %mul3A_54 = arith.muli %arg1, %mul3A_53 : i32
    "tpu.region"() ({
      %run_scoped3A_71 = tpu.sem_alloc : memref<!tpu.dma_semaphore, #tpu.memory_space<semaphore_mem>>
      %dma_start3A = arith.constant 0 : i32
      %dma_start3A_72 = tpu.memref_slice %arg10[%mul3A_54, %dma_start3A] : memref<80512x16xf32, #tpu.memory_space<vmem_shared>> -> memref<5032x16xf32, #tpu.memory_space<vmem_shared>>
      tpu.enqueue_dma source(%arg8 : memref<5032x16xf32, #tpu.memory_space<hbm>>) target(%dma_start3A_72 : memref<5032x16xf32, #tpu.memory_space<vmem_shared>>) target_semaphore(%run_scoped3A_71 : memref<!tpu.dma_semaphore, #tpu.memory_space<semaphore_mem>>)
      %dma_wait3A = arith.constant 0 : i32
      %dma_wait3A_73 = tpu.memref_slice %arg10[%mul3A_54, %dma_wait3A] : memref<80512x16xf32, #tpu.memory_space<vmem_shared>> -> memref<5032x16xf32, #tpu.memory_space<vmem_shared>>
      tpu.wait_dma2 semaphore(%run_scoped3A_71 : memref<!tpu.dma_semaphore, #tpu.memory_space<semaphore_mem>>) src(%arg8 : memref<5032x16xf32, #tpu.memory_space<hbm>>) dst(%dma_wait3A_73 : memref<5032x16xf32, #tpu.memory_space<vmem_shared>>)
      tpu.yield
    }) : () -> ()
    %barrier3A_55 = arith.constant 0 : index
    tpu.barrier barrier_id(%barrier3A_55)
    %scan3A_56 = arith.constant 0 : i32
    %scan3A_57 = arith.constant 0 : i32
    %scan3A_58 = arith.constant 10 : i32
    %scan3A_59 = arith.addi %scan3A_57, %scan3A_58 : i32
    %scan3A_60 = arith.constant 1 : i32
    %scan3A_61 = scf.for %scan3A_71 = %scan3A_57 to %scan3A_59 step %scan3A_60 iter_args(%scan3A_72 = %scan3A_56) -> (i32)  : i32 {
      %mul3A_73 = arith.constant 2000 : i32
      %mul3A_74 = arith.muli %scan3A_71, %mul3A_73 : i32
      %add3A_75 = arith.addi %mul3A_0, %mul3A_74 : i32
      "tpu.region"() ({
        %run_scoped3A_88 = tpu.sem_alloc : memref<!tpu.dma_semaphore, #tpu.memory_space<semaphore_mem>>
        %dma_start3A_89 = tpu.memref_slice %arg6[%add3A_75] : memref<320000xi32, #tpu.memory_space<hbm>> -> memref<2000xi32, #tpu.memory_space<hbm>>
        %dma_start3A_90 = tpu.memref_slice %arg6[%add3A_75] : memref<320000xi32, #tpu.memory_space<hbm>> -> memref<2000xi32, #tpu.memory_space<hbm>>
        tpu.enqueue_dma source(%dma_start3A_90 : memref<2000xi32, #tpu.memory_space<hbm>>) target(%arg11 : memref<2000xi32, #tpu.memory_space<vmem>>) target_semaphore(%run_scoped3A_88 : memref<!tpu.dma_semaphore, #tpu.memory_space<semaphore_mem>>)
        %dma_wait3A_91 = tpu.memref_slice %arg6[%add3A_75] : memref<320000xi32, #tpu.memory_space<hbm>> -> memref<2000xi32, #tpu.memory_space<hbm>>
        %dma_wait3A_92 = tpu.memref_slice %arg6[%add3A_75] : memref<320000xi32, #tpu.memory_space<hbm>> -> memref<2000xi32, #tpu.memory_space<hbm>>
        tpu.wait_dma2 semaphore(%run_scoped3A_88 : memref<!tpu.dma_semaphore, #tpu.memory_space<semaphore_mem>>) src(%dma_wait3A_92 : memref<2000xi32, #tpu.memory_space<hbm>>) dst(%arg11 : memref<2000xi32, #tpu.memory_space<vmem>>)
        tpu.yield
      }) : () -> ()
      "tpu.region"() ({
        %run_scoped3A_88 = tpu.sem_alloc : memref<!tpu.dma_semaphore, #tpu.memory_space<semaphore_mem>>
        %dma_start3A_89 = tpu.memref_slice %arg7[%add3A_75] : memref<320000xi32, #tpu.memory_space<hbm>> -> memref<2000xi32, #tpu.memory_space<hbm>>
        %dma_start3A_90 = tpu.memref_slice %arg7[%add3A_75] : memref<320000xi32, #tpu.memory_space<hbm>> -> memref<2000xi32, #tpu.memory_space<hbm>>
        tpu.enqueue_dma source(%dma_start3A_90 : memref<2000xi32, #tpu.memory_space<hbm>>) target(%arg12 : memref<2000xi32, #tpu.memory_space<vmem>>) target_semaphore(%run_scoped3A_88 : memref<!tpu.dma_semaphore, #tpu.memory_space<semaphore_mem>>)
        %dma_wait3A_91 = tpu.memref_slice %arg7[%add3A_75] : memref<320000xi32, #tpu.memory_space<hbm>> -> memref<2000xi32, #tpu.memory_space<hbm>>
        %dma_wait3A_92 = tpu.memref_slice %arg7[%add3A_75] : memref<320000xi32, #tpu.memory_space<hbm>> -> memref<2000xi32, #tpu.memory_space<hbm>>
        tpu.wait_dma2 semaphore(%run_scoped3A_88 : memref<!tpu.dma_semaphore, #tpu.memory_space<semaphore_mem>>) src(%dma_wait3A_92 : memref<2000xi32, #tpu.memory_space<hbm>>) dst(%arg12 : memref<2000xi32, #tpu.memory_space<vmem>>)
        tpu.yield
      }) : () -> ()
      %dma_start3A = arith.constant 0 : i32
      %dma_start3A_76 = arith.constant 0 : i32
      %dma_start3A_77 = tpu.memref_slice %arg5[%dma_start3A, %dma_start3A_76] : memref<10000x16xf32, #tpu.memory_space<hbm>> -> memref<10000x16xf32, #tpu.memory_space<hbm>>
      tpu.enqueue_indirect_dma source(%dma_start3A_77 : memref<10000x16xf32, #tpu.memory_space<hbm>>) target(%arg14 : memref<2000x16xf32, #tpu.memory_space<vmem>>) offsets(%arg11 : memref<2000xi32, #tpu.memory_space<vmem>>) semaphore(%arg15 : memref<!tpu.dma_semaphore, #tpu.memory_space<semaphore_mem>>)
      %scan3A_78 = arith.constant 0 : i32
      %scan3A_79 = arith.constant 0 : i32
      %scan3A_80 = arith.constant 125 : i32
      %scan3A_81 = arith.addi %scan3A_79, %scan3A_80 : i32
      %scan3A_82 = arith.constant 1 : i32
      %scan3A_83 = scf.for %scan3A_88 = %scan3A_79 to %scan3A_81 step %scan3A_82 iter_args(%scan3A_89 = %scan3A_78) -> (i32)  : i32 {
        %mul3A_90 = arith.constant 16 : i32
        %mul3A_91 = arith.muli %scan3A_88, %mul3A_90 : i32
        %get3A = arith.index_cast %mul3A_91 : i32 to index
        %get3A_92 = tpu.vector_load %arg12[%get3A] {strides = array<i32>} : memref<2000xi32, #tpu.memory_space<vmem>>, vector<16xi32>,
        %get3A_93 = vector.shape_cast %get3A_92 : vector<16xi32> to vector<16xi32>
        %sub3A = vector.broadcast %mul3A_2 : i32 to vector<16xi32>
        %sub3A_94 = arith.subi %get3A_93, %sub3A : vector<16xi32>
        %ge3A = arith.constant 0 : i32
        %ge3A_95 = vector.broadcast %ge3A : i32 to vector<16xi32>
        %ge3A_96 = arith.cmpi sge, %sub3A_94, %ge3A_95 : vector<16xi32>
        %lt3A = arith.constant 80384 : i32
        %lt3A_97 = vector.broadcast %lt3A : i32 to vector<16xi32>
        %lt3A_98 = arith.cmpi slt, %sub3A_94, %lt3A_97 : vector<16xi32>
        %and3A = arith.andi %ge3A_96, %lt3A_98 : vector<16xi1>
        %jit3A = arith.constant 80384 : i32
        %broadcast_in_dim3A = vector.broadcast %jit3A : i32 to vector<16xi32>
        %select_n3A = arith.select %and3A, %sub3A_94, %broadcast_in_dim3A : vector<16xi1>, vector<16xi32>
        %mul3A_99 = arith.constant 16 : i32
        %mul3A_100 = arith.muli %scan3A_88, %mul3A_99 : i32
        %swap3A = arith.index_cast %mul3A_100 : i32 to index
        %swap3A_101 = tpu.vector_load %arg13[%swap3A] {strides = array<i32>} : memref<2000xi32, #tpu.memory_space<vmem>>, vector<16xi32>,
        %swap3A_102 = vector.shape_cast %swap3A_101 : vector<16xi32> to vector<16xi32>
        %swap3A_103 = vector.shape_cast %select_n3A : vector<16xi32> to vector<16xi32>
        tpu.vector_store %arg13[%swap3A], %swap3A_103 {strides = array<i32>} : memref<2000xi32, #tpu.memory_space<vmem>>, vector<16xi32>,
        %scan3A_104 = arith.constant 0 : i32
        scf.yield %scan3A_104 : i32
      }
      %scan3A_84 = arith.constant 125 : i32
      %dma_wait3A = arith.constant 0 : i32
      %dma_wait3A_85 = arith.constant 0 : i32
      %dma_wait3A_86 = tpu.memref_slice %arg5[%dma_wait3A, %dma_wait3A_85] : memref<10000x16xf32, #tpu.memory_space<hbm>> -> memref<10000x16xf32, #tpu.memory_space<hbm>>
      tpu.wait_indirect_dma semaphore(%arg15 : memref<!tpu.dma_semaphore, #tpu.memory_space<semaphore_mem>>) src(%dma_wait3A_86 : memref<10000x16xf32, #tpu.memory_space<hbm>>) dst(%arg14 : memref<2000x16xf32, #tpu.memory_space<vmem>>)
      "tpu.region"() ({
        %run_scoped3A_88 = tpu.sem_alloc : memref<!tpu.dma_semaphore, #tpu.memory_space<semaphore_mem>>
        %dma_start3A_89 = arith.constant 0 : i32
        %dma_start3A_90 = arith.constant 0 : i32
        %dma_start3A_91 = tpu.memref_slice %arg10[%dma_start3A_89, %dma_start3A_90] : memref<80512x16xf32, #tpu.memory_space<vmem_shared>> -> memref<80512x16xf32, #tpu.memory_space<vmem_shared>>
        tpu.enqueue_indirect_dma source(%arg14 : memref<2000x16xf32, #tpu.memory_space<vmem>>) target(%dma_start3A_91 : memref<80512x16xf32, #tpu.memory_space<vmem_shared>>) offsets(%arg13 : memref<2000xi32, #tpu.memory_space<vmem>>) semaphore(%run_scoped3A_88 : memref<!tpu.dma_semaphore, #tpu.memory_space<semaphore_mem>>) {add = true}
        %dma_wait3A_92 = arith.constant 0 : i32
        %dma_wait3A_93 = arith.constant 0 : i32
        %dma_wait3A_94 = tpu.memref_slice %arg10[%dma_wait3A_92, %dma_wait3A_93] : memref<80512x16xf32, #tpu.memory_space<vmem_shared>> -> memref<80512x16xf32, #tpu.memory_space<vmem_shared>>
        tpu.wait_indirect_dma semaphore(%run_scoped3A_88 : memref<!tpu.dma_semaphore, #tpu.memory_space<semaphore_mem>>) src(%arg14 : memref<2000x16xf32, #tpu.memory_space<vmem>>) dst(%dma_wait3A_94 : memref<80512x16xf32, #tpu.memory_space<vmem_shared>>)
        tpu.yield
      }) : () -> ()
      %scan3A_87 = arith.constant 0 : i32
      scf.yield %scan3A_87 : i32
    }
    %scan3A_62 = arith.constant 10 : i32
    %barrier3A_63 = arith.constant 0 : index
    tpu.barrier barrier_id(%barrier3A_63)
    %mul3A_64 = arith.constant 5024 : i32
    %mul3A_65 = arith.muli %arg1, %mul3A_64 : i32
    %mul3A_66 = arith.constant 5024 : i32
    %mul3A_67 = arith.muli %arg1, %mul3A_66 : i32
    %add3A_68 = arith.addi %mul3A_2, %mul3A_67 : i32
    %run_scoped3A_69 = arith.constant 3 : i32
    "tpu.region"() ({
      %run_scoped3A_71 = tpu.sem_alloc : memref<!tpu.dma_semaphore, #tpu.memory_space<semaphore_mem>>
      %dma_start3A = arith.constant 0 : i32
      %dma_start3A_72 = tpu.memref_slice %arg9[%run_scoped3A_69, %add3A_68, %dma_start3A] : memref<4x160768x16xf32, #tpu.memory_space<hbm>> -> memref<1x5024x16xf32, #tpu.memory_space<hbm>>
      %dma_start3A_73 = tpu.memref_squeeze %dma_start3A_72 : memref<1x5024x16xf32, #tpu.memory_space<hbm>> -> memref<5024x16xf32, #tpu.memory_space<hbm>>
      %dma_start3A_74 = arith.constant 0 : i32
      %dma_start3A_75 = tpu.memref_slice %arg10[%mul3A_65, %dma_start3A_74] : memref<80512x16xf32, #tpu.memory_space<vmem_shared>> -> memref<5024x16xf32, #tpu.memory_space<vmem_shared>>
      tpu.enqueue_dma source(%dma_start3A_75 : memref<5024x16xf32, #tpu.memory_space<vmem_shared>>) target(%dma_start3A_73 : memref<5024x16xf32, #tpu.memory_space<hbm>>) target_semaphore(%run_scoped3A_71 : memref<!tpu.dma_semaphore, #tpu.memory_space<semaphore_mem>>)
      %dma_wait3A = arith.constant 0 : i32
      %dma_wait3A_76 = tpu.memref_slice %arg9[%run_scoped3A_69, %add3A_68, %dma_wait3A] : memref<4x160768x16xf32, #tpu.memory_space<hbm>> -> memref<1x5024x16xf32, #tpu.memory_space<hbm>>
      %dma_wait3A_77 = tpu.memref_squeeze %dma_wait3A_76 : memref<1x5024x16xf32, #tpu.memory_space<hbm>> -> memref<5024x16xf32, #tpu.memory_space<hbm>>
      %dma_wait3A_78 = arith.constant 0 : i32
      %dma_wait3A_79 = tpu.memref_slice %arg10[%mul3A_65, %dma_wait3A_78] : memref<80512x16xf32, #tpu.memory_space<vmem_shared>> -> memref<5024x16xf32, #tpu.memory_space<vmem_shared>>
      tpu.wait_dma2 semaphore(%run_scoped3A_71 : memref<!tpu.dma_semaphore, #tpu.memory_space<semaphore_mem>>) src(%dma_wait3A_79 : memref<5024x16xf32, #tpu.memory_space<vmem_shared>>) dst(%dma_wait3A_77 : memref<5024x16xf32, #tpu.memory_space<hbm>>)
      tpu.yield
    }) : () -> ()
    %barrier3A_70 = arith.constant 0 : index
    tpu.barrier barrier_id(%barrier3A_70)
    return
  }
}

#map = affine_map<(d0, d1) -> (0, 0)>
#map1 = affine_map<(d0, d1) -> (0)>
#map2 = affine_map<(d0, d1) -> (0, 0, 0)>
module attributes {stable_mosaic.version = 14 : i64} {
  func.func @k(%arg0: i32, %arg1: i32, %arg2: memref<10000x16xf32, #tpu.memory_space<hbm>>, %arg3: memref<10000x16xf32, #tpu.memory_space<hbm>>, %arg4: memref<10000x16xf32, #tpu.memory_space<hbm>>, %arg5: memref<10000x16xf32, #tpu.memory_space<hbm>>, %arg6: memref<320000xi32, #tpu.memory_space<hbm>>, %arg7: memref<320000xi32, #tpu.memory_space<hbm>>, %arg8: memref<5032x16xf32, #tpu.memory_space<hbm>>, %arg9: memref<4x160768x16xf32, #tpu.memory_space<hbm>>, %arg10: memref<80512x16xf32, #tpu.memory_space<vmem_shared>>, %arg11: memref<2000xi32, #tpu.memory_space<vmem>>, %arg12: memref<2000xi32, #tpu.memory_space<vmem>>, %arg13: memref<2000xi32, #tpu.memory_space<vmem>>, %arg14: memref<2000x16xf32, #tpu.memory_space<vmem>>, %arg15: memref<!tpu.dma_semaphore, #tpu.memory_space<semaphore_mem>>) attributes {dimension_semantics = [#tpu.dimension_semantics<core_parallel>, #tpu.dimension_semantics<subcore_parallel>], iteration_bounds = array<i64: 2, 16>, scalar_prefetch = 0 : i64, scratch_operands = 6 : i64, tpu.core_type = #tpu.core_type<sc_vector_subcore>, window_params = [{transform_indices = #map}, {transform_indices = #map}, {transform_indices = #map}, {transform_indices = #map}, {transform_indices = #map1}, {transform_indices = #map1}, {transform_indices = #map}, {transform_indices = #map2}]} {
    %mul3A = arith.constant 20000 : i32
    %mul3A_0 = arith.muli %arg1, %mul3A : i32
    %mul3A_1 = arith.constant 80384 : i32
    %mul3A_2 = arith.muli %arg0, %mul3A_1 : i32
    %mul3A_3 = arith.constant 5032 : i32
    %mul3A_4 = arith.muli %arg1, %mul3A_3 : i32
    "tpu.region"() ({
      %run_scoped3A_71 = tpu.sem_alloc : memref<!tpu.dma_semaphore, #tpu.memory_space<semaphore_mem>>
      %dma_start3A = arith.constant 0 : i32
      %dma_start3A_72 = tpu.memref_slice %arg10[%mul3A_4, %dma_start3A] : memref<80512x16xf32, #tpu.memory_space<vmem_shared>> -> memref<5032x16xf32, #tpu.memory_space<vmem_shared>>
      tpu.enqueue_dma source(%arg8 : memref<5032x16xf32, #tpu.memory_space<hbm>>) target(%dma_start3A_72 : memref<5032x16xf32, #tpu.memory_space<vmem_shared>>) target_semaphore(%run_scoped3A_71 : memref<!tpu.dma_semaphore, #tpu.memory_space<semaphore_mem>>)
      %dma_wait3A = arith.constant 0 : i32
      %dma_wait3A_73 = tpu.memref_slice %arg10[%mul3A_4, %dma_wait3A] : memref<80512x16xf32, #tpu.memory_space<vmem_shared>> -> memref<5032x16xf32, #tpu.memory_space<vmem_shared>>
      tpu.wait_dma2 semaphore(%run_scoped3A_71 : memref<!tpu.dma_semaphore, #tpu.memory_space<semaphore_mem>>) src(%arg8 : memref<5032x16xf32, #tpu.memory_space<hbm>>) dst(%dma_wait3A_73 : memref<5032x16xf32, #tpu.memory_space<vmem_shared>>)
      tpu.yield
    }) : () -> ()
    %barrier3A = arith.constant 0 : index
    tpu.barrier barrier_id(%barrier3A)
    %scan3A = arith.constant 0 : i32
    %scan3A_5 = arith.constant 0 : i32
    %scan3A_6 = arith.constant 10 : i32
    %scan3A_7 = arith.addi %scan3A_5, %scan3A_6 : i32
    %scan3A_8 = arith.constant 1 : i32
    %scan3A_9 = scf.for %scan3A_71 = %scan3A_5 to %scan3A_7 step %scan3A_8 iter_args(%scan3A_72 = %scan3A) -> (i32)  : i32 {
      %mul3A_73 = arith.constant 2000 : i32
      %mul3A_74 = arith.muli %scan3A_71, %mul3A_73 : i32
      %add3A_75 = arith.addi %mul3A_0, %mul3A_74 : i32
      "tpu.region"() ({
        %run_scoped3A_88 = tpu.sem_alloc : memref<!tpu.dma_semaphore, #tpu.memory_space<semaphore_mem>>
        %dma_start3A_89 = tpu.memref_slice %arg6[%add3A_75] : memref<320000xi32, #tpu.memory_space<hbm>> -> memref<2000xi32, #tpu.memory_space<hbm>>
        %dma_start3A_90 = tpu.memref_slice %arg6[%add3A_75] : memref<320000xi32, #tpu.memory_space<hbm>> -> memref<2000xi32, #tpu.memory_space<hbm>>
        tpu.enqueue_dma source(%dma_start3A_90 : memref<2000xi32, #tpu.memory_space<hbm>>) target(%arg11 : memref<2000xi32, #tpu.memory_space<vmem>>) target_semaphore(%run_scoped3A_88 : memref<!tpu.dma_semaphore, #tpu.memory_space<semaphore_mem>>)
        %dma_wait3A_91 = tpu.memref_slice %arg6[%add3A_75] : memref<320000xi32, #tpu.memory_space<hbm>> -> memref<2000xi32, #tpu.memory_space<hbm>>
        %dma_wait3A_92 = tpu.memref_slice %arg6[%add3A_75] : memref<320000xi32, #tpu.memory_space<hbm>> -> memref<2000xi32, #tpu.memory_space<hbm>>
        tpu.wait_dma2 semaphore(%run_scoped3A_88 : memref<!tpu.dma_semaphore, #tpu.memory_space<semaphore_mem>>) src(%dma_wait3A_92 : memref<2000xi32, #tpu.memory_space<hbm>>) dst(%arg11 : memref<2000xi32, #tpu.memory_space<vmem>>)
        tpu.yield
      }) : () -> ()
      "tpu.region"() ({
        %run_scoped3A_88 = tpu.sem_alloc : memref<!tpu.dma_semaphore, #tpu.memory_space<semaphore_mem>>
        %dma_start3A_89 = tpu.memref_slice %arg7[%add3A_75] : memref<320000xi32, #tpu.memory_space<hbm>> -> memref<2000xi32, #tpu.memory_space<hbm>>
        %dma_start3A_90 = tpu.memref_slice %arg7[%add3A_75] : memref<320000xi32, #tpu.memory_space<hbm>> -> memref<2000xi32, #tpu.memory_space<hbm>>
        tpu.enqueue_dma source(%dma_start3A_90 : memref<2000xi32, #tpu.memory_space<hbm>>) target(%arg12 : memref<2000xi32, #tpu.memory_space<vmem>>) target_semaphore(%run_scoped3A_88 : memref<!tpu.dma_semaphore, #tpu.memory_space<semaphore_mem>>)
        %dma_wait3A_91 = tpu.memref_slice %arg7[%add3A_75] : memref<320000xi32, #tpu.memory_space<hbm>> -> memref<2000xi32, #tpu.memory_space<hbm>>
        %dma_wait3A_92 = tpu.memref_slice %arg7[%add3A_75] : memref<320000xi32, #tpu.memory_space<hbm>> -> memref<2000xi32, #tpu.memory_space<hbm>>
        tpu.wait_dma2 semaphore(%run_scoped3A_88 : memref<!tpu.dma_semaphore, #tpu.memory_space<semaphore_mem>>) src(%dma_wait3A_92 : memref<2000xi32, #tpu.memory_space<hbm>>) dst(%arg12 : memref<2000xi32, #tpu.memory_space<vmem>>)
        tpu.yield
      }) : () -> ()
      %dma_start3A = arith.constant 0 : i32
      %dma_start3A_76 = arith.constant 0 : i32
      %dma_start3A_77 = tpu.memref_slice %arg2[%dma_start3A, %dma_start3A_76] : memref<10000x16xf32, #tpu.memory_space<hbm>> -> memref<10000x16xf32, #tpu.memory_space<hbm>>
      tpu.enqueue_indirect_dma source(%dma_start3A_77 : memref<10000x16xf32, #tpu.memory_space<hbm>>) target(%arg14 : memref<2000x16xf32, #tpu.memory_space<vmem>>) offsets(%arg11 : memref<2000xi32, #tpu.memory_space<vmem>>) semaphore(%arg15 : memref<!tpu.dma_semaphore, #tpu.memory_space<semaphore_mem>>)
      %scan3A_78 = arith.constant 0 : i32
      %scan3A_79 = arith.constant 0 : i32
      %scan3A_80 = arith.constant 125 : i32
      %scan3A_81 = arith.addi %scan3A_79, %scan3A_80 : i32
      %scan3A_82 = arith.constant 1 : i32
      %scan3A_83 = scf.for %scan3A_88 = %scan3A_79 to %scan3A_81 step %scan3A_82 iter_args(%scan3A_89 = %scan3A_78) -> (i32)  : i32 {
        %mul3A_90 = arith.constant 16 : i32
        %mul3A_91 = arith.muli %scan3A_88, %mul3A_90 : i32
        %get3A = arith.index_cast %mul3A_91 : i32 to index
        %get3A_92 = tpu.vector_load %arg12[%get3A] {strides = array<i32>} : memref<2000xi32, #tpu.memory_space<vmem>>, vector<16xi32>,
        %get3A_93 = vector.shape_cast %get3A_92 : vector<16xi32> to vector<16xi32>
        %sub3A = vector.broadcast %mul3A_2 : i32 to vector<16xi32>
        %sub3A_94 = arith.subi %get3A_93, %sub3A : vector<16xi32>
        %ge3A = arith.constant 0 : i32
        %ge3A_95 = vector.broadcast %ge3A : i32 to vector<16xi32>
        %ge3A_96 = arith.cmpi sge, %sub3A_94, %ge3A_95 : vector<16xi32>
        %lt3A = arith.constant 80384 : i32
        %lt3A_97 = vector.broadcast %lt3A : i32 to vector<16xi32>
        %lt3A_98 = arith.cmpi slt, %sub3A_94, %lt3A_97 : vector<16xi32>
        %and3A = arith.andi %ge3A_96, %lt3A_98 : vector<16xi1>
        %jit3A = arith.constant 80384 : i32
        %broadcast_in_dim3A = vector.broadcast %jit3A : i32 to vector<16xi32>
        %select_n3A = arith.select %and3A, %sub3A_94, %broadcast_in_dim3A : vector<16xi1>, vector<16xi32>
        %mul3A_99 = arith.constant 16 : i32
        %mul3A_100 = arith.muli %scan3A_88, %mul3A_99 : i32
        %swap3A = arith.index_cast %mul3A_100 : i32 to index
        %swap3A_101 = tpu.vector_load %arg13[%swap3A] {strides = array<i32>} : memref<2000xi32, #tpu.memory_space<vmem>>, vector<16xi32>,
        %swap3A_102 = vector.shape_cast %swap3A_101 : vector<16xi32> to vector<16xi32>
        %swap3A_103 = vector.shape_cast %select_n3A : vector<16xi32> to vector<16xi32>
        tpu.vector_store %arg13[%swap3A], %swap3A_103 {strides = array<i32>} : memref<2000xi32, #tpu.memory_space<vmem>>, vector<16xi32>,
        %scan3A_104 = arith.constant 0 : i32
        scf.yield %scan3A_104 : i32
      }
      %scan3A_84 = arith.constant 125 : i32
      %dma_wait3A = arith.constant 0 : i32
      %dma_wait3A_85 = arith.constant 0 : i32
      %dma_wait3A_86 = tpu.memref_slice %arg2[%dma_wait3A, %dma_wait3A_85] : memref<10000x16xf32, #tpu.memory_space<hbm>> -> memref<10000x16xf32, #tpu.memory_space<hbm>>
      tpu.wait_indirect_dma semaphore(%arg15 : memref<!tpu.dma_semaphore, #tpu.memory_space<semaphore_mem>>) src(%dma_wait3A_86 : memref<10000x16xf32, #tpu.memory_space<hbm>>) dst(%arg14 : memref<2000x16xf32, #tpu.memory_space<vmem>>)
      "tpu.region"() ({
        %run_scoped3A_88 = tpu.sem_alloc : memref<!tpu.dma_semaphore, #tpu.memory_space<semaphore_mem>>
        %dma_start3A_89 = arith.constant 0 : i32
        %dma_start3A_90 = arith.constant 0 : i32
        %dma_start3A_91 = tpu.memref_slice %arg10[%dma_start3A_89, %dma_start3A_90] : memref<80512x16xf32, #tpu.memory_space<vmem_shared>> -> memref<80512x16xf32, #tpu.memory_space<vmem_shared>>
        tpu.enqueue_indirect_dma source(%arg14 : memref<2000x16xf32, #tpu.memory_space<vmem>>) target(%dma_start3A_91 : memref<80512x16xf32, #tpu.memory_space<vmem_shared>>) offsets(%arg13 : memref<2000xi32, #tpu.memory_space<vmem>>) semaphore(%run_scoped3A_88 : memref<!tpu.dma_semaphore, #tpu.memory_space<semaphore_mem>>) {add = true}
        %dma_wait3A_92 = arith.constant 0 : i32
        %dma_wait3A_93 = arith.constant 0 : i32
        %dma_wait3A_94 = tpu.memref_slice %arg10[%dma_wait3A_92, %dma_wait3A_93] : memref<80512x16xf32, #tpu.memory_space<vmem_shared>> -> memref<80512x16xf32, #tpu.memory_space<vmem_shared>>
        tpu.wait_indirect_dma semaphore(%run_scoped3A_88 : memref<!tpu.dma_semaphore, #tpu.memory_space<semaphore_mem>>) src(%arg14 : memref<2000x16xf32, #tpu.memory_space<vmem>>) dst(%dma_wait3A_94 : memref<80512x16xf32, #tpu.memory_space<vmem_shared>>)
        tpu.yield
      }) : () -> ()
      %scan3A_87 = arith.constant 0 : i32
      scf.yield %scan3A_87 : i32
    }
    %scan3A_10 = arith.constant 10 : i32
    %barrier3A_11 = arith.constant 0 : index
    tpu.barrier barrier_id(%barrier3A_11)
    %mul3A_12 = arith.constant 5024 : i32
    %mul3A_13 = arith.muli %arg1, %mul3A_12 : i32
    %mul3A_14 = arith.constant 5024 : i32
    %mul3A_15 = arith.muli %arg1, %mul3A_14 : i32
    %add3A = arith.addi %mul3A_2, %mul3A_15 : i32
    %run_scoped3A = arith.constant 0 : i32
    "tpu.region"() ({
      %run_scoped3A_71 = tpu.sem_alloc : memref<!tpu.dma_semaphore, #tpu.memory_space<semaphore_mem>>
      %dma_start3A = arith.constant 0 : i32
      %dma_start3A_72 = tpu.memref_slice %arg9[%run_scoped3A, %add3A, %dma_start3A] : memref<4x160768x16xf32, #tpu.memory_space<hbm>> -> memref<1x5024x16xf32, #tpu.memory_space<hbm>>
      %dma_start3A_73 = tpu.memref_squeeze %dma_start3A_72 : memref<1x5024x16xf32, #tpu.memory_space<hbm>> -> memref<5024x16xf32, #tpu.memory_space<hbm>>
      %dma_start3A_74 = arith.constant 0 : i32
      %dma_start3A_75 = tpu.memref_slice %arg10[%mul3A_13, %dma_start3A_74] : memref<80512x16xf32, #tpu.memory_space<vmem_shared>> -> memref<5024x16xf32, #tpu.memory_space<vmem_shared>>
      tpu.enqueue_dma source(%dma_start3A_75 : memref<5024x16xf32, #tpu.memory_space<vmem_shared>>) target(%dma_start3A_73 : memref<5024x16xf32, #tpu.memory_space<hbm>>) target_semaphore(%run_scoped3A_71 : memref<!tpu.dma_semaphore, #tpu.memory_space<semaphore_mem>>)
      %dma_wait3A = arith.constant 0 : i32
      %dma_wait3A_76 = tpu.memref_slice %arg9[%run_scoped3A, %add3A, %dma_wait3A] : memref<4x160768x16xf32, #tpu.memory_space<hbm>> -> memref<1x5024x16xf32, #tpu.memory_space<hbm>>
      %dma_wait3A_77 = tpu.memref_squeeze %dma_wait3A_76 : memref<1x5024x16xf32, #tpu.memory_space<hbm>> -> memref<5024x16xf32, #tpu.memory_space<hbm>>
      %dma_wait3A_78 = arith.constant 0 : i32
      %dma_wait3A_79 = tpu.memref_slice %arg10[%mul3A_13, %dma_wait3A_78] : memref<80512x16xf32, #tpu.memory_space<vmem_shared>> -> memref<5024x16xf32, #tpu.memory_space<vmem_shared>>
      tpu.wait_dma2 semaphore(%run_scoped3A_71 : memref<!tpu.dma_semaphore, #tpu.memory_space<semaphore_mem>>) src(%dma_wait3A_79 : memref<5024x16xf32, #tpu.memory_space<vmem_shared>>) dst(%dma_wait3A_77 : memref<5024x16xf32, #tpu.memory_space<hbm>>)
      tpu.yield
    }) : () -> ()
    %barrier3A_16 = arith.constant 0 : index
    tpu.barrier barrier_id(%barrier3A_16)
    %mul3A_17 = arith.constant 5032 : i32
    %mul3A_18 = arith.muli %arg1, %mul3A_17 : i32
    "tpu.region"() ({
      %run_scoped3A_71 = tpu.sem_alloc : memref<!tpu.dma_semaphore, #tpu.memory_space<semaphore_mem>>
      %dma_start3A = arith.constant 0 : i32
      %dma_start3A_72 = tpu.memref_slice %arg10[%mul3A_18, %dma_start3A] : memref<80512x16xf32, #tpu.memory_space<vmem_shared>> -> memref<5032x16xf32, #tpu.memory_space<vmem_shared>>
      tpu.enqueue_dma source(%arg8 : memref<5032x16xf32, #tpu.memory_space<hbm>>) target(%dma_start3A_72 : memref<5032x16xf32, #tpu.memory_space<vmem_shared>>) target_semaphore(%run_scoped3A_71 : memref<!tpu.dma_semaphore, #tpu.memory_space<semaphore_mem>>)
      %dma_wait3A = arith.constant 0 : i32
      %dma_wait3A_73 = tpu.memref_slice %arg10[%mul3A_18, %dma_wait3A] : memref<80512x16xf32, #tpu.memory_space<vmem_shared>> -> memref<5032x16xf32, #tpu.memory_space<vmem_shared>>
      tpu.wait_dma2 semaphore(%run_scoped3A_71 : memref<!tpu.dma_semaphore, #tpu.memory_space<semaphore_mem>>) src(%arg8 : memref<5032x16xf32, #tpu.memory_space<hbm>>) dst(%dma_wait3A_73 : memref<5032x16xf32, #tpu.memory_space<vmem_shared>>)
      tpu.yield
    }) : () -> ()
    %barrier3A_19 = arith.constant 0 : index
    tpu.barrier barrier_id(%barrier3A_19)
    %scan3A_20 = arith.constant 0 : i32
    %scan3A_21 = arith.constant 0 : i32
    %scan3A_22 = arith.constant 10 : i32
    %scan3A_23 = arith.addi %scan3A_21, %scan3A_22 : i32
    %scan3A_24 = arith.constant 1 : i32
    %scan3A_25 = scf.for %scan3A_71 = %scan3A_21 to %scan3A_23 step %scan3A_24 iter_args(%scan3A_72 = %scan3A_20) -> (i32)  : i32 {
      %mul3A_73 = arith.constant 2000 : i32
      %mul3A_74 = arith.muli %scan3A_71, %mul3A_73 : i32
      %add3A_75 = arith.addi %mul3A_0, %mul3A_74 : i32
      "tpu.region"() ({
        %run_scoped3A_88 = tpu.sem_alloc : memref<!tpu.dma_semaphore, #tpu.memory_space<semaphore_mem>>
        %dma_start3A_89 = tpu.memref_slice %arg6[%add3A_75] : memref<320000xi32, #tpu.memory_space<hbm>> -> memref<2000xi32, #tpu.memory_space<hbm>>
        %dma_start3A_90 = tpu.memref_slice %arg6[%add3A_75] : memref<320000xi32, #tpu.memory_space<hbm>> -> memref<2000xi32, #tpu.memory_space<hbm>>
        tpu.enqueue_dma source(%dma_start3A_90 : memref<2000xi32, #tpu.memory_space<hbm>>) target(%arg11 : memref<2000xi32, #tpu.memory_space<vmem>>) target_semaphore(%run_scoped3A_88 : memref<!tpu.dma_semaphore, #tpu.memory_space<semaphore_mem>>)
        %dma_wait3A_91 = tpu.memref_slice %arg6[%add3A_75] : memref<320000xi32, #tpu.memory_space<hbm>> -> memref<2000xi32, #tpu.memory_space<hbm>>
        %dma_wait3A_92 = tpu.memref_slice %arg6[%add3A_75] : memref<320000xi32, #tpu.memory_space<hbm>> -> memref<2000xi32, #tpu.memory_space<hbm>>
        tpu.wait_dma2 semaphore(%run_scoped3A_88 : memref<!tpu.dma_semaphore, #tpu.memory_space<semaphore_mem>>) src(%dma_wait3A_92 : memref<2000xi32, #tpu.memory_space<hbm>>) dst(%arg11 : memref<2000xi32, #tpu.memory_space<vmem>>)
        tpu.yield
      }) : () -> ()
      "tpu.region"() ({
        %run_scoped3A_88 = tpu.sem_alloc : memref<!tpu.dma_semaphore, #tpu.memory_space<semaphore_mem>>
        %dma_start3A_89 = tpu.memref_slice %arg7[%add3A_75] : memref<320000xi32, #tpu.memory_space<hbm>> -> memref<2000xi32, #tpu.memory_space<hbm>>
        %dma_start3A_90 = tpu.memref_slice %arg7[%add3A_75] : memref<320000xi32, #tpu.memory_space<hbm>> -> memref<2000xi32, #tpu.memory_space<hbm>>
        tpu.enqueue_dma source(%dma_start3A_90 : memref<2000xi32, #tpu.memory_space<hbm>>) target(%arg12 : memref<2000xi32, #tpu.memory_space<vmem>>) target_semaphore(%run_scoped3A_88 : memref<!tpu.dma_semaphore, #tpu.memory_space<semaphore_mem>>)
        %dma_wait3A_91 = tpu.memref_slice %arg7[%add3A_75] : memref<320000xi32, #tpu.memory_space<hbm>> -> memref<2000xi32, #tpu.memory_space<hbm>>
        %dma_wait3A_92 = tpu.memref_slice %arg7[%add3A_75] : memref<320000xi32, #tpu.memory_space<hbm>> -> memref<2000xi32, #tpu.memory_space<hbm>>
        tpu.wait_dma2 semaphore(%run_scoped3A_88 : memref<!tpu.dma_semaphore, #tpu.memory_space<semaphore_mem>>) src(%dma_wait3A_92 : memref<2000xi32, #tpu.memory_space<hbm>>) dst(%arg12 : memref<2000xi32, #tpu.memory_space<vmem>>)
        tpu.yield
      }) : () -> ()
      %dma_start3A = arith.constant 0 : i32
      %dma_start3A_76 = arith.constant 0 : i32
      %dma_start3A_77 = tpu.memref_slice %arg3[%dma_start3A, %dma_start3A_76] : memref<10000x16xf32, #tpu.memory_space<hbm>> -> memref<10000x16xf32, #tpu.memory_space<hbm>>
      tpu.enqueue_indirect_dma source(%dma_start3A_77 : memref<10000x16xf32, #tpu.memory_space<hbm>>) target(%arg14 : memref<2000x16xf32, #tpu.memory_space<vmem>>) offsets(%arg11 : memref<2000xi32, #tpu.memory_space<vmem>>) semaphore(%arg15 : memref<!tpu.dma_semaphore, #tpu.memory_space<semaphore_mem>>)
      %scan3A_78 = arith.constant 0 : i32
      %scan3A_79 = arith.constant 0 : i32
      %scan3A_80 = arith.constant 125 : i32
      %scan3A_81 = arith.addi %scan3A_79, %scan3A_80 : i32
      %scan3A_82 = arith.constant 1 : i32
      %scan3A_83 = scf.for %scan3A_88 = %scan3A_79 to %scan3A_81 step %scan3A_82 iter_args(%scan3A_89 = %scan3A_78) -> (i32)  : i32 {
        %mul3A_90 = arith.constant 16 : i32
        %mul3A_91 = arith.muli %scan3A_88, %mul3A_90 : i32
        %get3A = arith.index_cast %mul3A_91 : i32 to index
        %get3A_92 = tpu.vector_load %arg12[%get3A] {strides = array<i32>} : memref<2000xi32, #tpu.memory_space<vmem>>, vector<16xi32>,
        %get3A_93 = vector.shape_cast %get3A_92 : vector<16xi32> to vector<16xi32>
        %sub3A = vector.broadcast %mul3A_2 : i32 to vector<16xi32>
        %sub3A_94 = arith.subi %get3A_93, %sub3A : vector<16xi32>
        %ge3A = arith.constant 0 : i32
        %ge3A_95 = vector.broadcast %ge3A : i32 to vector<16xi32>
        %ge3A_96 = arith.cmpi sge, %sub3A_94, %ge3A_95 : vector<16xi32>
        %lt3A = arith.constant 80384 : i32
        %lt3A_97 = vector.broadcast %lt3A : i32 to vector<16xi32>
        %lt3A_98 = arith.cmpi slt, %sub3A_94, %lt3A_97 : vector<16xi32>
        %and3A = arith.andi %ge3A_96, %lt3A_98 : vector<16xi1>
        %jit3A = arith.constant 80384 : i32
        %broadcast_in_dim3A = vector.broadcast %jit3A : i32 to vector<16xi32>
        %select_n3A = arith.select %and3A, %sub3A_94, %broadcast_in_dim3A : vector<16xi1>, vector<16xi32>
        %mul3A_99 = arith.constant 16 : i32
        %mul3A_100 = arith.muli %scan3A_88, %mul3A_99 : i32
        %swap3A = arith.index_cast %mul3A_100 : i32 to index
        %swap3A_101 = tpu.vector_load %arg13[%swap3A] {strides = array<i32>} : memref<2000xi32, #tpu.memory_space<vmem>>, vector<16xi32>,
        %swap3A_102 = vector.shape_cast %swap3A_101 : vector<16xi32> to vector<16xi32>
        %swap3A_103 = vector.shape_cast %select_n3A : vector<16xi32> to vector<16xi32>
        tpu.vector_store %arg13[%swap3A], %swap3A_103 {strides = array<i32>} : memref<2000xi32, #tpu.memory_space<vmem>>, vector<16xi32>,
        %scan3A_104 = arith.constant 0 : i32
        scf.yield %scan3A_104 : i32
      }
      %scan3A_84 = arith.constant 125 : i32
      %dma_wait3A = arith.constant 0 : i32
      %dma_wait3A_85 = arith.constant 0 : i32
      %dma_wait3A_86 = tpu.memref_slice %arg3[%dma_wait3A, %dma_wait3A_85] : memref<10000x16xf32, #tpu.memory_space<hbm>> -> memref<10000x16xf32, #tpu.memory_space<hbm>>
      tpu.wait_indirect_dma semaphore(%arg15 : memref<!tpu.dma_semaphore, #tpu.memory_space<semaphore_mem>>) src(%dma_wait3A_86 : memref<10000x16xf32, #tpu.memory_space<hbm>>) dst(%arg14 : memref<2000x16xf32, #tpu.memory_space<vmem>>)
      "tpu.region"() ({
        %run_scoped3A_88 = tpu.sem_alloc : memref<!tpu.dma_semaphore, #tpu.memory_space<semaphore_mem>>
        %dma_start3A_89 = arith.constant 0 : i32
        %dma_start3A_90 = arith.constant 0 : i32
        %dma_start3A_91 = tpu.memref_slice %arg10[%dma_start3A_89, %dma_start3A_90] : memref<80512x16xf32, #tpu.memory_space<vmem_shared>> -> memref<80512x16xf32, #tpu.memory_space<vmem_shared>>
        tpu.enqueue_indirect_dma source(%arg14 : memref<2000x16xf32, #tpu.memory_space<vmem>>) target(%dma_start3A_91 : memref<80512x16xf32, #tpu.memory_space<vmem_shared>>) offsets(%arg13 : memref<2000xi32, #tpu.memory_space<vmem>>) semaphore(%run_scoped3A_88 : memref<!tpu.dma_semaphore, #tpu.memory_space<semaphore_mem>>) {add = true}
        %dma_wait3A_92 = arith.constant 0 : i32
        %dma_wait3A_93 = arith.constant 0 : i32
        %dma_wait3A_94 = tpu.memref_slice %arg10[%dma_wait3A_92, %dma_wait3A_93] : memref<80512x16xf32, #tpu.memory_space<vmem_shared>> -> memref<80512x16xf32, #tpu.memory_space<vmem_shared>>
        tpu.wait_indirect_dma semaphore(%run_scoped3A_88 : memref<!tpu.dma_semaphore, #tpu.memory_space<semaphore_mem>>) src(%arg14 : memref<2000x16xf32, #tpu.memory_space<vmem>>) dst(%dma_wait3A_94 : memref<80512x16xf32, #tpu.memory_space<vmem_shared>>)
        tpu.yield
      }) : () -> ()
      %scan3A_87 = arith.constant 0 : i32
      scf.yield %scan3A_87 : i32
    }
    %scan3A_26 = arith.constant 10 : i32
    %barrier3A_27 = arith.constant 0 : index
    tpu.barrier barrier_id(%barrier3A_27)
    %mul3A_28 = arith.constant 5024 : i32
    %mul3A_29 = arith.muli %arg1, %mul3A_28 : i32
    %mul3A_30 = arith.constant 5024 : i32
    %mul3A_31 = arith.muli %arg1, %mul3A_30 : i32
    %add3A_32 = arith.addi %mul3A_2, %mul3A_31 : i32
    %run_scoped3A_33 = arith.constant 1 : i32
    "tpu.region"() ({
      %run_scoped3A_71 = tpu.sem_alloc : memref<!tpu.dma_semaphore, #tpu.memory_space<semaphore_mem>>
      %dma_start3A = arith.constant 0 : i32
      %dma_start3A_72 = tpu.memref_slice %arg9[%run_scoped3A_33, %add3A_32, %dma_start3A] : memref<4x160768x16xf32, #tpu.memory_space<hbm>> -> memref<1x5024x16xf32, #tpu.memory_space<hbm>>
      %dma_start3A_73 = tpu.memref_squeeze %dma_start3A_72 : memref<1x5024x16xf32, #tpu.memory_space<hbm>> -> memref<5024x16xf32, #tpu.memory_space<hbm>>
      %dma_start3A_74 = arith.constant 0 : i32
      %dma_start3A_75 = tpu.memref_slice %arg10[%mul3A_29, %dma_start3A_74] : memref<80512x16xf32, #tpu.memory_space<vmem_shared>> -> memref<5024x16xf32, #tpu.memory_space<vmem_shared>>
      tpu.enqueue_dma source(%dma_start3A_75 : memref<5024x16xf32, #tpu.memory_space<vmem_shared>>) target(%dma_start3A_73 : memref<5024x16xf32, #tpu.memory_space<hbm>>) target_semaphore(%run_scoped3A_71 : memref<!tpu.dma_semaphore, #tpu.memory_space<semaphore_mem>>)
      %dma_wait3A = arith.constant 0 : i32
      %dma_wait3A_76 = tpu.memref_slice %arg9[%run_scoped3A_33, %add3A_32, %dma_wait3A] : memref<4x160768x16xf32, #tpu.memory_space<hbm>> -> memref<1x5024x16xf32, #tpu.memory_space<hbm>>
      %dma_wait3A_77 = tpu.memref_squeeze %dma_wait3A_76 : memref<1x5024x16xf32, #tpu.memory_space<hbm>> -> memref<5024x16xf32, #tpu.memory_space<hbm>>
      %dma_wait3A_78 = arith.constant 0 : i32
      %dma_wait3A_79 = tpu.memref_slice %arg10[%mul3A_29, %dma_wait3A_78] : memref<80512x16xf32, #tpu.memory_space<vmem_shared>> -> memref<5024x16xf32, #tpu.memory_space<vmem_shared>>
      tpu.wait_dma2 semaphore(%run_scoped3A_71 : memref<!tpu.dma_semaphore, #tpu.memory_space<semaphore_mem>>) src(%dma_wait3A_79 : memref<5024x16xf32, #tpu.memory_space<vmem_shared>>) dst(%dma_wait3A_77 : memref<5024x16xf32, #tpu.memory_space<hbm>>)
      tpu.yield
    }) : () -> ()
    %barrier3A_34 = arith.constant 0 : index
    tpu.barrier barrier_id(%barrier3A_34)
    %mul3A_35 = arith.constant 5032 : i32
    %mul3A_36 = arith.muli %arg1, %mul3A_35 : i32
    "tpu.region"() ({
      %run_scoped3A_71 = tpu.sem_alloc : memref<!tpu.dma_semaphore, #tpu.memory_space<semaphore_mem>>
      %dma_start3A = arith.constant 0 : i32
      %dma_start3A_72 = tpu.memref_slice %arg10[%mul3A_36, %dma_start3A] : memref<80512x16xf32, #tpu.memory_space<vmem_shared>> -> memref<5032x16xf32, #tpu.memory_space<vmem_shared>>
      tpu.enqueue_dma source(%arg8 : memref<5032x16xf32, #tpu.memory_space<hbm>>) target(%dma_start3A_72 : memref<5032x16xf32, #tpu.memory_space<vmem_shared>>) target_semaphore(%run_scoped3A_71 : memref<!tpu.dma_semaphore, #tpu.memory_space<semaphore_mem>>)
      %dma_wait3A = arith.constant 0 : i32
      %dma_wait3A_73 = tpu.memref_slice %arg10[%mul3A_36, %dma_wait3A] : memref<80512x16xf32, #tpu.memory_space<vmem_shared>> -> memref<5032x16xf32, #tpu.memory_space<vmem_shared>>
      tpu.wait_dma2 semaphore(%run_scoped3A_71 : memref<!tpu.dma_semaphore, #tpu.memory_space<semaphore_mem>>) src(%arg8 : memref<5032x16xf32, #tpu.memory_space<hbm>>) dst(%dma_wait3A_73 : memref<5032x16xf32, #tpu.memory_space<vmem_shared>>)
      tpu.yield
    }) : () -> ()
    %barrier3A_37 = arith.constant 0 : index
    tpu.barrier barrier_id(%barrier3A_37)
    %scan3A_38 = arith.constant 0 : i32
    %scan3A_39 = arith.constant 0 : i32
    %scan3A_40 = arith.constant 10 : i32
    %scan3A_41 = arith.addi %scan3A_39, %scan3A_40 : i32
    %scan3A_42 = arith.constant 1 : i32
    %scan3A_43 = scf.for %scan3A_71 = %scan3A_39 to %scan3A_41 step %scan3A_42 iter_args(%scan3A_72 = %scan3A_38) -> (i32)  : i32 {
      %mul3A_73 = arith.constant 2000 : i32
      %mul3A_74 = arith.muli %scan3A_71, %mul3A_73 : i32
      %add3A_75 = arith.addi %mul3A_0, %mul3A_74 : i32
      "tpu.region"() ({
        %run_scoped3A_88 = tpu.sem_alloc : memref<!tpu.dma_semaphore, #tpu.memory_space<semaphore_mem>>
        %dma_start3A_89 = tpu.memref_slice %arg6[%add3A_75] : memref<320000xi32, #tpu.memory_space<hbm>> -> memref<2000xi32, #tpu.memory_space<hbm>>
        %dma_start3A_90 = tpu.memref_slice %arg6[%add3A_75] : memref<320000xi32, #tpu.memory_space<hbm>> -> memref<2000xi32, #tpu.memory_space<hbm>>
        tpu.enqueue_dma source(%dma_start3A_90 : memref<2000xi32, #tpu.memory_space<hbm>>) target(%arg11 : memref<2000xi32, #tpu.memory_space<vmem>>) target_semaphore(%run_scoped3A_88 : memref<!tpu.dma_semaphore, #tpu.memory_space<semaphore_mem>>)
        %dma_wait3A_91 = tpu.memref_slice %arg6[%add3A_75] : memref<320000xi32, #tpu.memory_space<hbm>> -> memref<2000xi32, #tpu.memory_space<hbm>>
        %dma_wait3A_92 = tpu.memref_slice %arg6[%add3A_75] : memref<320000xi32, #tpu.memory_space<hbm>> -> memref<2000xi32, #tpu.memory_space<hbm>>
        tpu.wait_dma2 semaphore(%run_scoped3A_88 : memref<!tpu.dma_semaphore, #tpu.memory_space<semaphore_mem>>) src(%dma_wait3A_92 : memref<2000xi32, #tpu.memory_space<hbm>>) dst(%arg11 : memref<2000xi32, #tpu.memory_space<vmem>>)
        tpu.yield
      }) : () -> ()
      "tpu.region"() ({
        %run_scoped3A_88 = tpu.sem_alloc : memref<!tpu.dma_semaphore, #tpu.memory_space<semaphore_mem>>
        %dma_start3A_89 = tpu.memref_slice %arg7[%add3A_75] : memref<320000xi32, #tpu.memory_space<hbm>> -> memref<2000xi32, #tpu.memory_space<hbm>>
        %dma_start3A_90 = tpu.memref_slice %arg7[%add3A_75] : memref<320000xi32, #tpu.memory_space<hbm>> -> memref<2000xi32, #tpu.memory_space<hbm>>
        tpu.enqueue_dma source(%dma_start3A_90 : memref<2000xi32, #tpu.memory_space<hbm>>) target(%arg12 : memref<2000xi32, #tpu.memory_space<vmem>>) target_semaphore(%run_scoped3A_88 : memref<!tpu.dma_semaphore, #tpu.memory_space<semaphore_mem>>)
        %dma_wait3A_91 = tpu.memref_slice %arg7[%add3A_75] : memref<320000xi32, #tpu.memory_space<hbm>> -> memref<2000xi32, #tpu.memory_space<hbm>>
        %dma_wait3A_92 = tpu.memref_slice %arg7[%add3A_75] : memref<320000xi32, #tpu.memory_space<hbm>> -> memref<2000xi32, #tpu.memory_space<hbm>>
        tpu.wait_dma2 semaphore(%run_scoped3A_88 : memref<!tpu.dma_semaphore, #tpu.memory_space<semaphore_mem>>) src(%dma_wait3A_92 : memref<2000xi32, #tpu.memory_space<hbm>>) dst(%arg12 : memref<2000xi32, #tpu.memory_space<vmem>>)
        tpu.yield
      }) : () -> ()
      %dma_start3A = arith.constant 0 : i32
      %dma_start3A_76 = arith.constant 0 : i32
      %dma_start3A_77 = tpu.memref_slice %arg4[%dma_start3A, %dma_start3A_76] : memref<10000x16xf32, #tpu.memory_space<hbm>> -> memref<10000x16xf32, #tpu.memory_space<hbm>>
      tpu.enqueue_indirect_dma source(%dma_start3A_77 : memref<10000x16xf32, #tpu.memory_space<hbm>>) target(%arg14 : memref<2000x16xf32, #tpu.memory_space<vmem>>) offsets(%arg11 : memref<2000xi32, #tpu.memory_space<vmem>>) semaphore(%arg15 : memref<!tpu.dma_semaphore, #tpu.memory_space<semaphore_mem>>)
      %scan3A_78 = arith.constant 0 : i32
      %scan3A_79 = arith.constant 0 : i32
      %scan3A_80 = arith.constant 125 : i32
      %scan3A_81 = arith.addi %scan3A_79, %scan3A_80 : i32
      %scan3A_82 = arith.constant 1 : i32
      %scan3A_83 = scf.for %scan3A_88 = %scan3A_79 to %scan3A_81 step %scan3A_82 iter_args(%scan3A_89 = %scan3A_78) -> (i32)  : i32 {
        %mul3A_90 = arith.constant 16 : i32
        %mul3A_91 = arith.muli %scan3A_88, %mul3A_90 : i32
        %get3A = arith.index_cast %mul3A_91 : i32 to index
        %get3A_92 = tpu.vector_load %arg12[%get3A] {strides = array<i32>} : memref<2000xi32, #tpu.memory_space<vmem>>, vector<16xi32>,
        %get3A_93 = vector.shape_cast %get3A_92 : vector<16xi32> to vector<16xi32>
        %sub3A = vector.broadcast %mul3A_2 : i32 to vector<16xi32>
        %sub3A_94 = arith.subi %get3A_93, %sub3A : vector<16xi32>
        %ge3A = arith.constant 0 : i32
        %ge3A_95 = vector.broadcast %ge3A : i32 to vector<16xi32>
        %ge3A_96 = arith.cmpi sge, %sub3A_94, %ge3A_95 : vector<16xi32>
        %lt3A = arith.constant 80384 : i32
        %lt3A_97 = vector.broadcast %lt3A : i32 to vector<16xi32>
        %lt3A_98 = arith.cmpi slt, %sub3A_94, %lt3A_97 : vector<16xi32>
        %and3A = arith.andi %ge3A_96, %lt3A_98 : vector<16xi1>
        %jit3A = arith.constant 80384 : i32
        %broadcast_in_dim3A = vector.broadcast %jit3A : i32 to vector<16xi32>
        %select_n3A = arith.select %and3A, %sub3A_94, %broadcast_in_dim3A : vector<16xi1>, vector<16xi32>
        %mul3A_99 = arith.constant 16 : i32
        %mul3A_100 = arith.muli %scan3A_88, %mul3A_99 : i32
        %swap3A = arith.index_cast %mul3A_100 : i32 to index
        %swap3A_101 = tpu.vector_load %arg13[%swap3A] {strides = array<i32>} : memref<2000xi32, #tpu.memory_space<vmem>>, vector<16xi32>,
        %swap3A_102 = vector.shape_cast %swap3A_101 : vector<16xi32> to vector<16xi32>
        %swap3A_103 = vector.shape_cast %select_n3A : vector<16xi32> to vector<16xi32>
        tpu.vector_store %arg13[%swap3A], %swap3A_103 {strides = array<i32>} : memref<2000xi32, #tpu.memory_space<vmem>>, vector<16xi32>,
        %scan3A_104 = arith.constant 0 : i32
        scf.yield %scan3A_104 : i32
      }
      %scan3A_84 = arith.constant 125 : i32
      %dma_wait3A = arith.constant 0 : i32
      %dma_wait3A_85 = arith.constant 0 : i32
      %dma_wait3A_86 = tpu.memref_slice %arg4[%dma_wait3A, %dma_wait3A_85] : memref<10000x16xf32, #tpu.memory_space<hbm>> -> memref<10000x16xf32, #tpu.memory_space<hbm>>
      tpu.wait_indirect_dma semaphore(%arg15 : memref<!tpu.dma_semaphore, #tpu.memory_space<semaphore_mem>>) src(%dma_wait3A_86 : memref<10000x16xf32, #tpu.memory_space<hbm>>) dst(%arg14 : memref<2000x16xf32, #tpu.memory_space<vmem>>)
      "tpu.region"() ({
        %run_scoped3A_88 = tpu.sem_alloc : memref<!tpu.dma_semaphore, #tpu.memory_space<semaphore_mem>>
        %dma_start3A_89 = arith.constant 0 : i32
        %dma_start3A_90 = arith.constant 0 : i32
        %dma_start3A_91 = tpu.memref_slice %arg10[%dma_start3A_89, %dma_start3A_90] : memref<80512x16xf32, #tpu.memory_space<vmem_shared>> -> memref<80512x16xf32, #tpu.memory_space<vmem_shared>>
        tpu.enqueue_indirect_dma source(%arg14 : memref<2000x16xf32, #tpu.memory_space<vmem>>) target(%dma_start3A_91 : memref<80512x16xf32, #tpu.memory_space<vmem_shared>>) offsets(%arg13 : memref<2000xi32, #tpu.memory_space<vmem>>) semaphore(%run_scoped3A_88 : memref<!tpu.dma_semaphore, #tpu.memory_space<semaphore_mem>>) {add = true}
        %dma_wait3A_92 = arith.constant 0 : i32
        %dma_wait3A_93 = arith.constant 0 : i32
        %dma_wait3A_94 = tpu.memref_slice %arg10[%dma_wait3A_92, %dma_wait3A_93] : memref<80512x16xf32, #tpu.memory_space<vmem_shared>> -> memref<80512x16xf32, #tpu.memory_space<vmem_shared>>
        tpu.wait_indirect_dma semaphore(%run_scoped3A_88 : memref<!tpu.dma_semaphore, #tpu.memory_space<semaphore_mem>>) src(%arg14 : memref<2000x16xf32, #tpu.memory_space<vmem>>) dst(%dma_wait3A_94 : memref<80512x16xf32, #tpu.memory_space<vmem_shared>>)
        tpu.yield
      }) : () -> ()
      %scan3A_87 = arith.constant 0 : i32
      scf.yield %scan3A_87 : i32
    }
    %scan3A_44 = arith.constant 10 : i32
    %barrier3A_45 = arith.constant 0 : index
    tpu.barrier barrier_id(%barrier3A_45)
    %mul3A_46 = arith.constant 5024 : i32
    %mul3A_47 = arith.muli %arg1, %mul3A_46 : i32
    %mul3A_48 = arith.constant 5024 : i32
    %mul3A_49 = arith.muli %arg1, %mul3A_48 : i32
    %add3A_50 = arith.addi %mul3A_2, %mul3A_49 : i32
    %run_scoped3A_51 = arith.constant 2 : i32
    "tpu.region"() ({
      %run_scoped3A_71 = tpu.sem_alloc : memref<!tpu.dma_semaphore, #tpu.memory_space<semaphore_mem>>
      %dma_start3A = arith.constant 0 : i32
      %dma_start3A_72 = tpu.memref_slice %arg9[%run_scoped3A_51, %add3A_50, %dma_start3A] : memref<4x160768x16xf32, #tpu.memory_space<hbm>> -> memref<1x5024x16xf32, #tpu.memory_space<hbm>>
      %dma_start3A_73 = tpu.memref_squeeze %dma_start3A_72 : memref<1x5024x16xf32, #tpu.memory_space<hbm>> -> memref<5024x16xf32, #tpu.memory_space<hbm>>
      %dma_start3A_74 = arith.constant 0 : i32
      %dma_start3A_75 = tpu.memref_slice %arg10[%mul3A_47, %dma_start3A_74] : memref<80512x16xf32, #tpu.memory_space<vmem_shared>> -> memref<5024x16xf32, #tpu.memory_space<vmem_shared>>
      tpu.enqueue_dma source(%dma_start3A_75 : memref<5024x16xf32, #tpu.memory_space<vmem_shared>>) target(%dma_start3A_73 : memref<5024x16xf32, #tpu.memory_space<hbm>>) target_semaphore(%run_scoped3A_71 : memref<!tpu.dma_semaphore, #tpu.memory_space<semaphore_mem>>)
      %dma_wait3A = arith.constant 0 : i32
      %dma_wait3A_76 = tpu.memref_slice %arg9[%run_scoped3A_51, %add3A_50, %dma_wait3A] : memref<4x160768x16xf32, #tpu.memory_space<hbm>> -> memref<1x5024x16xf32, #tpu.memory_space<hbm>>
      %dma_wait3A_77 = tpu.memref_squeeze %dma_wait3A_76 : memref<1x5024x16xf32, #tpu.memory_space<hbm>> -> memref<5024x16xf32, #tpu.memory_space<hbm>>
      %dma_wait3A_78 = arith.constant 0 : i32
      %dma_wait3A_79 = tpu.memref_slice %arg10[%mul3A_47, %dma_wait3A_78] : memref<80512x16xf32, #tpu.memory_space<vmem_shared>> -> memref<5024x16xf32, #tpu.memory_space<vmem_shared>>
      tpu.wait_dma2 semaphore(%run_scoped3A_71 : memref<!tpu.dma_semaphore, #tpu.memory_space<semaphore_mem>>) src(%dma_wait3A_79 : memref<5024x16xf32, #tpu.memory_space<vmem_shared>>) dst(%dma_wait3A_77 : memref<5024x16xf32, #tpu.memory_space<hbm>>)
      tpu.yield
    }) : () -> ()
    %barrier3A_52 = arith.constant 0 : index
    tpu.barrier barrier_id(%barrier3A_52)
    %mul3A_53 = arith.constant 5032 : i32
    %mul3A_54 = arith.muli %arg1, %mul3A_53 : i32
    "tpu.region"() ({
      %run_scoped3A_71 = tpu.sem_alloc : memref<!tpu.dma_semaphore, #tpu.memory_space<semaphore_mem>>
      %dma_start3A = arith.constant 0 : i32
      %dma_start3A_72 = tpu.memref_slice %arg10[%mul3A_54, %dma_start3A] : memref<80512x16xf32, #tpu.memory_space<vmem_shared>> -> memref<5032x16xf32, #tpu.memory_space<vmem_shared>>
      tpu.enqueue_dma source(%arg8 : memref<5032x16xf32, #tpu.memory_space<hbm>>) target(%dma_start3A_72 : memref<5032x16xf32, #tpu.memory_space<vmem_shared>>) target_semaphore(%run_scoped3A_71 : memref<!tpu.dma_semaphore, #tpu.memory_space<semaphore_mem>>)
      %dma_wait3A = arith.constant 0 : i32
      %dma_wait3A_73 = tpu.memref_slice %arg10[%mul3A_54, %dma_wait3A] : memref<80512x16xf32, #tpu.memory_space<vmem_shared>> -> memref<5032x16xf32, #tpu.memory_space<vmem_shared>>
      tpu.wait_dma2 semaphore(%run_scoped3A_71 : memref<!tpu.dma_semaphore, #tpu.memory_space<semaphore_mem>>) src(%arg8 : memref<5032x16xf32, #tpu.memory_space<hbm>>) dst(%dma_wait3A_73 : memref<5032x16xf32, #tpu.memory_space<vmem_shared>>)
      tpu.yield
    }) : () -> ()
    %barrier3A_55 = arith.constant 0 : index
    tpu.barrier barrier_id(%barrier3A_55)
    %scan3A_56 = arith.constant 0 : i32
    %scan3A_57 = arith.constant 0 : i32
    %scan3A_58 = arith.constant 10 : i32
    %scan3A_59 = arith.addi %scan3A_57, %scan3A_58 : i32
    %scan3A_60 = arith.constant 1 : i32
    %scan3A_61 = scf.for %scan3A_71 = %scan3A_57 to %scan3A_59 step %scan3A_60 iter_args(%scan3A_72 = %scan3A_56) -> (i32)  : i32 {
      %mul3A_73 = arith.constant 2000 : i32
      %mul3A_74 = arith.muli %scan3A_71, %mul3A_73 : i32
      %add3A_75 = arith.addi %mul3A_0, %mul3A_74 : i32
      "tpu.region"() ({
        %run_scoped3A_88 = tpu.sem_alloc : memref<!tpu.dma_semaphore, #tpu.memory_space<semaphore_mem>>
        %dma_start3A_89 = tpu.memref_slice %arg6[%add3A_75] : memref<320000xi32, #tpu.memory_space<hbm>> -> memref<2000xi32, #tpu.memory_space<hbm>>
        %dma_start3A_90 = tpu.memref_slice %arg6[%add3A_75] : memref<320000xi32, #tpu.memory_space<hbm>> -> memref<2000xi32, #tpu.memory_space<hbm>>
        tpu.enqueue_dma source(%dma_start3A_90 : memref<2000xi32, #tpu.memory_space<hbm>>) target(%arg11 : memref<2000xi32, #tpu.memory_space<vmem>>) target_semaphore(%run_scoped3A_88 : memref<!tpu.dma_semaphore, #tpu.memory_space<semaphore_mem>>)
        %dma_wait3A_91 = tpu.memref_slice %arg6[%add3A_75] : memref<320000xi32, #tpu.memory_space<hbm>> -> memref<2000xi32, #tpu.memory_space<hbm>>
        %dma_wait3A_92 = tpu.memref_slice %arg6[%add3A_75] : memref<320000xi32, #tpu.memory_space<hbm>> -> memref<2000xi32, #tpu.memory_space<hbm>>
        tpu.wait_dma2 semaphore(%run_scoped3A_88 : memref<!tpu.dma_semaphore, #tpu.memory_space<semaphore_mem>>) src(%dma_wait3A_92 : memref<2000xi32, #tpu.memory_space<hbm>>) dst(%arg11 : memref<2000xi32, #tpu.memory_space<vmem>>)
        tpu.yield
      }) : () -> ()
      "tpu.region"() ({
        %run_scoped3A_88 = tpu.sem_alloc : memref<!tpu.dma_semaphore, #tpu.memory_space<semaphore_mem>>
        %dma_start3A_89 = tpu.memref_slice %arg7[%add3A_75] : memref<320000xi32, #tpu.memory_space<hbm>> -> memref<2000xi32, #tpu.memory_space<hbm>>
        %dma_start3A_90 = tpu.memref_slice %arg7[%add3A_75] : memref<320000xi32, #tpu.memory_space<hbm>> -> memref<2000xi32, #tpu.memory_space<hbm>>
        tpu.enqueue_dma source(%dma_start3A_90 : memref<2000xi32, #tpu.memory_space<hbm>>) target(%arg12 : memref<2000xi32, #tpu.memory_space<vmem>>) target_semaphore(%run_scoped3A_88 : memref<!tpu.dma_semaphore, #tpu.memory_space<semaphore_mem>>)
        %dma_wait3A_91 = tpu.memref_slice %arg7[%add3A_75] : memref<320000xi32, #tpu.memory_space<hbm>> -> memref<2000xi32, #tpu.memory_space<hbm>>
        %dma_wait3A_92 = tpu.memref_slice %arg7[%add3A_75] : memref<320000xi32, #tpu.memory_space<hbm>> -> memref<2000xi32, #tpu.memory_space<hbm>>
        tpu.wait_dma2 semaphore(%run_scoped3A_88 : memref<!tpu.dma_semaphore, #tpu.memory_space<semaphore_mem>>) src(%dma_wait3A_92 : memref<2000xi32, #tpu.memory_space<hbm>>) dst(%arg12 : memref<2000xi32, #tpu.memory_space<vmem>>)
        tpu.yield
      }) : () -> ()
      %dma_start3A = arith.constant 0 : i32
      %dma_start3A_76 = arith.constant 0 : i32
      %dma_start3A_77 = tpu.memref_slice %arg5[%dma_start3A, %dma_start3A_76] : memref<10000x16xf32, #tpu.memory_space<hbm>> -> memref<10000x16xf32, #tpu.memory_space<hbm>>
      tpu.enqueue_indirect_dma source(%dma_start3A_77 : memref<10000x16xf32, #tpu.memory_space<hbm>>) target(%arg14 : memref<2000x16xf32, #tpu.memory_space<vmem>>) offsets(%arg11 : memref<2000xi32, #tpu.memory_space<vmem>>) semaphore(%arg15 : memref<!tpu.dma_semaphore, #tpu.memory_space<semaphore_mem>>)
      %scan3A_78 = arith.constant 0 : i32
      %scan3A_79 = arith.constant 0 : i32
      %scan3A_80 = arith.constant 125 : i32
      %scan3A_81 = arith.addi %scan3A_79, %scan3A_80 : i32
      %scan3A_82 = arith.constant 1 : i32
      %scan3A_83 = scf.for %scan3A_88 = %scan3A_79 to %scan3A_81 step %scan3A_82 iter_args(%scan3A_89 = %scan3A_78) -> (i32)  : i32 {
        %mul3A_90 = arith.constant 16 : i32
        %mul3A_91 = arith.muli %scan3A_88, %mul3A_90 : i32
        %get3A = arith.index_cast %mul3A_91 : i32 to index
        %get3A_92 = tpu.vector_load %arg12[%get3A] {strides = array<i32>} : memref<2000xi32, #tpu.memory_space<vmem>>, vector<16xi32>,
        %get3A_93 = vector.shape_cast %get3A_92 : vector<16xi32> to vector<16xi32>
        %sub3A = vector.broadcast %mul3A_2 : i32 to vector<16xi32>
        %sub3A_94 = arith.subi %get3A_93, %sub3A : vector<16xi32>
        %ge3A = arith.constant 0 : i32
        %ge3A_95 = vector.broadcast %ge3A : i32 to vector<16xi32>
        %ge3A_96 = arith.cmpi sge, %sub3A_94, %ge3A_95 : vector<16xi32>
        %lt3A = arith.constant 80384 : i32
        %lt3A_97 = vector.broadcast %lt3A : i32 to vector<16xi32>
        %lt3A_98 = arith.cmpi slt, %sub3A_94, %lt3A_97 : vector<16xi32>
        %and3A = arith.andi %ge3A_96, %lt3A_98 : vector<16xi1>
        %jit3A = arith.constant 80384 : i32
        %broadcast_in_dim3A = vector.broadcast %jit3A : i32 to vector<16xi32>
        %select_n3A = arith.select %and3A, %sub3A_94, %broadcast_in_dim3A : vector<16xi1>, vector<16xi32>
        %mul3A_99 = arith.constant 16 : i32
        %mul3A_100 = arith.muli %scan3A_88, %mul3A_99 : i32
        %swap3A = arith.index_cast %mul3A_100 : i32 to index
        %swap3A_101 = tpu.vector_load %arg13[%swap3A] {strides = array<i32>} : memref<2000xi32, #tpu.memory_space<vmem>>, vector<16xi32>,
        %swap3A_102 = vector.shape_cast %swap3A_101 : vector<16xi32> to vector<16xi32>
        %swap3A_103 = vector.shape_cast %select_n3A : vector<16xi32> to vector<16xi32>
        tpu.vector_store %arg13[%swap3A], %swap3A_103 {strides = array<i32>} : memref<2000xi32, #tpu.memory_space<vmem>>, vector<16xi32>,
        %scan3A_104 = arith.constant 0 : i32
        scf.yield %scan3A_104 : i32
      }
      %scan3A_84 = arith.constant 125 : i32
      %dma_wait3A = arith.constant 0 : i32
      %dma_wait3A_85 = arith.constant 0 : i32
      %dma_wait3A_86 = tpu.memref_slice %arg5[%dma_wait3A, %dma_wait3A_85] : memref<10000x16xf32, #tpu.memory_space<hbm>> -> memref<10000x16xf32, #tpu.memory_space<hbm>>
      tpu.wait_indirect_dma semaphore(%arg15 : memref<!tpu.dma_semaphore, #tpu.memory_space<semaphore_mem>>) src(%dma_wait3A_86 : memref<10000x16xf32, #tpu.memory_space<hbm>>) dst(%arg14 : memref<2000x16xf32, #tpu.memory_space<vmem>>)
      "tpu.region"() ({
        %run_scoped3A_88 = tpu.sem_alloc : memref<!tpu.dma_semaphore, #tpu.memory_space<semaphore_mem>>
        %dma_start3A_89 = arith.constant 0 : i32
        %dma_start3A_90 = arith.constant 0 : i32
        %dma_start3A_91 = tpu.memref_slice %arg10[%dma_start3A_89, %dma_start3A_90] : memref<80512x16xf32, #tpu.memory_space<vmem_shared>> -> memref<80512x16xf32, #tpu.memory_space<vmem_shared>>
        tpu.enqueue_indirect_dma source(%arg14 : memref<2000x16xf32, #tpu.memory_space<vmem>>) target(%dma_start3A_91 : memref<80512x16xf32, #tpu.memory_space<vmem_shared>>) offsets(%arg13 : memref<2000xi32, #tpu.memory_space<vmem>>) semaphore(%run_scoped3A_88 : memref<!tpu.dma_semaphore, #tpu.memory_space<semaphore_mem>>) {add = true}
        %dma_wait3A_92 = arith.constant 0 : i32
        %dma_wait3A_93 = arith.constant 0 : i32
        %dma_wait3A_94 = tpu.memref_slice %arg10[%dma_wait3A_92, %dma_wait3A_93] : memref<80512x16xf32, #tpu.memory_space<vmem_shared>> -> memref<80512x16xf32, #tpu.memory_space<vmem_shared>>
        tpu.wait_indirect_dma semaphore(%run_scoped3A_88 : memref<!tpu.dma_semaphore, #tpu.memory_space<semaphore_mem>>) src(%arg14 : memref<2000x16xf32, #tpu.memory_space<vmem>>) dst(%dma_wait3A_94 : memref<80512x16xf32, #tpu.memory_space<vmem_shared>>)
        tpu.yield
      }) : () -> ()
      %scan3A_87 = arith.constant 0 : i32
      scf.yield %scan3A_87 : i32
    }
    %scan3A_62 = arith.constant 10 : i32
    %barrier3A_63 = arith.constant 0 : index
    tpu.barrier barrier_id(%barrier3A_63)
    %mul3A_64 = arith.constant 5024 : i32
    %mul3A_65 = arith.muli %arg1, %mul3A_64 : i32
    %mul3A_66 = arith.constant 5024 : i32
    %mul3A_67 = arith.muli %arg1, %mul3A_66 : i32
    %add3A_68 = arith.addi %mul3A_2, %mul3A_67 : i32
    %run_scoped3A_69 = arith.constant 3 : i32
    "tpu.region"() ({
      %run_scoped3A_71 = tpu.sem_alloc : memref<!tpu.dma_semaphore, #tpu.memory_space<semaphore_mem>>
      %dma_start3A = arith.constant 0 : i32
      %dma_start3A_72 = tpu.memref_slice %arg9[%run_scoped3A_69, %add3A_68, %dma_start3A] : memref<4x160768x16xf32, #tpu.memory_space<hbm>> -> memref<1x5024x16xf32, #tpu.memory_space<hbm>>
      %dma_start3A_73 = tpu.memref_squeeze %dma_start3A_72 : memref<1x5024x16xf32, #tpu.memory_space<hbm>> -> memref<5024x16xf32, #tpu.memory_space<hbm>>
      %dma_start3A_74 = arith.constant 0 : i32
      %dma_start3A_75 = tpu.memref_slice %arg10[%mul3A_65, %dma_start3A_74] : memref<80512x16xf32, #tpu.memory_space<vmem_shared>> -> memref<5024x16xf32, #tpu.memory_space<vmem_shared>>
      tpu.enqueue_dma source(%dma_start3A_75 : memref<5024x16xf32, #tpu.memory_space<vmem_shared>>) target(%dma_start3A_73 : memref<5024x16xf32, #tpu.memory_space<hbm>>) target_semaphore(%run_scoped3A_71 : memref<!tpu.dma_semaphore, #tpu.memory_space<semaphore_mem>>)
      %dma_wait3A = arith.constant 0 : i32
      %dma_wait3A_76 = tpu.memref_slice %arg9[%run_scoped3A_69, %add3A_68, %dma_wait3A] : memref<4x160768x16xf32, #tpu.memory_space<hbm>> -> memref<1x5024x16xf32, #tpu.memory_space<hbm>>
      %dma_wait3A_77 = tpu.memref_squeeze %dma_wait3A_76 : memref<1x5024x16xf32, #tpu.memory_space<hbm>> -> memref<5024x16xf32, #tpu.memory_space<hbm>>
      %dma_wait3A_78 = arith.constant 0 : i32
      %dma_wait3A_79 = tpu.memref_slice %arg10[%mul3A_65, %dma_wait3A_78] : memref<80512x16xf32, #tpu.memory_space<vmem_shared>> -> memref<5024x16xf32, #tpu.memory_space<vmem_shared>>
      tpu.wait_dma2 semaphore(%run_scoped3A_71 : memref<!tpu.dma_semaphore, #tpu.memory_space<semaphore_mem>>) src(%dma_wait3A_79 : memref<5024x16xf32, #tpu.memory_space<vmem_shared>>) dst(%dma_wait3A_77 : memref<5024x16xf32, #tpu.memory_space<hbm>>)
      tpu.yield
    }) : () -> ()
    %barrier3A_70 = arith.constant 0 : index
    tpu.barrier barrier_id(%barrier3A_70)
    return
  }
}

module attributes {stable_mosaic.version = 14 : i64} {
  func.func @body(%arg0: i32, %arg1: memref<512x64xf32, #tpu.memory_space<vmem>>, %arg2: memref<64x64xf32, #tpu.memory_space<vmem>>, %arg3: memref<1x64xf32, #tpu.memory_space<vmem>>, %arg4: memref<512x64xf32, #tpu.memory_space<vmem>>) attributes {dimension_semantics = [#tpu.dimension_semantics<arbitrary>], iteration_bounds = array<i64: 20>, scalar_prefetch = 0 : i64, scratch_operands = 0 : i64, tpu.core_type = #tpu.core_type<tc>, window_params = [{transform_indices = @transform_0, window_bounds = array<i64: 512, 64>}, {pipeline_mode = #tpu.pipeline_mode<synchronous>, transform_indices = @transform_1, window_bounds = array<i64: 64, 64>}, {pipeline_mode = #tpu.pipeline_mode<synchronous>, transform_indices = @transform_2, window_bounds = array<i64: 1, 64>}, {transform_indices = @transform_3, window_bounds = array<i64: 512, 64>}]} {
    %get3A = arith.constant 0 : index
    %get3A_0 = arith.constant 0 : index
    %get3A_1 = vector.load %arg1[%get3A, %get3A_0] : memref<512x64xf32, #tpu.memory_space<vmem>>, vector<512x64xf32>
    %get3A_2 = arith.constant 0 : index
    %get3A_3 = arith.constant 0 : index
    %get3A_4 = vector.load %arg2[%get3A_2, %get3A_3] : memref<64x64xf32, #tpu.memory_space<vmem>>, vector<64x64xf32>
    %dot_general3A = arith.constant dense<0.000000e+00> : vector<512x64xf32>
    %dot_general3A_5 = tpu.matmul %get3A_1, %get3A_4, %dot_general3A {dimension_numbers = #tpu.dot_dimension_numbers<[1], [0], [0], [1], [0, 0, 1, 1], [], []>, transpose_lhs_hint = false} : vector<512x64xf32>, vector<64x64xf32>, vector<512x64xf32> -> vector<512x64xf32>
    %get3A_6 = arith.constant 0 : index
    %get3A_7 = arith.constant 0 : index
    %get3A_8 = vector.load %arg3[%get3A_6, %get3A_7] : memref<1x64xf32, #tpu.memory_space<vmem>>, vector<1x64xf32>
    %add3A = vector.broadcast %get3A_8 : vector<1x64xf32> to vector<512x64xf32>
    %add3A_9 = arith.addf %dot_general3A_5, %add3A : vector<512x64xf32>
    %swap3A = arith.constant 0 : index
    %swap3A_10 = arith.constant 0 : index
    %swap3A_11 = vector.load %arg4[%swap3A, %swap3A_10] : memref<512x64xf32, #tpu.memory_space<vmem>>, vector<512x64xf32>
    tpu.vector_store %arg4[%swap3A, %swap3A_10], %add3A_9 {strides = array<i32>} : memref<512x64xf32, #tpu.memory_space<vmem>>, vector<512x64xf32>,
    return
  }
  func.func @transform_0(%arg0: i32) -> (i32, i32) {
    %c0_i32 = arith.constant 0 : i32
    %c0_i32_0 = arith.constant 0 : i32
    return %arg0, %c0_i32 : i32, i32
  }
  func.func @transform_1(%arg0: i32) -> (i32, i32) {
    %c0_i32 = arith.constant 0 : i32
    %c0_i32_0 = arith.constant 0 : i32
    %c0_i32_1 = arith.constant 0 : i32
    return %c0_i32, %c0_i32_0 : i32, i32
  }
  func.func @transform_2(%arg0: i32) -> (i32, i32) {
    %c0_i32 = arith.constant 0 : i32
    %c0_i32_0 = arith.constant 0 : i32
    %c0_i32_1 = arith.constant 0 : i32
    return %c0_i32, %c0_i32_0 : i32, i32
  }
  func.func @transform_3(%arg0: i32) -> (i32, i32) {
    %c0_i32 = arith.constant 0 : i32
    %c0_i32_0 = arith.constant 0 : i32
    return %arg0, %c0_i32 : i32, i32
  }
}

module attributes {stable_mosaic.version = 14 : i64} {
  func.func @body(%arg0: i32, %arg1: memref<512x128xf32, #tpu.memory_space<vmem>>, %arg2: memref<128x64xf32, #tpu.memory_space<vmem>>, %arg3: memref<1x64xf32, #tpu.memory_space<vmem>>, %arg4: memref<512x64xf32, #tpu.memory_space<vmem>>) attributes {dimension_semantics = [#tpu.dimension_semantics<arbitrary>], iteration_bounds = array<i64: 20>, scalar_prefetch = 0 : i64, scratch_operands = 0 : i64, tpu.core_type = #tpu.core_type<tc>, window_params = [{transform_indices = @transform_0, window_bounds = array<i64: 512, 128>}, {pipeline_mode = #tpu.pipeline_mode<synchronous>, transform_indices = @transform_1, window_bounds = array<i64: 128, 64>}, {pipeline_mode = #tpu.pipeline_mode<synchronous>, transform_indices = @transform_2, window_bounds = array<i64: 1, 64>}, {transform_indices = @transform_3, window_bounds = array<i64: 512, 64>}]} {
    %get3A = arith.constant 0 : index
    %get3A_0 = arith.constant 0 : index
    %get3A_1 = vector.load %arg1[%get3A, %get3A_0] : memref<512x128xf32, #tpu.memory_space<vmem>>, vector<512x128xf32>
    %get3A_2 = arith.constant 0 : index
    %get3A_3 = arith.constant 0 : index
    %get3A_4 = vector.load %arg2[%get3A_2, %get3A_3] : memref<128x64xf32, #tpu.memory_space<vmem>>, vector<128x64xf32>
    %dot_general3A = arith.constant dense<0.000000e+00> : vector<512x64xf32>
    %dot_general3A_5 = tpu.matmul %get3A_1, %get3A_4, %dot_general3A {dimension_numbers = #tpu.dot_dimension_numbers<[1], [0], [0], [1], [0, 0, 1, 1], [], []>, transpose_lhs_hint = false} : vector<512x128xf32>, vector<128x64xf32>, vector<512x64xf32> -> vector<512x64xf32>
    %get3A_6 = arith.constant 0 : index
    %get3A_7 = arith.constant 0 : index
    %get3A_8 = vector.load %arg3[%get3A_6, %get3A_7] : memref<1x64xf32, #tpu.memory_space<vmem>>, vector<1x64xf32>
    %add3A = vector.broadcast %get3A_8 : vector<1x64xf32> to vector<512x64xf32>
    %add3A_9 = arith.addf %dot_general3A_5, %add3A : vector<512x64xf32>
    %swap3A = arith.constant 0 : index
    %swap3A_10 = arith.constant 0 : index
    %swap3A_11 = vector.load %arg4[%swap3A, %swap3A_10] : memref<512x64xf32, #tpu.memory_space<vmem>>, vector<512x64xf32>
    tpu.vector_store %arg4[%swap3A, %swap3A_10], %add3A_9 {strides = array<i32>} : memref<512x64xf32, #tpu.memory_space<vmem>>, vector<512x64xf32>,
    return
  }
  func.func @transform_0(%arg0: i32) -> (i32, i32) {
    %c0_i32 = arith.constant 0 : i32
    %c0_i32_0 = arith.constant 0 : i32
    return %arg0, %c0_i32 : i32, i32
  }
  func.func @transform_1(%arg0: i32) -> (i32, i32) {
    %c0_i32 = arith.constant 0 : i32
    %c0_i32_0 = arith.constant 0 : i32
    %c0_i32_1 = arith.constant 0 : i32
    return %c0_i32, %c0_i32_0 : i32, i32
  }
  func.func @transform_2(%arg0: i32) -> (i32, i32) {
    %c0_i32 = arith.constant 0 : i32
    %c0_i32_0 = arith.constant 0 : i32
    %c0_i32_1 = arith.constant 0 : i32
    return %c0_i32, %c0_i32_0 : i32, i32
  }
  func.func @transform_3(%arg0: i32) -> (i32, i32) {
    %c0_i32 = arith.constant 0 : i32
    %c0_i32_0 = arith.constant 0 : i32
    return %arg0, %c0_i32 : i32, i32
  }
}

module attributes {stable_mosaic.version = 14 : i64} {
  func.func @body(%arg0: i32, %arg1: memref<512x128xf32, #tpu.memory_space<vmem>>, %arg2: memref<128x64xf32, #tpu.memory_space<vmem>>, %arg3: memref<1x64xf32, #tpu.memory_space<vmem>>, %arg4: memref<512x64xf32, #tpu.memory_space<vmem>>) attributes {dimension_semantics = [#tpu.dimension_semantics<arbitrary>], iteration_bounds = array<i64: 313>, scalar_prefetch = 0 : i64, scratch_operands = 0 : i64, tpu.core_type = #tpu.core_type<tc>, window_params = [{transform_indices = @transform_0, window_bounds = array<i64: 512, 128>}, {pipeline_mode = #tpu.pipeline_mode<synchronous>, transform_indices = @transform_1, window_bounds = array<i64: 128, 64>}, {pipeline_mode = #tpu.pipeline_mode<synchronous>, transform_indices = @transform_2, window_bounds = array<i64: 1, 64>}, {transform_indices = @transform_3, window_bounds = array<i64: 512, 64>}]} {
    %get3A = arith.constant 0 : index
    %get3A_0 = arith.constant 0 : index
    %get3A_1 = vector.load %arg1[%get3A, %get3A_0] : memref<512x128xf32, #tpu.memory_space<vmem>>, vector<512x128xf32>
    %get3A_2 = arith.constant 0 : index
    %get3A_3 = arith.constant 0 : index
    %get3A_4 = vector.load %arg2[%get3A_2, %get3A_3] : memref<128x64xf32, #tpu.memory_space<vmem>>, vector<128x64xf32>
    %dot_general3A = arith.constant dense<0.000000e+00> : vector<512x64xf32>
    %dot_general3A_5 = tpu.matmul %get3A_1, %get3A_4, %dot_general3A {dimension_numbers = #tpu.dot_dimension_numbers<[1], [0], [0], [1], [0, 0, 1, 1], [], []>, transpose_lhs_hint = false} : vector<512x128xf32>, vector<128x64xf32>, vector<512x64xf32> -> vector<512x64xf32>
    %get3A_6 = arith.constant 0 : index
    %get3A_7 = arith.constant 0 : index
    %get3A_8 = vector.load %arg3[%get3A_6, %get3A_7] : memref<1x64xf32, #tpu.memory_space<vmem>>, vector<1x64xf32>
    %add3A = vector.broadcast %get3A_8 : vector<1x64xf32> to vector<512x64xf32>
    %add3A_9 = arith.addf %dot_general3A_5, %add3A : vector<512x64xf32>
    %swap3A = arith.constant 0 : index
    %swap3A_10 = arith.constant 0 : index
    %swap3A_11 = vector.load %arg4[%swap3A, %swap3A_10] : memref<512x64xf32, #tpu.memory_space<vmem>>, vector<512x64xf32>
    tpu.vector_store %arg4[%swap3A, %swap3A_10], %add3A_9 {strides = array<i32>} : memref<512x64xf32, #tpu.memory_space<vmem>>, vector<512x64xf32>,
    return
  }
  func.func @transform_0(%arg0: i32) -> (i32, i32) {
    %c0_i32 = arith.constant 0 : i32
    %c0_i32_0 = arith.constant 0 : i32
    return %arg0, %c0_i32 : i32, i32
  }
  func.func @transform_1(%arg0: i32) -> (i32, i32) {
    %c0_i32 = arith.constant 0 : i32
    %c0_i32_0 = arith.constant 0 : i32
    %c0_i32_1 = arith.constant 0 : i32
    return %c0_i32, %c0_i32_0 : i32, i32
  }
  func.func @transform_2(%arg0: i32) -> (i32, i32) {
    %c0_i32 = arith.constant 0 : i32
    %c0_i32_0 = arith.constant 0 : i32
    %c0_i32_1 = arith.constant 0 : i32
    return %c0_i32, %c0_i32_0 : i32, i32
  }
  func.func @transform_3(%arg0: i32) -> (i32, i32) {
    %c0_i32 = arith.constant 0 : i32
    %c0_i32_0 = arith.constant 0 : i32
    return %arg0, %c0_i32 : i32, i32
  }
}

module attributes {stable_mosaic.version = 14 : i64} {
  func.func @body(%arg0: i32, %arg1: memref<4x512x16xf32, #tpu.memory_space<vmem>>, %arg2: memref<512x16xf32, #tpu.memory_space<vmem>>, %arg3: memref<512x64xf32, #tpu.memory_space<vmem>>, %arg4: memref<64x64xf32, #tpu.memory_space<vmem>>, %arg5: memref<1x64xf32, #tpu.memory_space<vmem>>, %arg6: memref<512x64xf32, #tpu.memory_space<vmem>>) attributes {dimension_semantics = [#tpu.dimension_semantics<arbitrary>], iteration_bounds = array<i64: 313>, scalar_prefetch = 0 : i64, scratch_operands = 0 : i64, tpu.core_type = #tpu.core_type<tc>, window_params = [{transform_indices = @transform_0, window_bounds = array<i64: 4, 512, 16>}, {transform_indices = @transform_1, window_bounds = array<i64: 512, 16>}, {transform_indices = @transform_2, window_bounds = array<i64: 512, 64>}, {pipeline_mode = #tpu.pipeline_mode<synchronous>, transform_indices = @transform_3, window_bounds = array<i64: 64, 64>}, {pipeline_mode = #tpu.pipeline_mode<synchronous>, transform_indices = @transform_4, window_bounds = array<i64: 1, 64>}, {transform_indices = @transform_5, window_bounds = array<i64: 512, 64>}]} {
    %get3A = arith.constant 0 : index
    %get3A_0 = arith.constant 0 : index
    %get3A_1 = vector.load %arg2[%get3A, %get3A_0] : memref<512x16xf32, #tpu.memory_space<vmem>>, vector<512x16xf32>
    %slice3A = vector.extract_strided_slice %get3A_1 {offsets = [0, 0], sizes = [512, 1], strides = [1, 1]} : vector<512x16xf32> to vector<512x1xf32>
    %max3A = arith.constant 1.000000e+00 : f32
    %max3A_2 = vector.broadcast %max3A : f32 to vector<512x1xf32>
    %max3A_3 = arith.maximumf %slice3A, %max3A_2 : vector<512x1xf32>
    %get3A_4 = arith.constant 0 : index
    %get3A_5 = arith.constant 0 : index
    %get3A_6 = arith.constant 0 : index
    %get3A_7 = vector.load %arg1[%get3A_4, %get3A_5, %get3A_6] : memref<4x512x16xf32, #tpu.memory_space<vmem>>, vector<1x512x16xf32>
    %get3A_8 = vector.shape_cast %get3A_7 : vector<1x512x16xf32> to vector<512x16xf32>
    %get3A_9 = arith.constant 1 : index
    %get3A_10 = arith.constant 0 : index
    %get3A_11 = arith.constant 0 : index
    %get3A_12 = vector.load %arg1[%get3A_9, %get3A_10, %get3A_11] : memref<4x512x16xf32, #tpu.memory_space<vmem>>, vector<1x512x16xf32>
    %get3A_13 = vector.shape_cast %get3A_12 : vector<1x512x16xf32> to vector<512x16xf32>
    %get3A_14 = arith.constant 2 : index
    %get3A_15 = arith.constant 0 : index
    %get3A_16 = arith.constant 0 : index
    %get3A_17 = vector.load %arg1[%get3A_14, %get3A_15, %get3A_16] : memref<4x512x16xf32, #tpu.memory_space<vmem>>, vector<1x512x16xf32>
    %get3A_18 = vector.shape_cast %get3A_17 : vector<1x512x16xf32> to vector<512x16xf32>
    %get3A_19 = arith.constant 3 : index
    %get3A_20 = arith.constant 0 : index
    %get3A_21 = arith.constant 0 : index
    %get3A_22 = vector.load %arg1[%get3A_19, %get3A_20, %get3A_21] : memref<4x512x16xf32, #tpu.memory_space<vmem>>, vector<1x512x16xf32>
    %get3A_23 = vector.shape_cast %get3A_22 : vector<1x512x16xf32> to vector<512x16xf32>
    %concatenate3A = tpu.concatenate %get3A_8, %get3A_13, %get3A_18, %get3A_23 in 1 : vector<512x16xf32>, vector<512x16xf32>, vector<512x16xf32>, vector<512x16xf32> -> vector<512x64xf32>
    %div3A = vector.broadcast %max3A_3 : vector<512x1xf32> to vector<512x64xf32>
    %div3A_24 = arith.divf %concatenate3A, %div3A : vector<512x64xf32>
    %get3A_25 = arith.constant 0 : index
    %get3A_26 = arith.constant 0 : index
    %get3A_27 = vector.load %arg3[%get3A_25, %get3A_26] : memref<512x64xf32, #tpu.memory_space<vmem>>, vector<512x64xf32>
    %get3A_28 = arith.constant 0 : index
    %get3A_29 = arith.constant 0 : index
    %get3A_30 = vector.load %arg4[%get3A_28, %get3A_29] : memref<64x64xf32, #tpu.memory_space<vmem>>, vector<64x64xf32>
    %dot_general3A = arith.constant dense<0.000000e+00> : vector<512x64xf32>
    %dot_general3A_31 = tpu.matmul %get3A_27, %get3A_30, %dot_general3A {dimension_numbers = #tpu.dot_dimension_numbers<[1], [0], [0], [1], [0, 0, 1, 1], [], []>, transpose_lhs_hint = false} : vector<512x64xf32>, vector<64x64xf32>, vector<512x64xf32> -> vector<512x64xf32>
    %add3A = arith.addf %div3A_24, %dot_general3A_31 : vector<512x64xf32>
    %get3A_32 = arith.constant 0 : index
    %get3A_33 = arith.constant 0 : index
    %get3A_34 = vector.load %arg5[%get3A_32, %get3A_33] : memref<1x64xf32, #tpu.memory_space<vmem>>, vector<1x64xf32>
    %add3A_35 = vector.broadcast %get3A_34 : vector<1x64xf32> to vector<512x64xf32>
    %add3A_36 = arith.addf %add3A, %add3A_35 : vector<512x64xf32>
    %max3A_37 = arith.constant 0.000000e+00 : f32
    %max3A_38 = vector.broadcast %max3A_37 : f32 to vector<512x64xf32>
    %max3A_39 = arith.maximumf %add3A_36, %max3A_38 : vector<512x64xf32>
    %swap3A = arith.constant 0 : index
    %swap3A_40 = arith.constant 0 : index
    %swap3A_41 = vector.load %arg6[%swap3A, %swap3A_40] : memref<512x64xf32, #tpu.memory_space<vmem>>, vector<512x64xf32>
    tpu.vector_store %arg6[%swap3A, %swap3A_40], %max3A_39 {strides = array<i32>} : memref<512x64xf32, #tpu.memory_space<vmem>>, vector<512x64xf32>,
    return
  }
  func.func @transform_0(%arg0: i32) -> (i32, i32, i32) {
    %c0_i32 = arith.constant 0 : i32
    %c0_i32_0 = arith.constant 0 : i32
    %c0_i32_1 = arith.constant 0 : i32
    return %c0_i32, %arg0, %c0_i32_0 : i32, i32, i32
  }
  func.func @transform_1(%arg0: i32) -> (i32, i32) {
    %c0_i32 = arith.constant 0 : i32
    %c0_i32_0 = arith.constant 0 : i32
    return %arg0, %c0_i32 : i32, i32
  }
  func.func @transform_2(%arg0: i32) -> (i32, i32) {
    %c0_i32 = arith.constant 0 : i32
    %c0_i32_0 = arith.constant 0 : i32
    return %arg0, %c0_i32 : i32, i32
  }
  func.func @transform_3(%arg0: i32) -> (i32, i32) {
    %c0_i32 = arith.constant 0 : i32
    %c0_i32_0 = arith.constant 0 : i32
    %c0_i32_1 = arith.constant 0 : i32
    return %c0_i32, %c0_i32_0 : i32, i32
  }
  func.func @transform_4(%arg0: i32) -> (i32, i32) {
    %c0_i32 = arith.constant 0 : i32
    %c0_i32_0 = arith.constant 0 : i32
    %c0_i32_1 = arith.constant 0 : i32
    return %c0_i32, %c0_i32_0 : i32, i32
  }
  func.func @transform_5(%arg0: i32) -> (i32, i32) {
    %c0_i32 = arith.constant 0 : i32
    %c0_i32_0 = arith.constant 0 : i32
    return %arg0, %c0_i32 : i32, i32
  }
}

module attributes {stable_mosaic.version = 14 : i64} {
  func.func @body(%arg0: i32, %arg1: memref<2x512x64xf32, #tpu.memory_space<vmem>>, %arg2: memref<2x512x16xf32, #tpu.memory_space<vmem>>, %arg3: memref<512x64xf32, #tpu.memory_space<vmem>>, %arg4: memref<64x64xf32, #tpu.memory_space<vmem>>, %arg5: memref<64x64xf32, #tpu.memory_space<vmem>>, %arg6: memref<1x64xf32, #tpu.memory_space<vmem>>, %arg7: memref<512x64xf32, #tpu.memory_space<vmem>>) attributes {dimension_semantics = [#tpu.dimension_semantics<arbitrary>], iteration_bounds = array<i64: 20>, scalar_prefetch = 0 : i64, scratch_operands = 0 : i64, tpu.core_type = #tpu.core_type<tc>, window_params = [{transform_indices = @transform_0, window_bounds = array<i64: 2, 512, 64>}, {transform_indices = @transform_1, window_bounds = array<i64: 2, 512, 16>}, {transform_indices = @transform_2, window_bounds = array<i64: 512, 64>}, {pipeline_mode = #tpu.pipeline_mode<synchronous>, transform_indices = @transform_3, window_bounds = array<i64: 64, 64>}, {pipeline_mode = #tpu.pipeline_mode<synchronous>, transform_indices = @transform_4, window_bounds = array<i64: 64, 64>}, {pipeline_mode = #tpu.pipeline_mode<synchronous>, transform_indices = @transform_5, window_bounds = array<i64: 1, 64>}, {transform_indices = @transform_6, window_bounds = array<i64: 512, 64>}]} {
    %get3A = arith.constant 0 : index
    %get3A_0 = arith.constant 0 : index
    %get3A_1 = arith.constant 0 : index
    %get3A_2 = vector.load %arg1[%get3A, %get3A_0, %get3A_1] : memref<2x512x64xf32, #tpu.memory_space<vmem>>, vector<1x512x64xf32>
    %get3A_3 = vector.shape_cast %get3A_2 : vector<1x512x64xf32> to vector<512x64xf32>
    %get3A_4 = arith.constant 1 : index
    %get3A_5 = arith.constant 0 : index
    %get3A_6 = arith.constant 0 : index
    %get3A_7 = vector.load %arg1[%get3A_4, %get3A_5, %get3A_6] : memref<2x512x64xf32, #tpu.memory_space<vmem>>, vector<1x512x64xf32>
    %get3A_8 = vector.shape_cast %get3A_7 : vector<1x512x64xf32> to vector<512x64xf32>
    %add3A = arith.addf %get3A_3, %get3A_8 : vector<512x64xf32>
    %get3A_9 = arith.constant 0 : index
    %get3A_10 = arith.constant 0 : index
    %get3A_11 = arith.constant 0 : index
    %get3A_12 = vector.load %arg2[%get3A_9, %get3A_10, %get3A_11] : memref<2x512x16xf32, #tpu.memory_space<vmem>>, vector<1x512x16xf32>
    %get3A_13 = vector.shape_cast %get3A_12 : vector<1x512x16xf32> to vector<512x16xf32>
    %slice3A = vector.extract_strided_slice %get3A_13 {offsets = [0, 0], sizes = [512, 1], strides = [1, 1]} : vector<512x16xf32> to vector<512x1xf32>
    %get3A_14 = arith.constant 1 : index
    %get3A_15 = arith.constant 0 : index
    %get3A_16 = arith.constant 0 : index
    %get3A_17 = vector.load %arg2[%get3A_14, %get3A_15, %get3A_16] : memref<2x512x16xf32, #tpu.memory_space<vmem>>, vector<1x512x16xf32>
    %get3A_18 = vector.shape_cast %get3A_17 : vector<1x512x16xf32> to vector<512x16xf32>
    %slice3A_19 = vector.extract_strided_slice %get3A_18 {offsets = [0, 0], sizes = [512, 1], strides = [1, 1]} : vector<512x16xf32> to vector<512x1xf32>
    %add3A_20 = arith.addf %slice3A, %slice3A_19 : vector<512x1xf32>
    %max3A = arith.constant 1.000000e+00 : f32
    %max3A_21 = vector.broadcast %max3A : f32 to vector<512x1xf32>
    %max3A_22 = arith.maximumf %add3A_20, %max3A_21 : vector<512x1xf32>
    %div3A = vector.broadcast %max3A_22 : vector<512x1xf32> to vector<512x64xf32>
    %div3A_23 = arith.divf %add3A, %div3A : vector<512x64xf32>
    %get3A_24 = arith.constant 0 : index
    %get3A_25 = arith.constant 0 : index
    %get3A_26 = vector.load %arg4[%get3A_24, %get3A_25] : memref<64x64xf32, #tpu.memory_space<vmem>>, vector<64x64xf32>
    %dot_general3A = arith.constant dense<0.000000e+00> : vector<512x64xf32>
    %dot_general3A_27 = tpu.matmul %div3A_23, %get3A_26, %dot_general3A {dimension_numbers = #tpu.dot_dimension_numbers<[1], [0], [0], [1], [0, 0, 1, 1], [], []>, transpose_lhs_hint = false} : vector<512x64xf32>, vector<64x64xf32>, vector<512x64xf32> -> vector<512x64xf32>
    %get3A_28 = arith.constant 0 : index
    %get3A_29 = arith.constant 0 : index
    %get3A_30 = vector.load %arg3[%get3A_28, %get3A_29] : memref<512x64xf32, #tpu.memory_space<vmem>>, vector<512x64xf32>
    %get3A_31 = arith.constant 0 : index
    %get3A_32 = arith.constant 0 : index
    %get3A_33 = vector.load %arg5[%get3A_31, %get3A_32] : memref<64x64xf32, #tpu.memory_space<vmem>>, vector<64x64xf32>
    %dot_general3A_34 = arith.constant dense<0.000000e+00> : vector<512x64xf32>
    %dot_general3A_35 = tpu.matmul %get3A_30, %get3A_33, %dot_general3A_34 {dimension_numbers = #tpu.dot_dimension_numbers<[1], [0], [0], [1], [0, 0, 1, 1], [], []>, transpose_lhs_hint = false} : vector<512x64xf32>, vector<64x64xf32>, vector<512x64xf32> -> vector<512x64xf32>
    %add3A_36 = arith.addf %dot_general3A_27, %dot_general3A_35 : vector<512x64xf32>
    %get3A_37 = arith.constant 0 : index
    %get3A_38 = arith.constant 0 : index
    %get3A_39 = vector.load %arg6[%get3A_37, %get3A_38] : memref<1x64xf32, #tpu.memory_space<vmem>>, vector<1x64xf32>
    %add3A_40 = vector.broadcast %get3A_39 : vector<1x64xf32> to vector<512x64xf32>
    %add3A_41 = arith.addf %add3A_36, %add3A_40 : vector<512x64xf32>
    %max3A_42 = arith.constant 0.000000e+00 : f32
    %max3A_43 = vector.broadcast %max3A_42 : f32 to vector<512x64xf32>
    %max3A_44 = arith.maximumf %add3A_41, %max3A_43 : vector<512x64xf32>
    %swap3A = arith.constant 0 : index
    %swap3A_45 = arith.constant 0 : index
    %swap3A_46 = vector.load %arg7[%swap3A, %swap3A_45] : memref<512x64xf32, #tpu.memory_space<vmem>>, vector<512x64xf32>
    tpu.vector_store %arg7[%swap3A, %swap3A_45], %max3A_44 {strides = array<i32>} : memref<512x64xf32, #tpu.memory_space<vmem>>, vector<512x64xf32>,
    return
  }
  func.func @transform_0(%arg0: i32) -> (i32, i32, i32) {
    %c0_i32 = arith.constant 0 : i32
    %c0_i32_0 = arith.constant 0 : i32
    %c0_i32_1 = arith.constant 0 : i32
    return %c0_i32, %arg0, %c0_i32_0 : i32, i32, i32
  }
  func.func @transform_1(%arg0: i32) -> (i32, i32, i32) {
    %c0_i32 = arith.constant 0 : i32
    %c0_i32_0 = arith.constant 0 : i32
    %c0_i32_1 = arith.constant 0 : i32
    return %c0_i32, %arg0, %c0_i32_0 : i32, i32, i32
  }
  func.func @transform_2(%arg0: i32) -> (i32, i32) {
    %c0_i32 = arith.constant 0 : i32
    %c0_i32_0 = arith.constant 0 : i32
    return %arg0, %c0_i32 : i32, i32
  }
  func.func @transform_3(%arg0: i32) -> (i32, i32) {
    %c0_i32 = arith.constant 0 : i32
    %c0_i32_0 = arith.constant 0 : i32
    %c0_i32_1 = arith.constant 0 : i32
    return %c0_i32, %c0_i32_0 : i32, i32
  }
  func.func @transform_4(%arg0: i32) -> (i32, i32) {
    %c0_i32 = arith.constant 0 : i32
    %c0_i32_0 = arith.constant 0 : i32
    %c0_i32_1 = arith.constant 0 : i32
    return %c0_i32, %c0_i32_0 : i32, i32
  }
  func.func @transform_5(%arg0: i32) -> (i32, i32) {
    %c0_i32 = arith.constant 0 : i32
    %c0_i32_0 = arith.constant 0 : i32
    %c0_i32_1 = arith.constant 0 : i32
    return %c0_i32, %c0_i32_0 : i32, i32
  }
  func.func @transform_6(%arg0: i32) -> (i32, i32) {
    %c0_i32 = arith.constant 0 : i32
    %c0_i32_0 = arith.constant 0 : i32
    return %arg0, %c0_i32 : i32, i32
  }
}

module attributes {stable_mosaic.version = 14 : i64} {
  func.func @body(%arg0: i32, %arg1: memref<512x64xf32, #tpu.memory_space<vmem>>, %arg2: memref<64x64xf32, #tpu.memory_space<vmem>>, %arg3: memref<1x64xf32, #tpu.memory_space<vmem>>, %arg4: memref<64x1xf32, #tpu.memory_space<vmem>>, %arg5: memref<1x1xf32, #tpu.memory_space<vmem>>, %arg6: memref<512x1xf32, #tpu.memory_space<vmem>>) attributes {dimension_semantics = [#tpu.dimension_semantics<arbitrary>], iteration_bounds = array<i64: 313>, scalar_prefetch = 0 : i64, scratch_operands = 0 : i64, tpu.core_type = #tpu.core_type<tc>, window_params = [{transform_indices = @transform_0, window_bounds = array<i64: 512, 64>}, {pipeline_mode = #tpu.pipeline_mode<synchronous>, transform_indices = @transform_1, window_bounds = array<i64: 64, 64>}, {pipeline_mode = #tpu.pipeline_mode<synchronous>, transform_indices = @transform_2, window_bounds = array<i64: 1, 64>}, {pipeline_mode = #tpu.pipeline_mode<synchronous>, transform_indices = @transform_3, window_bounds = array<i64: 64, 1>}, {pipeline_mode = #tpu.pipeline_mode<synchronous>, transform_indices = @transform_4, window_bounds = array<i64: 1, 1>}, {transform_indices = @transform_5, window_bounds = array<i64: 512, 1>}]} {
    %get3A = arith.constant 0 : index
    %get3A_0 = arith.constant 0 : index
    %get3A_1 = vector.load %arg1[%get3A, %get3A_0] : memref<512x64xf32, #tpu.memory_space<vmem>>, vector<512x64xf32>
    %get3A_2 = arith.constant 0 : index
    %get3A_3 = arith.constant 0 : index
    %get3A_4 = vector.load %arg2[%get3A_2, %get3A_3] : memref<64x64xf32, #tpu.memory_space<vmem>>, vector<64x64xf32>
    %dot_general3A = arith.constant dense<0.000000e+00> : vector<512x64xf32>
    %dot_general3A_5 = tpu.matmul %get3A_1, %get3A_4, %dot_general3A {dimension_numbers = #tpu.dot_dimension_numbers<[1], [0], [0], [1], [0, 0, 1, 1], [], []>, transpose_lhs_hint = false} : vector<512x64xf32>, vector<64x64xf32>, vector<512x64xf32> -> vector<512x64xf32>
    %get3A_6 = arith.constant 0 : index
    %get3A_7 = arith.constant 0 : index
    %get3A_8 = vector.load %arg3[%get3A_6, %get3A_7] : memref<1x64xf32, #tpu.memory_space<vmem>>, vector<1x64xf32>
    %add3A = vector.broadcast %get3A_8 : vector<1x64xf32> to vector<512x64xf32>
    %add3A_9 = arith.addf %dot_general3A_5, %add3A : vector<512x64xf32>
    %max3A = arith.constant 0.000000e+00 : f32
    %max3A_10 = vector.broadcast %max3A : f32 to vector<512x64xf32>
    %max3A_11 = arith.maximumf %add3A_9, %max3A_10 : vector<512x64xf32>
    %get3A_12 = arith.constant 0 : index
    %get3A_13 = arith.constant 0 : index
    %get3A_14 = vector.load %arg4[%get3A_12, %get3A_13] : memref<64x1xf32, #tpu.memory_space<vmem>>, vector<64x1xf32>
    %dot_general3A_15 = arith.constant dense<0.000000e+00> : vector<512x1xf32>
    %dot_general3A_16 = tpu.matmul %max3A_11, %get3A_14, %dot_general3A_15 {dimension_numbers = #tpu.dot_dimension_numbers<[1], [0], [0], [1], [0, 0, 1, 1], [], []>, transpose_lhs_hint = false} : vector<512x64xf32>, vector<64x1xf32>, vector<512x1xf32> -> vector<512x1xf32>
    %get3A_17 = arith.constant 0 : index
    %get3A_18 = arith.constant 0 : index
    %get3A_19 = vector.load %arg5[%get3A_17, %get3A_18] : memref<1x1xf32, #tpu.memory_space<vmem>>, vector<1x1xf32>
    %add3A_20 = vector.broadcast %get3A_19 : vector<1x1xf32> to vector<512x1xf32>
    %add3A_21 = arith.addf %dot_general3A_16, %add3A_20 : vector<512x1xf32>
    %swap3A = arith.constant 0 : index
    %swap3A_22 = arith.constant 0 : index
    %swap3A_23 = vector.load %arg6[%swap3A, %swap3A_22] : memref<512x1xf32, #tpu.memory_space<vmem>>, vector<512x1xf32>
    tpu.vector_store %arg6[%swap3A, %swap3A_22], %add3A_21 {strides = array<i32>} : memref<512x1xf32, #tpu.memory_space<vmem>>, vector<512x1xf32>,
    return
  }
  func.func @transform_0(%arg0: i32) -> (i32, i32) {
    %c0_i32 = arith.constant 0 : i32
    %c0_i32_0 = arith.constant 0 : i32
    return %arg0, %c0_i32 : i32, i32
  }
  func.func @transform_1(%arg0: i32) -> (i32, i32) {
    %c0_i32 = arith.constant 0 : i32
    %c0_i32_0 = arith.constant 0 : i32
    %c0_i32_1 = arith.constant 0 : i32
    return %c0_i32, %c0_i32_0 : i32, i32
  }
  func.func @transform_2(%arg0: i32) -> (i32, i32) {
    %c0_i32 = arith.constant 0 : i32
    %c0_i32_0 = arith.constant 0 : i32
    %c0_i32_1 = arith.constant 0 : i32
    return %c0_i32, %c0_i32_0 : i32, i32
  }
  func.func @transform_3(%arg0: i32) -> (i32, i32) {
    %c0_i32 = arith.constant 0 : i32
    %c0_i32_0 = arith.constant 0 : i32
    %c0_i32_1 = arith.constant 0 : i32
    return %c0_i32, %c0_i32_0 : i32, i32
  }
  func.func @transform_4(%arg0: i32) -> (i32, i32) {
    %c0_i32 = arith.constant 0 : i32
    %c0_i32_0 = arith.constant 0 : i32
    %c0_i32_1 = arith.constant 0 : i32
    return %c0_i32, %c0_i32_0 : i32, i32
  }
  func.func @transform_5(%arg0: i32) -> (i32, i32) {
    %c0_i32 = arith.constant 0 : i32
    %c0_i32_0 = arith.constant 0 : i32
    return %arg0, %c0_i32 : i32, i32
  }
}

</mosaic_0001>

<sc_bundles>
// kernel: kernel.20.cloned.1.call-start
scs
__scs_entry_jumppad:
0x0: {  	(pc) =	sbr.rel $0x88, $3  }
0x1: {  	(tag) =	ssettag $0x0;
	lr =	simm.s32 $0x1  }
0x2: {  	[smem:$0x3F81] =	sst lr;
	_ =	strace $0xD0000000  }
0x3: {  	_ = 	snop  }
0x4: {  	_ = 	snop  }
0x5: {  	_ = 	snop  }
0x6: {  	_ = 	snop  }
0x7: {  	_ = 	snop  }
__scs_overlays_trampoline_lowered:
0x8: {  	[smem:$0x3F90] =	sst s0  }
0x9: {  	[smem:$0x3F91] =	sst s1  }
0xa: {  	[smem:$0x3F92] =	sst s2  }
0xb: {  	[smem:$0x3F93] =	sst s3  }
0xc: {  	[smem:$0x3F94] =	sst s4  }
0xd: {  	[smem:$0x3F95] =	sst s5  }
0xe: {  	[smem:$0x3F96] =	sst s6  }
0xf: {  	[smem:$0x3F97] =	sst s7  }
0x10: {  	[smem:$0x3F98] =	sst s8  }
0x11: {  	[smem:$0x3F99] =	sst s9;
	s0 =	simm.s32 @!p0 $0x0  }
0x12: {  	s1 =	sld [smem:$0x3F7F];
	s0 =	simm.s32 @p0 $0x1  }
0x13: {  	[smem:$0x3F9A] =	sst s0;
	s0 =	simm.s32 @!p1 $0x0  }
0x14: {  	s2 =	sld [smem:$0x3F7E];
	s0 =	simm.s32 @p1 $0x1  }
0x15: {  	[smem:$0x3F9B] =	sst s0;
	s0 =	simm.s32 @!p2 $0x0  }
0x16: {  	s3 =	sld [smem:$0x3FDB];
	s0 =	simm.s32 @p2 $0x1  }
0x17: {  	s4 =	simm.s32 $0x1BF5;
	[smem:$0x3F9D] =	sst s0  }
0x18: {  	s0 =	sld [smem:$0x3F80];
	_ =	swait.ge [sflag:s4], $0x0  }
0x19: {  	s7 =	sld [smem:$0x3F81]  }
0x1a: {  	s8 =	sadd.s32 $0xFFFFE003, lr  }
0x1b: {  	s9 =	sadd.s32 $0xFFFFFEF7, lr;
	s5 =	simm.s32 $0xFFFFFFFF;
	p2 =	slt.u32 s8, $0xFFFFF086  }
0x1c: {  	p1 =	slt.u32 s9, $0xF7A;
	s5 =	simm.s32 @!p2 $0x0  }
0x1d: {  	s5 =	simm.s32 @p1 $0x1;
	p0 =	seq.s32 s7, s2  }
0x1e: {  	s7 =	smul.u32 @!p0 $0xF7A, s2;
	p2 =	seq.s32 @!p0 s5, $0x0  }
0x1f: {  	s9 =	smul.u32 $0xF7A, s1;
	s8 =	simm.s32 @!p0 $0x1BF5;
	p2 =	por !p2, p0  }
0x20: {  	[sflag:s8] =	ssyncset.s32 @!p0 $0xFFFFF086;
	s6 =	sadd.s32 @!p0 s3, s7;
	s7 =	simm.s32 @!p0 $0x108  }
0x21: {  	s3 =	sadd.s32 s3, s9;
	s6 =	sadd.s32 @!p0 $0x88, s6;
	s7 =	simm.s32 @p2 $0x1082  }
0x22: {  	[simem:s7], [sflag:s8] =	dma.local @!p0 [hbm:s6], $0xF7A  }
0x23: {  	s9 =	sor.u32 $0xD0000000, s2;
	s6 =	simm.s32 $0x108;
	_ =	swait.ge @!p0 [sflag:s8], $0x0  }
0x24: {  	s3 =	sadd.s32 $0x88, s3;
	s6 =	simm.s32 @!p1 $0x1082;
	[sflag:s4] =	ssyncset.s32 $0xFFFFF086  }
0x25: {  	[simem:s6], [sflag:s4] =	dma.local [hbm:s3], $0xF7A  }
0x26: {  	[smem:$0x3F81] =	sst s1;
	(tag) =	ssettag s2;
	_ =	strace s9  }
0x27: {  	s1 =	sld [smem:$0x3F91]  }
0x28: {  	s2 =	sld [smem:$0x3F92]  }
0x29: {  	s4 =	sld [smem:$0x3F94]  }
0x2a: {  	p0 =	seq.s32 s5, $0x0;
	s5 =	sld [smem:$0x3F95]  }
0x2b: {  	s6 =	sld [smem:$0x3F96]  }
0x2c: {  	s7 =	sld [smem:$0x3F97]  }
0x2d: {  	s3 =	simm.s32 $0x108;
	s8 =	sld [smem:$0x3F98]  }
0x2e: {  	s3 =	simm.s32 @!p0 $0x1082;
	s9 =	sld [smem:$0x3F99]  }
0x2f: {  	lr =	sadd.s32 s0, s3;
	s0 =	sld [smem:$0x3F90]  }
0x30: {  	s3 =	sld [smem:$0x3F93]  }
0x31: {  	[smem:$0x3F9C] =	sst s10  }
0x32: {  	s10 =	sld [smem:$0x3F9A];
	_ =	sdelay $0x3  }
0x33: {  	p0 =	seq.s32 s10, $0x1;
	s10 =	sld [smem:$0x3F9C];
	_ =	sdelay $0x3  }
0x34: {  	[smem:$0x3F9C] =	sst s10  }
0x35: {  	s10 =	sld [smem:$0x3F9B];
	_ =	sdelay $0x3  }
0x36: {  	p1 =	seq.s32 s10, $0x1;
	s10 =	sld [smem:$0x3F9C];
	_ =	sdelay $0x3  }
0x37: {  	[smem:$0x3F9C] =	sst s10  }
0x38: {  	s10 =	sld [smem:$0x3F9D]  }
0x39: {  	_ = 	snop;
	(pc) =	sbr.ind lr, $3  }
0x3a: {  	_ = 	snop  }
0x3b: {  	_ = 	snop  }
0x3c: {  	p2 =	seq.s32 s10, $0x1;
	s10 =	sld [smem:$0x3F9C]  }
0x3d: {  	_ =	shalt  }
0x3e: {  	_ =	shalt  }
0x3f: {  	_ =	shalt  }
0x40: {  	_ =	shalt  }
0x41: {  	_ =	shalt  }
0x42: {  	_ =	shalt  }
0x43: {  	_ =	shalt  }
0x44: {  	_ =	shalt  }
0x45: {  	_ =	shalt  }
0x46: {  	_ =	shalt  }
0x47: {  	_ =	shalt  }
0x48: {  	_ =	shalt  }
0x49: {  	_ =	shalt  }
0x4a: {  	_ =	shalt  }
0x4b: {  	_ =	shalt  }
0x4c: {  	_ =	shalt  }
0x4d: {  	_ =	shalt  }
0x4e: {  	_ =	shalt  }
0x4f: {  	_ =	shalt  }
0x50: {  	_ =	shalt  }
0x51: {  	_ =	shalt  }
0x52: {  	_ =	shalt  }
0x53: {  	_ =	shalt  }
0x54: {  	_ =	shalt  }
0x55: {  	_ =	shalt  }
0x56: {  	_ =	shalt  }
0x57: {  	_ =	shalt  }
0x58: {  	_ =	shalt  }
0x59: {  	_ =	shalt  }
0x5a: {  	_ =	shalt  }
0x5b: {  	_ =	shalt  }
0x5c: {  	_ =	shalt  }
0x5d: {  	_ =	shalt  }
0x5e: {  	_ =	shalt  }
0x5f: {  	_ =	shalt  }
0x60: {  	_ =	shalt  }
0x61: {  	_ =	shalt  }
0x62: {  	_ =	shalt  }
0x63: {  	_ =	shalt  }
0x64: {  	_ =	shalt  }
0x65: {  	_ =	shalt  }
0x66: {  	_ =	shalt  }
0x67: {  	_ =	shalt  }
0x68: {  	_ =	shalt  }
0x69: {  	_ =	shalt  }
0x6a: {  	_ =	shalt  }
0x6b: {  	_ =	shalt  }
0x6c: {  	_ =	shalt  }
0x6d: {  	_ =	shalt  }
0x6e: {  	_ =	shalt  }
0x6f: {  	_ =	shalt  }
0x70: {  	_ =	shalt  }
0x71: {  	_ =	shalt  }
0x72: {  	_ =	shalt  }
0x73: {  	_ =	shalt  }
0x74: {  	_ =	shalt  }
0x75: {  	_ =	shalt  }
0x76: {  	_ =	shalt  }
0x77: {  	_ =	shalt  }
0x78: {  	_ =	shalt  }
0x79: {  	_ =	shalt  }
0x7a: {  	_ =	shalt  }
0x7b: {  	_ =	shalt  }
0x7c: {  	_ =	shalt  }
0x7d: {  	_ =	shalt  }
0x7e: {  	_ =	shalt  }
0x7f: {  	_ =	shalt  }
0x80: {  	_ =	shalt  }
0x81: {  	_ =	shalt  }
0x82: {  	_ =	shalt  }
0x83: {  	_ =	shalt  }
0x84: {  	_ =	shalt  }
0x85: {  	_ =	shalt  }
0x86: {  	_ =	shalt  }
0x87: {  	_ =	shalt  }
.Lfunc_end0:
.L_simem_size_0:
called_computation_lowered:
.L_overlay_start_0:
0x88: {  	s2 =	sld [smem:$0x3FD9]  }
0x89: {  	s3 =	sld [smem:$0x3FFE];
	_ =	sdelay $0x1  }
0x8a: {  	s1 =	srdreg.scid  }
0x8b: {  	s0 =	sand.u32 $0x1, s1  }
0x8c: {  	s17 =	sshll.u32 s0, $0xA;
	s2 =	sadd.s32 s3, s2  }
0x8d: {  	s2 =	sadd.s32 s2, s17  }
0x8e: {  	[smem:$0x3FA8] =	sst s2  }
0x8f: {  	_ = 	snop  }
0x90: {  	s18 =	sld [smem:$0x3FC6];
	(tm) =	ssettm $0x1  }
0x91: {  	s19 =	sld [smem:$0x3FFB];
	_ =	sdelay $0x3  }
0x92: {  	_ =	strace s19  }
0x93: {  	s2 =	sld [smem:$0x3FFC];
	_ =	sdelay $0x3  }
0x94: {  	_ =	strace s2  }
0x95: {  	s2 =	sld [smem:$0x3FFD];
	_ =	sdelay $0x3  }
0x96: {  	_ =	strace s2  }
0x97: {  	_ =	strace $0x8FFFFFFF  }
0x98: {  	s20 =	sld [smem:$0x3FDB];
	_ =	sdelay $0x1  }
0x99: {  	s4 =	simm.s32 $_scs_section_size  }
0x9a: {  	s5 =	simm.s32 $_size__tile_overlayer_lowered;
	s6 =	simm.s32 $_tile_overlayer_lowered  }
0x9b: {  	s7 =	simm.s32 $0x1BFF;
	s21 =	sshll.u32 s6, $0x1;
	s4 =	sadd.s32 s4, s20  }
0x9c: {  	s22 =	simm.s32 $0x0;
	s5 =	sshll.u32 s5, $0x1;
	s6 =	sadd.s32 s21, s4  }
0x9d: {  	[timem:s22], [sflag:s7] =	dma.local [hbm:s6], s5  }
0x9e: {  	_ =	swait.ge [sflag:s7], s5  }
0x9f: {  	s5 =	ssub.s32 $0x0, s5;
	[sflag:s7] =	ssyncset.done $0x0  }
0xa0: {  	[sflag:s7] =	ssyncadd.s32 s5;
	_ =	sdelay $0x1  }
0xa1: {  	s23 =	simm.s32 $0x1B8B  }
0xa2: {  	_ =	swait.ge [sflag:s23], $0x1  }
0xa3: {  	[sflag:s23] =	ssyncset.done $0x0  }
0xa4: {  	[sflag:s23] =	ssyncadd.s32 $0xFFFFFFFF  }
0xa5: {  	s5 =	sld [smem:$0x0]  }
0xa6: {  	s6 =	sand.u32 $0xFFFFFFFE, s1  }
0xa7: {  	p0 =	sne.s32 s1, s6  }
0xa8: {  	s6 =	sshll.u32 @p0 s6, $0xE  }
0xa9: {  	s6 =	sadd.s32 @p0 $0x11B8D, s6;
	s7 =	sshll.u32 @p0 s5, $0x11  }
0xaa: {  	s6 =	sor.u32 @p0 s7, s6  }
0xab: {  	[sflag:s6] =	ssyncadd.remote.s32 @p0 $0x1;
	_ =	sdelay $0x1  }
0xac: {  	s6 =	simm.s32 @p0 $0x1B8D  }
0xad: {  	_ =	swait.eq @p0 [sflag:s6], $0x1  }
0xae: {  	[sflag:s6] =	ssyncadd.s32 @p0 $0xFFFFFFFF  }
0xaf: {  	s7 =	sshll.u32 @!p0 s1, $0xE  }
0xb0: {  	s7 =	sor.u32 @!p0 $0x4000, s7;
	s6 =	simm.s32 @!p0 $0x1B8D  }
0xb1: {  	s5 =	sshll.u32 @!p0 s5, $0x11;
	s7 =	sadd.s32 @!p0 $0x11B8D, s7;
	_ =	swait.eq @!p0 [sflag:s6], $0x1  }
0xb2: {  	s5 =	sor.u32 @!p0 s5, s7;
	[sflag:s6] =	ssyncadd.s32 @!p0 $0xFFFFFFFF  }
0xb3: {  	s25 =	simm.s32 $0x1B8E;
	s24 =	sld [smem:$0x3FFE];
	[sflag:s5] =	ssyncadd.remote.s32 @!p0 $0x1  }
0xb4: {  	s26 =	simm.s32 $execute0_lowered;
	[smem:$0x3FD2] =	sst s25  }
0xb5: {  	s6 =	sshll.u32 s26, $0x1;
	_ =	strace $0x80000049;
	[dreg:$0x1] =	wrdreg $0xFFFFFFFF  }
0xb6: {  	s28 =	simm.s32 $_size_execute0_lowered;
	s4 =	sadd.s32 s4, s6;
	[dreg:$0x0] =	wrdreg $0x0  }
0xb7: {  	s6 =	sshll.u32 s28, $0x1;
	[dreg:$0x2] =	wrdreg s4  }
0xb8: {  	[dreg:$0x3] =	wrdreg s6  }
0xb9: {  	[dreg:$0x4] =	wrdreg $0xC0  }
0xba: {  	_ =	task [dreg:s22], $0x5FFFF  }
0xbb: {  	[dreg:$0x1] =	wrdreg $0xFFFFFFFF  }
0xbc: {  	[dreg:$0x0] =	wrdreg $0x60  }
0xbd: {  	[dreg:$0x2] =	wrdreg s24  }
0xbe: {  	[dreg:$0x3] =	wrdreg s18  }
0xbf: {  	[dreg:$0x4] =	wrdreg $0x0  }
0xc0: {  	[dreg:$0x5] =	wrdreg $0xB  }
0xc1: {  	_ =	task.clear_ibuf [dreg:s22], $0x6FFFF;
	_ =	strace $0x90000049  }
0xc2: {  	s29 =	simm.s32 $0xB;
	_ =	strace $0x8000004B  }
0xc3: {  	_ =	swait.ge [sflag:s29], $0x1  }
0xc4: {  	[sflag:s29] =	ssyncadd.s32 $0xFFFFFFFF  }
0xc5: {  	_ =	strace $0x9000004B  }
0xc6: {  	_ =	sfence  }
0xc7: {  	s30 =	sld [smem:$0x0];
	_ =	sdelay $0x2  }
0xc8: {  	s31 =	sshll.u32 s1, $0xD;
	s1 =	sshrl.u32 s1, $0x2  }
0xc9: {  	s4 =	sand.u32 $0x4000, s31;
	s1 =	sadd.s32 s1, s30  }
0xca: {  	s0 =	sor.u32 s4, s0;
	s1 =	sshll.u32 s1, $0x11  }
0xcb: {  	s0 =	sor.u32 s1, s0  }
0xcc: {  	s0 =	sadd.s32 $0x8F2B, s0  }
0xcd: {  	[sflag:s0] =	ssyncadd.remote.s32 $0x1  }
0xce: {  	_ =	sfence.sel $0xFFFF  }
0xcf: {  	[dreg:$0x0] =	wrdreg $0xFFFFFFFF;
	(pc) =	sbr.abs _section_cstart, $3  }
0xd0: {  	[dreg:$0x1] =	wrdreg $0xFFFFFFFF  }
0xd1: {  	_ =	task.clear_ibuf [dreg:s22], $0x2FFFF;
	_ =	strace $0x9FFFFFFF  }
0xd2: {  	(tm) =	ssettm $0x7FFFFFFF  }
0xd3: {  	_ =	shalt  }
tec
execute0_lowered:
.L_overlay_start_1:
0x0: {  	(tag) =	ssettag $0x1  }
0x1: {  	s7 =	rddreg [dreg:$0x0]  }
0x2: {  	s1 =	rddreg [dreg:$0x1]  }
0x3: {  	s2 =	rddreg [dreg:$0x2]  }
0x4: {  	s3 =	srdreg.scid;
	s0 =	rddreg [dreg:$0x3];
	s4 =	simm.s32 $0x0  }
0x5: {  	s14 =	simm.s32 $0x13A80;
	s15 =	simm.s32 $0x7D0;
	s8 =	sand.u32 $0x1, s3  }
0x6: {  	s18 =	simm.s32 $0x0;
	s3 =	stileid.u32;
	s16 =	smul.u32 $0x13A00, s8  }
0x7: {  	[smem:$0x7FF] =	sst s4;
	s5 =	sadd.s32 $0x178600, s7;
	s9 =	smul.u32 $0x13A0, s3  }
0x8: {  	s6 =	sadd.s32 $0x3BE00, s7;
	s8 =	ssub.s32 $0x2, s8;
	s10 =	smul.u32 $0x4EA00, s3  }
0x9: {  	_ =	strace $0x8000004A;
	s11 =	smul.u32 $0x4E800, s3;
	s28 =	sshrl.u32 s8, $0x1  }
0xa: {  	s31 =	sshll.u32 s3, $0x6;
	s9 =	sadd.s32 s9, s16;
	s12 =	ssub.s32 s8, s28  }
0xb: {  	s29 =	sshrl.u32 s10, $0x2;
	s30 =	sshrl.u32 s11, $0x2;
	s10 =	simm.s32 $0x14A20  }
0xc: {  	s11 =	simm.s32 $0x1;
	v0 =	vmov s16;
	s16 =	simm.s32 $0x14250;
	s9 =	sshll.u32 s9, $0x1  }
0xd: {  	s13 =	sadd.s32 s29, s2;
	s17 =	sadd.s32 s30, s2;
	s9 =	sadd.s32 s9, s7  }
0xe: {  	s7 =	smul.u32 $0x4E20, s3;
	s13 =	sshrl.u32 s13, $0x3;
	s17 =	sshrl.u32 s17, $0x3  }
0xf: {  	s8 =	sadd.s32 $0x179600, s9;
	s9 =	smax.u32 s12, $0x1;
	s12 =	sor.u32 $0x1C01, s31  }
.LBB2_1:
0x10: {  	[tilespmem:s10], [sflag:$0x1] =	stream.linear.gather [hbm4b:s5+s4], $0x7D00, $0x38;
	[tilespmem:$0x1C720] =	vst v63  }
0x11: {  	_ =	swait.ge [sflag:s11], $0x7D00  }
0x12: {  	[sflag:s11] =	ssyncset.done $0x0  }
0x13: {  	[sflag:s11] =	ssyncadd.s32 $0xFFFF8300  }
0x14: {  	[spmem:s13], [sflag:s12] =	dma.local [hbm:s6], $0x2750  }
0x15: {  	_ =	swait.ge [sflag:s11], $0x2750  }
0x16: {  	[sflag:s11] =	ssyncset.done $0x0  }
0x17: {  	[sflag:s11] =	ssyncadd.s32 $0xFFFFD8B0  }
0x18: {  	s19 =	simm.s32 $0x0;
	[bflag:$0x0] =	sbarrier.arrive $0xFFFF  }
.LBB2_2:
0x19: {  	s20 =	smul.u32 $0x7D0, s19;
	_ =	sdelay $0x1  }
0x1a: {  	s20 =	sadd.s32 s7, s20  }
0x1b: {  	s20 =	sshrl.u32 s20, $0x3  }
0x1c: {  	s21 =	simm.s32 $0x0;
	s20 =	sadd.s32 s1, s20  }
0x1d: {  	[tilespmem:s14], [sflag:$0x1] =	stream.linear.gather [hbm4b:s20+s21], $0x7D0, $0x38;
	[tilespmem:$0x1C720] =	vst v63  }
0x1e: {  	_ =	swait.ge [sflag:s11], $0x7D0  }
0x1f: {  	[sflag:s11] =	ssyncset.done $0x0  }
0x20: {  	s20 =	simm.s32 $0x0;
	[sflag:s11] =	ssyncadd.s32 $0xFFFFF830  }
0x21: {  	v1 =	vld [tilespmem:s20+$0x13A80]  }
0x22: {  	s21 =	simm.s32 $0x40  }
.LBB2_3:
0x23: {  	p0 =	sne.s32 s21, $0x1F00  }
.Ltmp0:
0x24: {  	_ = 	snop;
	(pc) =	sbr.rel @p0 .LBB2_3-.Ltmp0, $4  }
0x25: {  	_ = 	snop  }
0x26: {  	s22 =	sshra.s32 s21, $0x2;
	s21 =	sadd.s32 $0x40, s21;
	v2 =	vsub.s32 v1, v0  }
0x27: {  	v1 =	vld [tilespmem:s22+$0x13A80];
	v2 =	vmin.u32 v2, $0x13A00  }
0x28: {  	[tilespmem:s20+$0x14250] =	vst v2;
	s20 =	smov.u32 s22  }
0x29: {  	_ =	sdelay $0x2  }
0x2a: {  	s19 =	sadd.s32 $0x1, s19;
	v1 =	vsub.s32 v1, v0  }
0x2b: {  	p0 =	sne.s32 s19, $0xA;
	v1 =	vmin.u32 v1, $0x13A00  }
.Ltmp1:
0x2c: {  	[tilespmem:s20+$0x14250] =	vst v1;
	(pc) =	sbr.rel @p0 .LBB2_2-.Ltmp1, $4  }
0x2d: {  	[spmem:s2] =	stream.indirect.scatter.add.f32 [tilespmem:s10], [sflag:$0x1], $0x10, s16, s15, $0xb8;
	[tilespmem:$0x1C720] =	vst v63  }
0x2e: {  	_ =	swait.ge [sflag:s11], $0x7D00  }
0x2f: {  	[sflag:s11] =	ssyncset.done $0x0  }
0x30: {  	[sflag:s11] =	ssyncadd.s32 $0xFFFF8300  }
0x31: {  	[bflag:$0x0] =	sbarrier.arrive $0xFFFF;
	s18 =	sadd.s32 $0x1, s18  }
0x32: {  	[hbm:s8], [sflag:s12] =	dma.local [spmem:s17], $0x2740  }
0x33: {  	p0 =	sne.s32 s18, s9  }
.Ltmp2:
0x34: {  	_ =	swait.ge [sflag:s11], $0x2740;
	(pc) =	sbr.rel @p0 .LBB2_1-.Ltmp2, $3  }
0x35: {  	[sflag:s11] =	ssyncset.done $0x0  }
0x36: {  	[sflag:s11] =	ssyncadd.s32 $0xFFFFD8C0  }
0x37: {  	[bflag:$0x0] =	sbarrier.arrive $0xFFFF;
	_ =	sdelay $0x1  }
0x38: {  	_ =	sfence.sel $0x180000  }
0x39: {  	[bflag:$0x0] =	sbarrier.arrive $0xFFFF  }
0x3a: {  	p0 =	sne.s32 s3, $0x0;
	_ =	strace $0x9000004A  }
0x3b: {  	s0 =	sadd.s32 @!p0 $0x100000, s0;
	[bflag:$0x2] =	sbarrier.arrive $0xFFFF  }
0x3c: {  	[sflag:s0] =	ssyncadd.tile.s32 @!p0 $0x1;
	_ =	shalt  }
.Lfunc_end2:
_tile_overlayer_lowered:
.L_overlay_start_2:
0x3d: {  	(tag) =	ssettag $0x2  }
0x3e: {  	s0 =	rddreg [dreg:$0x0];
	s2 =	stileid.u32  }
0x3f: {  	s1 =	rddreg [dreg:$0x1];
	p0 =	sne.s32 s2, $0x0  }
0x40: {  	s3 =	rddreg [dreg:$0x2];
	[bflag:$0x3] =	sbarrier.arrive $0xFFFF;
	s2 =	simm.s32 @!p0 $0x1C01  }
0x41: {  	[timem:s3], [sflag:s2] =	dma.local @!p0 [hbm:s0], s1  }
0x42: {  	s0 =	simm.s32 @!p0 $0x1  }
0x43: {  	_ =	swait.ge @!p0 [sflag:s0], s1  }
0x44: {  	s1 =	ssub.s32 @!p0 $0x0, s1;
	[sflag:s0] =	ssyncset.done @!p0 $0x0  }
0x45: {  	[sflag:s0] =	ssyncadd.s32 @!p0 s1  }
0x46: {  	[bflag:$0x3] =	sbarrier.arrive $0xFFFF  }
0x47: {  	_ =	shalt  }

// kernel: kernel.23.cloned.1.call-start
scs
__scs_entry_jumppad:
0x0: {  	(pc) =	sbr.rel $0x88, $3  }
0x1: {  	(tag) =	ssettag $0x0;
	lr =	simm.s32 $0x1  }
0x2: {  	[smem:$0x3F81] =	sst lr;
	_ =	strace $0xD0000000  }
0x3: {  	_ = 	snop  }
0x4: {  	_ = 	snop  }
0x5: {  	_ = 	snop  }
0x6: {  	_ = 	snop  }
0x7: {  	_ = 	snop  }
__scs_overlays_trampoline_lowered:
0x8: {  	[smem:$0x3F90] =	sst s0  }
0x9: {  	[smem:$0x3F91] =	sst s1  }
0xa: {  	[smem:$0x3F92] =	sst s2  }
0xb: {  	[smem:$0x3F93] =	sst s3  }
0xc: {  	[smem:$0x3F94] =	sst s4  }
0xd: {  	[smem:$0x3F95] =	sst s5  }
0xe: {  	[smem:$0x3F96] =	sst s6  }
0xf: {  	[smem:$0x3F97] =	sst s7  }
0x10: {  	[smem:$0x3F98] =	sst s8  }
0x11: {  	[smem:$0x3F99] =	sst s9;
	s0 =	simm.s32 @!p0 $0x0  }
0x12: {  	s1 =	sld [smem:$0x3F7F];
	s0 =	simm.s32 @p0 $0x1  }
0x13: {  	[smem:$0x3F9A] =	sst s0;
	s0 =	simm.s32 @!p1 $0x0  }
0x14: {  	s2 =	sld [smem:$0x3F7E];
	s0 =	simm.s32 @p1 $0x1  }
0x15: {  	[smem:$0x3F9B] =	sst s0;
	s0 =	simm.s32 @!p2 $0x0  }
0x16: {  	s3 =	sld [smem:$0x3FDB];
	s0 =	simm.s32 @p2 $0x1  }
0x17: {  	s4 =	simm.s32 $0x1BF5;
	[smem:$0x3F9D] =	sst s0  }
0x18: {  	s0 =	sld [smem:$0x3F80];
	_ =	swait.ge [sflag:s4], $0x0  }
0x19: {  	s7 =	sld [smem:$0x3F81]  }
0x1a: {  	s8 =	sadd.s32 $0xFFFFE003, lr  }
0x1b: {  	s9 =	sadd.s32 $0xFFFFFEF7, lr;
	s5 =	simm.s32 $0xFFFFFFFF;
	p2 =	slt.u32 s8, $0xFFFFF086  }
0x1c: {  	p1 =	slt.u32 s9, $0xF7A;
	s5 =	simm.s32 @!p2 $0x0  }
0x1d: {  	s5 =	simm.s32 @p1 $0x1;
	p0 =	seq.s32 s7, s2  }
0x1e: {  	s7 =	smul.u32 @!p0 $0xF7A, s2;
	p2 =	seq.s32 @!p0 s5, $0x0  }
0x1f: {  	s9 =	smul.u32 $0xF7A, s1;
	s8 =	simm.s32 @!p0 $0x1BF5;
	p2 =	por !p2, p0  }
0x20: {  	[sflag:s8] =	ssyncset.s32 @!p0 $0xFFFFF086;
	s6 =	sadd.s32 @!p0 s3, s7;
	s7 =	simm.s32 @!p0 $0x108  }
0x21: {  	s3 =	sadd.s32 s3, s9;
	s6 =	sadd.s32 @!p0 $0x88, s6;
	s7 =	simm.s32 @p2 $0x1082  }
0x22: {  	[simem:s7], [sflag:s8] =	dma.local @!p0 [hbm:s6], $0xF7A  }
0x23: {  	s9 =	sor.u32 $0xD0000000, s2;
	s6 =	simm.s32 $0x108;
	_ =	swait.ge @!p0 [sflag:s8], $0x0  }
0x24: {  	s3 =	sadd.s32 $0x88, s3;
	s6 =	simm.s32 @!p1 $0x1082;
	[sflag:s4] =	ssyncset.s32 $0xFFFFF086  }
0x25: {  	[simem:s6], [sflag:s4] =	dma.local [hbm:s3], $0xF7A  }
0x26: {  	[smem:$0x3F81] =	sst s1;
	(tag) =	ssettag s2;
	_ =	strace s9  }
0x27: {  	s1 =	sld [smem:$0x3F91]  }
0x28: {  	s2 =	sld [smem:$0x3F92]  }
0x29: {  	s4 =	sld [smem:$0x3F94]  }
0x2a: {  	p0 =	seq.s32 s5, $0x0;
	s5 =	sld [smem:$0x3F95]  }
0x2b: {  	s6 =	sld [smem:$0x3F96]  }
0x2c: {  	s7 =	sld [smem:$0x3F97]  }
0x2d: {  	s3 =	simm.s32 $0x108;
	s8 =	sld [smem:$0x3F98]  }
0x2e: {  	s3 =	simm.s32 @!p0 $0x1082;
	s9 =	sld [smem:$0x3F99]  }
0x2f: {  	lr =	sadd.s32 s0, s3;
	s0 =	sld [smem:$0x3F90]  }
0x30: {  	s3 =	sld [smem:$0x3F93]  }
0x31: {  	[smem:$0x3F9C] =	sst s10  }
0x32: {  	s10 =	sld [smem:$0x3F9A];
	_ =	sdelay $0x3  }
0x33: {  	p0 =	seq.s32 s10, $0x1;
	s10 =	sld [smem:$0x3F9C];
	_ =	sdelay $0x3  }
0x34: {  	[smem:$0x3F9C] =	sst s10  }
0x35: {  	s10 =	sld [smem:$0x3F9B];
	_ =	sdelay $0x3  }
0x36: {  	p1 =	seq.s32 s10, $0x1;
	s10 =	sld [smem:$0x3F9C];
	_ =	sdelay $0x3  }
0x37: {  	[smem:$0x3F9C] =	sst s10  }
0x38: {  	s10 =	sld [smem:$0x3F9D]  }
0x39: {  	_ = 	snop;
	(pc) =	sbr.ind lr, $3  }
0x3a: {  	_ = 	snop  }
0x3b: {  	_ = 	snop  }
0x3c: {  	p2 =	seq.s32 s10, $0x1;
	s10 =	sld [smem:$0x3F9C]  }
0x3d: {  	_ =	shalt  }
0x3e: {  	_ =	shalt  }
0x3f: {  	_ =	shalt  }
0x40: {  	_ =	shalt  }
0x41: {  	_ =	shalt  }
0x42: {  	_ =	shalt  }
0x43: {  	_ =	shalt  }
0x44: {  	_ =	shalt  }
0x45: {  	_ =	shalt  }
0x46: {  	_ =	shalt  }
0x47: {  	_ =	shalt  }
0x48: {  	_ =	shalt  }
0x49: {  	_ =	shalt  }
0x4a: {  	_ =	shalt  }
0x4b: {  	_ =	shalt  }
0x4c: {  	_ =	shalt  }
0x4d: {  	_ =	shalt  }
0x4e: {  	_ =	shalt  }
0x4f: {  	_ =	shalt  }
0x50: {  	_ =	shalt  }
0x51: {  	_ =	shalt  }
0x52: {  	_ =	shalt  }
0x53: {  	_ =	shalt  }
0x54: {  	_ =	shalt  }
0x55: {  	_ =	shalt  }
0x56: {  	_ =	shalt  }
0x57: {  	_ =	shalt  }
0x58: {  	_ =	shalt  }
0x59: {  	_ =	shalt  }
0x5a: {  	_ =	shalt  }
0x5b: {  	_ =	shalt  }
0x5c: {  	_ =	shalt  }
0x5d: {  	_ =	shalt  }
0x5e: {  	_ =	shalt  }
0x5f: {  	_ =	shalt  }
0x60: {  	_ =	shalt  }
0x61: {  	_ =	shalt  }
0x62: {  	_ =	shalt  }
0x63: {  	_ =	shalt  }
0x64: {  	_ =	shalt  }
0x65: {  	_ =	shalt  }
0x66: {  	_ =	shalt  }
0x67: {  	_ =	shalt  }
0x68: {  	_ =	shalt  }
0x69: {  	_ =	shalt  }
0x6a: {  	_ =	shalt  }
0x6b: {  	_ =	shalt  }
0x6c: {  	_ =	shalt  }
0x6d: {  	_ =	shalt  }
0x6e: {  	_ =	shalt  }
0x6f: {  	_ =	shalt  }
0x70: {  	_ =	shalt  }
0x71: {  	_ =	shalt  }
0x72: {  	_ =	shalt  }
0x73: {  	_ =	shalt  }
0x74: {  	_ =	shalt  }
0x75: {  	_ =	shalt  }
0x76: {  	_ =	shalt  }
0x77: {  	_ =	shalt  }
0x78: {  	_ =	shalt  }
0x79: {  	_ =	shalt  }
0x7a: {  	_ =	shalt  }
0x7b: {  	_ =	shalt  }
0x7c: {  	_ =	shalt  }
0x7d: {  	_ =	shalt  }
0x7e: {  	_ =	shalt  }
0x7f: {  	_ =	shalt  }
0x80: {  	_ =	shalt  }
0x81: {  	_ =	shalt  }
0x82: {  	_ =	shalt  }
0x83: {  	_ =	shalt  }
0x84: {  	_ =	shalt  }
0x85: {  	_ =	shalt  }
0x86: {  	_ =	shalt  }
0x87: {  	_ =	shalt  }
.Lfunc_end0:
.L_simem_size_0:
called_computation.1_lowered:
.L_overlay_start_0:
0x88: {  	s2 =	sld [smem:$0x3FD9]  }
0x89: {  	s3 =	sld [smem:$0x3FFE];
	_ =	sdelay $0x1  }
0x8a: {  	s1 =	srdreg.scid  }
0x8b: {  	s0 =	sand.u32 $0x1, s1  }
0x8c: {  	s17 =	sshll.u32 s0, $0xA;
	s2 =	sadd.s32 s3, s2  }
0x8d: {  	s2 =	sadd.s32 s2, s17  }
0x8e: {  	[smem:$0x3FA8] =	sst s2  }
0x8f: {  	_ = 	snop  }
0x90: {  	s18 =	sld [smem:$0x3FC4];
	(tm) =	ssettm $0x1  }
0x91: {  	s19 =	sld [smem:$0x3FFB];
	_ =	sdelay $0x3  }
0x92: {  	_ =	strace s19  }
0x93: {  	s2 =	sld [smem:$0x3FFC];
	_ =	sdelay $0x3  }
0x94: {  	_ =	strace s2  }
0x95: {  	s2 =	sld [smem:$0x3FFD];
	_ =	sdelay $0x3  }
0x96: {  	_ =	strace s2  }
0x97: {  	_ =	strace $0x8FFFFFFF  }
0x98: {  	s20 =	sld [smem:$0x3FDB];
	_ =	sdelay $0x1  }
0x99: {  	s4 =	simm.s32 $_scs_section_size  }
0x9a: {  	s5 =	simm.s32 $_size__tile_overlayer_lowered;
	s6 =	simm.s32 $_tile_overlayer_lowered  }
0x9b: {  	s7 =	simm.s32 $0x1BFF;
	s21 =	sshll.u32 s6, $0x1;
	s4 =	sadd.s32 s4, s20  }
0x9c: {  	s22 =	simm.s32 $0x0;
	s5 =	sshll.u32 s5, $0x1;
	s6 =	sadd.s32 s21, s4  }
0x9d: {  	[timem:s22], [sflag:s7] =	dma.local [hbm:s6], s5  }
0x9e: {  	_ =	swait.ge [sflag:s7], s5  }
0x9f: {  	s5 =	ssub.s32 $0x0, s5;
	[sflag:s7] =	ssyncset.done $0x0  }
0xa0: {  	[sflag:s7] =	ssyncadd.s32 s5;
	_ =	sdelay $0x1  }
0xa1: {  	s23 =	simm.s32 $0x1B8B  }
0xa2: {  	_ =	swait.ge [sflag:s23], $0x1  }
0xa3: {  	[sflag:s23] =	ssyncset.done $0x0  }
0xa4: {  	[sflag:s23] =	ssyncadd.s32 $0xFFFFFFFF  }
0xa5: {  	s5 =	sld [smem:$0x0]  }
0xa6: {  	s6 =	sand.u32 $0xFFFFFFFE, s1  }
0xa7: {  	p0 =	sne.s32 s1, s6  }
0xa8: {  	s6 =	sshll.u32 @p0 s6, $0xE  }
0xa9: {  	s6 =	sadd.s32 @p0 $0x11B8D, s6;
	s7 =	sshll.u32 @p0 s5, $0x11  }
0xaa: {  	s6 =	sor.u32 @p0 s7, s6  }
0xab: {  	[sflag:s6] =	ssyncadd.remote.s32 @p0 $0x1;
	_ =	sdelay $0x1  }
0xac: {  	s6 =	simm.s32 @p0 $0x1B8D  }
0xad: {  	_ =	swait.eq @p0 [sflag:s6], $0x1  }
0xae: {  	[sflag:s6] =	ssyncadd.s32 @p0 $0xFFFFFFFF  }
0xaf: {  	s7 =	sshll.u32 @!p0 s1, $0xE  }
0xb0: {  	s7 =	sor.u32 @!p0 $0x4000, s7;
	s6 =	simm.s32 @!p0 $0x1B8D  }
0xb1: {  	s5 =	sshll.u32 @!p0 s5, $0x11;
	s7 =	sadd.s32 @!p0 $0x11B8D, s7;
	_ =	swait.eq @!p0 [sflag:s6], $0x1  }
0xb2: {  	s5 =	sor.u32 @!p0 s5, s7;
	[sflag:s6] =	ssyncadd.s32 @!p0 $0xFFFFFFFF  }
0xb3: {  	s25 =	simm.s32 $0x1B8E;
	s24 =	sld [smem:$0x3FFE];
	[sflag:s5] =	ssyncadd.remote.s32 @!p0 $0x1  }
0xb4: {  	s26 =	simm.s32 $execute0_lowered;
	[smem:$0x3FD2] =	sst s25  }
0xb5: {  	s6 =	sshll.u32 s26, $0x1;
	_ =	strace $0x8000004F;
	[dreg:$0x1] =	wrdreg $0xFFFFFFFF  }
0xb6: {  	s28 =	simm.s32 $_size_execute0_lowered;
	s4 =	sadd.s32 s4, s6;
	[dreg:$0x0] =	wrdreg $0x0  }
0xb7: {  	s6 =	sshll.u32 s28, $0x1;
	[dreg:$0x2] =	wrdreg s4  }
0xb8: {  	[dreg:$0x3] =	wrdreg s6  }
0xb9: {  	[dreg:$0x4] =	wrdreg $0xC0  }
0xba: {  	_ =	task [dreg:s22], $0x5FFFF  }
0xbb: {  	[dreg:$0x1] =	wrdreg $0xFFFFFFFF  }
0xbc: {  	[dreg:$0x0] =	wrdreg $0x60  }
0xbd: {  	[dreg:$0x2] =	wrdreg s24  }
0xbe: {  	[dreg:$0x3] =	wrdreg s18  }
0xbf: {  	[dreg:$0x4] =	wrdreg $0x0  }
0xc0: {  	[dreg:$0x5] =	wrdreg $0x9  }
0xc1: {  	_ =	task.clear_ibuf [dreg:s22], $0x6FFFF;
	_ =	strace $0x9000004F  }
0xc2: {  	s29 =	simm.s32 $0x9;
	_ =	strace $0x80000051  }
0xc3: {  	_ =	swait.ge [sflag:s29], $0x1  }
0xc4: {  	[sflag:s29] =	ssyncadd.s32 $0xFFFFFFFF  }
0xc5: {  	_ =	strace $0x90000051  }
0xc6: {  	_ =	sfence  }
0xc7: {  	s30 =	sld [smem:$0x0];
	_ =	sdelay $0x2  }
0xc8: {  	s31 =	sshll.u32 s1, $0xD;
	s1 =	sshrl.u32 s1, $0x2  }
0xc9: {  	s4 =	sand.u32 $0x4000, s31;
	s1 =	sadd.s32 s1, s30  }
0xca: {  	s0 =	sor.u32 s4, s0;
	s1 =	sshll.u32 s1, $0x11  }
0xcb: {  	s0 =	sor.u32 s1, s0  }
0xcc: {  	s0 =	sadd.s32 $0x8F2B, s0  }
0xcd: {  	[sflag:s0] =	ssyncadd.remote.s32 $0x1  }
0xce: {  	_ =	sfence.sel $0xFFFF  }
0xcf: {  	[dreg:$0x0] =	wrdreg $0xFFFFFFFF;
	(pc) =	sbr.abs _section_cstart, $3  }
0xd0: {  	[dreg:$0x1] =	wrdreg $0xFFFFFFFF  }
0xd1: {  	_ =	task.clear_ibuf [dreg:s22], $0x2FFFF;
	_ =	strace $0x9FFFFFFF  }
0xd2: {  	(tm) =	ssettm $0x7FFFFFFF  }
0xd3: {  	_ =	shalt  }
tec
execute0_lowered:
.L_overlay_start_1:
0x0: {  	(tag) =	ssettag $0x1  }
0x1: {  	s6 =	rddreg [dreg:$0x0]  }
0x2: {  	s7 =	rddreg [dreg:$0x1]  }
0x3: {  	s1 =	rddreg [dreg:$0x2]  }
0x4: {  	s0 =	rddreg [dreg:$0x3];
	s3 =	simm.s32 $0x0;
	s2 =	srdreg.scid  }
0x5: {  	s13 =	simm.s32 $0x3820;
	s14 =	simm.s32 $0x1;
	s17 =	simm.s32 $0x2880  }
0x6: {  	s18 =	simm.s32 $0x7D0;
	s19 =	simm.s32 $0x3050;
	s21 =	simm.s32 $0x0  }
0x7: {  	[smem:$0x7FF] =	sst s3;
	s8 =	sand.u32 $0x1, s2;
	s4 =	sadd.s32 $0x178600, s6  }
0x8: {  	s2 =	stileid.u32;
	s5 =	sadd.s32 $0x59AC00, s6;
	s9 =	smul.u32 $0x28000, s8  }
0x9: {  	_ =	strace $0x80000050;
	s10 =	smul.u32 $0x2800, s2;
	s11 =	sshll.u32 s2, $0x1  }
0xa: {  	s12 =	smul.u32 $0xA200, s2;
	s15 =	sshll.u32 s2, $0x6;
	s11 =	sor.u32 s8, s11  }
0xb: {  	s8 =	ssub.s32 $0x2, s8;
	s15 =	sor.u32 $0x1C01, s15;
	s9 =	sadd.s32 s10, s9  }
0xc: {  	s11 =	smul.u32 $0x2710, s11;
	s30 =	sshrl.u32 s8, $0x1;
	s12 =	sshrl.u32 s12, $0x2  }
0xd: {  	s20 =	sadd.s32 s10, s1;
	s9 =	sshrl.u32 s9, $0x3;
	s8 =	ssub.s32 s8, s30  }
0xe: {  	s16 =	sadd.s32 s12, s1;
	s20 =	sshrl.u32 s20, $0x3;
	s31 =	sshrl.u32 s11, $0x3  }
0xf: {  	s6 =	sadd.s32 s9, s6;
	s8 =	smax.u32 s8, $0x1;
	s7 =	sadd.s32 s7, s31  }
0x10: {  	s16 =	sshrl.u32 s16, $0x3;
	s6 =	sadd.s32 $0x59B200, s6;
	s9 =	sadd.s32 $0xFA, s7  }
0x11: {  	s10 =	sadd.s32 $0x1F4, s7;
	s11 =	sadd.s32 $0x2EE, s7;
	s12 =	sadd.s32 $0x3E8, s7  }
.LBB2_1:
0x12: {  	[tilespmem:s13], [sflag:$0x1] =	stream.linear.gather [hbm4b:s4+s3], $0x7D00, $0x38;
	[tilespmem:$0xB520] =	vst v63  }
0x13: {  	_ =	swait.ge [sflag:s14], $0x7D00  }
0x14: {  	[sflag:s14] =	ssyncset.done $0x0  }
0x15: {  	[sflag:s14] =	ssyncadd.s32 $0xFFFF8300  }
0x16: {  	[spmem:s16], [sflag:s15] =	dma.local [hbm:s5], $0x510  }
0x17: {  	_ =	swait.ge [sflag:s14], $0x510  }
0x18: {  	[sflag:s14] =	ssyncset.done $0x0  }
0x19: {  	[sflag:s14] =	ssyncadd.s32 $0xFFFFFAF0  }
0x1a: {  	[bflag:$0x0] =	sbarrier.arrive $0xFFFF  }
0x1b: {  	[tilespmem:s17], [sflag:$0x1] =	stream.linear.gather [hbm4b:s7+s3], $0x7D0, $0x38;
	[tilespmem:$0xB520] =	vst v63  }
0x1c: {  	_ =	swait.ge [sflag:s14], $0x7D0  }
0x1d: {  	[sflag:s14] =	ssyncset.done $0x0  }
0x1e: {  	s22 =	simm.s32 $0x0;
	[sflag:s14] =	ssyncadd.s32 $0xFFFFF830  }
0x1f: {  	s23 =	simm.s32 $0x40;
	v0 =	vld [tilespmem:s22+$0x2880]  }
.LBB2_2:
0x20: {  	p0 =	sne.s32 s23, $0x1F00  }
.Ltmp0:
0x21: {  	_ = 	snop;
	(pc) =	sbr.rel @p0 .LBB2_2-.Ltmp0, $3  }
0x22: {  	_ =	sdelay $0x1  }
0x23: {  	s24 =	sshra.s32 s23, $0x2;
	s23 =	sadd.s32 $0x40, s23;
	v1 =	vmin.u32 v0, $0x2800  }
0x24: {  	v0 =	vld [tilespmem:s24+$0x2880];
	[tilespmem:s22+$0x3050] =	vst v1;
	s22 =	smov.u32 s24  }
0x25: {  	_ =	sdelay $0x3  }
0x26: {  	v0 =	vmin.u32 v0, $0x2800  }
0x27: {  	[tilespmem:s22+$0x3050] =	vst v0  }
0x28: {  	[spmem:s1] =	stream.indirect.scatter.add.f32 [tilespmem:s13], [sflag:$0x1], $0x10, s19, s18, $0xb8;
	[tilespmem:$0xB520] =	vst v63  }
0x29: {  	_ =	swait.ge [sflag:s14], $0x7D00  }
0x2a: {  	[sflag:s14] =	ssyncset.done $0x0  }
0x2b: {  	s31 =	simm.s32 $0x0;
	[sflag:s14] =	ssyncadd.s32 $0xFFFF8300  }
0x2c: {  	[tilespmem:s17], [sflag:$0x1] =	stream.linear.gather [hbm4b:s9+s31], $0x7D0, $0x38;
	[tilespmem:$0xB520] =	vst v63  }
0x2d: {  	_ =	swait.ge [sflag:s14], $0x7D0  }
0x2e: {  	[sflag:s14] =	ssyncset.done $0x0  }
0x2f: {  	s22 =	simm.s32 $0x0;
	[sflag:s14] =	ssyncadd.s32 $0xFFFFF830  }
0x30: {  	s23 =	simm.s32 $0x40;
	v0 =	vld [tilespmem:s22+$0x2880]  }
.LBB2_4:
0x31: {  	p0 =	sne.s32 s23, $0x1F00  }
.Ltmp1:
0x32: {  	_ = 	snop;
	(pc) =	sbr.rel @p0 .LBB2_4-.Ltmp1, $3  }
0x33: {  	_ =	sdelay $0x1  }
0x34: {  	s24 =	sshra.s32 s23, $0x2;
	s23 =	sadd.s32 $0x40, s23;
	v1 =	vmin.u32 v0, $0x2800  }
0x35: {  	v0 =	vld [tilespmem:s24+$0x2880];
	[tilespmem:s22+$0x3050] =	vst v1;
	s22 =	smov.u32 s24  }
0x36: {  	_ =	sdelay $0x3  }
0x37: {  	v0 =	vmin.u32 v0, $0x2800  }
0x38: {  	[tilespmem:s22+$0x3050] =	vst v0  }
0x39: {  	[spmem:s1] =	stream.indirect.scatter.add.f32 [tilespmem:s13], [sflag:$0x1], $0x10, s19, s18, $0xb8;
	[tilespmem:$0xB520] =	vst v63  }
0x3a: {  	_ =	swait.ge [sflag:s14], $0x7D00  }
0x3b: {  	[sflag:s14] =	ssyncset.done $0x0  }
0x3c: {  	s31 =	simm.s32 $0x0;
	[sflag:s14] =	ssyncadd.s32 $0xFFFF8300  }
0x3d: {  	[tilespmem:s17], [sflag:$0x1] =	stream.linear.gather [hbm4b:s10+s31], $0x7D0, $0x38;
	[tilespmem:$0xB520] =	vst v63  }
0x3e: {  	_ =	swait.ge [sflag:s14], $0x7D0  }
0x3f: {  	[sflag:s14] =	ssyncset.done $0x0  }
0x40: {  	s22 =	simm.s32 $0x0;
	[sflag:s14] =	ssyncadd.s32 $0xFFFFF830  }
0x41: {  	s23 =	simm.s32 $0x40;
	v0 =	vld [tilespmem:s22+$0x2880]  }
.LBB2_6:
0x42: {  	p0 =	sne.s32 s23, $0x1F00  }
.Ltmp2:
0x43: {  	_ = 	snop;
	(pc) =	sbr.rel @p0 .LBB2_6-.Ltmp2, $3  }
0x44: {  	_ =	sdelay $0x1  }
0x45: {  	s24 =	sshra.s32 s23, $0x2;
	s23 =	sadd.s32 $0x40, s23;
	v1 =	vmin.u32 v0, $0x2800  }
0x46: {  	v0 =	vld [tilespmem:s24+$0x2880];
	[tilespmem:s22+$0x3050] =	vst v1;
	s22 =	smov.u32 s24  }
0x47: {  	_ =	sdelay $0x3  }
0x48: {  	v0 =	vmin.u32 v0, $0x2800  }
0x49: {  	[tilespmem:s22+$0x3050] =	vst v0  }
0x4a: {  	[spmem:s1] =	stream.indirect.scatter.add.f32 [tilespmem:s13], [sflag:$0x1], $0x10, s19, s18, $0xb8;
	[tilespmem:$0xB520] =	vst v63  }
0x4b: {  	_ =	swait.ge [sflag:s14], $0x7D00  }
0x4c: {  	[sflag:s14] =	ssyncset.done $0x0  }
0x4d: {  	s31 =	simm.s32 $0x0;
	[sflag:s14] =	ssyncadd.s32 $0xFFFF8300  }
0x4e: {  	[tilespmem:s17], [sflag:$0x1] =	stream.linear.gather [hbm4b:s11+s31], $0x7D0, $0x38;
	[tilespmem:$0xB520] =	vst v63  }
0x4f: {  	_ =	swait.ge [sflag:s14], $0x7D0  }
0x50: {  	[sflag:s14] =	ssyncset.done $0x0  }
0x51: {  	s22 =	simm.s32 $0x0;
	[sflag:s14] =	ssyncadd.s32 $0xFFFFF830  }
0x52: {  	s23 =	simm.s32 $0x40;
	v0 =	vld [tilespmem:s22+$0x2880]  }
.LBB2_8:
0x53: {  	p0 =	sne.s32 s23, $0x1F00  }
.Ltmp3:
0x54: {  	_ = 	snop;
	(pc) =	sbr.rel @p0 .LBB2_8-.Ltmp3, $3  }
0x55: {  	_ =	sdelay $0x1  }
0x56: {  	s24 =	sshra.s32 s23, $0x2;
	s23 =	sadd.s32 $0x40, s23;
	v1 =	vmin.u32 v0, $0x2800  }
0x57: {  	v0 =	vld [tilespmem:s24+$0x2880];
	[tilespmem:s22+$0x3050] =	vst v1;
	s22 =	smov.u32 s24  }
0x58: {  	_ =	sdelay $0x3  }
0x59: {  	v0 =	vmin.u32 v0, $0x2800  }
0x5a: {  	[tilespmem:s22+$0x3050] =	vst v0  }
0x5b: {  	[spmem:s1] =	stream.indirect.scatter.add.f32 [tilespmem:s13], [sflag:$0x1], $0x10, s19, s18, $0xb8;
	[tilespmem:$0xB520] =	vst v63  }
0x5c: {  	_ =	swait.ge [sflag:s14], $0x7D00  }
0x5d: {  	[sflag:s14] =	ssyncset.done $0x0  }
0x5e: {  	s31 =	simm.s32 $0x0;
	[sflag:s14] =	ssyncadd.s32 $0xFFFF8300  }
0x5f: {  	[tilespmem:s17], [sflag:$0x1] =	stream.linear.gather [hbm4b:s12+s31], $0x7D0, $0x38;
	[tilespmem:$0xB520] =	vst v63  }
0x60: {  	_ =	swait.ge [sflag:s14], $0x7D0  }
0x61: {  	[sflag:s14] =	ssyncset.done $0x0  }
0x62: {  	s22 =	simm.s32 $0x0;
	[sflag:s14] =	ssyncadd.s32 $0xFFFFF830  }
0x63: {  	s23 =	simm.s32 $0x40;
	v0 =	vld [tilespmem:s22+$0x2880]  }
.LBB2_10:
0x64: {  	p0 =	sne.s32 s23, $0x1F00  }
.Ltmp4:
0x65: {  	_ = 	snop;
	(pc) =	sbr.rel @p0 .LBB2_10-.Ltmp4, $3  }
0x66: {  	_ =	sdelay $0x1  }
0x67: {  	s24 =	sshra.s32 s23, $0x2;
	s23 =	sadd.s32 $0x40, s23;
	v1 =	vmin.u32 v0, $0x2800  }
0x68: {  	v0 =	vld [tilespmem:s24+$0x2880];
	[tilespmem:s22+$0x3050] =	vst v1;
	s22 =	smov.u32 s24  }
0x69: {  	_ =	sdelay $0x3  }
0x6a: {  	v0 =	vmin.u32 v0, $0x2800  }
0x6b: {  	[tilespmem:s22+$0x3050] =	vst v0  }
0x6c: {  	[spmem:s1] =	stream.indirect.scatter.add.f32 [tilespmem:s13], [sflag:$0x1], $0x10, s19, s18, $0xb8;
	[tilespmem:$0xB520] =	vst v63  }
0x6d: {  	_ =	swait.ge [sflag:s14], $0x7D00  }
0x6e: {  	[sflag:s14] =	ssyncset.done $0x0  }
0x6f: {  	s21 =	sadd.s32 $0x1, s21;
	[sflag:s14] =	ssyncadd.s32 $0xFFFF8300  }
0x70: {  	p0 =	sne.s32 s21, s8;
	[bflag:$0x0] =	sbarrier.arrive $0xFFFF  }
0x71: {  	[hbm:s6], [sflag:s15] =	dma.local [spmem:s20], $0x500  }
.Ltmp5:
0x72: {  	_ =	swait.ge [sflag:s14], $0x500;
	(pc) =	sbr.rel @p0 .LBB2_1-.Ltmp5, $3  }
0x73: {  	[sflag:s14] =	ssyncset.done $0x0  }
0x74: {  	[sflag:s14] =	ssyncadd.s32 $0xFFFFFB00  }
0x75: {  	[bflag:$0x0] =	sbarrier.arrive $0xFFFF;
	_ =	sdelay $0x1  }
0x76: {  	_ =	sfence.sel $0x180000  }
0x77: {  	[bflag:$0x0] =	sbarrier.arrive $0xFFFF  }
0x78: {  	p0 =	sne.s32 s2, $0x0;
	_ =	strace $0x90000050  }
0x79: {  	s0 =	sadd.s32 @!p0 $0x100000, s0;
	[bflag:$0x2] =	sbarrier.arrive $0xFFFF  }
0x7a: {  	[sflag:s0] =	ssyncadd.tile.s32 @!p0 $0x1;
	_ =	shalt  }
.Lfunc_end2:
_tile_overlayer_lowered:
.L_overlay_start_2:
0x7b: {  	(tag) =	ssettag $0x2  }
0x7c: {  	s0 =	rddreg [dreg:$0x0];
	s2 =	stileid.u32  }
0x7d: {  	s1 =	rddreg [dreg:$0x1];
	p0 =	sne.s32 s2, $0x0  }
0x7e: {  	s3 =	rddreg [dreg:$0x2];
	[bflag:$0x3] =	sbarrier.arrive $0xFFFF;
	s2 =	simm.s32 @!p0 $0x1C01  }
0x7f: {  	[timem:s3], [sflag:s2] =	dma.local @!p0 [hbm:s0], s1  }
0x80: {  	s0 =	simm.s32 @!p0 $0x1  }
0x81: {  	_ =	swait.ge @!p0 [sflag:s0], s1  }
0x82: {  	s1 =	ssub.s32 @!p0 $0x0, s1;
	[sflag:s0] =	ssyncset.done @!p0 $0x0  }
0x83: {  	[sflag:s0] =	ssyncadd.s32 @!p0 s1  }
0x84: {  	[bflag:$0x3] =	sbarrier.arrive $0xFFFF  }
0x85: {  	_ =	shalt  }

// kernel: kernel.26.cloned.1.call-start
scs
__scs_entry_jumppad:
0x0: {  	(pc) =	sbr.rel $0x88, $3  }
0x1: {  	(tag) =	ssettag $0x0;
	lr =	simm.s32 $0x1  }
0x2: {  	[smem:$0x3F81] =	sst lr;
	_ =	strace $0xD0000000  }
0x3: {  	_ = 	snop  }
0x4: {  	_ = 	snop  }
0x5: {  	_ = 	snop  }
0x6: {  	_ = 	snop  }
0x7: {  	_ = 	snop  }
__scs_overlays_trampoline_lowered:
0x8: {  	[smem:$0x3F90] =	sst s0  }
0x9: {  	[smem:$0x3F91] =	sst s1  }
0xa: {  	[smem:$0x3F92] =	sst s2  }
0xb: {  	[smem:$0x3F93] =	sst s3  }
0xc: {  	[smem:$0x3F94] =	sst s4  }
0xd: {  	[smem:$0x3F95] =	sst s5  }
0xe: {  	[smem:$0x3F96] =	sst s6  }
0xf: {  	[smem:$0x3F97] =	sst s7  }
0x10: {  	[smem:$0x3F98] =	sst s8  }
0x11: {  	[smem:$0x3F99] =	sst s9;
	s0 =	simm.s32 @!p0 $0x0  }
0x12: {  	s1 =	sld [smem:$0x3F7F];
	s0 =	simm.s32 @p0 $0x1  }
0x13: {  	[smem:$0x3F9A] =	sst s0;
	s0 =	simm.s32 @!p1 $0x0  }
0x14: {  	s2 =	sld [smem:$0x3F7E];
	s0 =	simm.s32 @p1 $0x1  }
0x15: {  	[smem:$0x3F9B] =	sst s0;
	s0 =	simm.s32 @!p2 $0x0  }
0x16: {  	s3 =	sld [smem:$0x3FDB];
	s0 =	simm.s32 @p2 $0x1  }
0x17: {  	s4 =	simm.s32 $0x1BF5;
	[smem:$0x3F9D] =	sst s0  }
0x18: {  	s0 =	sld [smem:$0x3F80];
	_ =	swait.ge [sflag:s4], $0x0  }
0x19: {  	s7 =	sld [smem:$0x3F81]  }
0x1a: {  	s8 =	sadd.s32 $0xFFFFE003, lr  }
0x1b: {  	s9 =	sadd.s32 $0xFFFFFEF7, lr;
	s5 =	simm.s32 $0xFFFFFFFF;
	p2 =	slt.u32 s8, $0xFFFFF086  }
0x1c: {  	p1 =	slt.u32 s9, $0xF7A;
	s5 =	simm.s32 @!p2 $0x0  }
0x1d: {  	s5 =	simm.s32 @p1 $0x1;
	p0 =	seq.s32 s7, s2  }
0x1e: {  	s7 =	smul.u32 @!p0 $0xF7A, s2;
	p2 =	seq.s32 @!p0 s5, $0x0  }
0x1f: {  	s9 =	smul.u32 $0xF7A, s1;
	s8 =	simm.s32 @!p0 $0x1BF5;
	p2 =	por !p2, p0  }
0x20: {  	[sflag:s8] =	ssyncset.s32 @!p0 $0xFFFFF086;
	s6 =	sadd.s32 @!p0 s3, s7;
	s7 =	simm.s32 @!p0 $0x108  }
0x21: {  	s3 =	sadd.s32 s3, s9;
	s6 =	sadd.s32 @!p0 $0x88, s6;
	s7 =	simm.s32 @p2 $0x1082  }
0x22: {  	[simem:s7], [sflag:s8] =	dma.local @!p0 [hbm:s6], $0xF7A  }
0x23: {  	s9 =	sor.u32 $0xD0000000, s2;
	s6 =	simm.s32 $0x108;
	_ =	swait.ge @!p0 [sflag:s8], $0x0  }
0x24: {  	s3 =	sadd.s32 $0x88, s3;
	s6 =	simm.s32 @!p1 $0x1082;
	[sflag:s4] =	ssyncset.s32 $0xFFFFF086  }
0x25: {  	[simem:s6], [sflag:s4] =	dma.local [hbm:s3], $0xF7A  }
0x26: {  	[smem:$0x3F81] =	sst s1;
	(tag) =	ssettag s2;
	_ =	strace s9  }
0x27: {  	s1 =	sld [smem:$0x3F91]  }
0x28: {  	s2 =	sld [smem:$0x3F92]  }
0x29: {  	s4 =	sld [smem:$0x3F94]  }
0x2a: {  	p0 =	seq.s32 s5, $0x0;
	s5 =	sld [smem:$0x3F95]  }
0x2b: {  	s6 =	sld [smem:$0x3F96]  }
0x2c: {  	s7 =	sld [smem:$0x3F97]  }
0x2d: {  	s3 =	simm.s32 $0x108;
	s8 =	sld [smem:$0x3F98]  }
0x2e: {  	s3 =	simm.s32 @!p0 $0x1082;
	s9 =	sld [smem:$0x3F99]  }
0x2f: {  	lr =	sadd.s32 s0, s3;
	s0 =	sld [smem:$0x3F90]  }
0x30: {  	s3 =	sld [smem:$0x3F93]  }
0x31: {  	[smem:$0x3F9C] =	sst s10  }
0x32: {  	s10 =	sld [smem:$0x3F9A];
	_ =	sdelay $0x3  }
0x33: {  	p0 =	seq.s32 s10, $0x1;
	s10 =	sld [smem:$0x3F9C];
	_ =	sdelay $0x3  }
0x34: {  	[smem:$0x3F9C] =	sst s10  }
0x35: {  	s10 =	sld [smem:$0x3F9B];
	_ =	sdelay $0x3  }
0x36: {  	p1 =	seq.s32 s10, $0x1;
	s10 =	sld [smem:$0x3F9C];
	_ =	sdelay $0x3  }
0x37: {  	[smem:$0x3F9C] =	sst s10  }
0x38: {  	s10 =	sld [smem:$0x3F9D]  }
0x39: {  	_ = 	snop;
	(pc) =	sbr.ind lr, $3  }
0x3a: {  	_ = 	snop  }
0x3b: {  	_ = 	snop  }
0x3c: {  	p2 =	seq.s32 s10, $0x1;
	s10 =	sld [smem:$0x3F9C]  }
0x3d: {  	_ =	shalt  }
0x3e: {  	_ =	shalt  }
0x3f: {  	_ =	shalt  }
0x40: {  	_ =	shalt  }
0x41: {  	_ =	shalt  }
0x42: {  	_ =	shalt  }
0x43: {  	_ =	shalt  }
0x44: {  	_ =	shalt  }
0x45: {  	_ =	shalt  }
0x46: {  	_ =	shalt  }
0x47: {  	_ =	shalt  }
0x48: {  	_ =	shalt  }
0x49: {  	_ =	shalt  }
0x4a: {  	_ =	shalt  }
0x4b: {  	_ =	shalt  }
0x4c: {  	_ =	shalt  }
0x4d: {  	_ =	shalt  }
0x4e: {  	_ =	shalt  }
0x4f: {  	_ =	shalt  }
0x50: {  	_ =	shalt  }
0x51: {  	_ =	shalt  }
0x52: {  	_ =	shalt  }
0x53: {  	_ =	shalt  }
0x54: {  	_ =	shalt  }
0x55: {  	_ =	shalt  }
0x56: {  	_ =	shalt  }
0x57: {  	_ =	shalt  }
0x58: {  	_ =	shalt  }
0x59: {  	_ =	shalt  }
0x5a: {  	_ =	shalt  }
0x5b: {  	_ =	shalt  }
0x5c: {  	_ =	shalt  }
0x5d: {  	_ =	shalt  }
0x5e: {  	_ =	shalt  }
0x5f: {  	_ =	shalt  }
0x60: {  	_ =	shalt  }
0x61: {  	_ =	shalt  }
0x62: {  	_ =	shalt  }
0x63: {  	_ =	shalt  }
0x64: {  	_ =	shalt  }
0x65: {  	_ =	shalt  }
0x66: {  	_ =	shalt  }
0x67: {  	_ =	shalt  }
0x68: {  	_ =	shalt  }
0x69: {  	_ =	shalt  }
0x6a: {  	_ =	shalt  }
0x6b: {  	_ =	shalt  }
0x6c: {  	_ =	shalt  }
0x6d: {  	_ =	shalt  }
0x6e: {  	_ =	shalt  }
0x6f: {  	_ =	shalt  }
0x70: {  	_ =	shalt  }
0x71: {  	_ =	shalt  }
0x72: {  	_ =	shalt  }
0x73: {  	_ =	shalt  }
0x74: {  	_ =	shalt  }
0x75: {  	_ =	shalt  }
0x76: {  	_ =	shalt  }
0x77: {  	_ =	shalt  }
0x78: {  	_ =	shalt  }
0x79: {  	_ =	shalt  }
0x7a: {  	_ =	shalt  }
0x7b: {  	_ =	shalt  }
0x7c: {  	_ =	shalt  }
0x7d: {  	_ =	shalt  }
0x7e: {  	_ =	shalt  }
0x7f: {  	_ =	shalt  }
0x80: {  	_ =	shalt  }
0x81: {  	_ =	shalt  }
0x82: {  	_ =	shalt  }
0x83: {  	_ =	shalt  }
0x84: {  	_ =	shalt  }
0x85: {  	_ =	shalt  }
0x86: {  	_ =	shalt  }
0x87: {  	_ =	shalt  }
.Lfunc_end0:
.L_simem_size_0:
called_computation.2_lowered:
.L_overlay_start_0:
0x88: {  	s2 =	sld [smem:$0x3FD9]  }
0x89: {  	s3 =	sld [smem:$0x3FFE];
	_ =	sdelay $0x1  }
0x8a: {  	s1 =	srdreg.scid  }
0x8b: {  	s0 =	sand.u32 $0x1, s1  }
0x8c: {  	s17 =	sshll.u32 s0, $0xA;
	s2 =	sadd.s32 s3, s2  }
0x8d: {  	s2 =	sadd.s32 s2, s17  }
0x8e: {  	[smem:$0x3FA8] =	sst s2  }
0x8f: {  	_ = 	snop  }
0x90: {  	s2 =	sld [smem:$0x3FC7]  }
0x91: {  	s18 =	sld [smem:$0x3FC6]  }
0x92: {  	s4 =	sld [smem:$0x3FD0];
	(tm) =	ssettm $0x1  }
0x93: {  	s5 =	sld [smem:$0x3FFB];
	_ =	sdelay $0x3  }
0x94: {  	_ =	strace s5  }
0x95: {  	s5 =	sld [smem:$0x3FFC];
	_ =	sdelay $0x3  }
0x96: {  	_ =	strace s5  }
0x97: {  	s5 =	sld [smem:$0x3FFD];
	_ =	sdelay $0x3  }
0x98: {  	_ =	strace s5  }
0x99: {  	_ =	strace $0x8FFFFFFF  }
0x9a: {  	s19 =	sld [smem:$0x3FDB];
	_ =	sdelay $0x1  }
0x9b: {  	s6 =	simm.s32 $_scs_section_size  }
0x9c: {  	s7 =	simm.s32 $_size__tile_overlayer_lowered;
	s8 =	simm.s32 $_tile_overlayer_lowered  }
0x9d: {  	s22 =	simm.s32 $0x1BFF;
	s21 =	sshll.u32 s8, $0x1;
	s5 =	sadd.s32 s6, s19  }
0x9e: {  	s9 =	simm.s32 $0x0;
	s20 =	sshll.u32 s7, $0x1;
	s7 =	sadd.s32 s21, s5  }
0x9f: {  	[timem:s9], [sflag:s22] =	dma.local [hbm:s7], s20  }
0xa0: {  	_ =	swait.ge [sflag:s22], s20  }
0xa1: {  	s6 =	ssub.s32 $0x0, s20;
	[sflag:s22] =	ssyncset.done $0x0  }
0xa2: {  	[sflag:s22] =	ssyncadd.s32 s6;
	_ =	sdelay $0x1  }
0xa3: {  	s23 =	simm.s32 $0x1B8B  }
0xa4: {  	_ =	swait.ge [sflag:s23], $0x1  }
0xa5: {  	[sflag:s23] =	ssyncset.done $0x0  }
0xa6: {  	s25 =	simm.s32 $0x1B8E;
	s24 =	sld [smem:$0x3FFE];
	[sflag:s23] =	ssyncadd.s32 $0xFFFFFFFF  }
0xa7: {  	s26 =	simm.s32 $execute0_lowered;
	[smem:$0x3FD2] =	sst s25  }
0xa8: {  	s7 =	sshll.u32 s26, $0x1;
	_ =	strace $0x80000046;
	[dreg:$0x1] =	wrdreg $0xFFFFFFFF  }
0xa9: {  	s28 =	simm.s32 $_size_execute0_lowered;
	s5 =	sadd.s32 s5, s7;
	[dreg:$0x0] =	wrdreg $0x0  }
0xaa: {  	s7 =	sshll.u32 s28, $0x1;
	[dreg:$0x2] =	wrdreg s5  }
0xab: {  	[dreg:$0x3] =	wrdreg s7  }
0xac: {  	[dreg:$0x4] =	wrdreg $0xC0  }
0xad: {  	_ =	task [dreg:s9], $0x5FFFF  }
0xae: {  	[dreg:$0x1] =	wrdreg $0xFFFFFFFF  }
0xaf: {  	[dreg:$0x0] =	wrdreg $0x60  }
0xb0: {  	[dreg:$0x2] =	wrdreg s4  }
0xb1: {  	[dreg:$0x3] =	wrdreg s24  }
0xb2: {  	[dreg:$0x4] =	wrdreg s2  }
0xb3: {  	[dreg:$0x5] =	wrdreg s18  }
0xb4: {  	[dreg:$0x6] =	wrdreg $0x0  }
0xb5: {  	[dreg:$0x7] =	wrdreg $0xC  }
0xb6: {  	_ =	task.clear_ibuf [dreg:s9], $0x8FFFF;
	_ =	strace $0x90000046  }
0xb7: {  	s29 =	simm.s32 $0xC;
	_ =	strace $0x80000048  }
0xb8: {  	_ =	swait.ge [sflag:s29], $0x1  }
0xb9: {  	[sflag:s29] =	ssyncadd.s32 $0xFFFFFFFF  }
0xba: {  	_ =	strace $0x90000048  }
0xbb: {  	_ =	sfence  }
0xbc: {  	s30 =	sld [smem:$0x0];
	_ =	sdelay $0x2  }
0xbd: {  	s31 =	sshll.u32 s1, $0xD;
	s1 =	sshrl.u32 s1, $0x2  }
0xbe: {  	s3 =	sand.u32 $0x4000, s31;
	s1 =	sadd.s32 s1, s30  }
0xbf: {  	s0 =	sor.u32 s3, s0;
	s1 =	sshll.u32 s1, $0x11  }
0xc0: {  	s0 =	sor.u32 s1, s0  }
0xc1: {  	s0 =	sadd.s32 $0x8F2B, s0  }
0xc2: {  	[sflag:s0] =	ssyncadd.remote.s32 $0x1  }
0xc3: {  	_ =	sfence.sel $0xFFFF  }
0xc4: {  	[dreg:$0x0] =	wrdreg $0xFFFFFFFF;
	(pc) =	sbr.abs _section_cstart, $3  }
0xc5: {  	[dreg:$0x1] =	wrdreg $0xFFFFFFFF  }
0xc6: {  	_ =	task.clear_ibuf [dreg:s9], $0x2FFFF;
	_ =	strace $0x9FFFFFFF  }
0xc7: {  	(tm) =	ssettm $0x7FFFFFFF  }
tec
execute0_lowered:
.L_overlay_start_1:
0x0: {  	(tag) =	ssettag $0x1  }
0x1: {  	s1 =	rddreg [dreg:$0x0]  }
0x2: {  	s0 =	rddreg [dreg:$0x1]  }
0x3: {  	s2 =	rddreg [dreg:$0x2]  }
0x4: {  	s3 =	rddreg [dreg:$0x3]  }
0x5: {  	s4 =	rddreg [dreg:$0x4];
	s5 =	srdreg.scid  }
0x6: {  	s6 =	simm.s32 $0x0;
	s28 =	stileid.u32;
	s20 =	simm.s32 $0x2  }
0x7: {  	s21 =	simm.s32 $0x13A80;
	s22 =	simm.s32 $0x14250;
	s23 =	simm.s32 $0x7D0  }
0x8: {  	s25 =	simm.s32 $0x1;
	s26 =	simm.s32 $0x14A20;
	s11 =	sand.u32 $0x1, s5  }
0x9: {  	[smem:$0x7FF] =	sst s6;
	s12 =	smul.u32 $0x13A0, s28;
	s7 =	sadd.s32 $0x36E00, s0  }
0xa: {  	s8 =	sadd.s32 $0x31E00, s0;
	s9 =	sadd.s32 $0x2CE00, s0;
	s13 =	smul.u32 $0x4EA00, s28  }
0xb: {  	s10 =	sadd.s32 $0x3BE00, s0;
	s14 =	smul.u32 $0x4E800, s28;
	s31 =	sshll.u32 s28, $0x6  }
0xc: {  	s24 =	smul.u32 $0x13A00, s11;
	_ =	strace $0x80000047;
	s11 =	ssub.s32 $0x2, s11  }
0xd: {  	s29 =	sshrl.u32 s11, $0x1;
	s30 =	sshrl.u32 s13, $0x2;
	s14 =	sshrl.u32 s14, $0x2  }
0xe: {  	s12 =	sadd.s32 s12, s24;
	s18 =	ssub.s32 s11, s29;
	s11 =	smul.u32 $0x4E20, s28  }
0xf: {  	s19 =	sadd.s32 s30, s4;
	s14 =	sadd.s32 s14, s4;
	s12 =	sshll.u32 s12, $0x1  }
0x10: {  	v0 =	vmov s24;
	s24 =	simm.s32 $0x151F0;
	s18 =	smax.u32 s18, $0x1;
	s0 =	sadd.s32 s12, s0  }
0x11: {  	s19 =	sshrl.u32 s19, $0x3;
	s12 =	sor.u32 $0x1C02, s31;
	s13 =	sadd.s32 $0x3E600, s0  }
0x12: {  	s15 =	sadd.s32 $0x8CE00, s0;
	s16 =	sadd.s32 $0xDB600, s0;
	s17 =	sadd.s32 $0x129E00, s0  }
.LBB2_1:
0x13: {  	[spmem:s19], [sflag:s12] =	dma.local [hbm:s10], $0x2750  }
0x14: {  	_ =	swait.ge [sflag:s20], $0x2750  }
0x15: {  	[sflag:s20] =	ssyncset.done $0x0  }
0x16: {  	[sflag:s20] =	ssyncadd.s32 $0xFFFFD8B0  }
0x17: {  	s28 =	simm.s32 $0x0;
	[bflag:$0x0] =	sbarrier.arrive $0xFFFF  }
.LBB2_2:
0x18: {  	s0 =	smul.u32 $0x7D0, s28;
	_ =	sdelay $0x1  }
0x19: {  	s0 =	sadd.s32 s11, s0  }
0x1a: {  	s0 =	sshrl.u32 s0, $0x3  }
0x1b: {  	s30 =	simm.s32 $0x0;
	s29 =	sadd.s32 s2, s0  }
0x1c: {  	[tilespmem:s21], [sflag:$0x2] =	stream.linear.gather [hbm4b:s29+s30], $0x7D0, $0x38;
	[tilespmem:$0x1CEF0] =	vst v63  }
0x1d: {  	_ =	swait.ge [sflag:s20], $0x7D0  }
0x1e: {  	[sflag:s20] =	ssyncset.done $0x0  }
0x1f: {  	s0 =	sadd.s32 s3, s0;
	[sflag:s20] =	ssyncadd.s32 $0xFFFFF830  }
0x20: {  	[tilespmem:s22], [sflag:$0x2] =	stream.linear.gather [hbm4b:s0+s30], $0x7D0, $0x38;
	[tilespmem:$0x1CEF0] =	vst v63  }
0x21: {  	_ =	swait.ge [sflag:s20], $0x7D0  }
0x22: {  	[sflag:s20] =	ssyncset.done $0x0  }
0x23: {  	s29 =	simm.s32 $0x0;
	[sflag:s20] =	ssyncadd.s32 $0xFFFFF830  }
0x24: {  	[tilespmem:s24], [sflag:$0x1] =	stream.indirect.gather [hbm4b:s1+s23], $0x10, s21, s23, $0xb8;
	[tilespmem:$0x1CEF0] =	vst v63  }
0x25: {  	v1 =	vld [tilespmem:s29+$0x14250]  }
0x26: {  	s30 =	simm.s32 $0x40  }
.LBB2_3:
0x27: {  	p0 =	sne.s32 s30, $0x1F00  }
.Ltmp0:
0x28: {  	_ = 	snop;
	(pc) =	sbr.rel @p0 .LBB2_3-.Ltmp0, $4  }
0x29: {  	_ = 	snop  }
0x2a: {  	s0 =	sshra.s32 s30, $0x2;
	s30 =	sadd.s32 $0x40, s30;
	v2 =	vsub.s32 v1, v0  }
0x2b: {  	v1 =	vld [tilespmem:s0+$0x14250];
	v2 =	vmin.u32 v2, $0x13A00  }
0x2c: {  	[tilespmem:s29+$0x14A20] =	vst v2;
	s29 =	smov.u32 s0  }
0x2d: {  	_ =	sdelay $0x2  }
0x2e: {  	v1 =	vsub.s32 v1, v0  }
0x2f: {  	v1 =	vmin.u32 v1, $0x13A00  }
0x30: {  	[tilespmem:s29+$0x14A20] =	vst v1  }
0x31: {  	s28 =	sadd.s32 $0x1, s28;
	_ =	swait.ge [sflag:s25], $0x7D00  }
0x32: {  	p0 =	sne.s32 s28, $0xA;
	[sflag:s25] =	ssyncset.done $0x0  }
.Ltmp1:
0x33: {  	[sflag:s25] =	ssyncadd.s32 $0xFFFF8300;
	(pc) =	sbr.rel @p0 .LBB2_2-.Ltmp1, $4  }
0x34: {  	[spmem:s4] =	stream.indirect.scatter.add.f32 [tilespmem:s24], [sflag:$0x2], $0x10, s26, s23, $0xb8;
	[tilespmem:$0x1CEF0] =	vst v63  }
0x35: {  	_ =	swait.ge [sflag:s20], $0x7D00  }
0x36: {  	[sflag:s20] =	ssyncset.done $0x0  }
0x37: {  	[sflag:s20] =	ssyncadd.s32 $0xFFFF8300  }
0x38: {  	[bflag:$0x0] =	sbarrier.arrive $0xFFFF;
	s28 =	sshrl.u32 s14, $0x3  }
0x39: {  	[hbm:s13], [sflag:s12] =	dma.local [spmem:s28], $0x2740  }
0x3a: {  	_ =	swait.ge [sflag:s20], $0x2740  }
0x3b: {  	[sflag:s20] =	ssyncset.done $0x0  }
0x3c: {  	[sflag:s20] =	ssyncadd.s32 $0xFFFFD8C0  }
0x3d: {  	[bflag:$0x0] =	sbarrier.arrive $0xFFFF  }
0x3e: {  	[spmem:s19], [sflag:s12] =	dma.local [hbm:s10], $0x2750  }
0x3f: {  	_ =	swait.ge [sflag:s20], $0x2750  }
0x40: {  	[sflag:s20] =	ssyncset.done $0x0  }
0x41: {  	[sflag:s20] =	ssyncadd.s32 $0xFFFFD8B0  }
0x42: {  	s29 =	simm.s32 $0x0;
	s30 =	simm.s32 $0x0;
	[bflag:$0x0] =	sbarrier.arrive $0xFFFF  }
.LBB2_6:
0x43: {  	s0 =	smul.u32 $0x7D0, s30;
	_ =	sdelay $0x1  }
0x44: {  	s0 =	sadd.s32 s11, s0  }
0x45: {  	s0 =	sshrl.u32 s0, $0x3  }
0x46: {  	s31 =	sadd.s32 s2, s0  }
0x47: {  	[tilespmem:s21], [sflag:$0x2] =	stream.linear.gather [hbm4b:s31+s29], $0x7D0, $0x38;
	[tilespmem:$0x1CEF0] =	vst v63  }
0x48: {  	_ =	swait.ge [sflag:s20], $0x7D0  }
0x49: {  	[sflag:s20] =	ssyncset.done $0x0  }
0x4a: {  	s0 =	sadd.s32 s3, s0;
	[sflag:s20] =	ssyncadd.s32 $0xFFFFF830  }
0x4b: {  	[tilespmem:s22], [sflag:$0x2] =	stream.linear.gather [hbm4b:s0+s29], $0x7D0, $0x38;
	[tilespmem:$0x1CEF0] =	vst v63  }
0x4c: {  	_ =	swait.ge [sflag:s20], $0x7D0  }
0x4d: {  	[sflag:s20] =	ssyncset.done $0x0  }
0x4e: {  	s31 =	simm.s32 $0x0;
	[sflag:s20] =	ssyncadd.s32 $0xFFFFF830  }
0x4f: {  	[tilespmem:s24], [sflag:$0x1] =	stream.indirect.gather [hbm4b:s7+s23], $0x10, s21, s23, $0xb8;
	[tilespmem:$0x1CEF0] =	vst v63  }
0x50: {  	v1 =	vld [tilespmem:s31+$0x14250]  }
0x51: {  	s0 =	simm.s32 $0x40  }
.LBB2_7:
0x52: {  	p0 =	sne.s32 s0, $0x1F00  }
.Ltmp2:
0x53: {  	_ = 	snop;
	(pc) =	sbr.rel @p0 .LBB2_7-.Ltmp2, $4  }
0x54: {  	_ = 	snop  }
0x55: {  	s5 =	sshra.s32 s0, $0x2;
	s0 =	sadd.s32 $0x40, s0;
	v2 =	vsub.s32 v1, v0  }
0x56: {  	v1 =	vld [tilespmem:s5+$0x14250];
	v2 =	vmin.u32 v2, $0x13A00  }
0x57: {  	[tilespmem:s31+$0x14A20] =	vst v2;
	s31 =	smov.u32 s5  }
0x58: {  	_ =	sdelay $0x2  }
0x59: {  	v1 =	vsub.s32 v1, v0  }
0x5a: {  	v1 =	vmin.u32 v1, $0x13A00  }
0x5b: {  	[tilespmem:s31+$0x14A20] =	vst v1  }
0x5c: {  	s30 =	sadd.s32 $0x1, s30;
	_ =	swait.ge [sflag:s25], $0x7D00  }
0x5d: {  	p0 =	sne.s32 s30, $0xA;
	[sflag:s25] =	ssyncset.done $0x0  }
.Ltmp3:
0x5e: {  	[sflag:s25] =	ssyncadd.s32 $0xFFFF8300;
	(pc) =	sbr.rel @p0 .LBB2_6-.Ltmp3, $4  }
0x5f: {  	[spmem:s4] =	stream.indirect.scatter.add.f32 [tilespmem:s24], [sflag:$0x2], $0x10, s26, s23, $0xb8;
	[tilespmem:$0x1CEF0] =	vst v63  }
0x60: {  	_ =	swait.ge [sflag:s20], $0x7D00  }
0x61: {  	[sflag:s20] =	ssyncset.done $0x0  }
0x62: {  	[sflag:s20] =	ssyncadd.s32 $0xFFFF8300  }
0x63: {  	[bflag:$0x0] =	sbarrier.arrive $0xFFFF  }
0x64: {  	[hbm:s15], [sflag:s12] =	dma.local [spmem:s28], $0x2740  }
0x65: {  	_ =	swait.ge [sflag:s20], $0x2740  }
0x66: {  	[sflag:s20] =	ssyncset.done $0x0  }
0x67: {  	[sflag:s20] =	ssyncadd.s32 $0xFFFFD8C0  }
0x68: {  	[bflag:$0x0] =	sbarrier.arrive $0xFFFF  }
0x69: {  	[spmem:s19], [sflag:s12] =	dma.local [hbm:s10], $0x2750  }
0x6a: {  	_ =	swait.ge [sflag:s20], $0x2750  }
0x6b: {  	[sflag:s20] =	ssyncset.done $0x0  }
0x6c: {  	[sflag:s20] =	ssyncadd.s32 $0xFFFFD8B0  }
0x6d: {  	s29 =	simm.s32 $0x0;
	s30 =	simm.s32 $0x0;
	[bflag:$0x0] =	sbarrier.arrive $0xFFFF  }
.LBB2_10:
0x6e: {  	s0 =	smul.u32 $0x7D0, s30;
	_ =	sdelay $0x1  }
0x6f: {  	s0 =	sadd.s32 s11, s0  }
0x70: {  	s0 =	sshrl.u32 s0, $0x3  }
0x71: {  	s5 =	sadd.s32 s2, s0  }
0x72: {  	[tilespmem:s21], [sflag:$0x2] =	stream.linear.gather [hbm4b:s5+s29], $0x7D0, $0x38;
	[tilespmem:$0x1CEF0] =	vst v63  }
0x73: {  	_ =	swait.ge [sflag:s20], $0x7D0  }
0x74: {  	[sflag:s20] =	ssyncset.done $0x0  }
0x75: {  	s0 =	sadd.s32 s3, s0;
	[sflag:s20] =	ssyncadd.s32 $0xFFFFF830  }
0x76: {  	[tilespmem:s22], [sflag:$0x2] =	stream.linear.gather [hbm4b:s0+s29], $0x7D0, $0x38;
	[tilespmem:$0x1CEF0] =	vst v63  }
0x77: {  	_ =	swait.ge [sflag:s20], $0x7D0  }
0x78: {  	[sflag:s20] =	ssyncset.done $0x0  }
0x79: {  	s31 =	simm.s32 $0x0;
	[sflag:s20] =	ssyncadd.s32 $0xFFFFF830  }
0x7a: {  	[tilespmem:s24], [sflag:$0x1] =	stream.indirect.gather [hbm4b:s8+s23], $0x10, s21, s23, $0xb8;
	[tilespmem:$0x1CEF0] =	vst v63  }
0x7b: {  	v1 =	vld [tilespmem:s31+$0x14250]  }
0x7c: {  	s0 =	simm.s32 $0x40  }
.LBB2_11:
0x7d: {  	p0 =	sne.s32 s0, $0x1F00  }
.Ltmp4:
0x7e: {  	_ = 	snop;
	(pc) =	sbr.rel @p0 .LBB2_11-.Ltmp4, $4  }
0x7f: {  	_ = 	snop  }
0x80: {  	s5 =	sshra.s32 s0, $0x2;
	s0 =	sadd.s32 $0x40, s0;
	v2 =	vsub.s32 v1, v0  }
0x81: {  	v1 =	vld [tilespmem:s5+$0x14250];
	v2 =	vmin.u32 v2, $0x13A00  }
0x82: {  	[tilespmem:s31+$0x14A20] =	vst v2;
	s31 =	smov.u32 s5  }
0x83: {  	_ =	sdelay $0x2  }
0x84: {  	v1 =	vsub.s32 v1, v0  }
0x85: {  	v1 =	vmin.u32 v1, $0x13A00  }
0x86: {  	[tilespmem:s31+$0x14A20] =	vst v1  }
0x87: {  	s30 =	sadd.s32 $0x1, s30;
	_ =	swait.ge [sflag:s25], $0x7D00  }
0x88: {  	p0 =	sne.s32 s30, $0xA;
	[sflag:s25] =	ssyncset.done $0x0  }
.Ltmp5:
0x89: {  	[sflag:s25] =	ssyncadd.s32 $0xFFFF8300;
	(pc) =	sbr.rel @p0 .LBB2_10-.Ltmp5, $4  }
0x8a: {  	[spmem:s4] =	stream.indirect.scatter.add.f32 [tilespmem:s24], [sflag:$0x2], $0x10, s26, s23, $0xb8;
	[tilespmem:$0x1CEF0] =	vst v63  }
0x8b: {  	_ =	swait.ge [sflag:s20], $0x7D00  }
0x8c: {  	[sflag:s20] =	ssyncset.done $0x0  }
0x8d: {  	[sflag:s20] =	ssyncadd.s32 $0xFFFF8300  }
0x8e: {  	[bflag:$0x0] =	sbarrier.arrive $0xFFFF  }
0x8f: {  	[hbm:s16], [sflag:s12] =	dma.local [spmem:s28], $0x2740  }
0x90: {  	_ =	swait.ge [sflag:s20], $0x2740  }
0x91: {  	[sflag:s20] =	ssyncset.done $0x0  }
0x92: {  	[sflag:s20] =	ssyncadd.s32 $0xFFFFD8C0  }
0x93: {  	[bflag:$0x0] =	sbarrier.arrive $0xFFFF  }
0x94: {  	[spmem:s19], [sflag:s12] =	dma.local [hbm:s10], $0x2750  }
0x95: {  	_ =	swait.ge [sflag:s20], $0x2750  }
0x96: {  	[sflag:s20] =	ssyncset.done $0x0  }
0x97: {  	[sflag:s20] =	ssyncadd.s32 $0xFFFFD8B0  }
0x98: {  	s29 =	simm.s32 $0x0;
	s30 =	simm.s32 $0x0;
	[bflag:$0x0] =	sbarrier.arrive $0xFFFF  }
.LBB2_14:
0x99: {  	s0 =	smul.u32 $0x7D0, s30;
	_ =	sdelay $0x1  }
0x9a: {  	s0 =	sadd.s32 s11, s0  }
0x9b: {  	s0 =	sshrl.u32 s0, $0x3  }
0x9c: {  	s5 =	sadd.s32 s2, s0  }
0x9d: {  	[tilespmem:s21], [sflag:$0x2] =	stream.linear.gather [hbm4b:s5+s29], $0x7D0, $0x38;
	[tilespmem:$0x1CEF0] =	vst v63  }
0x9e: {  	_ =	swait.ge [sflag:s20], $0x7D0  }
0x9f: {  	[sflag:s20] =	ssyncset.done $0x0  }
0xa0: {  	s0 =	sadd.s32 s3, s0;
	[sflag:s20] =	ssyncadd.s32 $0xFFFFF830  }
0xa1: {  	[tilespmem:s22], [sflag:$0x2] =	stream.linear.gather [hbm4b:s0+s29], $0x7D0, $0x38;
	[tilespmem:$0x1CEF0] =	vst v63  }
0xa2: {  	_ =	swait.ge [sflag:s20], $0x7D0  }
0xa3: {  	[sflag:s20] =	ssyncset.done $0x0  }
0xa4: {  	s31 =	simm.s32 $0x0;
	[sflag:s20] =	ssyncadd.s32 $0xFFFFF830  }
0xa5: {  	[tilespmem:s24], [sflag:$0x1] =	stream.indirect.gather [hbm4b:s9+s23], $0x10, s21, s23, $0xb8;
	[tilespmem:$0x1CEF0] =	vst v63  }
0xa6: {  	v1 =	vld [tilespmem:s31+$0x14250]  }
0xa7: {  	s0 =	simm.s32 $0x40  }
.LBB2_15:
0xa8: {  	p0 =	sne.s32 s0, $0x1F00  }
.Ltmp6:
0xa9: {  	_ = 	snop;
	(pc) =	sbr.rel @p0 .LBB2_15-.Ltmp6, $4  }
0xaa: {  	_ = 	snop  }
0xab: {  	s5 =	sshra.s32 s0, $0x2;
	s0 =	sadd.s32 $0x40, s0;
	v2 =	vsub.s32 v1, v0  }
0xac: {  	v1 =	vld [tilespmem:s5+$0x14250];
	v2 =	vmin.u32 v2, $0x13A00  }
0xad: {  	[tilespmem:s31+$0x14A20] =	vst v2;
	s31 =	smov.u32 s5  }
0xae: {  	_ =	sdelay $0x2  }
0xaf: {  	v1 =	vsub.s32 v1, v0  }
0xb0: {  	v1 =	vmin.u32 v1, $0x13A00  }
0xb1: {  	[tilespmem:s31+$0x14A20] =	vst v1  }
0xb2: {  	s30 =	sadd.s32 $0x1, s30;
	_ =	swait.ge [sflag:s25], $0x7D00  }
0xb3: {  	p0 =	sne.s32 s30, $0xA;
	[sflag:s25] =	ssyncset.done $0x0  }
.Ltmp7:
0xb4: {  	[sflag:s25] =	ssyncadd.s32 $0xFFFF8300;
	(pc) =	sbr.rel @p0 .LBB2_14-.Ltmp7, $4  }
0xb5: {  	[spmem:s4] =	stream.indirect.scatter.add.f32 [tilespmem:s24], [sflag:$0x2], $0x10, s26, s23, $0xb8;
	[tilespmem:$0x1CEF0] =	vst v63  }
0xb6: {  	_ =	swait.ge [sflag:s20], $0x7D00  }
0xb7: {  	[sflag:s20] =	ssyncset.done $0x0  }
0xb8: {  	[sflag:s20] =	ssyncadd.s32 $0xFFFF8300  }
0xb9: {  	[bflag:$0x0] =	sbarrier.arrive $0xFFFF;
	s6 =	sadd.s32 $0x1, s6  }
0xba: {  	[hbm:s17], [sflag:s12] =	dma.local [spmem:s28], $0x2740  }
0xbb: {  	p0 =	sne.s32 s6, s18  }
.Ltmp8:
0xbc: {  	_ =	swait.ge [sflag:s20], $0x2740;
	(pc) =	sbr.rel @p0 .LBB2_1-.Ltmp8, $3  }
0xbd: {  	[sflag:s20] =	ssyncset.done $0x0  }
0xbe: {  	[sflag:s20] =	ssyncadd.s32 $0xFFFFD8C0  }
0xbf: {  	[bflag:$0x0] =	sbarrier.arrive $0xFFFF;
	_ =	sdelay $0x1  }
0xc0: {  	_ =	sfence.sel $0x180000  }
0xc1: {  	[bflag:$0x0] =	sbarrier.arrive $0xFFFF  }
0xc2: {  	_ =	strace $0x90000047  }
0xc3: {  	s0 =	stileid.u32;
	[bflag:$0x2] =	sbarrier.arrive $0xFFFF  }
0xc4: {  	p0 =	sne.s32 s0, $0x0;
	s0 =	rddreg [dreg:$0x5]  }
0xc5: {  	s0 =	sadd.s32 @!p0 $0x100000, s0  }
0xc6: {  	[sflag:s0] =	ssyncadd.tile.s32 @!p0 $0x1;
	_ =	shalt  }
.Lfunc_end2:
_tile_overlayer_lowered:
.L_overlay_start_2:
0xc7: {  	(tag) =	ssettag $0x2  }
0xc8: {  	s0 =	rddreg [dreg:$0x0];
	s2 =	stileid.u32  }
0xc9: {  	s1 =	rddreg [dreg:$0x1];
	p0 =	sne.s32 s2, $0x0  }
0xca: {  	s3 =	rddreg [dreg:$0x2];
	[bflag:$0x3] =	sbarrier.arrive $0xFFFF;
	s2 =	simm.s32 @!p0 $0x1C02  }
0xcb: {  	[timem:s3], [sflag:s2] =	dma.local @!p0 [hbm:s0], s1  }
0xcc: {  	s0 =	simm.s32 @!p0 $0x2  }
0xcd: {  	_ =	swait.ge @!p0 [sflag:s0], s1  }
0xce: {  	s1 =	ssub.s32 @!p0 $0x0, s1;
	[sflag:s0] =	ssyncset.done @!p0 $0x0  }
0xcf: {  	[sflag:s0] =	ssyncadd.s32 @!p0 s1  }
0xd0: {  	[bflag:$0x3] =	sbarrier.arrive $0xFFFF  }
0xd1: {  	_ =	shalt  }

// kernel: kernel.29.cloned.1.call-start
scs
__scs_entry_jumppad:
0x0: {  	(pc) =	sbr.rel $0x88, $3  }
0x1: {  	(tag) =	ssettag $0x0;
	lr =	simm.s32 $0x1  }
0x2: {  	[smem:$0x3F81] =	sst lr;
	_ =	strace $0xD0000000  }
0x3: {  	_ = 	snop  }
0x4: {  	_ = 	snop  }
0x5: {  	_ = 	snop  }
0x6: {  	_ = 	snop  }
0x7: {  	_ = 	snop  }
__scs_overlays_trampoline_lowered:
0x8: {  	[smem:$0x3F90] =	sst s0  }
0x9: {  	[smem:$0x3F91] =	sst s1  }
0xa: {  	[smem:$0x3F92] =	sst s2  }
0xb: {  	[smem:$0x3F93] =	sst s3  }
0xc: {  	[smem:$0x3F94] =	sst s4  }
0xd: {  	[smem:$0x3F95] =	sst s5  }
0xe: {  	[smem:$0x3F96] =	sst s6  }
0xf: {  	[smem:$0x3F97] =	sst s7  }
0x10: {  	[smem:$0x3F98] =	sst s8  }
0x11: {  	[smem:$0x3F99] =	sst s9;
	s0 =	simm.s32 @!p0 $0x0  }
0x12: {  	s1 =	sld [smem:$0x3F7F];
	s0 =	simm.s32 @p0 $0x1  }
0x13: {  	[smem:$0x3F9A] =	sst s0;
	s0 =	simm.s32 @!p1 $0x0  }
0x14: {  	s2 =	sld [smem:$0x3F7E];
	s0 =	simm.s32 @p1 $0x1  }
0x15: {  	[smem:$0x3F9B] =	sst s0;
	s0 =	simm.s32 @!p2 $0x0  }
0x16: {  	s3 =	sld [smem:$0x3FDB];
	s0 =	simm.s32 @p2 $0x1  }
0x17: {  	s4 =	simm.s32 $0x1BF5;
	[smem:$0x3F9D] =	sst s0  }
0x18: {  	s0 =	sld [smem:$0x3F80];
	_ =	swait.ge [sflag:s4], $0x0  }
0x19: {  	s7 =	sld [smem:$0x3F81]  }
0x1a: {  	s8 =	sadd.s32 $0xFFFFE003, lr  }
0x1b: {  	s9 =	sadd.s32 $0xFFFFFEF7, lr;
	s5 =	simm.s32 $0xFFFFFFFF;
	p2 =	slt.u32 s8, $0xFFFFF086  }
0x1c: {  	p1 =	slt.u32 s9, $0xF7A;
	s5 =	simm.s32 @!p2 $0x0  }
0x1d: {  	s5 =	simm.s32 @p1 $0x1;
	p0 =	seq.s32 s7, s2  }
0x1e: {  	s7 =	smul.u32 @!p0 $0xF7A, s2;
	p2 =	seq.s32 @!p0 s5, $0x0  }
0x1f: {  	s9 =	smul.u32 $0xF7A, s1;
	s8 =	simm.s32 @!p0 $0x1BF5;
	p2 =	por !p2, p0  }
0x20: {  	[sflag:s8] =	ssyncset.s32 @!p0 $0xFFFFF086;
	s6 =	sadd.s32 @!p0 s3, s7;
	s7 =	simm.s32 @!p0 $0x108  }
0x21: {  	s3 =	sadd.s32 s3, s9;
	s6 =	sadd.s32 @!p0 $0x88, s6;
	s7 =	simm.s32 @p2 $0x1082  }
0x22: {  	[simem:s7], [sflag:s8] =	dma.local @!p0 [hbm:s6], $0xF7A  }
0x23: {  	s9 =	sor.u32 $0xD0000000, s2;
	s6 =	simm.s32 $0x108;
	_ =	swait.ge @!p0 [sflag:s8], $0x0  }
0x24: {  	s3 =	sadd.s32 $0x88, s3;
	s6 =	simm.s32 @!p1 $0x1082;
	[sflag:s4] =	ssyncset.s32 $0xFFFFF086  }
0x25: {  	[simem:s6], [sflag:s4] =	dma.local [hbm:s3], $0xF7A  }
0x26: {  	[smem:$0x3F81] =	sst s1;
	(tag) =	ssettag s2;
	_ =	strace s9  }
0x27: {  	s1 =	sld [smem:$0x3F91]  }
0x28: {  	s2 =	sld [smem:$0x3F92]  }
0x29: {  	s4 =	sld [smem:$0x3F94]  }
0x2a: {  	p0 =	seq.s32 s5, $0x0;
	s5 =	sld [smem:$0x3F95]  }
0x2b: {  	s6 =	sld [smem:$0x3F96]  }
0x2c: {  	s7 =	sld [smem:$0x3F97]  }
0x2d: {  	s3 =	simm.s32 $0x108;
	s8 =	sld [smem:$0x3F98]  }
0x2e: {  	s3 =	simm.s32 @!p0 $0x1082;
	s9 =	sld [smem:$0x3F99]  }
0x2f: {  	lr =	sadd.s32 s0, s3;
	s0 =	sld [smem:$0x3F90]  }
0x30: {  	s3 =	sld [smem:$0x3F93]  }
0x31: {  	[smem:$0x3F9C] =	sst s10  }
0x32: {  	s10 =	sld [smem:$0x3F9A];
	_ =	sdelay $0x3  }
0x33: {  	p0 =	seq.s32 s10, $0x1;
	s10 =	sld [smem:$0x3F9C];
	_ =	sdelay $0x3  }
0x34: {  	[smem:$0x3F9C] =	sst s10  }
0x35: {  	s10 =	sld [smem:$0x3F9B];
	_ =	sdelay $0x3  }
0x36: {  	p1 =	seq.s32 s10, $0x1;
	s10 =	sld [smem:$0x3F9C];
	_ =	sdelay $0x3  }
0x37: {  	[smem:$0x3F9C] =	sst s10  }
0x38: {  	s10 =	sld [smem:$0x3F9D]  }
0x39: {  	_ = 	snop;
	(pc) =	sbr.ind lr, $3  }
0x3a: {  	_ = 	snop  }
0x3b: {  	_ = 	snop  }
0x3c: {  	p2 =	seq.s32 s10, $0x1;
	s10 =	sld [smem:$0x3F9C]  }
0x3d: {  	_ =	shalt  }
0x3e: {  	_ =	shalt  }
0x3f: {  	_ =	shalt  }
0x40: {  	_ =	shalt  }
0x41: {  	_ =	shalt  }
0x42: {  	_ =	shalt  }
0x43: {  	_ =	shalt  }
0x44: {  	_ =	shalt  }
0x45: {  	_ =	shalt  }
0x46: {  	_ =	shalt  }
0x47: {  	_ =	shalt  }
0x48: {  	_ =	shalt  }
0x49: {  	_ =	shalt  }
0x4a: {  	_ =	shalt  }
0x4b: {  	_ =	shalt  }
0x4c: {  	_ =	shalt  }
0x4d: {  	_ =	shalt  }
0x4e: {  	_ =	shalt  }
0x4f: {  	_ =	shalt  }
0x50: {  	_ =	shalt  }
0x51: {  	_ =	shalt  }
0x52: {  	_ =	shalt  }
0x53: {  	_ =	shalt  }
0x54: {  	_ =	shalt  }
0x55: {  	_ =	shalt  }
0x56: {  	_ =	shalt  }
0x57: {  	_ =	shalt  }
0x58: {  	_ =	shalt  }
0x59: {  	_ =	shalt  }
0x5a: {  	_ =	shalt  }
0x5b: {  	_ =	shalt  }
0x5c: {  	_ =	shalt  }
0x5d: {  	_ =	shalt  }
0x5e: {  	_ =	shalt  }
0x5f: {  	_ =	shalt  }
0x60: {  	_ =	shalt  }
0x61: {  	_ =	shalt  }
0x62: {  	_ =	shalt  }
0x63: {  	_ =	shalt  }
0x64: {  	_ =	shalt  }
0x65: {  	_ =	shalt  }
0x66: {  	_ =	shalt  }
0x67: {  	_ =	shalt  }
0x68: {  	_ =	shalt  }
0x69: {  	_ =	shalt  }
0x6a: {  	_ =	shalt  }
0x6b: {  	_ =	shalt  }
0x6c: {  	_ =	shalt  }
0x6d: {  	_ =	shalt  }
0x6e: {  	_ =	shalt  }
0x6f: {  	_ =	shalt  }
0x70: {  	_ =	shalt  }
0x71: {  	_ =	shalt  }
0x72: {  	_ =	shalt  }
0x73: {  	_ =	shalt  }
0x74: {  	_ =	shalt  }
0x75: {  	_ =	shalt  }
0x76: {  	_ =	shalt  }
0x77: {  	_ =	shalt  }
0x78: {  	_ =	shalt  }
0x79: {  	_ =	shalt  }
0x7a: {  	_ =	shalt  }
0x7b: {  	_ =	shalt  }
0x7c: {  	_ =	shalt  }
0x7d: {  	_ =	shalt  }
0x7e: {  	_ =	shalt  }
0x7f: {  	_ =	shalt  }
0x80: {  	_ =	shalt  }
0x81: {  	_ =	shalt  }
0x82: {  	_ =	shalt  }
0x83: {  	_ =	shalt  }
0x84: {  	_ =	shalt  }
0x85: {  	_ =	shalt  }
0x86: {  	_ =	shalt  }
0x87: {  	_ =	shalt  }
.Lfunc_end0:
.L_simem_size_0:
called_computation.3_lowered:
.L_overlay_start_0:
0x88: {  	s2 =	sld [smem:$0x3FD9]  }
0x89: {  	s3 =	sld [smem:$0x3FFE];
	_ =	sdelay $0x1  }
0x8a: {  	s1 =	srdreg.scid  }
0x8b: {  	s0 =	sand.u32 $0x1, s1  }
0x8c: {  	s17 =	sshll.u32 s0, $0xA;
	s2 =	sadd.s32 s3, s2  }
0x8d: {  	s2 =	sadd.s32 s2, s17  }
0x8e: {  	[smem:$0x3FA8] =	sst s2  }
0x8f: {  	_ = 	snop  }
0x90: {  	s18 =	sld [smem:$0x3FC5]  }
0x91: {  	s4 =	sld [smem:$0x3FC4];
	(tm) =	ssettm $0x1  }
0x92: {  	s19 =	sld [smem:$0x3FFB];
	_ =	sdelay $0x3  }
0x93: {  	_ =	strace s19  }
0x94: {  	s2 =	sld [smem:$0x3FFC];
	_ =	sdelay $0x3  }
0x95: {  	_ =	strace s2  }
0x96: {  	s2 =	sld [smem:$0x3FFD];
	_ =	sdelay $0x3  }
0x97: {  	_ =	strace s2  }
0x98: {  	_ =	strace $0x8FFFFFFF  }
0x99: {  	s20 =	sld [smem:$0x3FDB];
	_ =	sdelay $0x1  }
0x9a: {  	s5 =	simm.s32 $_scs_section_size  }
0x9b: {  	s6 =	simm.s32 $_size__tile_overlayer_lowered;
	s7 =	simm.s32 $_tile_overlayer_lowered  }
0x9c: {  	s8 =	simm.s32 $0x1BFF;
	s21 =	sshll.u32 s7, $0x1;
	s5 =	sadd.s32 s5, s20  }
0x9d: {  	s22 =	simm.s32 $0x0;
	s6 =	sshll.u32 s6, $0x1;
	s7 =	sadd.s32 s21, s5  }
0x9e: {  	[timem:s22], [sflag:s8] =	dma.local [hbm:s7], s6  }
0x9f: {  	_ =	swait.ge [sflag:s8], s6  }
0xa0: {  	s6 =	ssub.s32 $0x0, s6;
	[sflag:s8] =	ssyncset.done $0x0  }
0xa1: {  	[sflag:s8] =	ssyncadd.s32 s6;
	_ =	sdelay $0x1  }
0xa2: {  	s23 =	simm.s32 $0x1B8B  }
0xa3: {  	_ =	swait.ge [sflag:s23], $0x1  }
0xa4: {  	[sflag:s23] =	ssyncset.done $0x0  }
0xa5: {  	[sflag:s23] =	ssyncadd.s32 $0xFFFFFFFF  }
0xa6: {  	s6 =	sld [smem:$0x0]  }
0xa7: {  	s7 =	sand.u32 $0xFFFFFFFE, s1  }
0xa8: {  	p0 =	sne.s32 s1, s7  }
0xa9: {  	s7 =	sshll.u32 @p0 s7, $0xE  }
0xaa: {  	s7 =	sadd.s32 @p0 $0x11B8D, s7;
	s8 =	sshll.u32 @p0 s6, $0x11  }
0xab: {  	s7 =	sor.u32 @p0 s8, s7  }
0xac: {  	[sflag:s7] =	ssyncadd.remote.s32 @p0 $0x1;
	_ =	sdelay $0x1  }
0xad: {  	s7 =	simm.s32 @p0 $0x1B8D  }
0xae: {  	_ =	swait.eq @p0 [sflag:s7], $0x1  }
0xaf: {  	[sflag:s7] =	ssyncadd.s32 @p0 $0xFFFFFFFF  }
0xb0: {  	s8 =	sshll.u32 @!p0 s1, $0xE  }
0xb1: {  	s8 =	sor.u32 @!p0 $0x4000, s8;
	s7 =	simm.s32 @!p0 $0x1B8D  }
0xb2: {  	s6 =	sshll.u32 @!p0 s6, $0x11;
	s8 =	sadd.s32 @!p0 $0x11B8D, s8;
	_ =	swait.eq @!p0 [sflag:s7], $0x1  }
0xb3: {  	s6 =	sor.u32 @!p0 s6, s8;
	[sflag:s7] =	ssyncadd.s32 @!p0 $0xFFFFFFFF  }
0xb4: {  	s25 =	simm.s32 $0x1B8E;
	s24 =	sld [smem:$0x3FFE];
	[sflag:s6] =	ssyncadd.remote.s32 @!p0 $0x1  }
0xb5: {  	s26 =	simm.s32 $execute0_lowered;
	[smem:$0x3FD2] =	sst s25  }
0xb6: {  	s7 =	sshll.u32 s26, $0x1;
	_ =	strace $0x8000004C;
	[dreg:$0x1] =	wrdreg $0xFFFFFFFF  }
0xb7: {  	s28 =	simm.s32 $_size_execute0_lowered;
	s5 =	sadd.s32 s5, s7;
	[dreg:$0x0] =	wrdreg $0x0  }
0xb8: {  	s7 =	sshll.u32 s28, $0x1;
	[dreg:$0x2] =	wrdreg s5  }
0xb9: {  	[dreg:$0x3] =	wrdreg s7  }
0xba: {  	[dreg:$0x4] =	wrdreg $0xC0  }
0xbb: {  	_ =	task [dreg:s22], $0x5FFFF  }
0xbc: {  	[dreg:$0x1] =	wrdreg $0xFFFFFFFF  }
0xbd: {  	[dreg:$0x0] =	wrdreg $0x60  }
0xbe: {  	[dreg:$0x2] =	wrdreg s24  }
0xbf: {  	[dreg:$0x3] =	wrdreg s18  }
0xc0: {  	[dreg:$0x4] =	wrdreg s4  }
0xc1: {  	[dreg:$0x5] =	wrdreg $0x0  }
0xc2: {  	[dreg:$0x6] =	wrdreg $0xA  }
0xc3: {  	_ =	task.clear_ibuf [dreg:s22], $0x7FFFF;
	_ =	strace $0x9000004C  }
0xc4: {  	s29 =	simm.s32 $0xA;
	_ =	strace $0x8000004E  }
0xc5: {  	_ =	swait.ge [sflag:s29], $0x1  }
0xc6: {  	[sflag:s29] =	ssyncadd.s32 $0xFFFFFFFF  }
0xc7: {  	_ =	strace $0x9000004E  }
0xc8: {  	_ =	sfence  }
0xc9: {  	s30 =	sld [smem:$0x0];
	_ =	sdelay $0x2  }
0xca: {  	s31 =	sshll.u32 s1, $0xD;
	s1 =	sshrl.u32 s1, $0x2  }
0xcb: {  	s4 =	sand.u32 $0x4000, s31;
	s1 =	sadd.s32 s1, s30  }
0xcc: {  	s0 =	sor.u32 s4, s0;
	s1 =	sshll.u32 s1, $0x11  }
0xcd: {  	s0 =	sor.u32 s1, s0  }
0xce: {  	s0 =	sadd.s32 $0x8F2B, s0  }
0xcf: {  	[sflag:s0] =	ssyncadd.remote.s32 $0x1  }
0xd0: {  	_ =	sfence.sel $0xFFFF  }
0xd1: {  	[dreg:$0x0] =	wrdreg $0xFFFFFFFF;
	(pc) =	sbr.abs _section_cstart, $3  }
0xd2: {  	[dreg:$0x1] =	wrdreg $0xFFFFFFFF  }
0xd3: {  	_ =	task.clear_ibuf [dreg:s22], $0x2FFFF;
	_ =	strace $0x9FFFFFFF  }
0xd4: {  	(tm) =	ssettm $0x7FFFFFFF  }
0xd5: {  	_ =	shalt  }
tec
execute0_lowered:
.L_overlay_start_1:
0x0: {  	(tag) =	ssettag $0x1  }
0x1: {  	s8 =	rddreg [dreg:$0x0]  }
0x2: {  	s1 =	rddreg [dreg:$0x1]  }
0x3: {  	s2 =	rddreg [dreg:$0x2]  }
0x4: {  	s3 =	rddreg [dreg:$0x3];
	s4 =	srdreg.scid  }
0x5: {  	s0 =	rddreg [dreg:$0x4];
	s5 =	simm.s32 $0x0;
	s15 =	simm.s32 $0xA5E8  }
0x6: {  	s16 =	simm.s32 $0x3E8;
	s17 =	simm.s32 $0xADB8;
	s18 =	simm.s32 $0x1  }
0x7: {  	s9 =	sand.u32 $0x1, s4;
	s4 =	stileid.u32;
	s6 =	sadd.s32 $0x438E00, s8  }
0x8: {  	[smem:$0x7FF] =	sst s5;
	s7 =	sadd.s32 $0x571600, s8;
	s10 =	smul.u32 $0xA0000, s9  }
0x9: {  	s19 =	simm.s32 $0xA9D0;
	s11 =	smul.u32 $0xA000, s4;
	_ =	strace $0x8000004D  }
0xa: {  	s12 =	ssub.s32 $0x2, s9;
	s14 =	smul.u32 $0x28800, s4;
	s29 =	sshll.u32 s4, $0x1  }
0xb: {  	s31 =	sshll.u32 s4, $0x6;
	s13 =	sshrl.u32 s12, $0x1;
	s10 =	sadd.s32 s11, s10  }
0xc: {  	s12 =	ssub.s32 s12, s13;
	s30 =	sshrl.u32 s14, $0x2;
	s20 =	sadd.s32 s11, s3  }
0xd: {  	s13 =	simm.s32 $0x2;
	s10 =	sshrl.u32 s10, $0x3;
	s14 =	sadd.s32 s30, s3  }
0xe: {  	s11 =	smax.u32 s12, $0x1;
	s20 =	sshrl.u32 s20, $0x3;
	s10 =	sadd.s32 s10, s8  }
0xf: {  	s8 =	sor.u32 s9, s29;
	s9 =	sor.u32 $0x1C02, s31;
	s12 =	sshrl.u32 s14, $0x3  }
0x10: {  	s14 =	simm.s32 $0xA200;
	s8 =	smul.u32 $0x2710, s8;
	s10 =	sadd.s32 $0x572C00, s10  }
.LBB2_1:
0x11: {  	[spmem:s12], [sflag:s9] =	dma.local [hbm:s7], $0x1440  }
0x12: {  	_ =	swait.ge [sflag:s13], $0x1440  }
0x13: {  	[sflag:s13] =	ssyncset.done $0x0  }
0x14: {  	[sflag:s13] =	ssyncadd.s32 $0xFFFFEBC0  }
0x15: {  	s21 =	simm.s32 $0x0;
	[bflag:$0x0] =	sbarrier.arrive $0xFFFF  }
.LBB2_2:
0x16: {  	s22 =	smul.u32 $0x3E8, s21;
	_ =	sdelay $0x1  }
0x17: {  	s22 =	sadd.s32 s8, s22  }
0x18: {  	s22 =	sshrl.u32 s22, $0x3  }
0x19: {  	s24 =	simm.s32 $0x0;
	s23 =	sadd.s32 s1, s22  }
0x1a: {  	[tilespmem:s14], [sflag:$0x2] =	stream.linear.gather [hbm4b:s23+s24], $0x3E8, $0x38;
	[tilespmem:$0x1A7B8] =	vst v63  }
0x1b: {  	_ =	swait.ge [sflag:s13], $0x3E8  }
0x1c: {  	[sflag:s13] =	ssyncset.done $0x0  }
0x1d: {  	s22 =	sadd.s32 s2, s22;
	[sflag:s13] =	ssyncadd.s32 $0xFFFFFC18  }
0x1e: {  	[tilespmem:s15], [sflag:$0x2] =	stream.linear.gather [hbm4b:s22+s24], $0x3E8, $0x38;
	[tilespmem:$0x1A7B8] =	vst v63  }
0x1f: {  	_ =	swait.ge [sflag:s13], $0x3E8  }
0x20: {  	[sflag:s13] =	ssyncset.done $0x0  }
0x21: {  	s22 =	simm.s32 $0x0;
	[sflag:s13] =	ssyncadd.s32 $0xFFFFFC18  }
0x22: {  	[tilespmem:s17], [sflag:$0x1] =	stream.indirect.gather [hbm4b:s6+s16], $0x40, s14, s16, $0xb8;
	[tilespmem:$0x1A7B8] =	vst v63  }
0x23: {  	s23 =	simm.s32 $0x40;
	v0 =	vld [tilespmem:s22+$0xA5E8]  }
.LBB2_3:
0x24: {  	p0 =	sne.s32 s23, $0xF40  }
.Ltmp0:
0x25: {  	_ = 	snop;
	(pc) =	sbr.rel @p0 .LBB2_3-.Ltmp0, $3  }
0x26: {  	_ =	sdelay $0x1  }
0x27: {  	s24 =	sshra.s32 s23, $0x2;
	s23 =	sadd.s32 $0x40, s23;
	v1 =	vmin.u32 v0, $0x2800  }
0x28: {  	v0 =	vld [tilespmem:s24+$0xA5E8];
	[tilespmem:s22+$0xA9D0] =	vst v1;
	s22 =	smov.u32 s24  }
0x29: {  	_ =	sdelay $0x3  }
0x2a: {  	v0 =	vmin.u32 v0, $0x2800  }
0x2b: {  	[tilespmem:s22+$0xA9D0] =	vst v0  }
0x2c: {  	v0 =	vld [tilespmem:$0xA9C0];
	_ =	sdelay $0x4  }
0x2d: {  	v0 =	vmin.u32 v0, $0x2800  }
0x2e: {  	[tilespmem:$0xADA8] =	vst v0  }
0x2f: {  	s21 =	sadd.s32 $0x1, s21;
	_ =	swait.ge [sflag:s18], $0xFA00  }
0x30: {  	p0 =	sne.s32 s21, $0xA;
	[sflag:s18] =	ssyncset.done $0x0  }
.Ltmp1:
0x31: {  	[sflag:s18] =	ssyncadd.s32 $0xFFFF0600;
	(pc) =	sbr.rel @p0 .LBB2_2-.Ltmp1, $4  }
0x32: {  	[spmem:s3] =	stream.indirect.scatter.add.f32 [tilespmem:s17], [sflag:$0x2], $0x40, s19, s16, $0xb8;
	[tilespmem:$0x1A7B8] =	vst v63  }
0x33: {  	_ =	swait.ge [sflag:s13], $0xFA00  }
0x34: {  	[sflag:s13] =	ssyncset.done $0x0  }
0x35: {  	[sflag:s13] =	ssyncadd.s32 $0xFFFF0600  }
0x36: {  	[bflag:$0x0] =	sbarrier.arrive $0xFFFF;
	s5 =	sadd.s32 $0x1, s5  }
0x37: {  	[hbm:s10], [sflag:s9] =	dma.local [spmem:s20], $0x1400  }
0x38: {  	p0 =	sne.s32 s5, s11  }
.Ltmp2:
0x39: {  	_ =	swait.ge [sflag:s13], $0x1400;
	(pc) =	sbr.rel @p0 .LBB2_1-.Ltmp2, $3  }
0x3a: {  	[sflag:s13] =	ssyncset.done $0x0  }
0x3b: {  	[sflag:s13] =	ssyncadd.s32 $0xFFFFEC00  }
0x3c: {  	[bflag:$0x0] =	sbarrier.arrive $0xFFFF;
	_ =	sdelay $0x1  }
0x3d: {  	_ =	sfence.sel $0x180000  }
0x3e: {  	[bflag:$0x0] =	sbarrier.arrive $0xFFFF  }
0x3f: {  	p0 =	sne.s32 s4, $0x0;
	_ =	strace $0x9000004D  }
0x40: {  	s0 =	sadd.s32 @!p0 $0x100000, s0;
	[bflag:$0x2] =	sbarrier.arrive $0xFFFF  }
0x41: {  	[sflag:s0] =	ssyncadd.tile.s32 @!p0 $0x1;
	_ =	shalt  }
.Lfunc_end2:
_tile_overlayer_lowered:
.L_overlay_start_2:
0x42: {  	(tag) =	ssettag $0x2  }
0x43: {  	s0 =	rddreg [dreg:$0x0];
	s2 =	stileid.u32  }
0x44: {  	s1 =	rddreg [dreg:$0x1];
	p0 =	sne.s32 s2, $0x0  }
0x45: {  	s3 =	rddreg [dreg:$0x2];
	[bflag:$0x3] =	sbarrier.arrive $0xFFFF;
	s2 =	simm.s32 @!p0 $0x1C02  }
0x46: {  	[timem:s3], [sflag:s2] =	dma.local @!p0 [hbm:s0], s1  }
0x47: {  	s0 =	simm.s32 @!p0 $0x2  }
0x48: {  	_ =	swait.ge @!p0 [sflag:s0], s1  }
0x49: {  	s1 =	ssub.s32 @!p0 $0x0, s1;
	[sflag:s0] =	ssyncset.done @!p0 $0x0  }
0x4a: {  	[sflag:s0] =	ssyncadd.s32 @!p0 s1  }
0x4b: {  	[bflag:$0x3] =	sbarrier.arrive $0xFFFF  }
0x4c: {  	_ =	shalt  }

// kernel: kernel.32.cloned.1.call-start
scs
__scs_entry_jumppad:
0x0: {  	(pc) =	sbr.rel $0x88, $3  }
0x1: {  	(tag) =	ssettag $0x0;
	lr =	simm.s32 $0x1  }
0x2: {  	[smem:$0x3F81] =	sst lr;
	_ =	strace $0xD0000000  }
0x3: {  	_ = 	snop  }
0x4: {  	_ = 	snop  }
0x5: {  	_ = 	snop  }
0x6: {  	_ = 	snop  }
0x7: {  	_ = 	snop  }
__scs_overlays_trampoline_lowered:
0x8: {  	[smem:$0x3F90] =	sst s0  }
0x9: {  	[smem:$0x3F91] =	sst s1  }
0xa: {  	[smem:$0x3F92] =	sst s2  }
0xb: {  	[smem:$0x3F93] =	sst s3  }
0xc: {  	[smem:$0x3F94] =	sst s4  }
0xd: {  	[smem:$0x3F95] =	sst s5  }
0xe: {  	[smem:$0x3F96] =	sst s6  }
0xf: {  	[smem:$0x3F97] =	sst s7  }
0x10: {  	[smem:$0x3F98] =	sst s8  }
0x11: {  	[smem:$0x3F99] =	sst s9;
	s0 =	simm.s32 @!p0 $0x0  }
0x12: {  	s1 =	sld [smem:$0x3F7F];
	s0 =	simm.s32 @p0 $0x1  }
0x13: {  	[smem:$0x3F9A] =	sst s0;
	s0 =	simm.s32 @!p1 $0x0  }
0x14: {  	s2 =	sld [smem:$0x3F7E];
	s0 =	simm.s32 @p1 $0x1  }
0x15: {  	[smem:$0x3F9B] =	sst s0;
	s0 =	simm.s32 @!p2 $0x0  }
0x16: {  	s3 =	sld [smem:$0x3FDB];
	s0 =	simm.s32 @p2 $0x1  }
0x17: {  	s4 =	simm.s32 $0x1BF5;
	[smem:$0x3F9D] =	sst s0  }
0x18: {  	s0 =	sld [smem:$0x3F80];
	_ =	swait.ge [sflag:s4], $0x0  }
0x19: {  	s7 =	sld [smem:$0x3F81]  }
0x1a: {  	s8 =	sadd.s32 $0xFFFFE003, lr  }
0x1b: {  	s9 =	sadd.s32 $0xFFFFFEF7, lr;
	s5 =	simm.s32 $0xFFFFFFFF;
	p2 =	slt.u32 s8, $0xFFFFF086  }
0x1c: {  	p1 =	slt.u32 s9, $0xF7A;
	s5 =	simm.s32 @!p2 $0x0  }
0x1d: {  	s5 =	simm.s32 @p1 $0x1;
	p0 =	seq.s32 s7, s2  }
0x1e: {  	s7 =	smul.u32 @!p0 $0xF7A, s2;
	p2 =	seq.s32 @!p0 s5, $0x0  }
0x1f: {  	s9 =	smul.u32 $0xF7A, s1;
	s8 =	simm.s32 @!p0 $0x1BF5;
	p2 =	por !p2, p0  }
0x20: {  	[sflag:s8] =	ssyncset.s32 @!p0 $0xFFFFF086;
	s6 =	sadd.s32 @!p0 s3, s7;
	s7 =	simm.s32 @!p0 $0x108  }
0x21: {  	s3 =	sadd.s32 s3, s9;
	s6 =	sadd.s32 @!p0 $0x88, s6;
	s7 =	simm.s32 @p2 $0x1082  }
0x22: {  	[simem:s7], [sflag:s8] =	dma.local @!p0 [hbm:s6], $0xF7A  }
0x23: {  	s9 =	sor.u32 $0xD0000000, s2;
	s6 =	simm.s32 $0x108;
	_ =	swait.ge @!p0 [sflag:s8], $0x0  }
0x24: {  	s3 =	sadd.s32 $0x88, s3;
	s6 =	simm.s32 @!p1 $0x1082;
	[sflag:s4] =	ssyncset.s32 $0xFFFFF086  }
0x25: {  	[simem:s6], [sflag:s4] =	dma.local [hbm:s3], $0xF7A  }
0x26: {  	[smem:$0x3F81] =	sst s1;
	(tag) =	ssettag s2;
	_ =	strace s9  }
0x27: {  	s1 =	sld [smem:$0x3F91]  }
0x28: {  	s2 =	sld [smem:$0x3F92]  }
0x29: {  	s4 =	sld [smem:$0x3F94]  }
0x2a: {  	p0 =	seq.s32 s5, $0x0;
	s5 =	sld [smem:$0x3F95]  }
0x2b: {  	s6 =	sld [smem:$0x3F96]  }
0x2c: {  	s7 =	sld [smem:$0x3F97]  }
0x2d: {  	s3 =	simm.s32 $0x108;
	s8 =	sld [smem:$0x3F98]  }
0x2e: {  	s3 =	simm.s32 @!p0 $0x1082;
	s9 =	sld [smem:$0x3F99]  }
0x2f: {  	lr =	sadd.s32 s0, s3;
	s0 =	sld [smem:$0x3F90]  }
0x30: {  	s3 =	sld [smem:$0x3F93]  }
0x31: {  	[smem:$0x3F9C] =	sst s10  }
0x32: {  	s10 =	sld [smem:$0x3F9A];
	_ =	sdelay $0x3  }
0x33: {  	p0 =	seq.s32 s10, $0x1;
	s10 =	sld [smem:$0x3F9C];
	_ =	sdelay $0x3  }
0x34: {  	[smem:$0x3F9C] =	sst s10  }
0x35: {  	s10 =	sld [smem:$0x3F9B];
	_ =	sdelay $0x3  }
0x36: {  	p1 =	seq.s32 s10, $0x1;
	s10 =	sld [smem:$0x3F9C];
	_ =	sdelay $0x3  }
0x37: {  	[smem:$0x3F9C] =	sst s10  }
0x38: {  	s10 =	sld [smem:$0x3F9D]  }
0x39: {  	_ = 	snop;
	(pc) =	sbr.ind lr, $3  }
0x3a: {  	_ = 	snop  }
0x3b: {  	_ = 	snop  }
0x3c: {  	p2 =	seq.s32 s10, $0x1;
	s10 =	sld [smem:$0x3F9C]  }
0x3d: {  	_ =	shalt  }
0x3e: {  	_ =	shalt  }
0x3f: {  	_ =	shalt  }
0x40: {  	_ =	shalt  }
0x41: {  	_ =	shalt  }
0x42: {  	_ =	shalt  }
0x43: {  	_ =	shalt  }
0x44: {  	_ =	shalt  }
0x45: {  	_ =	shalt  }
0x46: {  	_ =	shalt  }
0x47: {  	_ =	shalt  }
0x48: {  	_ =	shalt  }
0x49: {  	_ =	shalt  }
0x4a: {  	_ =	shalt  }
0x4b: {  	_ =	shalt  }
0x4c: {  	_ =	shalt  }
0x4d: {  	_ =	shalt  }
0x4e: {  	_ =	shalt  }
0x4f: {  	_ =	shalt  }
0x50: {  	_ =	shalt  }
0x51: {  	_ =	shalt  }
0x52: {  	_ =	shalt  }
0x53: {  	_ =	shalt  }
0x54: {  	_ =	shalt  }
0x55: {  	_ =	shalt  }
0x56: {  	_ =	shalt  }
0x57: {  	_ =	shalt  }
0x58: {  	_ =	shalt  }
0x59: {  	_ =	shalt  }
0x5a: {  	_ =	shalt  }
0x5b: {  	_ =	shalt  }
0x5c: {  	_ =	shalt  }
0x5d: {  	_ =	shalt  }
0x5e: {  	_ =	shalt  }
0x5f: {  	_ =	shalt  }
0x60: {  	_ =	shalt  }
0x61: {  	_ =	shalt  }
0x62: {  	_ =	shalt  }
0x63: {  	_ =	shalt  }
0x64: {  	_ =	shalt  }
0x65: {  	_ =	shalt  }
0x66: {  	_ =	shalt  }
0x67: {  	_ =	shalt  }
0x68: {  	_ =	shalt  }
0x69: {  	_ =	shalt  }
0x6a: {  	_ =	shalt  }
0x6b: {  	_ =	shalt  }
0x6c: {  	_ =	shalt  }
0x6d: {  	_ =	shalt  }
0x6e: {  	_ =	shalt  }
0x6f: {  	_ =	shalt  }
0x70: {  	_ =	shalt  }
0x71: {  	_ =	shalt  }
0x72: {  	_ =	shalt  }
0x73: {  	_ =	shalt  }
0x74: {  	_ =	shalt  }
0x75: {  	_ =	shalt  }
0x76: {  	_ =	shalt  }
0x77: {  	_ =	shalt  }
0x78: {  	_ =	shalt  }
0x79: {  	_ =	shalt  }
0x7a: {  	_ =	shalt  }
0x7b: {  	_ =	shalt  }
0x7c: {  	_ =	shalt  }
0x7d: {  	_ =	shalt  }
0x7e: {  	_ =	shalt  }
0x7f: {  	_ =	shalt  }
0x80: {  	_ =	shalt  }
0x81: {  	_ =	shalt  }
0x82: {  	_ =	shalt  }
0x83: {  	_ =	shalt  }
0x84: {  	_ =	shalt  }
0x85: {  	_ =	shalt  }
0x86: {  	_ =	shalt  }
0x87: {  	_ =	shalt  }
.Lfunc_end0:
.L_simem_size_0:
called_computation.4_lowered:
.L_overlay_start_0:
0x88: {  	s2 =	sld [smem:$0x3FD9]  }
0x89: {  	s3 =	sld [smem:$0x3FFE];
	_ =	sdelay $0x1  }
0x8a: {  	s1 =	srdreg.scid  }
0x8b: {  	s0 =	sand.u32 $0x1, s1  }
0x8c: {  	s17 =	sshll.u32 s0, $0xA;
	s2 =	sadd.s32 s3, s2  }
0x8d: {  	s2 =	sadd.s32 s2, s17  }
0x8e: {  	[smem:$0x3FA8] =	sst s2  }
0x8f: {  	_ = 	snop  }
0x90: {  	s18 =	sld [smem:$0x3FC7]  }
0x91: {  	s4 =	sld [smem:$0x3FC6];
	(tm) =	ssettm $0x1  }
0x92: {  	s19 =	sld [smem:$0x3FFB];
	_ =	sdelay $0x3  }
0x93: {  	_ =	strace s19  }
0x94: {  	s2 =	sld [smem:$0x3FFC];
	_ =	sdelay $0x3  }
0x95: {  	_ =	strace s2  }
0x96: {  	s2 =	sld [smem:$0x3FFD];
	_ =	sdelay $0x3  }
0x97: {  	_ =	strace s2  }
0x98: {  	_ =	strace $0x8FFFFFFF  }
0x99: {  	s20 =	sld [smem:$0x3FDB];
	_ =	sdelay $0x1  }
0x9a: {  	s5 =	simm.s32 $_scs_section_size  }
0x9b: {  	s6 =	simm.s32 $_size__tile_overlayer_lowered;
	s7 =	simm.s32 $_tile_overlayer_lowered  }
0x9c: {  	s8 =	simm.s32 $0x1BFF;
	s21 =	sshll.u32 s7, $0x1;
	s5 =	sadd.s32 s5, s20  }
0x9d: {  	s22 =	simm.s32 $0x0;
	s6 =	sshll.u32 s6, $0x1;
	s7 =	sadd.s32 s21, s5  }
0x9e: {  	[timem:s22], [sflag:s8] =	dma.local [hbm:s7], s6  }
0x9f: {  	_ =	swait.ge [sflag:s8], s6  }
0xa0: {  	s6 =	ssub.s32 $0x0, s6;
	[sflag:s8] =	ssyncset.done $0x0  }
0xa1: {  	[sflag:s8] =	ssyncadd.s32 s6;
	_ =	sdelay $0x1  }
0xa2: {  	s23 =	simm.s32 $0x1B8B  }
0xa3: {  	_ =	swait.ge [sflag:s23], $0x1  }
0xa4: {  	[sflag:s23] =	ssyncset.done $0x0  }
0xa5: {  	[sflag:s23] =	ssyncadd.s32 $0xFFFFFFFF  }
0xa6: {  	s6 =	sld [smem:$0x0]  }
0xa7: {  	s7 =	sand.u32 $0xFFFFFFFE, s1  }
0xa8: {  	p0 =	sne.s32 s1, s7  }
0xa9: {  	s7 =	sshll.u32 @p0 s7, $0xE  }
0xaa: {  	s7 =	sadd.s32 @p0 $0x11B8D, s7;
	s8 =	sshll.u32 @p0 s6, $0x11  }
0xab: {  	s7 =	sor.u32 @p0 s8, s7  }
0xac: {  	[sflag:s7] =	ssyncadd.remote.s32 @p0 $0x1;
	_ =	sdelay $0x1  }
0xad: {  	s7 =	simm.s32 @p0 $0x1B8D  }
0xae: {  	_ =	swait.eq @p0 [sflag:s7], $0x1  }
0xaf: {  	[sflag:s7] =	ssyncadd.s32 @p0 $0xFFFFFFFF  }
0xb0: {  	s8 =	sshll.u32 @!p0 s1, $0xE  }
0xb1: {  	s8 =	sor.u32 @!p0 $0x4000, s8;
	s7 =	simm.s32 @!p0 $0x1B8D  }
0xb2: {  	s6 =	sshll.u32 @!p0 s6, $0x11;
	s8 =	sadd.s32 @!p0 $0x11B8D, s8;
	_ =	swait.eq @!p0 [sflag:s7], $0x1  }
0xb3: {  	s6 =	sor.u32 @!p0 s6, s8;
	[sflag:s7] =	ssyncadd.s32 @!p0 $0xFFFFFFFF  }
0xb4: {  	s25 =	simm.s32 $0x1B8E;
	s24 =	sld [smem:$0x3FFE];
	[sflag:s6] =	ssyncadd.remote.s32 @!p0 $0x1  }
0xb5: {  	s26 =	simm.s32 $execute0_lowered;
	[smem:$0x3FD2] =	sst s25  }
0xb6: {  	s7 =	sshll.u32 s26, $0x1;
	_ =	strace $0x80000055;
	[dreg:$0x1] =	wrdreg $0xFFFFFFFF  }
0xb7: {  	s28 =	simm.s32 $_size_execute0_lowered;
	s5 =	sadd.s32 s5, s7;
	[dreg:$0x0] =	wrdreg $0x0  }
0xb8: {  	s7 =	sshll.u32 s28, $0x1;
	[dreg:$0x2] =	wrdreg s5  }
0xb9: {  	[dreg:$0x3] =	wrdreg s7  }
0xba: {  	[dreg:$0x4] =	wrdreg $0xC0  }
0xbb: {  	_ =	task [dreg:s22], $0x5FFFF  }
0xbc: {  	[dreg:$0x1] =	wrdreg $0xFFFFFFFF  }
0xbd: {  	[dreg:$0x0] =	wrdreg $0x60  }
0xbe: {  	[dreg:$0x2] =	wrdreg s24  }
0xbf: {  	[dreg:$0x3] =	wrdreg s18  }
0xc0: {  	[dreg:$0x4] =	wrdreg s4  }
0xc1: {  	[dreg:$0x5] =	wrdreg $0x0  }
0xc2: {  	[dreg:$0x6] =	wrdreg $0x9  }
0xc3: {  	_ =	task.clear_ibuf [dreg:s22], $0x7FFFF;
	_ =	strace $0x90000055  }
0xc4: {  	s29 =	simm.s32 $0x9;
	_ =	strace $0x80000057  }
0xc5: {  	_ =	swait.ge [sflag:s29], $0x1  }
0xc6: {  	[sflag:s29] =	ssyncadd.s32 $0xFFFFFFFF  }
0xc7: {  	_ =	strace $0x90000057  }
0xc8: {  	_ =	sfence  }
0xc9: {  	s30 =	sld [smem:$0x0];
	_ =	sdelay $0x2  }
0xca: {  	s31 =	sshll.u32 s1, $0xD;
	s1 =	sshrl.u32 s1, $0x2  }
0xcb: {  	s4 =	sand.u32 $0x4000, s31;
	s1 =	sadd.s32 s1, s30  }
0xcc: {  	s0 =	sor.u32 s4, s0;
	s1 =	sshll.u32 s1, $0x11  }
0xcd: {  	s0 =	sor.u32 s1, s0  }
0xce: {  	s0 =	sadd.s32 $0x8F2B, s0  }
0xcf: {  	[sflag:s0] =	ssyncadd.remote.s32 $0x1  }
0xd0: {  	_ =	sfence.sel $0xFFFF  }
0xd1: {  	[dreg:$0x0] =	wrdreg $0xFFFFFFFF;
	(pc) =	sbr.abs _section_cstart, $3  }
0xd2: {  	[dreg:$0x1] =	wrdreg $0xFFFFFFFF  }
0xd3: {  	_ =	task.clear_ibuf [dreg:s22], $0x2FFFF;
	_ =	strace $0x9FFFFFFF  }
0xd4: {  	(tm) =	ssettm $0x7FFFFFFF  }
0xd5: {  	_ =	shalt  }
tec
execute0_lowered:
.L_overlay_start_1:
0x0: {  	(tag) =	ssettag $0x1  }
0x1: {  	s0 =	rddreg [dreg:$0x0]  }
0x2: {  	s1 =	rddreg [dreg:$0x1]  }
0x3: {  	s2 =	rddreg [dreg:$0x2]  }
0x4: {  	s3 =	rddreg [dreg:$0x3];
	s4 =	simm.s32 $0x0;
	s5 =	srdreg.scid  }
0x5: {  	s28 =	stileid.u32;
	s20 =	simm.s32 $0x2;
	s21 =	simm.s32 $0x13A80  }
0x6: {  	s22 =	simm.s32 $0x14250;
	s23 =	simm.s32 $0x7D0;
	s26 =	simm.s32 $0x14A20  }
0x7: {  	[smem:$0x7FF] =	sst s4;
	s6 =	sadd.s32 $0x581C00, s0;
	s12 =	smul.u32 $0x13A0, s28  }
0x8: {  	s25 =	simm.s32 $0x1;
	s7 =	sadd.s32 $0x57CC00, s0;
	s8 =	sadd.s32 $0x577C00, s0  }
0x9: {  	s11 =	sand.u32 $0x1, s5;
	s9 =	sadd.s32 $0x572C00, s0;
	s13 =	smul.u32 $0x4EA00, s28  }
0xa: {  	s10 =	sadd.s32 $0x3BE00, s0;
	s14 =	smul.u32 $0x4E800, s28;
	s31 =	sshll.u32 s28, $0x6  }
0xb: {  	_ =	strace $0x80000056;
	s24 =	smul.u32 $0x13A00, s11;
	s11 =	ssub.s32 $0x2, s11  }
0xc: {  	s29 =	sshrl.u32 s11, $0x1;
	s30 =	sshrl.u32 s13, $0x2;
	s14 =	sshrl.u32 s14, $0x2  }
0xd: {  	s12 =	sadd.s32 s12, s24;
	s18 =	ssub.s32 s11, s29;
	s11 =	smul.u32 $0x4E20, s28  }
0xe: {  	s19 =	sadd.s32 s30, s3;
	s14 =	sadd.s32 s14, s3;
	s12 =	sshll.u32 s12, $0x1  }
0xf: {  	v0 =	vmov s24;
	s24 =	simm.s32 $0x151F0;
	s18 =	smax.u32 s18, $0x1;
	s0 =	sadd.s32 s12, s0  }
0x10: {  	s19 =	sshrl.u32 s19, $0x3;
	s12 =	sor.u32 $0x1C02, s31;
	s13 =	sadd.s32 $0x1EF800, s0  }
0x11: {  	s15 =	sadd.s32 $0x23E000, s0;
	s16 =	sadd.s32 $0x28C800, s0;
	s17 =	sadd.s32 $0x2DB000, s0  }
.LBB2_1:
0x12: {  	[spmem:s19], [sflag:s12] =	dma.local [hbm:s10], $0x2750  }
0x13: {  	_ =	swait.ge [sflag:s20], $0x2750  }
0x14: {  	[sflag:s20] =	ssyncset.done $0x0  }
0x15: {  	[sflag:s20] =	ssyncadd.s32 $0xFFFFD8B0  }
0x16: {  	s28 =	simm.s32 $0x0;
	[bflag:$0x0] =	sbarrier.arrive $0xFFFF  }
.LBB2_2:
0x17: {  	s0 =	smul.u32 $0x7D0, s28;
	_ =	sdelay $0x1  }
0x18: {  	s0 =	sadd.s32 s11, s0  }
0x19: {  	s0 =	sshrl.u32 s0, $0x3  }
0x1a: {  	s30 =	simm.s32 $0x0;
	s29 =	sadd.s32 s1, s0  }
0x1b: {  	[tilespmem:s21], [sflag:$0x2] =	stream.linear.gather [hbm4b:s29+s30], $0x7D0, $0x38;
	[tilespmem:$0x1CEF0] =	vst v63  }
0x1c: {  	_ =	swait.ge [sflag:s20], $0x7D0  }
0x1d: {  	[sflag:s20] =	ssyncset.done $0x0  }
0x1e: {  	s0 =	sadd.s32 s2, s0;
	[sflag:s20] =	ssyncadd.s32 $0xFFFFF830  }
0x1f: {  	[tilespmem:s22], [sflag:$0x2] =	stream.linear.gather [hbm4b:s0+s30], $0x7D0, $0x38;
	[tilespmem:$0x1CEF0] =	vst v63  }
0x20: {  	_ =	swait.ge [sflag:s20], $0x7D0  }
0x21: {  	[sflag:s20] =	ssyncset.done $0x0  }
0x22: {  	s29 =	simm.s32 $0x0;
	[sflag:s20] =	ssyncadd.s32 $0xFFFFF830  }
0x23: {  	[tilespmem:s24], [sflag:$0x1] =	stream.indirect.gather [hbm4b:s6+s23], $0x10, s21, s23, $0xb8;
	[tilespmem:$0x1CEF0] =	vst v63  }
0x24: {  	v1 =	vld [tilespmem:s29+$0x14250]  }
0x25: {  	s30 =	simm.s32 $0x40  }
.LBB2_3:
0x26: {  	p0 =	sne.s32 s30, $0x1F00  }
.Ltmp0:
0x27: {  	_ = 	snop;
	(pc) =	sbr.rel @p0 .LBB2_3-.Ltmp0, $4  }
0x28: {  	_ = 	snop  }
0x29: {  	s0 =	sshra.s32 s30, $0x2;
	s30 =	sadd.s32 $0x40, s30;
	v2 =	vsub.s32 v1, v0  }
0x2a: {  	v1 =	vld [tilespmem:s0+$0x14250];
	v2 =	vmin.u32 v2, $0x13A00  }
0x2b: {  	[tilespmem:s29+$0x14A20] =	vst v2;
	s29 =	smov.u32 s0  }
0x2c: {  	_ =	sdelay $0x2  }
0x2d: {  	v1 =	vsub.s32 v1, v0  }
0x2e: {  	v1 =	vmin.u32 v1, $0x13A00  }
0x2f: {  	[tilespmem:s29+$0x14A20] =	vst v1  }
0x30: {  	s28 =	sadd.s32 $0x1, s28;
	_ =	swait.ge [sflag:s25], $0x7D00  }
0x31: {  	p0 =	sne.s32 s28, $0xA;
	[sflag:s25] =	ssyncset.done $0x0  }
.Ltmp1:
0x32: {  	[sflag:s25] =	ssyncadd.s32 $0xFFFF8300;
	(pc) =	sbr.rel @p0 .LBB2_2-.Ltmp1, $4  }
0x33: {  	[spmem:s3] =	stream.indirect.scatter.add.f32 [tilespmem:s24], [sflag:$0x2], $0x10, s26, s23, $0xb8;
	[tilespmem:$0x1CEF0] =	vst v63  }
0x34: {  	_ =	swait.ge [sflag:s20], $0x7D00  }
0x35: {  	[sflag:s20] =	ssyncset.done $0x0  }
0x36: {  	[sflag:s20] =	ssyncadd.s32 $0xFFFF8300  }
0x37: {  	[bflag:$0x0] =	sbarrier.arrive $0xFFFF;
	s28 =	sshrl.u32 s14, $0x3  }
0x38: {  	[hbm:s13], [sflag:s12] =	dma.local [spmem:s28], $0x2740  }
0x39: {  	_ =	swait.ge [sflag:s20], $0x2740  }
0x3a: {  	[sflag:s20] =	ssyncset.done $0x0  }
0x3b: {  	[sflag:s20] =	ssyncadd.s32 $0xFFFFD8C0  }
0x3c: {  	[bflag:$0x0] =	sbarrier.arrive $0xFFFF  }
0x3d: {  	[spmem:s19], [sflag:s12] =	dma.local [hbm:s10], $0x2750  }
0x3e: {  	_ =	swait.ge [sflag:s20], $0x2750  }
0x3f: {  	[sflag:s20] =	ssyncset.done $0x0  }
0x40: {  	[sflag:s20] =	ssyncadd.s32 $0xFFFFD8B0  }
0x41: {  	s29 =	simm.s32 $0x0;
	s30 =	simm.s32 $0x0;
	[bflag:$0x0] =	sbarrier.arrive $0xFFFF  }
.LBB2_6:
0x42: {  	s0 =	smul.u32 $0x7D0, s30;
	_ =	sdelay $0x1  }
0x43: {  	s0 =	sadd.s32 s11, s0  }
0x44: {  	s0 =	sshrl.u32 s0, $0x3  }
0x45: {  	s31 =	sadd.s32 s1, s0  }
0x46: {  	[tilespmem:s21], [sflag:$0x2] =	stream.linear.gather [hbm4b:s31+s29], $0x7D0, $0x38;
	[tilespmem:$0x1CEF0] =	vst v63  }
0x47: {  	_ =	swait.ge [sflag:s20], $0x7D0  }
0x48: {  	[sflag:s20] =	ssyncset.done $0x0  }
0x49: {  	s0 =	sadd.s32 s2, s0;
	[sflag:s20] =	ssyncadd.s32 $0xFFFFF830  }
0x4a: {  	[tilespmem:s22], [sflag:$0x2] =	stream.linear.gather [hbm4b:s0+s29], $0x7D0, $0x38;
	[tilespmem:$0x1CEF0] =	vst v63  }
0x4b: {  	_ =	swait.ge [sflag:s20], $0x7D0  }
0x4c: {  	[sflag:s20] =	ssyncset.done $0x0  }
0x4d: {  	s31 =	simm.s32 $0x0;
	[sflag:s20] =	ssyncadd.s32 $0xFFFFF830  }
0x4e: {  	[tilespmem:s24], [sflag:$0x1] =	stream.indirect.gather [hbm4b:s7+s23], $0x10, s21, s23, $0xb8;
	[tilespmem:$0x1CEF0] =	vst v63  }
0x4f: {  	v1 =	vld [tilespmem:s31+$0x14250]  }
0x50: {  	s0 =	simm.s32 $0x40  }
.LBB2_7:
0x51: {  	p0 =	sne.s32 s0, $0x1F00  }
.Ltmp2:
0x52: {  	_ = 	snop;
	(pc) =	sbr.rel @p0 .LBB2_7-.Ltmp2, $4  }
0x53: {  	_ = 	snop  }
0x54: {  	s5 =	sshra.s32 s0, $0x2;
	s0 =	sadd.s32 $0x40, s0;
	v2 =	vsub.s32 v1, v0  }
0x55: {  	v1 =	vld [tilespmem:s5+$0x14250];
	v2 =	vmin.u32 v2, $0x13A00  }
0x56: {  	[tilespmem:s31+$0x14A20] =	vst v2;
	s31 =	smov.u32 s5  }
0x57: {  	_ =	sdelay $0x2  }
0x58: {  	v1 =	vsub.s32 v1, v0  }
0x59: {  	v1 =	vmin.u32 v1, $0x13A00  }
0x5a: {  	[tilespmem:s31+$0x14A20] =	vst v1  }
0x5b: {  	s30 =	sadd.s32 $0x1, s30;
	_ =	swait.ge [sflag:s25], $0x7D00  }
0x5c: {  	p0 =	sne.s32 s30, $0xA;
	[sflag:s25] =	ssyncset.done $0x0  }
.Ltmp3:
0x5d: {  	[sflag:s25] =	ssyncadd.s32 $0xFFFF8300;
	(pc) =	sbr.rel @p0 .LBB2_6-.Ltmp3, $4  }
0x5e: {  	[spmem:s3] =	stream.indirect.scatter.add.f32 [tilespmem:s24], [sflag:$0x2], $0x10, s26, s23, $0xb8;
	[tilespmem:$0x1CEF0] =	vst v63  }
0x5f: {  	_ =	swait.ge [sflag:s20], $0x7D00  }
0x60: {  	[sflag:s20] =	ssyncset.done $0x0  }
0x61: {  	[sflag:s20] =	ssyncadd.s32 $0xFFFF8300  }
0x62: {  	[bflag:$0x0] =	sbarrier.arrive $0xFFFF  }
0x63: {  	[hbm:s15], [sflag:s12] =	dma.local [spmem:s28], $0x2740  }
0x64: {  	_ =	swait.ge [sflag:s20], $0x2740  }
0x65: {  	[sflag:s20] =	ssyncset.done $0x0  }
0x66: {  	[sflag:s20] =	ssyncadd.s32 $0xFFFFD8C0  }
0x67: {  	[bflag:$0x0] =	sbarrier.arrive $0xFFFF  }
0x68: {  	[spmem:s19], [sflag:s12] =	dma.local [hbm:s10], $0x2750  }
0x69: {  	_ =	swait.ge [sflag:s20], $0x2750  }
0x6a: {  	[sflag:s20] =	ssyncset.done $0x0  }
0x6b: {  	[sflag:s20] =	ssyncadd.s32 $0xFFFFD8B0  }
0x6c: {  	s29 =	simm.s32 $0x0;
	s30 =	simm.s32 $0x0;
	[bflag:$0x0] =	sbarrier.arrive $0xFFFF  }
.LBB2_10:
0x6d: {  	s0 =	smul.u32 $0x7D0, s30;
	_ =	sdelay $0x1  }
0x6e: {  	s0 =	sadd.s32 s11, s0  }
0x6f: {  	s0 =	sshrl.u32 s0, $0x3  }
0x70: {  	s5 =	sadd.s32 s1, s0  }
0x71: {  	[tilespmem:s21], [sflag:$0x2] =	stream.linear.gather [hbm4b:s5+s29], $0x7D0, $0x38;
	[tilespmem:$0x1CEF0] =	vst v63  }
0x72: {  	_ =	swait.ge [sflag:s20], $0x7D0  }
0x73: {  	[sflag:s20] =	ssyncset.done $0x0  }
0x74: {  	s0 =	sadd.s32 s2, s0;
	[sflag:s20] =	ssyncadd.s32 $0xFFFFF830  }
0x75: {  	[tilespmem:s22], [sflag:$0x2] =	stream.linear.gather [hbm4b:s0+s29], $0x7D0, $0x38;
	[tilespmem:$0x1CEF0] =	vst v63  }
0x76: {  	_ =	swait.ge [sflag:s20], $0x7D0  }
0x77: {  	[sflag:s20] =	ssyncset.done $0x0  }
0x78: {  	s31 =	simm.s32 $0x0;
	[sflag:s20] =	ssyncadd.s32 $0xFFFFF830  }
0x79: {  	[tilespmem:s24], [sflag:$0x1] =	stream.indirect.gather [hbm4b:s8+s23], $0x10, s21, s23, $0xb8;
	[tilespmem:$0x1CEF0] =	vst v63  }
0x7a: {  	v1 =	vld [tilespmem:s31+$0x14250]  }
0x7b: {  	s0 =	simm.s32 $0x40  }
.LBB2_11:
0x7c: {  	p0 =	sne.s32 s0, $0x1F00  }
.Ltmp4:
0x7d: {  	_ = 	snop;
	(pc) =	sbr.rel @p0 .LBB2_11-.Ltmp4, $4  }
0x7e: {  	_ = 	snop  }
0x7f: {  	s5 =	sshra.s32 s0, $0x2;
	s0 =	sadd.s32 $0x40, s0;
	v2 =	vsub.s32 v1, v0  }
0x80: {  	v1 =	vld [tilespmem:s5+$0x14250];
	v2 =	vmin.u32 v2, $0x13A00  }
0x81: {  	[tilespmem:s31+$0x14A20] =	vst v2;
	s31 =	smov.u32 s5  }
0x82: {  	_ =	sdelay $0x2  }
0x83: {  	v1 =	vsub.s32 v1, v0  }
0x84: {  	v1 =	vmin.u32 v1, $0x13A00  }
0x85: {  	[tilespmem:s31+$0x14A20] =	vst v1  }
0x86: {  	s30 =	sadd.s32 $0x1, s30;
	_ =	swait.ge [sflag:s25], $0x7D00  }
0x87: {  	p0 =	sne.s32 s30, $0xA;
	[sflag:s25] =	ssyncset.done $0x0  }
.Ltmp5:
0x88: {  	[sflag:s25] =	ssyncadd.s32 $0xFFFF8300;
	(pc) =	sbr.rel @p0 .LBB2_10-.Ltmp5, $4  }
0x89: {  	[spmem:s3] =	stream.indirect.scatter.add.f32 [tilespmem:s24], [sflag:$0x2], $0x10, s26, s23, $0xb8;
	[tilespmem:$0x1CEF0] =	vst v63  }
0x8a: {  	_ =	swait.ge [sflag:s20], $0x7D00  }
0x8b: {  	[sflag:s20] =	ssyncset.done $0x0  }
0x8c: {  	[sflag:s20] =	ssyncadd.s32 $0xFFFF8300  }
0x8d: {  	[bflag:$0x0] =	sbarrier.arrive $0xFFFF  }
0x8e: {  	[hbm:s16], [sflag:s12] =	dma.local [spmem:s28], $0x2740  }
0x8f: {  	_ =	swait.ge [sflag:s20], $0x2740  }
0x90: {  	[sflag:s20] =	ssyncset.done $0x0  }
0x91: {  	[sflag:s20] =	ssyncadd.s32 $0xFFFFD8C0  }
0x92: {  	[bflag:$0x0] =	sbarrier.arrive $0xFFFF  }
0x93: {  	[spmem:s19], [sflag:s12] =	dma.local [hbm:s10], $0x2750  }
0x94: {  	_ =	swait.ge [sflag:s20], $0x2750  }
0x95: {  	[sflag:s20] =	ssyncset.done $0x0  }
0x96: {  	[sflag:s20] =	ssyncadd.s32 $0xFFFFD8B0  }
0x97: {  	s29 =	simm.s32 $0x0;
	s30 =	simm.s32 $0x0;
	[bflag:$0x0] =	sbarrier.arrive $0xFFFF  }
.LBB2_14:
0x98: {  	s0 =	smul.u32 $0x7D0, s30;
	_ =	sdelay $0x1  }
0x99: {  	s0 =	sadd.s32 s11, s0  }
0x9a: {  	s0 =	sshrl.u32 s0, $0x3  }
0x9b: {  	s5 =	sadd.s32 s1, s0  }
0x9c: {  	[tilespmem:s21], [sflag:$0x2] =	stream.linear.gather [hbm4b:s5+s29], $0x7D0, $0x38;
	[tilespmem:$0x1CEF0] =	vst v63  }
0x9d: {  	_ =	swait.ge [sflag:s20], $0x7D0  }
0x9e: {  	[sflag:s20] =	ssyncset.done $0x0  }
0x9f: {  	s0 =	sadd.s32 s2, s0;
	[sflag:s20] =	ssyncadd.s32 $0xFFFFF830  }
0xa0: {  	[tilespmem:s22], [sflag:$0x2] =	stream.linear.gather [hbm4b:s0+s29], $0x7D0, $0x38;
	[tilespmem:$0x1CEF0] =	vst v63  }
0xa1: {  	_ =	swait.ge [sflag:s20], $0x7D0  }
0xa2: {  	[sflag:s20] =	ssyncset.done $0x0  }
0xa3: {  	s31 =	simm.s32 $0x0;
	[sflag:s20] =	ssyncadd.s32 $0xFFFFF830  }
0xa4: {  	[tilespmem:s24], [sflag:$0x1] =	stream.indirect.gather [hbm4b:s9+s23], $0x10, s21, s23, $0xb8;
	[tilespmem:$0x1CEF0] =	vst v63  }
0xa5: {  	v1 =	vld [tilespmem:s31+$0x14250]  }
0xa6: {  	s0 =	simm.s32 $0x40  }
.LBB2_15:
0xa7: {  	p0 =	sne.s32 s0, $0x1F00  }
.Ltmp6:
0xa8: {  	_ = 	snop;
	(pc) =	sbr.rel @p0 .LBB2_15-.Ltmp6, $4  }
0xa9: {  	_ = 	snop  }
0xaa: {  	s5 =	sshra.s32 s0, $0x2;
	s0 =	sadd.s32 $0x40, s0;
	v2 =	vsub.s32 v1, v0  }
0xab: {  	v1 =	vld [tilespmem:s5+$0x14250];
	v2 =	vmin.u32 v2, $0x13A00  }
0xac: {  	[tilespmem:s31+$0x14A20] =	vst v2;
	s31 =	smov.u32 s5  }
0xad: {  	_ =	sdelay $0x2  }
0xae: {  	v1 =	vsub.s32 v1, v0  }
0xaf: {  	v1 =	vmin.u32 v1, $0x13A00  }
0xb0: {  	[tilespmem:s31+$0x14A20] =	vst v1  }
0xb1: {  	s30 =	sadd.s32 $0x1, s30;
	_ =	swait.ge [sflag:s25], $0x7D00  }
0xb2: {  	p0 =	sne.s32 s30, $0xA;
	[sflag:s25] =	ssyncset.done $0x0  }
.Ltmp7:
0xb3: {  	[sflag:s25] =	ssyncadd.s32 $0xFFFF8300;
	(pc) =	sbr.rel @p0 .LBB2_14-.Ltmp7, $4  }
0xb4: {  	[spmem:s3] =	stream.indirect.scatter.add.f32 [tilespmem:s24], [sflag:$0x2], $0x10, s26, s23, $0xb8;
	[tilespmem:$0x1CEF0] =	vst v63  }
0xb5: {  	_ =	swait.ge [sflag:s20], $0x7D00  }
0xb6: {  	[sflag:s20] =	ssyncset.done $0x0  }
0xb7: {  	[sflag:s20] =	ssyncadd.s32 $0xFFFF8300  }
0xb8: {  	[bflag:$0x0] =	sbarrier.arrive $0xFFFF;
	s4 =	sadd.s32 $0x1, s4  }
0xb9: {  	[hbm:s17], [sflag:s12] =	dma.local [spmem:s28], $0x2740  }
0xba: {  	p0 =	sne.s32 s4, s18  }
.Ltmp8:
0xbb: {  	_ =	swait.ge [sflag:s20], $0x2740;
	(pc) =	sbr.rel @p0 .LBB2_1-.Ltmp8, $3  }
0xbc: {  	[sflag:s20] =	ssyncset.done $0x0  }
0xbd: {  	[sflag:s20] =	ssyncadd.s32 $0xFFFFD8C0  }
0xbe: {  	[bflag:$0x0] =	sbarrier.arrive $0xFFFF;
	_ =	sdelay $0x1  }
0xbf: {  	_ =	sfence.sel $0x180000  }
0xc0: {  	[bflag:$0x0] =	sbarrier.arrive $0xFFFF  }
0xc1: {  	_ =	strace $0x90000056  }
0xc2: {  	s0 =	stileid.u32;
	[bflag:$0x2] =	sbarrier.arrive $0xFFFF  }
0xc3: {  	p0 =	sne.s32 s0, $0x0;
	s0 =	rddreg [dreg:$0x4]  }
0xc4: {  	s0 =	sadd.s32 @!p0 $0x100000, s0  }
0xc5: {  	[sflag:s0] =	ssyncadd.tile.s32 @!p0 $0x1;
	_ =	shalt  }
.Lfunc_end2:
_tile_overlayer_lowered:
.L_overlay_start_2:
0xc6: {  	(tag) =	ssettag $0x2  }
0xc7: {  	s0 =	rddreg [dreg:$0x0];
	s2 =	stileid.u32  }
0xc8: {  	s1 =	rddreg [dreg:$0x1];
	p0 =	sne.s32 s2, $0x0  }
0xc9: {  	s3 =	rddreg [dreg:$0x2];
	[bflag:$0x3] =	sbarrier.arrive $0xFFFF;
	s2 =	simm.s32 @!p0 $0x1C02  }
0xca: {  	[timem:s3], [sflag:s2] =	dma.local @!p0 [hbm:s0], s1  }
0xcb: {  	s0 =	simm.s32 @!p0 $0x2  }
0xcc: {  	_ =	swait.ge @!p0 [sflag:s0], s1  }
0xcd: {  	s1 =	ssub.s32 @!p0 $0x0, s1;
	[sflag:s0] =	ssyncset.done @!p0 $0x0  }
0xce: {  	[sflag:s0] =	ssyncadd.s32 @!p0 s1  }
0xcf: {  	[bflag:$0x3] =	sbarrier.arrive $0xFFFF  }
0xd0: {  	_ =	shalt  }

// kernel: kernel.35.cloned.1.call-start
scs
__scs_entry_jumppad:
0x0: {  	(pc) =	sbr.rel $0x88, $3  }
0x1: {  	(tag) =	ssettag $0x0;
	lr =	simm.s32 $0x1  }
0x2: {  	[smem:$0x3F81] =	sst lr;
	_ =	strace $0xD0000000  }
0x3: {  	_ = 	snop  }
0x4: {  	_ = 	snop  }
0x5: {  	_ = 	snop  }
0x6: {  	_ = 	snop  }
0x7: {  	_ = 	snop  }
__scs_overlays_trampoline_lowered:
0x8: {  	[smem:$0x3F90] =	sst s0  }
0x9: {  	[smem:$0x3F91] =	sst s1  }
0xa: {  	[smem:$0x3F92] =	sst s2  }
0xb: {  	[smem:$0x3F93] =	sst s3  }
0xc: {  	[smem:$0x3F94] =	sst s4  }
0xd: {  	[smem:$0x3F95] =	sst s5  }
0xe: {  	[smem:$0x3F96] =	sst s6  }
0xf: {  	[smem:$0x3F97] =	sst s7  }
0x10: {  	[smem:$0x3F98] =	sst s8  }
0x11: {  	[smem:$0x3F99] =	sst s9;
	s0 =	simm.s32 @!p0 $0x0  }
0x12: {  	s1 =	sld [smem:$0x3F7F];
	s0 =	simm.s32 @p0 $0x1  }
0x13: {  	[smem:$0x3F9A] =	sst s0;
	s0 =	simm.s32 @!p1 $0x0  }
0x14: {  	s2 =	sld [smem:$0x3F7E];
	s0 =	simm.s32 @p1 $0x1  }
0x15: {  	[smem:$0x3F9B] =	sst s0;
	s0 =	simm.s32 @!p2 $0x0  }
0x16: {  	s3 =	sld [smem:$0x3FDB];
	s0 =	simm.s32 @p2 $0x1  }
0x17: {  	s4 =	simm.s32 $0x1BF5;
	[smem:$0x3F9D] =	sst s0  }
0x18: {  	s0 =	sld [smem:$0x3F80];
	_ =	swait.ge [sflag:s4], $0x0  }
0x19: {  	s7 =	sld [smem:$0x3F81]  }
0x1a: {  	s8 =	sadd.s32 $0xFFFFE003, lr  }
0x1b: {  	s9 =	sadd.s32 $0xFFFFFEF7, lr;
	s5 =	simm.s32 $0xFFFFFFFF;
	p2 =	slt.u32 s8, $0xFFFFF086  }
0x1c: {  	p1 =	slt.u32 s9, $0xF7A;
	s5 =	simm.s32 @!p2 $0x0  }
0x1d: {  	s5 =	simm.s32 @p1 $0x1;
	p0 =	seq.s32 s7, s2  }
0x1e: {  	s7 =	smul.u32 @!p0 $0xF7A, s2;
	p2 =	seq.s32 @!p0 s5, $0x0  }
0x1f: {  	s9 =	smul.u32 $0xF7A, s1;
	s8 =	simm.s32 @!p0 $0x1BF5;
	p2 =	por !p2, p0  }
0x20: {  	[sflag:s8] =	ssyncset.s32 @!p0 $0xFFFFF086;
	s6 =	sadd.s32 @!p0 s3, s7;
	s7 =	simm.s32 @!p0 $0x108  }
0x21: {  	s3 =	sadd.s32 s3, s9;
	s6 =	sadd.s32 @!p0 $0x88, s6;
	s7 =	simm.s32 @p2 $0x1082  }
0x22: {  	[simem:s7], [sflag:s8] =	dma.local @!p0 [hbm:s6], $0xF7A  }
0x23: {  	s9 =	sor.u32 $0xD0000000, s2;
	s6 =	simm.s32 $0x108;
	_ =	swait.ge @!p0 [sflag:s8], $0x0  }
0x24: {  	s3 =	sadd.s32 $0x88, s3;
	s6 =	simm.s32 @!p1 $0x1082;
	[sflag:s4] =	ssyncset.s32 $0xFFFFF086  }
0x25: {  	[simem:s6], [sflag:s4] =	dma.local [hbm:s3], $0xF7A  }
0x26: {  	[smem:$0x3F81] =	sst s1;
	(tag) =	ssettag s2;
	_ =	strace s9  }
0x27: {  	s1 =	sld [smem:$0x3F91]  }
0x28: {  	s2 =	sld [smem:$0x3F92]  }
0x29: {  	s4 =	sld [smem:$0x3F94]  }
0x2a: {  	p0 =	seq.s32 s5, $0x0;
	s5 =	sld [smem:$0x3F95]  }
0x2b: {  	s6 =	sld [smem:$0x3F96]  }
0x2c: {  	s7 =	sld [smem:$0x3F97]  }
0x2d: {  	s3 =	simm.s32 $0x108;
	s8 =	sld [smem:$0x3F98]  }
0x2e: {  	s3 =	simm.s32 @!p0 $0x1082;
	s9 =	sld [smem:$0x3F99]  }
0x2f: {  	lr =	sadd.s32 s0, s3;
	s0 =	sld [smem:$0x3F90]  }
0x30: {  	s3 =	sld [smem:$0x3F93]  }
0x31: {  	[smem:$0x3F9C] =	sst s10  }
0x32: {  	s10 =	sld [smem:$0x3F9A];
	_ =	sdelay $0x3  }
0x33: {  	p0 =	seq.s32 s10, $0x1;
	s10 =	sld [smem:$0x3F9C];
	_ =	sdelay $0x3  }
0x34: {  	[smem:$0x3F9C] =	sst s10  }
0x35: {  	s10 =	sld [smem:$0x3F9B];
	_ =	sdelay $0x3  }
0x36: {  	p1 =	seq.s32 s10, $0x1;
	s10 =	sld [smem:$0x3F9C];
	_ =	sdelay $0x3  }
0x37: {  	[smem:$0x3F9C] =	sst s10  }
0x38: {  	s10 =	sld [smem:$0x3F9D]  }
0x39: {  	_ = 	snop;
	(pc) =	sbr.ind lr, $3  }
0x3a: {  	_ = 	snop  }
0x3b: {  	_ = 	snop  }
0x3c: {  	p2 =	seq.s32 s10, $0x1;
	s10 =	sld [smem:$0x3F9C]  }
0x3d: {  	_ =	shalt  }
0x3e: {  	_ =	shalt  }
0x3f: {  	_ =	shalt  }
0x40: {  	_ =	shalt  }
0x41: {  	_ =	shalt  }
0x42: {  	_ =	shalt  }
0x43: {  	_ =	shalt  }
0x44: {  	_ =	shalt  }
0x45: {  	_ =	shalt  }
0x46: {  	_ =	shalt  }
0x47: {  	_ =	shalt  }
0x48: {  	_ =	shalt  }
0x49: {  	_ =	shalt  }
0x4a: {  	_ =	shalt  }
0x4b: {  	_ =	shalt  }
0x4c: {  	_ =	shalt  }
0x4d: {  	_ =	shalt  }
0x4e: {  	_ =	shalt  }
0x4f: {  	_ =	shalt  }
0x50: {  	_ =	shalt  }
0x51: {  	_ =	shalt  }
0x52: {  	_ =	shalt  }
0x53: {  	_ =	shalt  }
0x54: {  	_ =	shalt  }
0x55: {  	_ =	shalt  }
0x56: {  	_ =	shalt  }
0x57: {  	_ =	shalt  }
0x58: {  	_ =	shalt  }
0x59: {  	_ =	shalt  }
0x5a: {  	_ =	shalt  }
0x5b: {  	_ =	shalt  }
0x5c: {  	_ =	shalt  }
0x5d: {  	_ =	shalt  }
0x5e: {  	_ =	shalt  }
0x5f: {  	_ =	shalt  }
0x60: {  	_ =	shalt  }
0x61: {  	_ =	shalt  }
0x62: {  	_ =	shalt  }
0x63: {  	_ =	shalt  }
0x64: {  	_ =	shalt  }
0x65: {  	_ =	shalt  }
0x66: {  	_ =	shalt  }
0x67: {  	_ =	shalt  }
0x68: {  	_ =	shalt  }
0x69: {  	_ =	shalt  }
0x6a: {  	_ =	shalt  }
0x6b: {  	_ =	shalt  }
0x6c: {  	_ =	shalt  }
0x6d: {  	_ =	shalt  }
0x6e: {  	_ =	shalt  }
0x6f: {  	_ =	shalt  }
0x70: {  	_ =	shalt  }
0x71: {  	_ =	shalt  }
0x72: {  	_ =	shalt  }
0x73: {  	_ =	shalt  }
0x74: {  	_ =	shalt  }
0x75: {  	_ =	shalt  }
0x76: {  	_ =	shalt  }
0x77: {  	_ =	shalt  }
0x78: {  	_ =	shalt  }
0x79: {  	_ =	shalt  }
0x7a: {  	_ =	shalt  }
0x7b: {  	_ =	shalt  }
0x7c: {  	_ =	shalt  }
0x7d: {  	_ =	shalt  }
0x7e: {  	_ =	shalt  }
0x7f: {  	_ =	shalt  }
0x80: {  	_ =	shalt  }
0x81: {  	_ =	shalt  }
0x82: {  	_ =	shalt  }
0x83: {  	_ =	shalt  }
0x84: {  	_ =	shalt  }
0x85: {  	_ =	shalt  }
0x86: {  	_ =	shalt  }
0x87: {  	_ =	shalt  }
.Lfunc_end0:
.L_simem_size_0:
called_computation.5_lowered:
.L_overlay_start_0:
0x88: {  	s2 =	sld [smem:$0x3FD9]  }
0x89: {  	s3 =	sld [smem:$0x3FFE];
	_ =	sdelay $0x1  }
0x8a: {  	s1 =	srdreg.scid  }
0x8b: {  	s0 =	sand.u32 $0x1, s1  }
0x8c: {  	s17 =	sshll.u32 s0, $0xA;
	s2 =	sadd.s32 s3, s2  }
0x8d: {  	s2 =	sadd.s32 s2, s17  }
0x8e: {  	[smem:$0x3FA8] =	sst s2  }
0x8f: {  	_ = 	snop  }
0x90: {  	s18 =	sld [smem:$0x3FC5]  }
0x91: {  	s4 =	sld [smem:$0x3FC4];
	(tm) =	ssettm $0x1  }
0x92: {  	s19 =	sld [smem:$0x3FFB];
	_ =	sdelay $0x3  }
0x93: {  	_ =	strace s19  }
0x94: {  	s2 =	sld [smem:$0x3FFC];
	_ =	sdelay $0x3  }
0x95: {  	_ =	strace s2  }
0x96: {  	s2 =	sld [smem:$0x3FFD];
	_ =	sdelay $0x3  }
0x97: {  	_ =	strace s2  }
0x98: {  	_ =	strace $0x8FFFFFFF  }
0x99: {  	s20 =	sld [smem:$0x3FDB];
	_ =	sdelay $0x1  }
0x9a: {  	s5 =	simm.s32 $_scs_section_size  }
0x9b: {  	s6 =	simm.s32 $_size__tile_overlayer_lowered;
	s7 =	simm.s32 $_tile_overlayer_lowered  }
0x9c: {  	s8 =	simm.s32 $0x1BFF;
	s21 =	sshll.u32 s7, $0x1;
	s5 =	sadd.s32 s5, s20  }
0x9d: {  	s22 =	simm.s32 $0x0;
	s6 =	sshll.u32 s6, $0x1;
	s7 =	sadd.s32 s21, s5  }
0x9e: {  	[timem:s22], [sflag:s8] =	dma.local [hbm:s7], s6  }
0x9f: {  	_ =	swait.ge [sflag:s8], s6  }
0xa0: {  	s6 =	ssub.s32 $0x0, s6;
	[sflag:s8] =	ssyncset.done $0x0  }
0xa1: {  	[sflag:s8] =	ssyncadd.s32 s6;
	_ =	sdelay $0x1  }
0xa2: {  	s23 =	simm.s32 $0x1B8B  }
0xa3: {  	_ =	swait.ge [sflag:s23], $0x1  }
0xa4: {  	[sflag:s23] =	ssyncset.done $0x0  }
0xa5: {  	[sflag:s23] =	ssyncadd.s32 $0xFFFFFFFF  }
0xa6: {  	s6 =	sld [smem:$0x0]  }
0xa7: {  	s7 =	sand.u32 $0xFFFFFFFE, s1  }
0xa8: {  	p0 =	sne.s32 s1, s7  }
0xa9: {  	s7 =	sshll.u32 @p0 s7, $0xE  }
0xaa: {  	s7 =	sadd.s32 @p0 $0x11B8D, s7;
	s8 =	sshll.u32 @p0 s6, $0x11  }
0xab: {  	s7 =	sor.u32 @p0 s8, s7  }
0xac: {  	[sflag:s7] =	ssyncadd.remote.s32 @p0 $0x1;
	_ =	sdelay $0x1  }
0xad: {  	s7 =	simm.s32 @p0 $0x1B8D  }
0xae: {  	_ =	swait.eq @p0 [sflag:s7], $0x1  }
0xaf: {  	[sflag:s7] =	ssyncadd.s32 @p0 $0xFFFFFFFF  }
0xb0: {  	s8 =	sshll.u32 @!p0 s1, $0xE  }
0xb1: {  	s8 =	sor.u32 @!p0 $0x4000, s8;
	s7 =	simm.s32 @!p0 $0x1B8D  }
0xb2: {  	s6 =	sshll.u32 @!p0 s6, $0x11;
	s8 =	sadd.s32 @!p0 $0x11B8D, s8;
	_ =	swait.eq @!p0 [sflag:s7], $0x1  }
0xb3: {  	s6 =	sor.u32 @!p0 s6, s8;
	[sflag:s7] =	ssyncadd.s32 @!p0 $0xFFFFFFFF  }
0xb4: {  	s25 =	simm.s32 $0x1B8E;
	s24 =	sld [smem:$0x3FFE];
	[sflag:s6] =	ssyncadd.remote.s32 @!p0 $0x1  }
0xb5: {  	s26 =	simm.s32 $execute0_lowered;
	[smem:$0x3FD2] =	sst s25  }
0xb6: {  	s7 =	sshll.u32 s26, $0x1;
	_ =	strace $0x80000052;
	[dreg:$0x1] =	wrdreg $0xFFFFFFFF  }
0xb7: {  	s28 =	simm.s32 $_size_execute0_lowered;
	s5 =	sadd.s32 s5, s7;
	[dreg:$0x0] =	wrdreg $0x0  }
0xb8: {  	s7 =	sshll.u32 s28, $0x1;
	[dreg:$0x2] =	wrdreg s5  }
0xb9: {  	[dreg:$0x3] =	wrdreg s7  }
0xba: {  	[dreg:$0x4] =	wrdreg $0xC0  }
0xbb: {  	_ =	task [dreg:s22], $0x5FFFF  }
0xbc: {  	[dreg:$0x1] =	wrdreg $0xFFFFFFFF  }
0xbd: {  	[dreg:$0x0] =	wrdreg $0x60  }
0xbe: {  	[dreg:$0x2] =	wrdreg s24  }
0xbf: {  	[dreg:$0x3] =	wrdreg s18  }
0xc0: {  	[dreg:$0x4] =	wrdreg s4  }
0xc1: {  	[dreg:$0x5] =	wrdreg $0x0  }
0xc2: {  	[dreg:$0x6] =	wrdreg $0xB  }
0xc3: {  	_ =	task.clear_ibuf [dreg:s22], $0x7FFFF;
	_ =	strace $0x90000052  }
0xc4: {  	s29 =	simm.s32 $0xB;
	_ =	strace $0x80000054  }
0xc5: {  	_ =	swait.ge [sflag:s29], $0x1  }
0xc6: {  	[sflag:s29] =	ssyncadd.s32 $0xFFFFFFFF  }
0xc7: {  	_ =	strace $0x90000054  }
0xc8: {  	_ =	sfence  }
0xc9: {  	s30 =	sld [smem:$0x0];
	_ =	sdelay $0x2  }
0xca: {  	s31 =	sshll.u32 s1, $0xD;
	s1 =	sshrl.u32 s1, $0x2  }
0xcb: {  	s4 =	sand.u32 $0x4000, s31;
	s1 =	sadd.s32 s1, s30  }
0xcc: {  	s0 =	sor.u32 s4, s0;
	s1 =	sshll.u32 s1, $0x11  }
0xcd: {  	s0 =	sor.u32 s1, s0  }
0xce: {  	s0 =	sadd.s32 $0x8F2B, s0  }
0xcf: {  	[sflag:s0] =	ssyncadd.remote.s32 $0x1  }
0xd0: {  	_ =	sfence.sel $0xFFFF  }
0xd1: {  	[dreg:$0x0] =	wrdreg $0xFFFFFFFF;
	(pc) =	sbr.abs _section_cstart, $3  }
0xd2: {  	[dreg:$0x1] =	wrdreg $0xFFFFFFFF  }
0xd3: {  	_ =	task.clear_ibuf [dreg:s22], $0x2FFFF;
	_ =	strace $0x9FFFFFFF  }
0xd4: {  	(tm) =	ssettm $0x7FFFFFFF  }
0xd5: {  	_ =	shalt  }
tec
execute0_lowered:
.L_overlay_start_1:
0x0: {  	(tag) =	ssettag $0x1  }
0x1: {  	s8 =	rddreg [dreg:$0x0]  }
0x2: {  	s1 =	rddreg [dreg:$0x1]  }
0x3: {  	s2 =	rddreg [dreg:$0x2]  }
0x4: {  	s3 =	rddreg [dreg:$0x3];
	s4 =	srdreg.scid  }
0x5: {  	s0 =	rddreg [dreg:$0x4];
	s5 =	simm.s32 $0x0;
	s15 =	simm.s32 $0xA5E8  }
0x6: {  	s16 =	simm.s32 $0x3E8;
	s17 =	simm.s32 $0xADB8;
	s18 =	simm.s32 $0x1  }
0x7: {  	s19 =	simm.s32 $0xA9D0;
	s9 =	sand.u32 $0x1, s4;
	s4 =	stileid.u32  }
0x8: {  	[smem:$0x7FF] =	sst s5;
	s7 =	sadd.s32 $0x571600, s8;
	s10 =	smul.u32 $0xA0000, s9  }
0x9: {  	s6 =	sadd.s32 $0x3E600, s8;
	s11 =	smul.u32 $0xA000, s4;
	_ =	strace $0x80000053  }
0xa: {  	s12 =	ssub.s32 $0x2, s9;
	s14 =	smul.u32 $0x28800, s4;
	s29 =	sshll.u32 s4, $0x1  }
0xb: {  	s31 =	sshll.u32 s4, $0x6;
	s13 =	sshrl.u32 s12, $0x1;
	s10 =	sadd.s32 s11, s10  }
0xc: {  	s12 =	ssub.s32 s12, s13;
	s30 =	sshrl.u32 s14, $0x2;
	s20 =	sadd.s32 s11, s3  }
0xd: {  	s13 =	simm.s32 $0x2;
	s10 =	sshrl.u32 s10, $0x3;
	s14 =	sadd.s32 s30, s3  }
0xe: {  	s11 =	smax.u32 s12, $0x1;
	s20 =	sshrl.u32 s20, $0x3;
	s10 =	sadd.s32 s10, s8  }
0xf: {  	s8 =	sor.u32 s9, s29;
	s9 =	sor.u32 $0x1C02, s31;
	s12 =	sshrl.u32 s14, $0x3  }
0x10: {  	s14 =	simm.s32 $0xA200;
	s8 =	smul.u32 $0x2710, s8;
	s10 =	sadd.s32 $0x179600, s10  }
.LBB2_1:
0x11: {  	[spmem:s12], [sflag:s9] =	dma.local [hbm:s7], $0x1440  }
0x12: {  	_ =	swait.ge [sflag:s13], $0x1440  }
0x13: {  	[sflag:s13] =	ssyncset.done $0x0  }
0x14: {  	[sflag:s13] =	ssyncadd.s32 $0xFFFFEBC0  }
0x15: {  	s21 =	simm.s32 $0x0;
	[bflag:$0x0] =	sbarrier.arrive $0xFFFF  }
.LBB2_2:
0x16: {  	s22 =	smul.u32 $0x3E8, s21;
	_ =	sdelay $0x1  }
0x17: {  	s22 =	sadd.s32 s8, s22  }
0x18: {  	s22 =	sshrl.u32 s22, $0x3  }
0x19: {  	s24 =	simm.s32 $0x0;
	s23 =	sadd.s32 s1, s22  }
0x1a: {  	[tilespmem:s14], [sflag:$0x2] =	stream.linear.gather [hbm4b:s23+s24], $0x3E8, $0x38;
	[tilespmem:$0x1A7B8] =	vst v63  }
0x1b: {  	_ =	swait.ge [sflag:s13], $0x3E8  }
0x1c: {  	[sflag:s13] =	ssyncset.done $0x0  }
0x1d: {  	s22 =	sadd.s32 s2, s22;
	[sflag:s13] =	ssyncadd.s32 $0xFFFFFC18  }
0x1e: {  	[tilespmem:s15], [sflag:$0x2] =	stream.linear.gather [hbm4b:s22+s24], $0x3E8, $0x38;
	[tilespmem:$0x1A7B8] =	vst v63  }
0x1f: {  	_ =	swait.ge [sflag:s13], $0x3E8  }
0x20: {  	[sflag:s13] =	ssyncset.done $0x0  }
0x21: {  	s22 =	simm.s32 $0x0;
	[sflag:s13] =	ssyncadd.s32 $0xFFFFFC18  }
0x22: {  	[tilespmem:s17], [sflag:$0x1] =	stream.indirect.gather [hbm4b:s6+s16], $0x40, s14, s16, $0xb8;
	[tilespmem:$0x1A7B8] =	vst v63  }
0x23: {  	s23 =	simm.s32 $0x40;
	v0 =	vld [tilespmem:s22+$0xA5E8]  }
.LBB2_3:
0x24: {  	p0 =	sne.s32 s23, $0xF40  }
.Ltmp0:
0x25: {  	_ = 	snop;
	(pc) =	sbr.rel @p0 .LBB2_3-.Ltmp0, $3  }
0x26: {  	_ =	sdelay $0x1  }
0x27: {  	s24 =	sshra.s32 s23, $0x2;
	s23 =	sadd.s32 $0x40, s23;
	v1 =	vmin.u32 v0, $0x2800  }
0x28: {  	v0 =	vld [tilespmem:s24+$0xA5E8];
	[tilespmem:s22+$0xA9D0] =	vst v1;
	s22 =	smov.u32 s24  }
0x29: {  	_ =	sdelay $0x3  }
0x2a: {  	v0 =	vmin.u32 v0, $0x2800  }
0x2b: {  	[tilespmem:s22+$0xA9D0] =	vst v0  }
0x2c: {  	v0 =	vld [tilespmem:$0xA9C0];
	_ =	sdelay $0x4  }
0x2d: {  	v0 =	vmin.u32 v0, $0x2800  }
0x2e: {  	[tilespmem:$0xADA8] =	vst v0  }
0x2f: {  	s21 =	sadd.s32 $0x1, s21;
	_ =	swait.ge [sflag:s18], $0xFA00  }
0x30: {  	p0 =	sne.s32 s21, $0xA;
	[sflag:s18] =	ssyncset.done $0x0  }
.Ltmp1:
0x31: {  	[sflag:s18] =	ssyncadd.s32 $0xFFFF0600;
	(pc) =	sbr.rel @p0 .LBB2_2-.Ltmp1, $4  }
0x32: {  	[spmem:s3] =	stream.indirect.scatter.add.f32 [tilespmem:s17], [sflag:$0x2], $0x40, s19, s16, $0xb8;
	[tilespmem:$0x1A7B8] =	vst v63  }
0x33: {  	_ =	swait.ge [sflag:s13], $0xFA00  }
0x34: {  	[sflag:s13] =	ssyncset.done $0x0  }
0x35: {  	[sflag:s13] =	ssyncadd.s32 $0xFFFF0600  }
0x36: {  	[bflag:$0x0] =	sbarrier.arrive $0xFFFF;
	s5 =	sadd.s32 $0x1, s5  }
0x37: {  	[hbm:s10], [sflag:s9] =	dma.local [spmem:s20], $0x1400  }
0x38: {  	p0 =	sne.s32 s5, s11  }
.Ltmp2:
0x39: {  	_ =	swait.ge [sflag:s13], $0x1400;
	(pc) =	sbr.rel @p0 .LBB2_1-.Ltmp2, $3  }
0x3a: {  	[sflag:s13] =	ssyncset.done $0x0  }
0x3b: {  	[sflag:s13] =	ssyncadd.s32 $0xFFFFEC00  }
0x3c: {  	[bflag:$0x0] =	sbarrier.arrive $0xFFFF;
	_ =	sdelay $0x1  }
0x3d: {  	_ =	sfence.sel $0x180000  }
0x3e: {  	[bflag:$0x0] =	sbarrier.arrive $0xFFFF  }
0x3f: {  	p0 =	sne.s32 s4, $0x0;
	_ =	strace $0x90000053  }
0x40: {  	s0 =	sadd.s32 @!p0 $0x100000, s0;
	[bflag:$0x2] =	sbarrier.arrive $0xFFFF  }
0x41: {  	[sflag:s0] =	ssyncadd.tile.s32 @!p0 $0x1;
	_ =	shalt  }
.Lfunc_end2:
_tile_overlayer_lowered:
.L_overlay_start_2:
0x42: {  	(tag) =	ssettag $0x2  }
0x43: {  	s0 =	rddreg [dreg:$0x0];
	s2 =	stileid.u32  }
0x44: {  	s1 =	rddreg [dreg:$0x1];
	p0 =	sne.s32 s2, $0x0  }
0x45: {  	s3 =	rddreg [dreg:$0x2];
	[bflag:$0x3] =	sbarrier.arrive $0xFFFF;
	s2 =	simm.s32 @!p0 $0x1C02  }
0x46: {  	[timem:s3], [sflag:s2] =	dma.local @!p0 [hbm:s0], s1  }
0x47: {  	s0 =	simm.s32 @!p0 $0x2  }
0x48: {  	_ =	swait.ge @!p0 [sflag:s0], s1  }
0x49: {  	s1 =	ssub.s32 @!p0 $0x0, s1;
	[sflag:s0] =	ssyncset.done @!p0 $0x0  }
0x4a: {  	[sflag:s0] =	ssyncadd.s32 @!p0 s1  }
0x4b: {  	[bflag:$0x3] =	sbarrier.arrive $0xFFFF  }
0x4c: {  	_ =	shalt  }

// kernel: kernel.38.cloned.1.call-start
scs
__scs_entry_jumppad:
0x0: {  	(pc) =	sbr.rel $0x88, $3  }
0x1: {  	(tag) =	ssettag $0x0;
	lr =	simm.s32 $0x1  }
0x2: {  	[smem:$0x3F81] =	sst lr;
	_ =	strace $0xD0000000  }
0x3: {  	_ = 	snop  }
0x4: {  	_ = 	snop  }
0x5: {  	_ = 	snop  }
0x6: {  	_ = 	snop  }
0x7: {  	_ = 	snop  }
__scs_overlays_trampoline_lowered:
0x8: {  	[smem:$0x3F90] =	sst s0  }
0x9: {  	[smem:$0x3F91] =	sst s1  }
0xa: {  	[smem:$0x3F92] =	sst s2  }
0xb: {  	[smem:$0x3F93] =	sst s3  }
0xc: {  	[smem:$0x3F94] =	sst s4  }
0xd: {  	[smem:$0x3F95] =	sst s5  }
0xe: {  	[smem:$0x3F96] =	sst s6  }
0xf: {  	[smem:$0x3F97] =	sst s7  }
0x10: {  	[smem:$0x3F98] =	sst s8  }
0x11: {  	[smem:$0x3F99] =	sst s9;
	s0 =	simm.s32 @!p0 $0x0  }
0x12: {  	s1 =	sld [smem:$0x3F7F];
	s0 =	simm.s32 @p0 $0x1  }
0x13: {  	[smem:$0x3F9A] =	sst s0;
	s0 =	simm.s32 @!p1 $0x0  }
0x14: {  	s2 =	sld [smem:$0x3F7E];
	s0 =	simm.s32 @p1 $0x1  }
0x15: {  	[smem:$0x3F9B] =	sst s0;
	s0 =	simm.s32 @!p2 $0x0  }
0x16: {  	s3 =	sld [smem:$0x3FDB];
	s0 =	simm.s32 @p2 $0x1  }
0x17: {  	s4 =	simm.s32 $0x1BF5;
	[smem:$0x3F9D] =	sst s0  }
0x18: {  	s0 =	sld [smem:$0x3F80];
	_ =	swait.ge [sflag:s4], $0x0  }
0x19: {  	s7 =	sld [smem:$0x3F81]  }
0x1a: {  	s8 =	sadd.s32 $0xFFFFE003, lr  }
0x1b: {  	s9 =	sadd.s32 $0xFFFFFEF7, lr;
	s5 =	simm.s32 $0xFFFFFFFF;
	p2 =	slt.u32 s8, $0xFFFFF086  }
0x1c: {  	p1 =	slt.u32 s9, $0xF7A;
	s5 =	simm.s32 @!p2 $0x0  }
0x1d: {  	s5 =	simm.s32 @p1 $0x1;
	p0 =	seq.s32 s7, s2  }
0x1e: {  	s7 =	smul.u32 @!p0 $0xF7A, s2;
	p2 =	seq.s32 @!p0 s5, $0x0  }
0x1f: {  	s9 =	smul.u32 $0xF7A, s1;
	s8 =	simm.s32 @!p0 $0x1BF5;
	p2 =	por !p2, p0  }
0x20: {  	[sflag:s8] =	ssyncset.s32 @!p0 $0xFFFFF086;
	s6 =	sadd.s32 @!p0 s3, s7;
	s7 =	simm.s32 @!p0 $0x108  }
0x21: {  	s3 =	sadd.s32 s3, s9;
	s6 =	sadd.s32 @!p0 $0x88, s6;
	s7 =	simm.s32 @p2 $0x1082  }
0x22: {  	[simem:s7], [sflag:s8] =	dma.local @!p0 [hbm:s6], $0xF7A  }
0x23: {  	s9 =	sor.u32 $0xD0000000, s2;
	s6 =	simm.s32 $0x108;
	_ =	swait.ge @!p0 [sflag:s8], $0x0  }
0x24: {  	s3 =	sadd.s32 $0x88, s3;
	s6 =	simm.s32 @!p1 $0x1082;
	[sflag:s4] =	ssyncset.s32 $0xFFFFF086  }
0x25: {  	[simem:s6], [sflag:s4] =	dma.local [hbm:s3], $0xF7A  }
0x26: {  	[smem:$0x3F81] =	sst s1;
	(tag) =	ssettag s2;
	_ =	strace s9  }
0x27: {  	s1 =	sld [smem:$0x3F91]  }
0x28: {  	s2 =	sld [smem:$0x3F92]  }
0x29: {  	s4 =	sld [smem:$0x3F94]  }
0x2a: {  	p0 =	seq.s32 s5, $0x0;
	s5 =	sld [smem:$0x3F95]  }
0x2b: {  	s6 =	sld [smem:$0x3F96]  }
0x2c: {  	s7 =	sld [smem:$0x3F97]  }
0x2d: {  	s3 =	simm.s32 $0x108;
	s8 =	sld [smem:$0x3F98]  }
0x2e: {  	s3 =	simm.s32 @!p0 $0x1082;
	s9 =	sld [smem:$0x3F99]  }
0x2f: {  	lr =	sadd.s32 s0, s3;
	s0 =	sld [smem:$0x3F90]  }
0x30: {  	s3 =	sld [smem:$0x3F93]  }
0x31: {  	[smem:$0x3F9C] =	sst s10  }
0x32: {  	s10 =	sld [smem:$0x3F9A];
	_ =	sdelay $0x3  }
0x33: {  	p0 =	seq.s32 s10, $0x1;
	s10 =	sld [smem:$0x3F9C];
	_ =	sdelay $0x3  }
0x34: {  	[smem:$0x3F9C] =	sst s10  }
0x35: {  	s10 =	sld [smem:$0x3F9B];
	_ =	sdelay $0x3  }
0x36: {  	p1 =	seq.s32 s10, $0x1;
	s10 =	sld [smem:$0x3F9C];
	_ =	sdelay $0x3  }
0x37: {  	[smem:$0x3F9C] =	sst s10  }
0x38: {  	s10 =	sld [smem:$0x3F9D]  }
0x39: {  	_ = 	snop;
	(pc) =	sbr.ind lr, $3  }
0x3a: {  	_ = 	snop  }
0x3b: {  	_ = 	snop  }
0x3c: {  	p2 =	seq.s32 s10, $0x1;
	s10 =	sld [smem:$0x3F9C]  }
0x3d: {  	_ =	shalt  }
0x3e: {  	_ =	shalt  }
0x3f: {  	_ =	shalt  }
0x40: {  	_ =	shalt  }
0x41: {  	_ =	shalt  }
0x42: {  	_ =	shalt  }
0x43: {  	_ =	shalt  }
0x44: {  	_ =	shalt  }
0x45: {  	_ =	shalt  }
0x46: {  	_ =	shalt  }
0x47: {  	_ =	shalt  }
0x48: {  	_ =	shalt  }
0x49: {  	_ =	shalt  }
0x4a: {  	_ =	shalt  }
0x4b: {  	_ =	shalt  }
0x4c: {  	_ =	shalt  }
0x4d: {  	_ =	shalt  }
0x4e: {  	_ =	shalt  }
0x4f: {  	_ =	shalt  }
0x50: {  	_ =	shalt  }
0x51: {  	_ =	shalt  }
0x52: {  	_ =	shalt  }
0x53: {  	_ =	shalt  }
0x54: {  	_ =	shalt  }
0x55: {  	_ =	shalt  }
0x56: {  	_ =	shalt  }
0x57: {  	_ =	shalt  }
0x58: {  	_ =	shalt  }
0x59: {  	_ =	shalt  }
0x5a: {  	_ =	shalt  }
0x5b: {  	_ =	shalt  }
0x5c: {  	_ =	shalt  }
0x5d: {  	_ =	shalt  }
0x5e: {  	_ =	shalt  }
0x5f: {  	_ =	shalt  }
0x60: {  	_ =	shalt  }
0x61: {  	_ =	shalt  }
0x62: {  	_ =	shalt  }
0x63: {  	_ =	shalt  }
0x64: {  	_ =	shalt  }
0x65: {  	_ =	shalt  }
0x66: {  	_ =	shalt  }
0x67: {  	_ =	shalt  }
0x68: {  	_ =	shalt  }
0x69: {  	_ =	shalt  }
0x6a: {  	_ =	shalt  }
0x6b: {  	_ =	shalt  }
0x6c: {  	_ =	shalt  }
0x6d: {  	_ =	shalt  }
0x6e: {  	_ =	shalt  }
0x6f: {  	_ =	shalt  }
0x70: {  	_ =	shalt  }
0x71: {  	_ =	shalt  }
0x72: {  	_ =	shalt  }
0x73: {  	_ =	shalt  }
0x74: {  	_ =	shalt  }
0x75: {  	_ =	shalt  }
0x76: {  	_ =	shalt  }
0x77: {  	_ =	shalt  }
0x78: {  	_ =	shalt  }
0x79: {  	_ =	shalt  }
0x7a: {  	_ =	shalt  }
0x7b: {  	_ =	shalt  }
0x7c: {  	_ =	shalt  }
0x7d: {  	_ =	shalt  }
0x7e: {  	_ =	shalt  }
0x7f: {  	_ =	shalt  }
0x80: {  	_ =	shalt  }
0x81: {  	_ =	shalt  }
0x82: {  	_ =	shalt  }
0x83: {  	_ =	shalt  }
0x84: {  	_ =	shalt  }
0x85: {  	_ =	shalt  }
0x86: {  	_ =	shalt  }
0x87: {  	_ =	shalt  }
.Lfunc_end0:
.L_simem_size_0:
called_computation.6_lowered:
.L_overlay_start_0:
0x88: {  	s2 =	sld [smem:$0x3FD9]  }
0x89: {  	s3 =	sld [smem:$0x3FFE];
	_ =	sdelay $0x1  }
0x8a: {  	s1 =	srdreg.scid  }
0x8b: {  	s0 =	sand.u32 $0x1, s1  }
0x8c: {  	s17 =	sshll.u32 s0, $0xA;
	s2 =	sadd.s32 s3, s2  }
0x8d: {  	s2 =	sadd.s32 s2, s17  }
0x8e: {  	[smem:$0x3FA8] =	sst s2  }
0x8f: {  	_ = 	snop  }
0x90: {  	s18 =	sld [smem:$0x3FC7]  }
0x91: {  	s4 =	sld [smem:$0x3FC6]  }
0x92: {  	s5 =	sld [smem:$0x3FD0];
	(tm) =	ssettm $0x1  }
0x93: {  	s19 =	sld [smem:$0x3FFB];
	_ =	sdelay $0x3  }
0x94: {  	_ =	strace s19  }
0x95: {  	s2 =	sld [smem:$0x3FFC];
	_ =	sdelay $0x3  }
0x96: {  	_ =	strace s2  }
0x97: {  	s2 =	sld [smem:$0x3FFD];
	_ =	sdelay $0x3  }
0x98: {  	_ =	strace s2  }
0x99: {  	_ =	strace $0x8FFFFFFF  }
0x9a: {  	s20 =	sld [smem:$0x3FDB];
	_ =	sdelay $0x1  }
0x9b: {  	s6 =	simm.s32 $_scs_section_size  }
0x9c: {  	s7 =	simm.s32 $_size__tile_overlayer_lowered;
	s8 =	simm.s32 $_tile_overlayer_lowered  }
0x9d: {  	s9 =	simm.s32 $0x1BFF;
	s21 =	sshll.u32 s8, $0x1;
	s6 =	sadd.s32 s6, s20  }
0x9e: {  	s22 =	simm.s32 $0x0;
	s7 =	sshll.u32 s7, $0x1;
	s8 =	sadd.s32 s21, s6  }
0x9f: {  	[timem:s22], [sflag:s9] =	dma.local [hbm:s8], s7  }
0xa0: {  	_ =	swait.ge [sflag:s9], s7  }
0xa1: {  	s7 =	ssub.s32 $0x0, s7;
	[sflag:s9] =	ssyncset.done $0x0  }
0xa2: {  	[sflag:s9] =	ssyncadd.s32 s7;
	_ =	sdelay $0x1  }
0xa3: {  	s23 =	simm.s32 $0x1B8B  }
0xa4: {  	_ =	swait.ge [sflag:s23], $0x1  }
0xa5: {  	[sflag:s23] =	ssyncset.done $0x0  }
0xa6: {  	[sflag:s23] =	ssyncadd.s32 $0xFFFFFFFF  }
0xa7: {  	s7 =	sld [smem:$0x0]  }
0xa8: {  	s8 =	sand.u32 $0xFFFFFFFE, s1  }
0xa9: {  	p0 =	sne.s32 s1, s8  }
0xaa: {  	s8 =	sshll.u32 @p0 s8, $0xE  }
0xab: {  	s8 =	sadd.s32 @p0 $0x11B8D, s8;
	s9 =	sshll.u32 @p0 s7, $0x11  }
0xac: {  	s8 =	sor.u32 @p0 s9, s8  }
0xad: {  	[sflag:s8] =	ssyncadd.remote.s32 @p0 $0x1;
	_ =	sdelay $0x1  }
0xae: {  	s8 =	simm.s32 @p0 $0x1B8D  }
0xaf: {  	_ =	swait.eq @p0 [sflag:s8], $0x1  }
0xb0: {  	[sflag:s8] =	ssyncadd.s32 @p0 $0xFFFFFFFF  }
0xb1: {  	s9 =	sshll.u32 @!p0 s1, $0xE  }
0xb2: {  	s9 =	sor.u32 @!p0 $0x4000, s9;
	s8 =	simm.s32 @!p0 $0x1B8D  }
0xb3: {  	s7 =	sshll.u32 @!p0 s7, $0x11;
	s9 =	sadd.s32 @!p0 $0x11B8D, s9;
	_ =	swait.eq @!p0 [sflag:s8], $0x1  }
0xb4: {  	s7 =	sor.u32 @!p0 s7, s9;
	[sflag:s8] =	ssyncadd.s32 @!p0 $0xFFFFFFFF  }
0xb5: {  	s25 =	simm.s32 $0x1B8E;
	s24 =	sld [smem:$0x3FFE];
	[sflag:s7] =	ssyncadd.remote.s32 @!p0 $0x1  }
0xb6: {  	s26 =	simm.s32 $execute0_lowered;
	[smem:$0x3FD2] =	sst s25  }
0xb7: {  	s8 =	sshll.u32 s26, $0x1;
	_ =	strace $0x80000058;
	[dreg:$0x1] =	wrdreg $0xFFFFFFFF  }
0xb8: {  	s28 =	simm.s32 $_size_execute0_lowered;
	s6 =	sadd.s32 s6, s8;
	[dreg:$0x0] =	wrdreg $0x0  }
0xb9: {  	s8 =	sshll.u32 s28, $0x1;
	[dreg:$0x2] =	wrdreg s6  }
0xba: {  	[dreg:$0x3] =	wrdreg s8  }
0xbb: {  	[dreg:$0x4] =	wrdreg $0xC0  }
0xbc: {  	_ =	task [dreg:s22], $0x5FFFF  }
0xbd: {  	[dreg:$0x1] =	wrdreg $0xFFFFFFFF  }
0xbe: {  	[dreg:$0x0] =	wrdreg $0x60  }
0xbf: {  	[dreg:$0x2] =	wrdreg s5  }
0xc0: {  	[dreg:$0x3] =	wrdreg s24  }
0xc1: {  	[dreg:$0x4] =	wrdreg s18  }
0xc2: {  	[dreg:$0x5] =	wrdreg s4  }
0xc3: {  	[dreg:$0x6] =	wrdreg $0x0  }
0xc4: {  	[dreg:$0x7] =	wrdreg $0xA  }
0xc5: {  	_ =	task.clear_ibuf [dreg:s22], $0x8FFFF;
	_ =	strace $0x90000058  }
0xc6: {  	s29 =	simm.s32 $0xA;
	_ =	strace $0x8000005A  }
0xc7: {  	_ =	swait.ge [sflag:s29], $0x1  }
0xc8: {  	[sflag:s29] =	ssyncadd.s32 $0xFFFFFFFF  }
0xc9: {  	_ =	strace $0x9000005A  }
0xca: {  	_ =	sfence  }
0xcb: {  	s30 =	sld [smem:$0x0];
	_ =	sdelay $0x2  }
0xcc: {  	s31 =	sshll.u32 s1, $0xD;
	s1 =	sshrl.u32 s1, $0x2  }
0xcd: {  	s4 =	sand.u32 $0x4000, s31;
	s1 =	sadd.s32 s1, s30  }
0xce: {  	s0 =	sor.u32 s4, s0;
	s1 =	sshll.u32 s1, $0x11  }
0xcf: {  	s0 =	sor.u32 s1, s0  }
0xd0: {  	s0 =	sadd.s32 $0x8F2B, s0  }
0xd1: {  	[sflag:s0] =	ssyncadd.remote.s32 $0x1  }
0xd2: {  	_ =	sfence.sel $0xFFFF  }
0xd3: {  	[dreg:$0x0] =	wrdreg $0xFFFFFFFF;
	(pc) =	sbr.abs _section_cstart, $3  }
0xd4: {  	[dreg:$0x1] =	wrdreg $0xFFFFFFFF  }
0xd5: {  	_ =	task.clear_ibuf [dreg:s22], $0x2FFFF;
	_ =	strace $0x9FFFFFFF  }
0xd6: {  	(tm) =	ssettm $0x7FFFFFFF  }
0xd7: {  	_ =	shalt  }
tec
execute0_lowered:
.L_overlay_start_1:
0x0: {  	(tag) =	ssettag $0x1  }
0x1: {  	s1 =	rddreg [dreg:$0x0]  }
0x2: {  	s0 =	rddreg [dreg:$0x1]  }
0x3: {  	s2 =	rddreg [dreg:$0x2]  }
0x4: {  	s3 =	rddreg [dreg:$0x3]  }
0x5: {  	s4 =	rddreg [dreg:$0x4];
	s6 =	simm.s32 $0x0  }
0x6: {  	s5 =	srdreg.scid;
	s28 =	stileid.u32;
	s20 =	simm.s32 $0x2  }
0x7: {  	s21 =	simm.s32 $0x13A80;
	s22 =	simm.s32 $0x14250;
	s23 =	simm.s32 $0x7D0  }
0x8: {  	s26 =	simm.s32 $0x14A20;
	[smem:$0x7FF] =	sst s6;
	s12 =	smul.u32 $0x13A0, s28  }
0x9: {  	s25 =	simm.s32 $0x1;
	s7 =	sadd.s32 $0x590C00, s0;
	s8 =	sadd.s32 $0x58BC00, s0  }
0xa: {  	s11 =	sand.u32 $0x1, s5;
	s9 =	sadd.s32 $0x586C00, s0;
	s13 =	smul.u32 $0x4EA00, s28  }
0xb: {  	s10 =	sadd.s32 $0x3BE00, s0;
	s14 =	smul.u32 $0x4E800, s28;
	s31 =	sshll.u32 s28, $0x6  }
0xc: {  	s24 =	smul.u32 $0x13A00, s11;
	_ =	strace $0x80000059;
	s11 =	ssub.s32 $0x2, s11  }
0xd: {  	s29 =	sshrl.u32 s11, $0x1;
	s30 =	sshrl.u32 s13, $0x2;
	s14 =	sshrl.u32 s14, $0x2  }
0xe: {  	s12 =	sadd.s32 s12, s24;
	s18 =	ssub.s32 s11, s29;
	s11 =	smul.u32 $0x4E20, s28  }
0xf: {  	s19 =	sadd.s32 s30, s4;
	s14 =	sadd.s32 s14, s4;
	s12 =	sshll.u32 s12, $0x1  }
0x10: {  	v0 =	vmov s24;
	s24 =	simm.s32 $0x151F0;
	s18 =	smax.u32 s18, $0x1;
	s0 =	sadd.s32 s12, s0  }
0x11: {  	s19 =	sshrl.u32 s19, $0x3;
	s12 =	sor.u32 $0x1C02, s31;
	s13 =	sadd.s32 $0x3E600, s0  }
0x12: {  	s15 =	sadd.s32 $0x8CE00, s0;
	s16 =	sadd.s32 $0xDB600, s0;
	s17 =	sadd.s32 $0x129E00, s0  }
.LBB2_1:
0x13: {  	[spmem:s19], [sflag:s12] =	dma.local [hbm:s10], $0x2750  }
0x14: {  	_ =	swait.ge [sflag:s20], $0x2750  }
0x15: {  	[sflag:s20] =	ssyncset.done $0x0  }
0x16: {  	[sflag:s20] =	ssyncadd.s32 $0xFFFFD8B0  }
0x17: {  	s28 =	simm.s32 $0x0;
	[bflag:$0x0] =	sbarrier.arrive $0xFFFF  }
.LBB2_2:
0x18: {  	s0 =	smul.u32 $0x7D0, s28;
	_ =	sdelay $0x1  }
0x19: {  	s0 =	sadd.s32 s11, s0  }
0x1a: {  	s0 =	sshrl.u32 s0, $0x3  }
0x1b: {  	s30 =	simm.s32 $0x0;
	s29 =	sadd.s32 s2, s0  }
0x1c: {  	[tilespmem:s21], [sflag:$0x2] =	stream.linear.gather [hbm4b:s29+s30], $0x7D0, $0x38;
	[tilespmem:$0x1CEF0] =	vst v63  }
0x1d: {  	_ =	swait.ge [sflag:s20], $0x7D0  }
0x1e: {  	[sflag:s20] =	ssyncset.done $0x0  }
0x1f: {  	s0 =	sadd.s32 s3, s0;
	[sflag:s20] =	ssyncadd.s32 $0xFFFFF830  }
0x20: {  	[tilespmem:s22], [sflag:$0x2] =	stream.linear.gather [hbm4b:s0+s30], $0x7D0, $0x38;
	[tilespmem:$0x1CEF0] =	vst v63  }
0x21: {  	_ =	swait.ge [sflag:s20], $0x7D0  }
0x22: {  	[sflag:s20] =	ssyncset.done $0x0  }
0x23: {  	s29 =	simm.s32 $0x0;
	[sflag:s20] =	ssyncadd.s32 $0xFFFFF830  }
0x24: {  	[tilespmem:s24], [sflag:$0x1] =	stream.indirect.gather [hbm4b:s1+s23], $0x10, s21, s23, $0xb8;
	[tilespmem:$0x1CEF0] =	vst v63  }
0x25: {  	v1 =	vld [tilespmem:s29+$0x14250]  }
0x26: {  	s30 =	simm.s32 $0x40  }
.LBB2_3:
0x27: {  	p0 =	sne.s32 s30, $0x1F00  }
.Ltmp0:
0x28: {  	_ = 	snop;
	(pc) =	sbr.rel @p0 .LBB2_3-.Ltmp0, $4  }
0x29: {  	_ = 	snop  }
0x2a: {  	s0 =	sshra.s32 s30, $0x2;
	s30 =	sadd.s32 $0x40, s30;
	v2 =	vsub.s32 v1, v0  }
0x2b: {  	v1 =	vld [tilespmem:s0+$0x14250];
	v2 =	vmin.u32 v2, $0x13A00  }
0x2c: {  	[tilespmem:s29+$0x14A20] =	vst v2;
	s29 =	smov.u32 s0  }
0x2d: {  	_ =	sdelay $0x2  }
0x2e: {  	v1 =	vsub.s32 v1, v0  }
0x2f: {  	v1 =	vmin.u32 v1, $0x13A00  }
0x30: {  	[tilespmem:s29+$0x14A20] =	vst v1  }
0x31: {  	s28 =	sadd.s32 $0x1, s28;
	_ =	swait.ge [sflag:s25], $0x7D00  }
0x32: {  	p0 =	sne.s32 s28, $0xA;
	[sflag:s25] =	ssyncset.done $0x0  }
.Ltmp1:
0x33: {  	[sflag:s25] =	ssyncadd.s32 $0xFFFF8300;
	(pc) =	sbr.rel @p0 .LBB2_2-.Ltmp1, $4  }
0x34: {  	[spmem:s4] =	stream.indirect.scatter.add.f32 [tilespmem:s24], [sflag:$0x2], $0x10, s26, s23, $0xb8;
	[tilespmem:$0x1CEF0] =	vst v63  }
0x35: {  	_ =	swait.ge [sflag:s20], $0x7D00  }
0x36: {  	[sflag:s20] =	ssyncset.done $0x0  }
0x37: {  	[sflag:s20] =	ssyncadd.s32 $0xFFFF8300  }
0x38: {  	[bflag:$0x0] =	sbarrier.arrive $0xFFFF;
	s28 =	sshrl.u32 s14, $0x3  }
0x39: {  	[hbm:s13], [sflag:s12] =	dma.local [spmem:s28], $0x2740  }
0x3a: {  	_ =	swait.ge [sflag:s20], $0x2740  }
0x3b: {  	[sflag:s20] =	ssyncset.done $0x0  }
0x3c: {  	[sflag:s20] =	ssyncadd.s32 $0xFFFFD8C0  }
0x3d: {  	[bflag:$0x0] =	sbarrier.arrive $0xFFFF  }
0x3e: {  	[spmem:s19], [sflag:s12] =	dma.local [hbm:s10], $0x2750  }
0x3f: {  	_ =	swait.ge [sflag:s20], $0x2750  }
0x40: {  	[sflag:s20] =	ssyncset.done $0x0  }
0x41: {  	[sflag:s20] =	ssyncadd.s32 $0xFFFFD8B0  }
0x42: {  	s29 =	simm.s32 $0x0;
	s30 =	simm.s32 $0x0;
	[bflag:$0x0] =	sbarrier.arrive $0xFFFF  }
.LBB2_6:
0x43: {  	s0 =	smul.u32 $0x7D0, s30;
	_ =	sdelay $0x1  }
0x44: {  	s0 =	sadd.s32 s11, s0  }
0x45: {  	s0 =	sshrl.u32 s0, $0x3  }
0x46: {  	s31 =	sadd.s32 s2, s0  }
0x47: {  	[tilespmem:s21], [sflag:$0x2] =	stream.linear.gather [hbm4b:s31+s29], $0x7D0, $0x38;
	[tilespmem:$0x1CEF0] =	vst v63  }
0x48: {  	_ =	swait.ge [sflag:s20], $0x7D0  }
0x49: {  	[sflag:s20] =	ssyncset.done $0x0  }
0x4a: {  	s0 =	sadd.s32 s3, s0;
	[sflag:s20] =	ssyncadd.s32 $0xFFFFF830  }
0x4b: {  	[tilespmem:s22], [sflag:$0x2] =	stream.linear.gather [hbm4b:s0+s29], $0x7D0, $0x38;
	[tilespmem:$0x1CEF0] =	vst v63  }
0x4c: {  	_ =	swait.ge [sflag:s20], $0x7D0  }
0x4d: {  	[sflag:s20] =	ssyncset.done $0x0  }
0x4e: {  	s31 =	simm.s32 $0x0;
	[sflag:s20] =	ssyncadd.s32 $0xFFFFF830  }
0x4f: {  	[tilespmem:s24], [sflag:$0x1] =	stream.indirect.gather [hbm4b:s7+s23], $0x10, s21, s23, $0xb8;
	[tilespmem:$0x1CEF0] =	vst v63  }
0x50: {  	v1 =	vld [tilespmem:s31+$0x14250]  }
0x51: {  	s0 =	simm.s32 $0x40  }
.LBB2_7:
0x52: {  	p0 =	sne.s32 s0, $0x1F00  }
.Ltmp2:
0x53: {  	_ = 	snop;
	(pc) =	sbr.rel @p0 .LBB2_7-.Ltmp2, $4  }
0x54: {  	_ = 	snop  }
0x55: {  	s5 =	sshra.s32 s0, $0x2;
	s0 =	sadd.s32 $0x40, s0;
	v2 =	vsub.s32 v1, v0  }
0x56: {  	v1 =	vld [tilespmem:s5+$0x14250];
	v2 =	vmin.u32 v2, $0x13A00  }
0x57: {  	[tilespmem:s31+$0x14A20] =	vst v2;
	s31 =	smov.u32 s5  }
0x58: {  	_ =	sdelay $0x2  }
0x59: {  	v1 =	vsub.s32 v1, v0  }
0x5a: {  	v1 =	vmin.u32 v1, $0x13A00  }
0x5b: {  	[tilespmem:s31+$0x14A20] =	vst v1  }
0x5c: {  	s30 =	sadd.s32 $0x1, s30;
	_ =	swait.ge [sflag:s25], $0x7D00  }
0x5d: {  	p0 =	sne.s32 s30, $0xA;
	[sflag:s25] =	ssyncset.done $0x0  }
.Ltmp3:
0x5e: {  	[sflag:s25] =	ssyncadd.s32 $0xFFFF8300;
	(pc) =	sbr.rel @p0 .LBB2_6-.Ltmp3, $4  }
0x5f: {  	[spmem:s4] =	stream.indirect.scatter.add.f32 [tilespmem:s24], [sflag:$0x2], $0x10, s26, s23, $0xb8;
	[tilespmem:$0x1CEF0] =	vst v63  }
0x60: {  	_ =	swait.ge [sflag:s20], $0x7D00  }
0x61: {  	[sflag:s20] =	ssyncset.done $0x0  }
0x62: {  	[sflag:s20] =	ssyncadd.s32 $0xFFFF8300  }
0x63: {  	[bflag:$0x0] =	sbarrier.arrive $0xFFFF  }
0x64: {  	[hbm:s15], [sflag:s12] =	dma.local [spmem:s28], $0x2740  }
0x65: {  	_ =	swait.ge [sflag:s20], $0x2740  }
0x66: {  	[sflag:s20] =	ssyncset.done $0x0  }
0x67: {  	[sflag:s20] =	ssyncadd.s32 $0xFFFFD8C0  }
0x68: {  	[bflag:$0x0] =	sbarrier.arrive $0xFFFF  }
0x69: {  	[spmem:s19], [sflag:s12] =	dma.local [hbm:s10], $0x2750  }
0x6a: {  	_ =	swait.ge [sflag:s20], $0x2750  }
0x6b: {  	[sflag:s20] =	ssyncset.done $0x0  }
0x6c: {  	[sflag:s20] =	ssyncadd.s32 $0xFFFFD8B0  }
0x6d: {  	s29 =	simm.s32 $0x0;
	s30 =	simm.s32 $0x0;
	[bflag:$0x0] =	sbarrier.arrive $0xFFFF  }
.LBB2_10:
0x6e: {  	s0 =	smul.u32 $0x7D0, s30;
	_ =	sdelay $0x1  }
0x6f: {  	s0 =	sadd.s32 s11, s0  }
0x70: {  	s0 =	sshrl.u32 s0, $0x3  }
0x71: {  	s5 =	sadd.s32 s2, s0  }
0x72: {  	[tilespmem:s21], [sflag:$0x2] =	stream.linear.gather [hbm4b:s5+s29], $0x7D0, $0x38;
	[tilespmem:$0x1CEF0] =	vst v63  }
0x73: {  	_ =	swait.ge [sflag:s20], $0x7D0  }
0x74: {  	[sflag:s20] =	ssyncset.done $0x0  }
0x75: {  	s0 =	sadd.s32 s3, s0;
	[sflag:s20] =	ssyncadd.s32 $0xFFFFF830  }
0x76: {  	[tilespmem:s22], [sflag:$0x2] =	stream.linear.gather [hbm4b:s0+s29], $0x7D0, $0x38;
	[tilespmem:$0x1CEF0] =	vst v63  }
0x77: {  	_ =	swait.ge [sflag:s20], $0x7D0  }
0x78: {  	[sflag:s20] =	ssyncset.done $0x0  }
0x79: {  	s31 =	simm.s32 $0x0;
	[sflag:s20] =	ssyncadd.s32 $0xFFFFF830  }
0x7a: {  	[tilespmem:s24], [sflag:$0x1] =	stream.indirect.gather [hbm4b:s8+s23], $0x10, s21, s23, $0xb8;
	[tilespmem:$0x1CEF0] =	vst v63  }
0x7b: {  	v1 =	vld [tilespmem:s31+$0x14250]  }
0x7c: {  	s0 =	simm.s32 $0x40  }
.LBB2_11:
0x7d: {  	p0 =	sne.s32 s0, $0x1F00  }
.Ltmp4:
0x7e: {  	_ = 	snop;
	(pc) =	sbr.rel @p0 .LBB2_11-.Ltmp4, $4  }
0x7f: {  	_ = 	snop  }
0x80: {  	s5 =	sshra.s32 s0, $0x2;
	s0 =	sadd.s32 $0x40, s0;
	v2 =	vsub.s32 v1, v0  }
0x81: {  	v1 =	vld [tilespmem:s5+$0x14250];
	v2 =	vmin.u32 v2, $0x13A00  }
0x82: {  	[tilespmem:s31+$0x14A20] =	vst v2;
	s31 =	smov.u32 s5  }
0x83: {  	_ =	sdelay $0x2  }
0x84: {  	v1 =	vsub.s32 v1, v0  }
0x85: {  	v1 =	vmin.u32 v1, $0x13A00  }
0x86: {  	[tilespmem:s31+$0x14A20] =	vst v1  }
0x87: {  	s30 =	sadd.s32 $0x1, s30;
	_ =	swait.ge [sflag:s25], $0x7D00  }
0x88: {  	p0 =	sne.s32 s30, $0xA;
	[sflag:s25] =	ssyncset.done $0x0  }
.Ltmp5:
0x89: {  	[sflag:s25] =	ssyncadd.s32 $0xFFFF8300;
	(pc) =	sbr.rel @p0 .LBB2_10-.Ltmp5, $4  }
0x8a: {  	[spmem:s4] =	stream.indirect.scatter.add.f32 [tilespmem:s24], [sflag:$0x2], $0x10, s26, s23, $0xb8;
	[tilespmem:$0x1CEF0] =	vst v63  }
0x8b: {  	_ =	swait.ge [sflag:s20], $0x7D00  }
0x8c: {  	[sflag:s20] =	ssyncset.done $0x0  }
0x8d: {  	[sflag:s20] =	ssyncadd.s32 $0xFFFF8300  }
0x8e: {  	[bflag:$0x0] =	sbarrier.arrive $0xFFFF  }
0x8f: {  	[hbm:s16], [sflag:s12] =	dma.local [spmem:s28], $0x2740  }
0x90: {  	_ =	swait.ge [sflag:s20], $0x2740  }
0x91: {  	[sflag:s20] =	ssyncset.done $0x0  }
0x92: {  	[sflag:s20] =	ssyncadd.s32 $0xFFFFD8C0  }
0x93: {  	[bflag:$0x0] =	sbarrier.arrive $0xFFFF  }
0x94: {  	[spmem:s19], [sflag:s12] =	dma.local [hbm:s10], $0x2750  }
0x95: {  	_ =	swait.ge [sflag:s20], $0x2750  }
0x96: {  	[sflag:s20] =	ssyncset.done $0x0  }
0x97: {  	[sflag:s20] =	ssyncadd.s32 $0xFFFFD8B0  }
0x98: {  	s29 =	simm.s32 $0x0;
	s30 =	simm.s32 $0x0;
	[bflag:$0x0] =	sbarrier.arrive $0xFFFF  }
.LBB2_14:
0x99: {  	s0 =	smul.u32 $0x7D0, s30;
	_ =	sdelay $0x1  }
0x9a: {  	s0 =	sadd.s32 s11, s0  }
0x9b: {  	s0 =	sshrl.u32 s0, $0x3  }
0x9c: {  	s5 =	sadd.s32 s2, s0  }
0x9d: {  	[tilespmem:s21], [sflag:$0x2] =	stream.linear.gather [hbm4b:s5+s29], $0x7D0, $0x38;
	[tilespmem:$0x1CEF0] =	vst v63  }
0x9e: {  	_ =	swait.ge [sflag:s20], $0x7D0  }
0x9f: {  	[sflag:s20] =	ssyncset.done $0x0  }
0xa0: {  	s0 =	sadd.s32 s3, s0;
	[sflag:s20] =	ssyncadd.s32 $0xFFFFF830  }
0xa1: {  	[tilespmem:s22], [sflag:$0x2] =	stream.linear.gather [hbm4b:s0+s29], $0x7D0, $0x38;
	[tilespmem:$0x1CEF0] =	vst v63  }
0xa2: {  	_ =	swait.ge [sflag:s20], $0x7D0  }
0xa3: {  	[sflag:s20] =	ssyncset.done $0x0  }
0xa4: {  	s31 =	simm.s32 $0x0;
	[sflag:s20] =	ssyncadd.s32 $0xFFFFF830  }
0xa5: {  	[tilespmem:s24], [sflag:$0x1] =	stream.indirect.gather [hbm4b:s9+s23], $0x10, s21, s23, $0xb8;
	[tilespmem:$0x1CEF0] =	vst v63  }
0xa6: {  	v1 =	vld [tilespmem:s31+$0x14250]  }
0xa7: {  	s0 =	simm.s32 $0x40  }
.LBB2_15:
0xa8: {  	p0 =	sne.s32 s0, $0x1F00  }
.Ltmp6:
0xa9: {  	_ = 	snop;
	(pc) =	sbr.rel @p0 .LBB2_15-.Ltmp6, $4  }
0xaa: {  	_ = 	snop  }
0xab: {  	s5 =	sshra.s32 s0, $0x2;
	s0 =	sadd.s32 $0x40, s0;
	v2 =	vsub.s32 v1, v0  }
0xac: {  	v1 =	vld [tilespmem:s5+$0x14250];
	v2 =	vmin.u32 v2, $0x13A00  }
0xad: {  	[tilespmem:s31+$0x14A20] =	vst v2;
	s31 =	smov.u32 s5  }
0xae: {  	_ =	sdelay $0x2  }
0xaf: {  	v1 =	vsub.s32 v1, v0  }
0xb0: {  	v1 =	vmin.u32 v1, $0x13A00  }
0xb1: {  	[tilespmem:s31+$0x14A20] =	vst v1  }
0xb2: {  	s30 =	sadd.s32 $0x1, s30;
	_ =	swait.ge [sflag:s25], $0x7D00  }
0xb3: {  	p0 =	sne.s32 s30, $0xA;
	[sflag:s25] =	ssyncset.done $0x0  }
.Ltmp7:
0xb4: {  	[sflag:s25] =	ssyncadd.s32 $0xFFFF8300;
	(pc) =	sbr.rel @p0 .LBB2_14-.Ltmp7, $4  }
0xb5: {  	[spmem:s4] =	stream.indirect.scatter.add.f32 [tilespmem:s24], [sflag:$0x2], $0x10, s26, s23, $0xb8;
	[tilespmem:$0x1CEF0] =	vst v63  }
0xb6: {  	_ =	swait.ge [sflag:s20], $0x7D00  }
0xb7: {  	[sflag:s20] =	ssyncset.done $0x0  }
0xb8: {  	[sflag:s20] =	ssyncadd.s32 $0xFFFF8300  }
0xb9: {  	[bflag:$0x0] =	sbarrier.arrive $0xFFFF;
	s6 =	sadd.s32 $0x1, s6  }
0xba: {  	[hbm:s17], [sflag:s12] =	dma.local [spmem:s28], $0x2740  }
0xbb: {  	p0 =	sne.s32 s6, s18  }
.Ltmp8:
0xbc: {  	_ =	swait.ge [sflag:s20], $0x2740;
	(pc) =	sbr.rel @p0 .LBB2_1-.Ltmp8, $3  }
0xbd: {  	[sflag:s20] =	ssyncset.done $0x0  }
0xbe: {  	[sflag:s20] =	ssyncadd.s32 $0xFFFFD8C0  }
0xbf: {  	[bflag:$0x0] =	sbarrier.arrive $0xFFFF;
	_ =	sdelay $0x1  }
0xc0: {  	_ =	sfence.sel $0x180000  }
0xc1: {  	[bflag:$0x0] =	sbarrier.arrive $0xFFFF  }
0xc2: {  	_ =	strace $0x90000059  }
0xc3: {  	s0 =	stileid.u32;
	[bflag:$0x2] =	sbarrier.arrive $0xFFFF  }
0xc4: {  	p0 =	sne.s32 s0, $0x0;
	s0 =	rddreg [dreg:$0x5]  }
0xc5: {  	s0 =	sadd.s32 @!p0 $0x100000, s0  }
0xc6: {  	[sflag:s0] =	ssyncadd.tile.s32 @!p0 $0x1;
	_ =	shalt  }
.Lfunc_end2:
_tile_overlayer_lowered:
.L_overlay_start_2:
0xc7: {  	(tag) =	ssettag $0x2  }
0xc8: {  	s0 =	rddreg [dreg:$0x0];
	s2 =	stileid.u32  }
0xc9: {  	s1 =	rddreg [dreg:$0x1];
	p0 =	sne.s32 s2, $0x0  }
0xca: {  	s3 =	rddreg [dreg:$0x2];
	[bflag:$0x3] =	sbarrier.arrive $0xFFFF;
	s2 =	simm.s32 @!p0 $0x1C02  }
0xcb: {  	[timem:s3], [sflag:s2] =	dma.local @!p0 [hbm:s0], s1  }
0xcc: {  	s0 =	simm.s32 @!p0 $0x2  }
0xcd: {  	_ =	swait.ge @!p0 [sflag:s0], s1  }
0xce: {  	s1 =	ssub.s32 @!p0 $0x0, s1;
	[sflag:s0] =	ssyncset.done @!p0 $0x0  }
0xcf: {  	[sflag:s0] =	ssyncadd.s32 @!p0 s1  }
0xd0: {  	[bflag:$0x3] =	sbarrier.arrive $0xFFFF  }
0xd1: {  	_ =	shalt  }

</sc_bundles>
